<compile_context>
chip_gen: v7x
topology: tpu7x:2x2x1
jax: 0.10.2.dev20260603
libtpu: 0.0.44.dev20260713+nightly
codegen_flags: <defaults>
</compile_context>

<pallas_src>
import functools

import jax
import jax.numpy as jnp
from jax import lax
from jax.experimental import pallas as pl
from jax.experimental.pallas import tpu as pltpu
from jax.experimental.pallas import tpu_sc as plsc

BATCH = 8
X_STEPS = 512
Y_STEPS = 4096
D_MODEL = 256

NC = 2
NS = 16
NW = NC * NS
LANES = 16

BLK = 128
BPB = Y_STEPS // BLK
NSLOT = BATCH
VPB = BLK // LANES
NBUF = 3
PRIME = NBUF - 1
ROT = NW // BATCH
ZROWS = 64


def _zero_rows(buf, lo, hi):
    zv = jnp.zeros((LANES,), jnp.float32)

    def body(r, carry):
        for c in range(D_MODEL // LANES):
            buf[r, pl.ds(c * LANES, LANES)] = zv
        return carry

    lax.fori_loop(lo, hi, body, 0)


def _sc_body(table_hbm, idx_hbm, len_hbm, out_hbm, *scratch):
    it = iter(scratch)
    idx_v = next(it)
    gidx = tuple(next(it) for _ in range(NSLOT))
    len_v = next(it)
    bufs = tuple(next(it) for _ in range(NBUF))
    zbuf = next(it)
    gsems = tuple(next(it) for _ in range(NBUF))
    wsems = tuple(next(it) for _ in range(NBUF))
    zsem = next(it)
    isem = next(it)

    w = lax.axis_index("s") * NC + lax.axis_index("c")

    pltpu.sync_copy(len_hbm, len_v)
    lenvec = len_v[...]

    len_s = [lenvec[k] for k in range(BATCH)]
    bat, pos, valid, rem, out_off = [], [], [], [], []
    for j in range(NSLOT):
        bj = jnp.mod(w + j, BATCH)
        lj = len_s[0]
        for k in range(1, BATCH):
            lj = jnp.where(bj == k, len_s[k], lj)
        p = jnp.mod(w - ROT * bj, BPB)
        r = jnp.clip(lj - p * BLK, 0, BLK)
        bat.append(bj)
        pos.append(p)
        rem.append(r)
        valid.append(r > 0)
        out_off.append(bj * Y_STEPS + p * BLK)
        pltpu.async_copy(idx_hbm.at[bj, pl.ds(p * BLK, BLK)],
                         idx_v.at[j], isem)

    def gather(j):
        pltpu.async_copy(table_hbm.at[gidx[j]], bufs[j % NBUF],
                         gsems[j % NBUF])

    def out_at(j):
        return out_hbm.at[pl.ds(out_off[j], BLK)]

    for j in range(NSLOT):
        pltpu.make_async_copy(idx_hbm.at[bat[j], pl.ds(pos[j] * BLK, BLK)],
                              idx_v.at[j], isem).wait()
        roff = lax.broadcast(bat[j] * X_STEPS, (LANES,))
        for v in range(VPB):
            g = idx_v[j, pl.ds(v * LANES, LANES)] + roff
            gidx[j][pl.ds(v * LANES, LANES)] = g
        if j < PRIME:
            @pl.when(valid[j])
            def _(j=j):
                gather(j)

    _zero_rows(zbuf, 0, ZROWS)

    for j in range(NSLOT):
        @pl.when(jnp.logical_not(valid[j]))
        def _(j=j):
            for h in range(BLK // ZROWS):
                pltpu.async_copy(
                    zbuf, out_hbm.at[pl.ds(out_off[j] + h * ZROWS, ZROWS)],
                    zsem)

    for j in range(NSLOT):
        @pl.when(valid[j])
        def _(j=j):
            pltpu.make_async_copy(table_hbm.at[gidx[j]], bufs[j % NBUF],
                                  gsems[j % NBUF]).wait()

        @pl.when(valid[j] & (rem[j] < BLK))
        def _(j=j):
            _zero_rows(bufs[j % NBUF], rem[j], BLK)

        @pl.when(valid[j])
        def _(j=j):
            pltpu.async_copy(bufs[j % NBUF], out_at(j), wsems[j % NBUF])

        if j + PRIME < NSLOT:
            k = j + PRIME - NBUF
            if k >= 0:
                @pl.when(valid[j + PRIME] & valid[k])
                def _(j=j, k=k):
                    pltpu.make_async_copy(bufs[k % NBUF], out_at(k),
                                          wsems[k % NBUF]).wait()

            @pl.when(valid[j + PRIME])
            def _(j=j):
                gather(j + PRIME)

    for k in range(NSLOT):
        cond = valid[k]
        if k + NBUF < NSLOT:
            cond = cond & jnp.logical_not(valid[k + NBUF])

        @pl.when(cond)
        def _(k=k):
            pltpu.make_async_copy(bufs[k % NBUF], out_at(k),
                                  wsems[k % NBUF]).wait()

    for j in range(NSLOT):
        @pl.when(jnp.logical_not(valid[j]))
        def _(j=j):
            for h in range(BLK // ZROWS):
                pltpu.make_async_copy(
                    zbuf, out_hbm.at[pl.ds(out_off[j] + h * ZROWS, ZROWS)],
                    zsem).wait()


@functools.cache
def _sc_call():
    mesh = plsc.VectorSubcoreMesh(
        core_axis_name="c", subcore_axis_name="s",
        num_cores=NC, num_subcores=NS)
    return pl.kernel(
        _sc_body,
        out_type=jax.ShapeDtypeStruct((BATCH * Y_STEPS, D_MODEL), jnp.float32),
        mesh=mesh,
        scratch_types=[
            pltpu.VMEM((NSLOT, BLK), jnp.int32),
            *[pltpu.VMEM((BLK,), jnp.int32) for _ in range(NSLOT)],
            pltpu.VMEM((LANES,), jnp.int32),
            *[pltpu.VMEM((BLK, D_MODEL), jnp.float32) for _ in range(NBUF)],
            pltpu.VMEM((ZROWS, D_MODEL), jnp.float32),
            *[pltpu.SemaphoreType.DMA for _ in range(2 * NBUF + 2)],
        ],
    )


def kernel(phoneme_sequences, duration_indexes, output_length):
    table = phoneme_sequences.reshape(BATCH * X_STEPS, D_MODEL)
    len16 = jnp.pad(output_length.astype(jnp.int32), (0, LANES - BATCH))
    out = _sc_call()(table, duration_indexes, len16)
    return out.reshape(BATCH, Y_STEPS, D_MODEL)

# --- scband reference (transcript-rebuilt; emitter-appended) ---
"""Pipeline reference for scband-length-regulator-26594437497063 (READ-ONLY COPY).

The authoritative reference and input builder live on the scoring server;
editing this copy changes nothing except your own understanding.
"""

import jax, jax.numpy as jnp
import numpy as np

BATCH = 8
X_STEPS = 512
Y_STEPS = 4096
D_MODEL = 256

def setup_inputs(seed: int = 0) -> dict:
    key = jax.random.key(seed)
    k1, k2, k3 = jax.random.split(key, 3)
    phoneme_sequences = jax.random.normal(k1, (BATCH, X_STEPS, D_MODEL), dtype=jnp.float32)
    duration_indexes = jnp.sort(jax.random.randint(k2, (BATCH, Y_STEPS), 0, X_STEPS, dtype=jnp.int32), axis=-1)
    output_length = jax.random.randint(k3, (BATCH,), 0, Y_STEPS, dtype=jnp.int32)
    return {
        "phoneme_sequences": phoneme_sequences,
        "duration_indexes": duration_indexes,
        "output_length": output_length,
    }

def reference(phoneme_sequences, duration_indexes, output_length):
    # Gather along the phoneme-step axis per batch:
    # tf.gather_nd(phoneme_sequences, [batch_idx, duration_indexes])
    y_steps = duration_indexes.shape[1]
    expanded_array = jnp.take_along_axis(
        phoneme_sequences,
        duration_indexes[:, :, None].astype(jnp.int32),
        axis=1,
    )  # [batch, y_steps, d_model]
    # tf.sequence_mask(output_length) with maxlen = y_steps
    output_mask = (jnp.arange(y_steps)[None, :] < output_length[:, None]).astype(jnp.float32)
    expanded_array = expanded_array * output_mask[:, :, None]
    return expanded_array

if __name__ == "__main__":
    import jax
    _d = setup_inputs()
    print(jax.jit(kernel)(*tuple(_d.values())))

</pallas_src>

<mosaic_0001>
#map = affine_map<(d0, d1) -> (0, 0)>
#map1 = affine_map<(d0, d1) -> (0)>
module attributes {stable_mosaic.version = 14 : i64} {
  func.func @_sc_body(%arg0: i32, %arg1: i32, %arg2: memref<4096x256xf32, #tpu.memory_space<hbm>>, %arg3: memref<8x4096xi32, #tpu.memory_space<hbm>>, %arg4: memref<16xi32, #tpu.memory_space<hbm>>, %arg5: memref<32768x256xf32, #tpu.memory_space<hbm>>, %arg6: memref<8x128xi32, #tpu.memory_space<vmem>>, %arg7: memref<128xi32, #tpu.memory_space<vmem>>, %arg8: memref<128xi32, #tpu.memory_space<vmem>>, %arg9: memref<128xi32, #tpu.memory_space<vmem>>, %arg10: memref<128xi32, #tpu.memory_space<vmem>>, %arg11: memref<128xi32, #tpu.memory_space<vmem>>, %arg12: memref<128xi32, #tpu.memory_space<vmem>>, %arg13: memref<128xi32, #tpu.memory_space<vmem>>, %arg14: memref<128xi32, #tpu.memory_space<vmem>>, %arg15: memref<16xi32, #tpu.memory_space<vmem>>, %arg16: memref<128x256xf32, #tpu.memory_space<vmem>>, %arg17: memref<128x256xf32, #tpu.memory_space<vmem>>, %arg18: memref<128x256xf32, #tpu.memory_space<vmem>>, %arg19: memref<64x256xf32, #tpu.memory_space<vmem>>, %arg20: memref<!tpu.dma_semaphore, #tpu.memory_space<semaphore_mem>>, %arg21: memref<!tpu.dma_semaphore, #tpu.memory_space<semaphore_mem>>, %arg22: memref<!tpu.dma_semaphore, #tpu.memory_space<semaphore_mem>>, %arg23: memref<!tpu.dma_semaphore, #tpu.memory_space<semaphore_mem>>, %arg24: memref<!tpu.dma_semaphore, #tpu.memory_space<semaphore_mem>>, %arg25: memref<!tpu.dma_semaphore, #tpu.memory_space<semaphore_mem>>, %arg26: memref<!tpu.dma_semaphore, #tpu.memory_space<semaphore_mem>>, %arg27: memref<!tpu.dma_semaphore, #tpu.memory_space<semaphore_mem>>) attributes {dimension_semantics = [#tpu.dimension_semantics<core_parallel>, #tpu.dimension_semantics<subcore_parallel>], iteration_bounds = array<i64: 2, 16>, scalar_prefetch = 0 : i64, scratch_operands = 22 : i64, tpu.core_type = #tpu.core_type<sc_vector_subcore>, window_params = [{transform_indices = #map}, {transform_indices = #map}, {transform_indices = #map1}, {transform_indices = #map}]} {
    %mul3A = arith.constant 2 : i32
    %mul3A_0 = arith.muli %arg1, %mul3A : i32
    %add3A = arith.addi %mul3A_0, %arg0 : i32
    "tpu.region"() ({
      %run_scoped3A = tpu.sem_alloc : memref<!tpu.dma_semaphore, #tpu.memory_space<semaphore_mem>>
      tpu.enqueue_dma source(%arg4 : memref<16xi32, #tpu.memory_space<hbm>>) target(%arg15 : memref<16xi32, #tpu.memory_space<vmem>>) target_semaphore(%run_scoped3A : memref<!tpu.dma_semaphore, #tpu.memory_space<semaphore_mem>>)
      tpu.wait_dma2 semaphore(%run_scoped3A : memref<!tpu.dma_semaphore, #tpu.memory_space<semaphore_mem>>) src(%arg4 : memref<16xi32, #tpu.memory_space<hbm>>) dst(%arg15 : memref<16xi32, #tpu.memory_space<vmem>>)
      tpu.yield
    }) : () -> ()
    %get3A = arith.constant 0 : index
    %get3A_1 = tpu.vector_load %arg15[%get3A] {strides = array<i32>} : memref<16xi32, #tpu.memory_space<vmem>>, vector<16xi32>,
    %get3A_2 = vector.shape_cast %get3A_1 : vector<16xi32> to vector<16xi32>
    %slice3A = vector.extract_strided_slice %get3A_2 {offsets = [0], sizes = [1], strides = [1]} : vector<16xi32> to vector<1xi32>
    %squeeze3A = vector.extract %slice3A[0] : i32 from vector<1xi32>
    %slice3A_3 = vector.extract_strided_slice %get3A_2 {offsets = [1], sizes = [1], strides = [1]} : vector<16xi32> to vector<1xi32>
    %squeeze3A_4 = vector.extract %slice3A_3[0] : i32 from vector<1xi32>
    %slice3A_5 = vector.extract_strided_slice %get3A_2 {offsets = [2], sizes = [1], strides = [1]} : vector<16xi32> to vector<1xi32>
    %squeeze3A_6 = vector.extract %slice3A_5[0] : i32 from vector<1xi32>
    %slice3A_7 = vector.extract_strided_slice %get3A_2 {offsets = [3], sizes = [1], strides = [1]} : vector<16xi32> to vector<1xi32>
    %squeeze3A_8 = vector.extract %slice3A_7[0] : i32 from vector<1xi32>
    %slice3A_9 = vector.extract_strided_slice %get3A_2 {offsets = [4], sizes = [1], strides = [1]} : vector<16xi32> to vector<1xi32>
    %squeeze3A_10 = vector.extract %slice3A_9[0] : i32 from vector<1xi32>
    %slice3A_11 = vector.extract_strided_slice %get3A_2 {offsets = [5], sizes = [1], strides = [1]} : vector<16xi32> to vector<1xi32>
    %squeeze3A_12 = vector.extract %slice3A_11[0] : i32 from vector<1xi32>
    %slice3A_13 = vector.extract_strided_slice %get3A_2 {offsets = [6], sizes = [1], strides = [1]} : vector<16xi32> to vector<1xi32>
    %squeeze3A_14 = vector.extract %slice3A_13[0] : i32 from vector<1xi32>
    %slice3A_15 = vector.extract_strided_slice %get3A_2 {offsets = [7], sizes = [1], strides = [1]} : vector<16xi32> to vector<1xi32>
    %squeeze3A_16 = vector.extract %slice3A_15[0] : i32 from vector<1xi32>
    %add3A_17 = arith.constant 0 : i32
    %add3A_18 = arith.addi %add3A, %add3A_17 : i32
    %jit3A = arith.constant 8 : i32
    %eq3A = arith.constant 0 : i32
    %eq3A_19 = arith.cmpi eq, %jit3A, %eq3A : i32
    %jit3A_20 = arith.constant 1 : i32
    %select_n3A = arith.select %eq3A_19, %jit3A_20, %jit3A : i32
    %rem3A = arith.remsi %add3A_18, %select_n3A : i32
    %ne3A = arith.constant 0 : i32
    %ne3A_21 = arith.cmpi ne, %rem3A, %ne3A : i32
    %lt3A = arith.constant 0 : i32
    %lt3A_22 = arith.cmpi slt, %rem3A, %lt3A : i32
    %lt3A_23 = arith.constant 0 : i32
    %lt3A_24 = arith.cmpi slt, %select_n3A, %lt3A_23 : i32
    %ne3A_25 = arith.xori %lt3A_22, %lt3A_24 : i1
    %and3A = arith.andi %ne3A_25, %ne3A_21 : i1
    %add3A_26 = arith.addi %rem3A, %select_n3A : i32
    %select_n3A_27 = arith.select %and3A, %add3A_26, %rem3A : i32
    %eq3A_28 = arith.constant 1 : i32
    %eq3A_29 = arith.cmpi eq, %select_n3A_27, %eq3A_28 : i32
    %select_n3A_30 = arith.select %eq3A_29, %squeeze3A_4, %squeeze3A : i32
    %eq3A_31 = arith.constant 2 : i32
    %eq3A_32 = arith.cmpi eq, %select_n3A_27, %eq3A_31 : i32
    %select_n3A_33 = arith.select %eq3A_32, %squeeze3A_6, %select_n3A_30 : i32
    %eq3A_34 = arith.constant 3 : i32
    %eq3A_35 = arith.cmpi eq, %select_n3A_27, %eq3A_34 : i32
    %select_n3A_36 = arith.select %eq3A_35, %squeeze3A_8, %select_n3A_33 : i32
    %eq3A_37 = arith.constant 4 : i32
    %eq3A_38 = arith.cmpi eq, %select_n3A_27, %eq3A_37 : i32
    %select_n3A_39 = arith.select %eq3A_38, %squeeze3A_10, %select_n3A_36 : i32
    %eq3A_40 = arith.constant 5 : i32
    %eq3A_41 = arith.cmpi eq, %select_n3A_27, %eq3A_40 : i32
    %select_n3A_42 = arith.select %eq3A_41, %squeeze3A_12, %select_n3A_39 : i32
    %eq3A_43 = arith.constant 6 : i32
    %eq3A_44 = arith.cmpi eq, %select_n3A_27, %eq3A_43 : i32
    %select_n3A_45 = arith.select %eq3A_44, %squeeze3A_14, %select_n3A_42 : i32
    %eq3A_46 = arith.constant 7 : i32
    %eq3A_47 = arith.cmpi eq, %select_n3A_27, %eq3A_46 : i32
    %select_n3A_48 = arith.select %eq3A_47, %squeeze3A_16, %select_n3A_45 : i32
    %mul3A_49 = arith.constant 4 : i32
    %mul3A_50 = arith.muli %mul3A_49, %select_n3A_27 : i32
    %sub3A = arith.subi %add3A, %mul3A_50 : i32
    %jit3A_51 = arith.constant 32 : i32
    %eq3A_52 = arith.constant 0 : i32
    %eq3A_53 = arith.cmpi eq, %jit3A_51, %eq3A_52 : i32
    %jit3A_54 = arith.constant 1 : i32
    %select_n3A_55 = arith.select %eq3A_53, %jit3A_54, %jit3A_51 : i32
    %rem3A_56 = arith.remsi %sub3A, %select_n3A_55 : i32
    %ne3A_57 = arith.constant 0 : i32
    %ne3A_58 = arith.cmpi ne, %rem3A_56, %ne3A_57 : i32
    %lt3A_59 = arith.constant 0 : i32
    %lt3A_60 = arith.cmpi slt, %rem3A_56, %lt3A_59 : i32
    %lt3A_61 = arith.constant 0 : i32
    %lt3A_62 = arith.cmpi slt, %select_n3A_55, %lt3A_61 : i32
    %ne3A_63 = arith.xori %lt3A_60, %lt3A_62 : i1
    %and3A_64 = arith.andi %ne3A_63, %ne3A_58 : i1
    %add3A_65 = arith.addi %rem3A_56, %select_n3A_55 : i32
    %select_n3A_66 = arith.select %and3A_64, %add3A_65, %rem3A_56 : i32
    %mul3A_67 = arith.constant 128 : i32
    %mul3A_68 = arith.muli %select_n3A_66, %mul3A_67 : i32
    %sub3A_69 = arith.subi %select_n3A_48, %mul3A_68 : i32
    %jit3A_70 = arith.constant 0 : i32
    %jit3A_71 = arith.constant 128 : i32
    %max3A = arith.maxsi %jit3A_70, %sub3A_69 : i32
    %min3A = arith.minsi %jit3A_71, %max3A : i32
    %gt3A = arith.constant 0 : i32
    %gt3A_72 = arith.cmpi sgt, %min3A, %gt3A : i32
    %mul3A_73 = arith.constant 4096 : i32
    %mul3A_74 = arith.muli %select_n3A_27, %mul3A_73 : i32
    %mul3A_75 = arith.constant 128 : i32
    %mul3A_76 = arith.muli %select_n3A_66, %mul3A_75 : i32
    %add3A_77 = arith.addi %mul3A_74, %mul3A_76 : i32
    %mul3A_78 = arith.constant 128 : i32
    %mul3A_79 = arith.muli %select_n3A_66, %mul3A_78 : i32
    %dma_start3A = arith.constant 0 : i32
    %dma_start3A_80 = arith.constant 0 : i32
    %dma_start3A_81 = tpu.memref_slice %arg6[%dma_start3A, %dma_start3A_80] : memref<8x128xi32, #tpu.memory_space<vmem>> -> memref<1x128xi32, #tpu.memory_space<vmem>>
    %dma_start3A_82 = tpu.memref_squeeze %dma_start3A_81 : memref<1x128xi32, #tpu.memory_space<vmem>> -> memref<128xi32, #tpu.memory_space<vmem>>
    %dma_start3A_83 = tpu.memref_slice %arg3[%select_n3A_27, %mul3A_79] : memref<8x4096xi32, #tpu.memory_space<hbm>> -> memref<1x128xi32, #tpu.memory_space<hbm>>
    %dma_start3A_84 = tpu.memref_squeeze %dma_start3A_83 : memref<1x128xi32, #tpu.memory_space<hbm>> -> memref<128xi32, #tpu.memory_space<hbm>>
    %dma_start3A_85 = arith.constant 0 : i32
    %dma_start3A_86 = tpu.memref_slice %arg6[%dma_start3A, %dma_start3A_85] : memref<8x128xi32, #tpu.memory_space<vmem>> -> memref<1x128xi32, #tpu.memory_space<vmem>>
    %dma_start3A_87 = tpu.memref_squeeze %dma_start3A_86 : memref<1x128xi32, #tpu.memory_space<vmem>> -> memref<128xi32, #tpu.memory_space<vmem>>
    %dma_start3A_88 = tpu.memref_slice %arg3[%select_n3A_27, %mul3A_79] : memref<8x4096xi32, #tpu.memory_space<hbm>> -> memref<1x128xi32, #tpu.memory_space<hbm>>
    %dma_start3A_89 = tpu.memref_squeeze %dma_start3A_88 : memref<1x128xi32, #tpu.memory_space<hbm>> -> memref<128xi32, #tpu.memory_space<hbm>>
    tpu.enqueue_dma source(%dma_start3A_89 : memref<128xi32, #tpu.memory_space<hbm>>) target(%dma_start3A_87 : memref<128xi32, #tpu.memory_space<vmem>>) target_semaphore(%arg27 : memref<!tpu.dma_semaphore, #tpu.memory_space<semaphore_mem>>)
    %add3A_90 = arith.constant 1 : i32
    %add3A_91 = arith.addi %add3A, %add3A_90 : i32
    %jit3A_92 = arith.constant 8 : i32
    %eq3A_93 = arith.constant 0 : i32
    %eq3A_94 = arith.cmpi eq, %jit3A_92, %eq3A_93 : i32
    %jit3A_95 = arith.constant 1 : i32
    %select_n3A_96 = arith.select %eq3A_94, %jit3A_95, %jit3A_92 : i32
    %rem3A_97 = arith.remsi %add3A_91, %select_n3A_96 : i32
    %ne3A_98 = arith.constant 0 : i32
    %ne3A_99 = arith.cmpi ne, %rem3A_97, %ne3A_98 : i32
    %lt3A_100 = arith.constant 0 : i32
    %lt3A_101 = arith.cmpi slt, %rem3A_97, %lt3A_100 : i32
    %lt3A_102 = arith.constant 0 : i32
    %lt3A_103 = arith.cmpi slt, %select_n3A_96, %lt3A_102 : i32
    %ne3A_104 = arith.xori %lt3A_101, %lt3A_103 : i1
    %and3A_105 = arith.andi %ne3A_104, %ne3A_99 : i1
    %add3A_106 = arith.addi %rem3A_97, %select_n3A_96 : i32
    %select_n3A_107 = arith.select %and3A_105, %add3A_106, %rem3A_97 : i32
    %eq3A_108 = arith.constant 1 : i32
    %eq3A_109 = arith.cmpi eq, %select_n3A_107, %eq3A_108 : i32
    %select_n3A_110 = arith.select %eq3A_109, %squeeze3A_4, %squeeze3A : i32
    %eq3A_111 = arith.constant 2 : i32
    %eq3A_112 = arith.cmpi eq, %select_n3A_107, %eq3A_111 : i32
    %select_n3A_113 = arith.select %eq3A_112, %squeeze3A_6, %select_n3A_110 : i32
    %eq3A_114 = arith.constant 3 : i32
    %eq3A_115 = arith.cmpi eq, %select_n3A_107, %eq3A_114 : i32
    %select_n3A_116 = arith.select %eq3A_115, %squeeze3A_8, %select_n3A_113 : i32
    %eq3A_117 = arith.constant 4 : i32
    %eq3A_118 = arith.cmpi eq, %select_n3A_107, %eq3A_117 : i32
    %select_n3A_119 = arith.select %eq3A_118, %squeeze3A_10, %select_n3A_116 : i32
    %eq3A_120 = arith.constant 5 : i32
    %eq3A_121 = arith.cmpi eq, %select_n3A_107, %eq3A_120 : i32
    %select_n3A_122 = arith.select %eq3A_121, %squeeze3A_12, %select_n3A_119 : i32
    %eq3A_123 = arith.constant 6 : i32
    %eq3A_124 = arith.cmpi eq, %select_n3A_107, %eq3A_123 : i32
    %select_n3A_125 = arith.select %eq3A_124, %squeeze3A_14, %select_n3A_122 : i32
    %eq3A_126 = arith.constant 7 : i32
    %eq3A_127 = arith.cmpi eq, %select_n3A_107, %eq3A_126 : i32
    %select_n3A_128 = arith.select %eq3A_127, %squeeze3A_16, %select_n3A_125 : i32
    %mul3A_129 = arith.constant 4 : i32
    %mul3A_130 = arith.muli %mul3A_129, %select_n3A_107 : i32
    %sub3A_131 = arith.subi %add3A, %mul3A_130 : i32
    %jit3A_132 = arith.constant 32 : i32
    %eq3A_133 = arith.constant 0 : i32
    %eq3A_134 = arith.cmpi eq, %jit3A_132, %eq3A_133 : i32
    %jit3A_135 = arith.constant 1 : i32
    %select_n3A_136 = arith.select %eq3A_134, %jit3A_135, %jit3A_132 : i32
    %rem3A_137 = arith.remsi %sub3A_131, %select_n3A_136 : i32
    %ne3A_138 = arith.constant 0 : i32
    %ne3A_139 = arith.cmpi ne, %rem3A_137, %ne3A_138 : i32
    %lt3A_140 = arith.constant 0 : i32
    %lt3A_141 = arith.cmpi slt, %rem3A_137, %lt3A_140 : i32
    %lt3A_142 = arith.constant 0 : i32
    %lt3A_143 = arith.cmpi slt, %select_n3A_136, %lt3A_142 : i32
    %ne3A_144 = arith.xori %lt3A_141, %lt3A_143 : i1
    %and3A_145 = arith.andi %ne3A_144, %ne3A_139 : i1
    %add3A_146 = arith.addi %rem3A_137, %select_n3A_136 : i32
    %select_n3A_147 = arith.select %and3A_145, %add3A_146, %rem3A_137 : i32
    %mul3A_148 = arith.constant 128 : i32
    %mul3A_149 = arith.muli %select_n3A_147, %mul3A_148 : i32
    %sub3A_150 = arith.subi %select_n3A_128, %mul3A_149 : i32
    %jit3A_151 = arith.constant 0 : i32
    %jit3A_152 = arith.constant 128 : i32
    %max3A_153 = arith.maxsi %jit3A_151, %sub3A_150 : i32
    %min3A_154 = arith.minsi %jit3A_152, %max3A_153 : i32
    %gt3A_155 = arith.constant 0 : i32
    %gt3A_156 = arith.cmpi sgt, %min3A_154, %gt3A_155 : i32
    %mul3A_157 = arith.constant 4096 : i32
    %mul3A_158 = arith.muli %select_n3A_107, %mul3A_157 : i32
    %mul3A_159 = arith.constant 128 : i32
    %mul3A_160 = arith.muli %select_n3A_147, %mul3A_159 : i32
    %add3A_161 = arith.addi %mul3A_158, %mul3A_160 : i32
    %mul3A_162 = arith.constant 128 : i32
    %mul3A_163 = arith.muli %select_n3A_147, %mul3A_162 : i32
    %dma_start3A_164 = arith.constant 1 : i32
    %dma_start3A_165 = arith.constant 0 : i32
    %dma_start3A_166 = tpu.memref_slice %arg6[%dma_start3A_164, %dma_start3A_165] : memref<8x128xi32, #tpu.memory_space<vmem>> -> memref<1x128xi32, #tpu.memory_space<vmem>>
    %dma_start3A_167 = tpu.memref_squeeze %dma_start3A_166 : memref<1x128xi32, #tpu.memory_space<vmem>> -> memref<128xi32, #tpu.memory_space<vmem>>
    %dma_start3A_168 = tpu.memref_slice %arg3[%select_n3A_107, %mul3A_163] : memref<8x4096xi32, #tpu.memory_space<hbm>> -> memref<1x128xi32, #tpu.memory_space<hbm>>
    %dma_start3A_169 = tpu.memref_squeeze %dma_start3A_168 : memref<1x128xi32, #tpu.memory_space<hbm>> -> memref<128xi32, #tpu.memory_space<hbm>>
    %dma_start3A_170 = arith.constant 0 : i32
    %dma_start3A_171 = tpu.memref_slice %arg6[%dma_start3A_164, %dma_start3A_170] : memref<8x128xi32, #tpu.memory_space<vmem>> -> memref<1x128xi32, #tpu.memory_space<vmem>>
    %dma_start3A_172 = tpu.memref_squeeze %dma_start3A_171 : memref<1x128xi32, #tpu.memory_space<vmem>> -> memref<128xi32, #tpu.memory_space<vmem>>
    %dma_start3A_173 = tpu.memref_slice %arg3[%select_n3A_107, %mul3A_163] : memref<8x4096xi32, #tpu.memory_space<hbm>> -> memref<1x128xi32, #tpu.memory_space<hbm>>
    %dma_start3A_174 = tpu.memref_squeeze %dma_start3A_173 : memref<1x128xi32, #tpu.memory_space<hbm>> -> memref<128xi32, #tpu.memory_space<hbm>>
    tpu.enqueue_dma source(%dma_start3A_174 : memref<128xi32, #tpu.memory_space<hbm>>) target(%dma_start3A_172 : memref<128xi32, #tpu.memory_space<vmem>>) target_semaphore(%arg27 : memref<!tpu.dma_semaphore, #tpu.memory_space<semaphore_mem>>)
    %add3A_175 = arith.constant 2 : i32
    %add3A_176 = arith.addi %add3A, %add3A_175 : i32
    %jit3A_177 = arith.constant 8 : i32
    %eq3A_178 = arith.constant 0 : i32
    %eq3A_179 = arith.cmpi eq, %jit3A_177, %eq3A_178 : i32
    %jit3A_180 = arith.constant 1 : i32
    %select_n3A_181 = arith.select %eq3A_179, %jit3A_180, %jit3A_177 : i32
    %rem3A_182 = arith.remsi %add3A_176, %select_n3A_181 : i32
    %ne3A_183 = arith.constant 0 : i32
    %ne3A_184 = arith.cmpi ne, %rem3A_182, %ne3A_183 : i32
    %lt3A_185 = arith.constant 0 : i32
    %lt3A_186 = arith.cmpi slt, %rem3A_182, %lt3A_185 : i32
    %lt3A_187 = arith.constant 0 : i32
    %lt3A_188 = arith.cmpi slt, %select_n3A_181, %lt3A_187 : i32
    %ne3A_189 = arith.xori %lt3A_186, %lt3A_188 : i1
    %and3A_190 = arith.andi %ne3A_189, %ne3A_184 : i1
    %add3A_191 = arith.addi %rem3A_182, %select_n3A_181 : i32
    %select_n3A_192 = arith.select %and3A_190, %add3A_191, %rem3A_182 : i32
    %eq3A_193 = arith.constant 1 : i32
    %eq3A_194 = arith.cmpi eq, %select_n3A_192, %eq3A_193 : i32
    %select_n3A_195 = arith.select %eq3A_194, %squeeze3A_4, %squeeze3A : i32
    %eq3A_196 = arith.constant 2 : i32
    %eq3A_197 = arith.cmpi eq, %select_n3A_192, %eq3A_196 : i32
    %select_n3A_198 = arith.select %eq3A_197, %squeeze3A_6, %select_n3A_195 : i32
    %eq3A_199 = arith.constant 3 : i32
    %eq3A_200 = arith.cmpi eq, %select_n3A_192, %eq3A_199 : i32
    %select_n3A_201 = arith.select %eq3A_200, %squeeze3A_8, %select_n3A_198 : i32
    %eq3A_202 = arith.constant 4 : i32
    %eq3A_203 = arith.cmpi eq, %select_n3A_192, %eq3A_202 : i32
    %select_n3A_204 = arith.select %eq3A_203, %squeeze3A_10, %select_n3A_201 : i32
    %eq3A_205 = arith.constant 5 : i32
    %eq3A_206 = arith.cmpi eq, %select_n3A_192, %eq3A_205 : i32
    %select_n3A_207 = arith.select %eq3A_206, %squeeze3A_12, %select_n3A_204 : i32
    %eq3A_208 = arith.constant 6 : i32
    %eq3A_209 = arith.cmpi eq, %select_n3A_192, %eq3A_208 : i32
    %select_n3A_210 = arith.select %eq3A_209, %squeeze3A_14, %select_n3A_207 : i32
    %eq3A_211 = arith.constant 7 : i32
    %eq3A_212 = arith.cmpi eq, %select_n3A_192, %eq3A_211 : i32
    %select_n3A_213 = arith.select %eq3A_212, %squeeze3A_16, %select_n3A_210 : i32
    %mul3A_214 = arith.constant 4 : i32
    %mul3A_215 = arith.muli %mul3A_214, %select_n3A_192 : i32
    %sub3A_216 = arith.subi %add3A, %mul3A_215 : i32
    %jit3A_217 = arith.constant 32 : i32
    %eq3A_218 = arith.constant 0 : i32
    %eq3A_219 = arith.cmpi eq, %jit3A_217, %eq3A_218 : i32
    %jit3A_220 = arith.constant 1 : i32
    %select_n3A_221 = arith.select %eq3A_219, %jit3A_220, %jit3A_217 : i32
    %rem3A_222 = arith.remsi %sub3A_216, %select_n3A_221 : i32
    %ne3A_223 = arith.constant 0 : i32
    %ne3A_224 = arith.cmpi ne, %rem3A_222, %ne3A_223 : i32
    %lt3A_225 = arith.constant 0 : i32
    %lt3A_226 = arith.cmpi slt, %rem3A_222, %lt3A_225 : i32
    %lt3A_227 = arith.constant 0 : i32
    %lt3A_228 = arith.cmpi slt, %select_n3A_221, %lt3A_227 : i32
    %ne3A_229 = arith.xori %lt3A_226, %lt3A_228 : i1
    %and3A_230 = arith.andi %ne3A_229, %ne3A_224 : i1
    %add3A_231 = arith.addi %rem3A_222, %select_n3A_221 : i32
    %select_n3A_232 = arith.select %and3A_230, %add3A_231, %rem3A_222 : i32
    %mul3A_233 = arith.constant 128 : i32
    %mul3A_234 = arith.muli %select_n3A_232, %mul3A_233 : i32
    %sub3A_235 = arith.subi %select_n3A_213, %mul3A_234 : i32
    %jit3A_236 = arith.constant 0 : i32
    %jit3A_237 = arith.constant 128 : i32
    %max3A_238 = arith.maxsi %jit3A_236, %sub3A_235 : i32
    %min3A_239 = arith.minsi %jit3A_237, %max3A_238 : i32
    %gt3A_240 = arith.constant 0 : i32
    %gt3A_241 = arith.cmpi sgt, %min3A_239, %gt3A_240 : i32
    %mul3A_242 = arith.constant 4096 : i32
    %mul3A_243 = arith.muli %select_n3A_192, %mul3A_242 : i32
    %mul3A_244 = arith.constant 128 : i32
    %mul3A_245 = arith.muli %select_n3A_232, %mul3A_244 : i32
    %add3A_246 = arith.addi %mul3A_243, %mul3A_245 : i32
    %mul3A_247 = arith.constant 128 : i32
    %mul3A_248 = arith.muli %select_n3A_232, %mul3A_247 : i32
    %dma_start3A_249 = arith.constant 2 : i32
    %dma_start3A_250 = arith.constant 0 : i32
    %dma_start3A_251 = tpu.memref_slice %arg6[%dma_start3A_249, %dma_start3A_250] : memref<8x128xi32, #tpu.memory_space<vmem>> -> memref<1x128xi32, #tpu.memory_space<vmem>>
    %dma_start3A_252 = tpu.memref_squeeze %dma_start3A_251 : memref<1x128xi32, #tpu.memory_space<vmem>> -> memref<128xi32, #tpu.memory_space<vmem>>
    %dma_start3A_253 = tpu.memref_slice %arg3[%select_n3A_192, %mul3A_248] : memref<8x4096xi32, #tpu.memory_space<hbm>> -> memref<1x128xi32, #tpu.memory_space<hbm>>
    %dma_start3A_254 = tpu.memref_squeeze %dma_start3A_253 : memref<1x128xi32, #tpu.memory_space<hbm>> -> memref<128xi32, #tpu.memory_space<hbm>>
    %dma_start3A_255 = arith.constant 0 : i32
    %dma_start3A_256 = tpu.memref_slice %arg6[%dma_start3A_249, %dma_start3A_255] : memref<8x128xi32, #tpu.memory_space<vmem>> -> memref<1x128xi32, #tpu.memory_space<vmem>>
    %dma_start3A_257 = tpu.memref_squeeze %dma_start3A_256 : memref<1x128xi32, #tpu.memory_space<vmem>> -> memref<128xi32, #tpu.memory_space<vmem>>
    %dma_start3A_258 = tpu.memref_slice %arg3[%select_n3A_192, %mul3A_248] : memref<8x4096xi32, #tpu.memory_space<hbm>> -> memref<1x128xi32, #tpu.memory_space<hbm>>
    %dma_start3A_259 = tpu.memref_squeeze %dma_start3A_258 : memref<1x128xi32, #tpu.memory_space<hbm>> -> memref<128xi32, #tpu.memory_space<hbm>>
    tpu.enqueue_dma source(%dma_start3A_259 : memref<128xi32, #tpu.memory_space<hbm>>) target(%dma_start3A_257 : memref<128xi32, #tpu.memory_space<vmem>>) target_semaphore(%arg27 : memref<!tpu.dma_semaphore, #tpu.memory_space<semaphore_mem>>)
    %add3A_260 = arith.constant 3 : i32
    %add3A_261 = arith.addi %add3A, %add3A_260 : i32
    %jit3A_262 = arith.constant 8 : i32
    %eq3A_263 = arith.constant 0 : i32
    %eq3A_264 = arith.cmpi eq, %jit3A_262, %eq3A_263 : i32
    %jit3A_265 = arith.constant 1 : i32
    %select_n3A_266 = arith.select %eq3A_264, %jit3A_265, %jit3A_262 : i32
    %rem3A_267 = arith.remsi %add3A_261, %select_n3A_266 : i32
    %ne3A_268 = arith.constant 0 : i32
    %ne3A_269 = arith.cmpi ne, %rem3A_267, %ne3A_268 : i32
    %lt3A_270 = arith.constant 0 : i32
    %lt3A_271 = arith.cmpi slt, %rem3A_267, %lt3A_270 : i32
    %lt3A_272 = arith.constant 0 : i32
    %lt3A_273 = arith.cmpi slt, %select_n3A_266, %lt3A_272 : i32
    %ne3A_274 = arith.xori %lt3A_271, %lt3A_273 : i1
    %and3A_275 = arith.andi %ne3A_274, %ne3A_269 : i1
    %add3A_276 = arith.addi %rem3A_267, %select_n3A_266 : i32
    %select_n3A_277 = arith.select %and3A_275, %add3A_276, %rem3A_267 : i32
    %eq3A_278 = arith.constant 1 : i32
    %eq3A_279 = arith.cmpi eq, %select_n3A_277, %eq3A_278 : i32
    %select_n3A_280 = arith.select %eq3A_279, %squeeze3A_4, %squeeze3A : i32
    %eq3A_281 = arith.constant 2 : i32
    %eq3A_282 = arith.cmpi eq, %select_n3A_277, %eq3A_281 : i32
    %select_n3A_283 = arith.select %eq3A_282, %squeeze3A_6, %select_n3A_280 : i32
    %eq3A_284 = arith.constant 3 : i32
    %eq3A_285 = arith.cmpi eq, %select_n3A_277, %eq3A_284 : i32
    %select_n3A_286 = arith.select %eq3A_285, %squeeze3A_8, %select_n3A_283 : i32
    %eq3A_287 = arith.constant 4 : i32
    %eq3A_288 = arith.cmpi eq, %select_n3A_277, %eq3A_287 : i32
    %select_n3A_289 = arith.select %eq3A_288, %squeeze3A_10, %select_n3A_286 : i32
    %eq3A_290 = arith.constant 5 : i32
    %eq3A_291 = arith.cmpi eq, %select_n3A_277, %eq3A_290 : i32
    %select_n3A_292 = arith.select %eq3A_291, %squeeze3A_12, %select_n3A_289 : i32
    %eq3A_293 = arith.constant 6 : i32
    %eq3A_294 = arith.cmpi eq, %select_n3A_277, %eq3A_293 : i32
    %select_n3A_295 = arith.select %eq3A_294, %squeeze3A_14, %select_n3A_292 : i32
    %eq3A_296 = arith.constant 7 : i32
    %eq3A_297 = arith.cmpi eq, %select_n3A_277, %eq3A_296 : i32
    %select_n3A_298 = arith.select %eq3A_297, %squeeze3A_16, %select_n3A_295 : i32
    %mul3A_299 = arith.constant 4 : i32
    %mul3A_300 = arith.muli %mul3A_299, %select_n3A_277 : i32
    %sub3A_301 = arith.subi %add3A, %mul3A_300 : i32
    %jit3A_302 = arith.constant 32 : i32
    %eq3A_303 = arith.constant 0 : i32
    %eq3A_304 = arith.cmpi eq, %jit3A_302, %eq3A_303 : i32
    %jit3A_305 = arith.constant 1 : i32
    %select_n3A_306 = arith.select %eq3A_304, %jit3A_305, %jit3A_302 : i32
    %rem3A_307 = arith.remsi %sub3A_301, %select_n3A_306 : i32
    %ne3A_308 = arith.constant 0 : i32
    %ne3A_309 = arith.cmpi ne, %rem3A_307, %ne3A_308 : i32
    %lt3A_310 = arith.constant 0 : i32
    %lt3A_311 = arith.cmpi slt, %rem3A_307, %lt3A_310 : i32
    %lt3A_312 = arith.constant 0 : i32
    %lt3A_313 = arith.cmpi slt, %select_n3A_306, %lt3A_312 : i32
    %ne3A_314 = arith.xori %lt3A_311, %lt3A_313 : i1
    %and3A_315 = arith.andi %ne3A_314, %ne3A_309 : i1
    %add3A_316 = arith.addi %rem3A_307, %select_n3A_306 : i32
    %select_n3A_317 = arith.select %and3A_315, %add3A_316, %rem3A_307 : i32
    %mul3A_318 = arith.constant 128 : i32
    %mul3A_319 = arith.muli %select_n3A_317, %mul3A_318 : i32
    %sub3A_320 = arith.subi %select_n3A_298, %mul3A_319 : i32
    %jit3A_321 = arith.constant 0 : i32
    %jit3A_322 = arith.constant 128 : i32
    %max3A_323 = arith.maxsi %jit3A_321, %sub3A_320 : i32
    %min3A_324 = arith.minsi %jit3A_322, %max3A_323 : i32
    %gt3A_325 = arith.constant 0 : i32
    %gt3A_326 = arith.cmpi sgt, %min3A_324, %gt3A_325 : i32
    %mul3A_327 = arith.constant 4096 : i32
    %mul3A_328 = arith.muli %select_n3A_277, %mul3A_327 : i32
    %mul3A_329 = arith.constant 128 : i32
    %mul3A_330 = arith.muli %select_n3A_317, %mul3A_329 : i32
    %add3A_331 = arith.addi %mul3A_328, %mul3A_330 : i32
    %mul3A_332 = arith.constant 128 : i32
    %mul3A_333 = arith.muli %select_n3A_317, %mul3A_332 : i32
    %dma_start3A_334 = arith.constant 3 : i32
    %dma_start3A_335 = arith.constant 0 : i32
    %dma_start3A_336 = tpu.memref_slice %arg6[%dma_start3A_334, %dma_start3A_335] : memref<8x128xi32, #tpu.memory_space<vmem>> -> memref<1x128xi32, #tpu.memory_space<vmem>>
    %dma_start3A_337 = tpu.memref_squeeze %dma_start3A_336 : memref<1x128xi32, #tpu.memory_space<vmem>> -> memref<128xi32, #tpu.memory_space<vmem>>
    %dma_start3A_338 = tpu.memref_slice %arg3[%select_n3A_277, %mul3A_333] : memref<8x4096xi32, #tpu.memory_space<hbm>> -> memref<1x128xi32, #tpu.memory_space<hbm>>
    %dma_start3A_339 = tpu.memref_squeeze %dma_start3A_338 : memref<1x128xi32, #tpu.memory_space<hbm>> -> memref<128xi32, #tpu.memory_space<hbm>>
    %dma_start3A_340 = arith.constant 0 : i32
    %dma_start3A_341 = tpu.memref_slice %arg6[%dma_start3A_334, %dma_start3A_340] : memref<8x128xi32, #tpu.memory_space<vmem>> -> memref<1x128xi32, #tpu.memory_space<vmem>>
    %dma_start3A_342 = tpu.memref_squeeze %dma_start3A_341 : memref<1x128xi32, #tpu.memory_space<vmem>> -> memref<128xi32, #tpu.memory_space<vmem>>
    %dma_start3A_343 = tpu.memref_slice %arg3[%select_n3A_277, %mul3A_333] : memref<8x4096xi32, #tpu.memory_space<hbm>> -> memref<1x128xi32, #tpu.memory_space<hbm>>
    %dma_start3A_344 = tpu.memref_squeeze %dma_start3A_343 : memref<1x128xi32, #tpu.memory_space<hbm>> -> memref<128xi32, #tpu.memory_space<hbm>>
    tpu.enqueue_dma source(%dma_start3A_344 : memref<128xi32, #tpu.memory_space<hbm>>) target(%dma_start3A_342 : memref<128xi32, #tpu.memory_space<vmem>>) target_semaphore(%arg27 : memref<!tpu.dma_semaphore, #tpu.memory_space<semaphore_mem>>)
    %add3A_345 = arith.constant 4 : i32
    %add3A_346 = arith.addi %add3A, %add3A_345 : i32
    %jit3A_347 = arith.constant 8 : i32
    %eq3A_348 = arith.constant 0 : i32
    %eq3A_349 = arith.cmpi eq, %jit3A_347, %eq3A_348 : i32
    %jit3A_350 = arith.constant 1 : i32
    %select_n3A_351 = arith.select %eq3A_349, %jit3A_350, %jit3A_347 : i32
    %rem3A_352 = arith.remsi %add3A_346, %select_n3A_351 : i32
    %ne3A_353 = arith.constant 0 : i32
    %ne3A_354 = arith.cmpi ne, %rem3A_352, %ne3A_353 : i32
    %lt3A_355 = arith.constant 0 : i32
    %lt3A_356 = arith.cmpi slt, %rem3A_352, %lt3A_355 : i32
    %lt3A_357 = arith.constant 0 : i32
    %lt3A_358 = arith.cmpi slt, %select_n3A_351, %lt3A_357 : i32
    %ne3A_359 = arith.xori %lt3A_356, %lt3A_358 : i1
    %and3A_360 = arith.andi %ne3A_359, %ne3A_354 : i1
    %add3A_361 = arith.addi %rem3A_352, %select_n3A_351 : i32
    %select_n3A_362 = arith.select %and3A_360, %add3A_361, %rem3A_352 : i32
    %eq3A_363 = arith.constant 1 : i32
    %eq3A_364 = arith.cmpi eq, %select_n3A_362, %eq3A_363 : i32
    %select_n3A_365 = arith.select %eq3A_364, %squeeze3A_4, %squeeze3A : i32
    %eq3A_366 = arith.constant 2 : i32
    %eq3A_367 = arith.cmpi eq, %select_n3A_362, %eq3A_366 : i32
    %select_n3A_368 = arith.select %eq3A_367, %squeeze3A_6, %select_n3A_365 : i32
    %eq3A_369 = arith.constant 3 : i32
    %eq3A_370 = arith.cmpi eq, %select_n3A_362, %eq3A_369 : i32
    %select_n3A_371 = arith.select %eq3A_370, %squeeze3A_8, %select_n3A_368 : i32
    %eq3A_372 = arith.constant 4 : i32
    %eq3A_373 = arith.cmpi eq, %select_n3A_362, %eq3A_372 : i32
    %select_n3A_374 = arith.select %eq3A_373, %squeeze3A_10, %select_n3A_371 : i32
    %eq3A_375 = arith.constant 5 : i32
    %eq3A_376 = arith.cmpi eq, %select_n3A_362, %eq3A_375 : i32
    %select_n3A_377 = arith.select %eq3A_376, %squeeze3A_12, %select_n3A_374 : i32
    %eq3A_378 = arith.constant 6 : i32
    %eq3A_379 = arith.cmpi eq, %select_n3A_362, %eq3A_378 : i32
    %select_n3A_380 = arith.select %eq3A_379, %squeeze3A_14, %select_n3A_377 : i32
    %eq3A_381 = arith.constant 7 : i32
    %eq3A_382 = arith.cmpi eq, %select_n3A_362, %eq3A_381 : i32
    %select_n3A_383 = arith.select %eq3A_382, %squeeze3A_16, %select_n3A_380 : i32
    %mul3A_384 = arith.constant 4 : i32
    %mul3A_385 = arith.muli %mul3A_384, %select_n3A_362 : i32
    %sub3A_386 = arith.subi %add3A, %mul3A_385 : i32
    %jit3A_387 = arith.constant 32 : i32
    %eq3A_388 = arith.constant 0 : i32
    %eq3A_389 = arith.cmpi eq, %jit3A_387, %eq3A_388 : i32
    %jit3A_390 = arith.constant 1 : i32
    %select_n3A_391 = arith.select %eq3A_389, %jit3A_390, %jit3A_387 : i32
    %rem3A_392 = arith.remsi %sub3A_386, %select_n3A_391 : i32
    %ne3A_393 = arith.constant 0 : i32
    %ne3A_394 = arith.cmpi ne, %rem3A_392, %ne3A_393 : i32
    %lt3A_395 = arith.constant 0 : i32
    %lt3A_396 = arith.cmpi slt, %rem3A_392, %lt3A_395 : i32
    %lt3A_397 = arith.constant 0 : i32
    %lt3A_398 = arith.cmpi slt, %select_n3A_391, %lt3A_397 : i32
    %ne3A_399 = arith.xori %lt3A_396, %lt3A_398 : i1
    %and3A_400 = arith.andi %ne3A_399, %ne3A_394 : i1
    %add3A_401 = arith.addi %rem3A_392, %select_n3A_391 : i32
    %select_n3A_402 = arith.select %and3A_400, %add3A_401, %rem3A_392 : i32
    %mul3A_403 = arith.constant 128 : i32
    %mul3A_404 = arith.muli %select_n3A_402, %mul3A_403 : i32
    %sub3A_405 = arith.subi %select_n3A_383, %mul3A_404 : i32
    %jit3A_406 = arith.constant 0 : i32
    %jit3A_407 = arith.constant 128 : i32
    %max3A_408 = arith.maxsi %jit3A_406, %sub3A_405 : i32
    %min3A_409 = arith.minsi %jit3A_407, %max3A_408 : i32
    %gt3A_410 = arith.constant 0 : i32
    %gt3A_411 = arith.cmpi sgt, %min3A_409, %gt3A_410 : i32
    %mul3A_412 = arith.constant 4096 : i32
    %mul3A_413 = arith.muli %select_n3A_362, %mul3A_412 : i32
    %mul3A_414 = arith.constant 128 : i32
    %mul3A_415 = arith.muli %select_n3A_402, %mul3A_414 : i32
    %add3A_416 = arith.addi %mul3A_413, %mul3A_415 : i32
    %mul3A_417 = arith.constant 128 : i32
    %mul3A_418 = arith.muli %select_n3A_402, %mul3A_417 : i32
    %dma_start3A_419 = arith.constant 4 : i32
    %dma_start3A_420 = arith.constant 0 : i32
    %dma_start3A_421 = tpu.memref_slice %arg6[%dma_start3A_419, %dma_start3A_420] : memref<8x128xi32, #tpu.memory_space<vmem>> -> memref<1x128xi32, #tpu.memory_space<vmem>>
    %dma_start3A_422 = tpu.memref_squeeze %dma_start3A_421 : memref<1x128xi32, #tpu.memory_space<vmem>> -> memref<128xi32, #tpu.memory_space<vmem>>
    %dma_start3A_423 = tpu.memref_slice %arg3[%select_n3A_362, %mul3A_418] : memref<8x4096xi32, #tpu.memory_space<hbm>> -> memref<1x128xi32, #tpu.memory_space<hbm>>
    %dma_start3A_424 = tpu.memref_squeeze %dma_start3A_423 : memref<1x128xi32, #tpu.memory_space<hbm>> -> memref<128xi32, #tpu.memory_space<hbm>>
    %dma_start3A_425 = arith.constant 0 : i32
    %dma_start3A_426 = tpu.memref_slice %arg6[%dma_start3A_419, %dma_start3A_425] : memref<8x128xi32, #tpu.memory_space<vmem>> -> memref<1x128xi32, #tpu.memory_space<vmem>>
    %dma_start3A_427 = tpu.memref_squeeze %dma_start3A_426 : memref<1x128xi32, #tpu.memory_space<vmem>> -> memref<128xi32, #tpu.memory_space<vmem>>
    %dma_start3A_428 = tpu.memref_slice %arg3[%select_n3A_362, %mul3A_418] : memref<8x4096xi32, #tpu.memory_space<hbm>> -> memref<1x128xi32, #tpu.memory_space<hbm>>
    %dma_start3A_429 = tpu.memref_squeeze %dma_start3A_428 : memref<1x128xi32, #tpu.memory_space<hbm>> -> memref<128xi32, #tpu.memory_space<hbm>>
    tpu.enqueue_dma source(%dma_start3A_429 : memref<128xi32, #tpu.memory_space<hbm>>) target(%dma_start3A_427 : memref<128xi32, #tpu.memory_space<vmem>>) target_semaphore(%arg27 : memref<!tpu.dma_semaphore, #tpu.memory_space<semaphore_mem>>)
    %add3A_430 = arith.constant 5 : i32
    %add3A_431 = arith.addi %add3A, %add3A_430 : i32
    %jit3A_432 = arith.constant 8 : i32
    %eq3A_433 = arith.constant 0 : i32
    %eq3A_434 = arith.cmpi eq, %jit3A_432, %eq3A_433 : i32
    %jit3A_435 = arith.constant 1 : i32
    %select_n3A_436 = arith.select %eq3A_434, %jit3A_435, %jit3A_432 : i32
    %rem3A_437 = arith.remsi %add3A_431, %select_n3A_436 : i32
    %ne3A_438 = arith.constant 0 : i32
    %ne3A_439 = arith.cmpi ne, %rem3A_437, %ne3A_438 : i32
    %lt3A_440 = arith.constant 0 : i32
    %lt3A_441 = arith.cmpi slt, %rem3A_437, %lt3A_440 : i32
    %lt3A_442 = arith.constant 0 : i32
    %lt3A_443 = arith.cmpi slt, %select_n3A_436, %lt3A_442 : i32
    %ne3A_444 = arith.xori %lt3A_441, %lt3A_443 : i1
    %and3A_445 = arith.andi %ne3A_444, %ne3A_439 : i1
    %add3A_446 = arith.addi %rem3A_437, %select_n3A_436 : i32
    %select_n3A_447 = arith.select %and3A_445, %add3A_446, %rem3A_437 : i32
    %eq3A_448 = arith.constant 1 : i32
    %eq3A_449 = arith.cmpi eq, %select_n3A_447, %eq3A_448 : i32
    %select_n3A_450 = arith.select %eq3A_449, %squeeze3A_4, %squeeze3A : i32
    %eq3A_451 = arith.constant 2 : i32
    %eq3A_452 = arith.cmpi eq, %select_n3A_447, %eq3A_451 : i32
    %select_n3A_453 = arith.select %eq3A_452, %squeeze3A_6, %select_n3A_450 : i32
    %eq3A_454 = arith.constant 3 : i32
    %eq3A_455 = arith.cmpi eq, %select_n3A_447, %eq3A_454 : i32
    %select_n3A_456 = arith.select %eq3A_455, %squeeze3A_8, %select_n3A_453 : i32
    %eq3A_457 = arith.constant 4 : i32
    %eq3A_458 = arith.cmpi eq, %select_n3A_447, %eq3A_457 : i32
    %select_n3A_459 = arith.select %eq3A_458, %squeeze3A_10, %select_n3A_456 : i32
    %eq3A_460 = arith.constant 5 : i32
    %eq3A_461 = arith.cmpi eq, %select_n3A_447, %eq3A_460 : i32
    %select_n3A_462 = arith.select %eq3A_461, %squeeze3A_12, %select_n3A_459 : i32
    %eq3A_463 = arith.constant 6 : i32
    %eq3A_464 = arith.cmpi eq, %select_n3A_447, %eq3A_463 : i32
    %select_n3A_465 = arith.select %eq3A_464, %squeeze3A_14, %select_n3A_462 : i32
    %eq3A_466 = arith.constant 7 : i32
    %eq3A_467 = arith.cmpi eq, %select_n3A_447, %eq3A_466 : i32
    %select_n3A_468 = arith.select %eq3A_467, %squeeze3A_16, %select_n3A_465 : i32
    %mul3A_469 = arith.constant 4 : i32
    %mul3A_470 = arith.muli %mul3A_469, %select_n3A_447 : i32
    %sub3A_471 = arith.subi %add3A, %mul3A_470 : i32
    %jit3A_472 = arith.constant 32 : i32
    %eq3A_473 = arith.constant 0 : i32
    %eq3A_474 = arith.cmpi eq, %jit3A_472, %eq3A_473 : i32
    %jit3A_475 = arith.constant 1 : i32
    %select_n3A_476 = arith.select %eq3A_474, %jit3A_475, %jit3A_472 : i32
    %rem3A_477 = arith.remsi %sub3A_471, %select_n3A_476 : i32
    %ne3A_478 = arith.constant 0 : i32
    %ne3A_479 = arith.cmpi ne, %rem3A_477, %ne3A_478 : i32
    %lt3A_480 = arith.constant 0 : i32
    %lt3A_481 = arith.cmpi slt, %rem3A_477, %lt3A_480 : i32
    %lt3A_482 = arith.constant 0 : i32
    %lt3A_483 = arith.cmpi slt, %select_n3A_476, %lt3A_482 : i32
    %ne3A_484 = arith.xori %lt3A_481, %lt3A_483 : i1
    %and3A_485 = arith.andi %ne3A_484, %ne3A_479 : i1
    %add3A_486 = arith.addi %rem3A_477, %select_n3A_476 : i32
    %select_n3A_487 = arith.select %and3A_485, %add3A_486, %rem3A_477 : i32
    %mul3A_488 = arith.constant 128 : i32
    %mul3A_489 = arith.muli %select_n3A_487, %mul3A_488 : i32
    %sub3A_490 = arith.subi %select_n3A_468, %mul3A_489 : i32
    %jit3A_491 = arith.constant 0 : i32
    %jit3A_492 = arith.constant 128 : i32
    %max3A_493 = arith.maxsi %jit3A_491, %sub3A_490 : i32
    %min3A_494 = arith.minsi %jit3A_492, %max3A_493 : i32
    %gt3A_495 = arith.constant 0 : i32
    %gt3A_496 = arith.cmpi sgt, %min3A_494, %gt3A_495 : i32
    %mul3A_497 = arith.constant 4096 : i32
    %mul3A_498 = arith.muli %select_n3A_447, %mul3A_497 : i32
    %mul3A_499 = arith.constant 128 : i32
    %mul3A_500 = arith.muli %select_n3A_487, %mul3A_499 : i32
    %add3A_501 = arith.addi %mul3A_498, %mul3A_500 : i32
    %mul3A_502 = arith.constant 128 : i32
    %mul3A_503 = arith.muli %select_n3A_487, %mul3A_502 : i32
    %dma_start3A_504 = arith.constant 5 : i32
    %dma_start3A_505 = arith.constant 0 : i32
    %dma_start3A_506 = tpu.memref_slice %arg6[%dma_start3A_504, %dma_start3A_505] : memref<8x128xi32, #tpu.memory_space<vmem>> -> memref<1x128xi32, #tpu.memory_space<vmem>>
    %dma_start3A_507 = tpu.memref_squeeze %dma_start3A_506 : memref<1x128xi32, #tpu.memory_space<vmem>> -> memref<128xi32, #tpu.memory_space<vmem>>
    %dma_start3A_508 = tpu.memref_slice %arg3[%select_n3A_447, %mul3A_503] : memref<8x4096xi32, #tpu.memory_space<hbm>> -> memref<1x128xi32, #tpu.memory_space<hbm>>
    %dma_start3A_509 = tpu.memref_squeeze %dma_start3A_508 : memref<1x128xi32, #tpu.memory_space<hbm>> -> memref<128xi32, #tpu.memory_space<hbm>>
    %dma_start3A_510 = arith.constant 0 : i32
    %dma_start3A_511 = tpu.memref_slice %arg6[%dma_start3A_504, %dma_start3A_510] : memref<8x128xi32, #tpu.memory_space<vmem>> -> memref<1x128xi32, #tpu.memory_space<vmem>>
    %dma_start3A_512 = tpu.memref_squeeze %dma_start3A_511 : memref<1x128xi32, #tpu.memory_space<vmem>> -> memref<128xi32, #tpu.memory_space<vmem>>
    %dma_start3A_513 = tpu.memref_slice %arg3[%select_n3A_447, %mul3A_503] : memref<8x4096xi32, #tpu.memory_space<hbm>> -> memref<1x128xi32, #tpu.memory_space<hbm>>
    %dma_start3A_514 = tpu.memref_squeeze %dma_start3A_513 : memref<1x128xi32, #tpu.memory_space<hbm>> -> memref<128xi32, #tpu.memory_space<hbm>>
    tpu.enqueue_dma source(%dma_start3A_514 : memref<128xi32, #tpu.memory_space<hbm>>) target(%dma_start3A_512 : memref<128xi32, #tpu.memory_space<vmem>>) target_semaphore(%arg27 : memref<!tpu.dma_semaphore, #tpu.memory_space<semaphore_mem>>)
    %add3A_515 = arith.constant 6 : i32
    %add3A_516 = arith.addi %add3A, %add3A_515 : i32
    %jit3A_517 = arith.constant 8 : i32
    %eq3A_518 = arith.constant 0 : i32
    %eq3A_519 = arith.cmpi eq, %jit3A_517, %eq3A_518 : i32
    %jit3A_520 = arith.constant 1 : i32
    %select_n3A_521 = arith.select %eq3A_519, %jit3A_520, %jit3A_517 : i32
    %rem3A_522 = arith.remsi %add3A_516, %select_n3A_521 : i32
    %ne3A_523 = arith.constant 0 : i32
    %ne3A_524 = arith.cmpi ne, %rem3A_522, %ne3A_523 : i32
    %lt3A_525 = arith.constant 0 : i32
    %lt3A_526 = arith.cmpi slt, %rem3A_522, %lt3A_525 : i32
    %lt3A_527 = arith.constant 0 : i32
    %lt3A_528 = arith.cmpi slt, %select_n3A_521, %lt3A_527 : i32
    %ne3A_529 = arith.xori %lt3A_526, %lt3A_528 : i1
    %and3A_530 = arith.andi %ne3A_529, %ne3A_524 : i1
    %add3A_531 = arith.addi %rem3A_522, %select_n3A_521 : i32
    %select_n3A_532 = arith.select %and3A_530, %add3A_531, %rem3A_522 : i32
    %eq3A_533 = arith.constant 1 : i32
    %eq3A_534 = arith.cmpi eq, %select_n3A_532, %eq3A_533 : i32
    %select_n3A_535 = arith.select %eq3A_534, %squeeze3A_4, %squeeze3A : i32
    %eq3A_536 = arith.constant 2 : i32
    %eq3A_537 = arith.cmpi eq, %select_n3A_532, %eq3A_536 : i32
    %select_n3A_538 = arith.select %eq3A_537, %squeeze3A_6, %select_n3A_535 : i32
    %eq3A_539 = arith.constant 3 : i32
    %eq3A_540 = arith.cmpi eq, %select_n3A_532, %eq3A_539 : i32
    %select_n3A_541 = arith.select %eq3A_540, %squeeze3A_8, %select_n3A_538 : i32
    %eq3A_542 = arith.constant 4 : i32
    %eq3A_543 = arith.cmpi eq, %select_n3A_532, %eq3A_542 : i32
    %select_n3A_544 = arith.select %eq3A_543, %squeeze3A_10, %select_n3A_541 : i32
    %eq3A_545 = arith.constant 5 : i32
    %eq3A_546 = arith.cmpi eq, %select_n3A_532, %eq3A_545 : i32
    %select_n3A_547 = arith.select %eq3A_546, %squeeze3A_12, %select_n3A_544 : i32
    %eq3A_548 = arith.constant 6 : i32
    %eq3A_549 = arith.cmpi eq, %select_n3A_532, %eq3A_548 : i32
    %select_n3A_550 = arith.select %eq3A_549, %squeeze3A_14, %select_n3A_547 : i32
    %eq3A_551 = arith.constant 7 : i32
    %eq3A_552 = arith.cmpi eq, %select_n3A_532, %eq3A_551 : i32
    %select_n3A_553 = arith.select %eq3A_552, %squeeze3A_16, %select_n3A_550 : i32
    %mul3A_554 = arith.constant 4 : i32
    %mul3A_555 = arith.muli %mul3A_554, %select_n3A_532 : i32
    %sub3A_556 = arith.subi %add3A, %mul3A_555 : i32
    %jit3A_557 = arith.constant 32 : i32
    %eq3A_558 = arith.constant 0 : i32
    %eq3A_559 = arith.cmpi eq, %jit3A_557, %eq3A_558 : i32
    %jit3A_560 = arith.constant 1 : i32
    %select_n3A_561 = arith.select %eq3A_559, %jit3A_560, %jit3A_557 : i32
    %rem3A_562 = arith.remsi %sub3A_556, %select_n3A_561 : i32
    %ne3A_563 = arith.constant 0 : i32
    %ne3A_564 = arith.cmpi ne, %rem3A_562, %ne3A_563 : i32
    %lt3A_565 = arith.constant 0 : i32
    %lt3A_566 = arith.cmpi slt, %rem3A_562, %lt3A_565 : i32
    %lt3A_567 = arith.constant 0 : i32
    %lt3A_568 = arith.cmpi slt, %select_n3A_561, %lt3A_567 : i32
    %ne3A_569 = arith.xori %lt3A_566, %lt3A_568 : i1
    %and3A_570 = arith.andi %ne3A_569, %ne3A_564 : i1
    %add3A_571 = arith.addi %rem3A_562, %select_n3A_561 : i32
    %select_n3A_572 = arith.select %and3A_570, %add3A_571, %rem3A_562 : i32
    %mul3A_573 = arith.constant 128 : i32
    %mul3A_574 = arith.muli %select_n3A_572, %mul3A_573 : i32
    %sub3A_575 = arith.subi %select_n3A_553, %mul3A_574 : i32
    %jit3A_576 = arith.constant 0 : i32
    %jit3A_577 = arith.constant 128 : i32
    %max3A_578 = arith.maxsi %jit3A_576, %sub3A_575 : i32
    %min3A_579 = arith.minsi %jit3A_577, %max3A_578 : i32
    %gt3A_580 = arith.constant 0 : i32
    %gt3A_581 = arith.cmpi sgt, %min3A_579, %gt3A_580 : i32
    %mul3A_582 = arith.constant 4096 : i32
    %mul3A_583 = arith.muli %select_n3A_532, %mul3A_582 : i32
    %mul3A_584 = arith.constant 128 : i32
    %mul3A_585 = arith.muli %select_n3A_572, %mul3A_584 : i32
    %add3A_586 = arith.addi %mul3A_583, %mul3A_585 : i32
    %mul3A_587 = arith.constant 128 : i32
    %mul3A_588 = arith.muli %select_n3A_572, %mul3A_587 : i32
    %dma_start3A_589 = arith.constant 6 : i32
    %dma_start3A_590 = arith.constant 0 : i32
    %dma_start3A_591 = tpu.memref_slice %arg6[%dma_start3A_589, %dma_start3A_590] : memref<8x128xi32, #tpu.memory_space<vmem>> -> memref<1x128xi32, #tpu.memory_space<vmem>>
    %dma_start3A_592 = tpu.memref_squeeze %dma_start3A_591 : memref<1x128xi32, #tpu.memory_space<vmem>> -> memref<128xi32, #tpu.memory_space<vmem>>
    %dma_start3A_593 = tpu.memref_slice %arg3[%select_n3A_532, %mul3A_588] : memref<8x4096xi32, #tpu.memory_space<hbm>> -> memref<1x128xi32, #tpu.memory_space<hbm>>
    %dma_start3A_594 = tpu.memref_squeeze %dma_start3A_593 : memref<1x128xi32, #tpu.memory_space<hbm>> -> memref<128xi32, #tpu.memory_space<hbm>>
    %dma_start3A_595 = arith.constant 0 : i32
    %dma_start3A_596 = tpu.memref_slice %arg6[%dma_start3A_589, %dma_start3A_595] : memref<8x128xi32, #tpu.memory_space<vmem>> -> memref<1x128xi32, #tpu.memory_space<vmem>>
    %dma_start3A_597 = tpu.memref_squeeze %dma_start3A_596 : memref<1x128xi32, #tpu.memory_space<vmem>> -> memref<128xi32, #tpu.memory_space<vmem>>
    %dma_start3A_598 = tpu.memref_slice %arg3[%select_n3A_532, %mul3A_588] : memref<8x4096xi32, #tpu.memory_space<hbm>> -> memref<1x128xi32, #tpu.memory_space<hbm>>
    %dma_start3A_599 = tpu.memref_squeeze %dma_start3A_598 : memref<1x128xi32, #tpu.memory_space<hbm>> -> memref<128xi32, #tpu.memory_space<hbm>>
    tpu.enqueue_dma source(%dma_start3A_599 : memref<128xi32, #tpu.memory_space<hbm>>) target(%dma_start3A_597 : memref<128xi32, #tpu.memory_space<vmem>>) target_semaphore(%arg27 : memref<!tpu.dma_semaphore, #tpu.memory_space<semaphore_mem>>)
    %add3A_600 = arith.constant 7 : i32
    %add3A_601 = arith.addi %add3A, %add3A_600 : i32
    %jit3A_602 = arith.constant 8 : i32
    %eq3A_603 = arith.constant 0 : i32
    %eq3A_604 = arith.cmpi eq, %jit3A_602, %eq3A_603 : i32
    %jit3A_605 = arith.constant 1 : i32
    %select_n3A_606 = arith.select %eq3A_604, %jit3A_605, %jit3A_602 : i32
    %rem3A_607 = arith.remsi %add3A_601, %select_n3A_606 : i32
    %ne3A_608 = arith.constant 0 : i32
    %ne3A_609 = arith.cmpi ne, %rem3A_607, %ne3A_608 : i32
    %lt3A_610 = arith.constant 0 : i32
    %lt3A_611 = arith.cmpi slt, %rem3A_607, %lt3A_610 : i32
    %lt3A_612 = arith.constant 0 : i32
    %lt3A_613 = arith.cmpi slt, %select_n3A_606, %lt3A_612 : i32
    %ne3A_614 = arith.xori %lt3A_611, %lt3A_613 : i1
    %and3A_615 = arith.andi %ne3A_614, %ne3A_609 : i1
    %add3A_616 = arith.addi %rem3A_607, %select_n3A_606 : i32
    %select_n3A_617 = arith.select %and3A_615, %add3A_616, %rem3A_607 : i32
    %eq3A_618 = arith.constant 1 : i32
    %eq3A_619 = arith.cmpi eq, %select_n3A_617, %eq3A_618 : i32
    %select_n3A_620 = arith.select %eq3A_619, %squeeze3A_4, %squeeze3A : i32
    %eq3A_621 = arith.constant 2 : i32
    %eq3A_622 = arith.cmpi eq, %select_n3A_617, %eq3A_621 : i32
    %select_n3A_623 = arith.select %eq3A_622, %squeeze3A_6, %select_n3A_620 : i32
    %eq3A_624 = arith.constant 3 : i32
    %eq3A_625 = arith.cmpi eq, %select_n3A_617, %eq3A_624 : i32
    %select_n3A_626 = arith.select %eq3A_625, %squeeze3A_8, %select_n3A_623 : i32
    %eq3A_627 = arith.constant 4 : i32
    %eq3A_628 = arith.cmpi eq, %select_n3A_617, %eq3A_627 : i32
    %select_n3A_629 = arith.select %eq3A_628, %squeeze3A_10, %select_n3A_626 : i32
    %eq3A_630 = arith.constant 5 : i32
    %eq3A_631 = arith.cmpi eq, %select_n3A_617, %eq3A_630 : i32
    %select_n3A_632 = arith.select %eq3A_631, %squeeze3A_12, %select_n3A_629 : i32
    %eq3A_633 = arith.constant 6 : i32
    %eq3A_634 = arith.cmpi eq, %select_n3A_617, %eq3A_633 : i32
    %select_n3A_635 = arith.select %eq3A_634, %squeeze3A_14, %select_n3A_632 : i32
    %eq3A_636 = arith.constant 7 : i32
    %eq3A_637 = arith.cmpi eq, %select_n3A_617, %eq3A_636 : i32
    %select_n3A_638 = arith.select %eq3A_637, %squeeze3A_16, %select_n3A_635 : i32
    %mul3A_639 = arith.constant 4 : i32
    %mul3A_640 = arith.muli %mul3A_639, %select_n3A_617 : i32
    %sub3A_641 = arith.subi %add3A, %mul3A_640 : i32
    %jit3A_642 = arith.constant 32 : i32
    %eq3A_643 = arith.constant 0 : i32
    %eq3A_644 = arith.cmpi eq, %jit3A_642, %eq3A_643 : i32
    %jit3A_645 = arith.constant 1 : i32
    %select_n3A_646 = arith.select %eq3A_644, %jit3A_645, %jit3A_642 : i32
    %rem3A_647 = arith.remsi %sub3A_641, %select_n3A_646 : i32
    %ne3A_648 = arith.constant 0 : i32
    %ne3A_649 = arith.cmpi ne, %rem3A_647, %ne3A_648 : i32
    %lt3A_650 = arith.constant 0 : i32
    %lt3A_651 = arith.cmpi slt, %rem3A_647, %lt3A_650 : i32
    %lt3A_652 = arith.constant 0 : i32
    %lt3A_653 = arith.cmpi slt, %select_n3A_646, %lt3A_652 : i32
    %ne3A_654 = arith.xori %lt3A_651, %lt3A_653 : i1
    %and3A_655 = arith.andi %ne3A_654, %ne3A_649 : i1
    %add3A_656 = arith.addi %rem3A_647, %select_n3A_646 : i32
    %select_n3A_657 = arith.select %and3A_655, %add3A_656, %rem3A_647 : i32
    %mul3A_658 = arith.constant 128 : i32
    %mul3A_659 = arith.muli %select_n3A_657, %mul3A_658 : i32
    %sub3A_660 = arith.subi %select_n3A_638, %mul3A_659 : i32
    %jit3A_661 = arith.constant 0 : i32
    %jit3A_662 = arith.constant 128 : i32
    %max3A_663 = arith.maxsi %jit3A_661, %sub3A_660 : i32
    %min3A_664 = arith.minsi %jit3A_662, %max3A_663 : i32
    %gt3A_665 = arith.constant 0 : i32
    %gt3A_666 = arith.cmpi sgt, %min3A_664, %gt3A_665 : i32
    %mul3A_667 = arith.constant 4096 : i32
    %mul3A_668 = arith.muli %select_n3A_617, %mul3A_667 : i32
    %mul3A_669 = arith.constant 128 : i32
    %mul3A_670 = arith.muli %select_n3A_657, %mul3A_669 : i32
    %add3A_671 = arith.addi %mul3A_668, %mul3A_670 : i32
    %mul3A_672 = arith.constant 128 : i32
    %mul3A_673 = arith.muli %select_n3A_657, %mul3A_672 : i32
    %dma_start3A_674 = arith.constant 7 : i32
    %dma_start3A_675 = arith.constant 0 : i32
    %dma_start3A_676 = tpu.memref_slice %arg6[%dma_start3A_674, %dma_start3A_675] : memref<8x128xi32, #tpu.memory_space<vmem>> -> memref<1x128xi32, #tpu.memory_space<vmem>>
    %dma_start3A_677 = tpu.memref_squeeze %dma_start3A_676 : memref<1x128xi32, #tpu.memory_space<vmem>> -> memref<128xi32, #tpu.memory_space<vmem>>
    %dma_start3A_678 = tpu.memref_slice %arg3[%select_n3A_617, %mul3A_673] : memref<8x4096xi32, #tpu.memory_space<hbm>> -> memref<1x128xi32, #tpu.memory_space<hbm>>
    %dma_start3A_679 = tpu.memref_squeeze %dma_start3A_678 : memref<1x128xi32, #tpu.memory_space<hbm>> -> memref<128xi32, #tpu.memory_space<hbm>>
    %dma_start3A_680 = arith.constant 0 : i32
    %dma_start3A_681 = tpu.memref_slice %arg6[%dma_start3A_674, %dma_start3A_680] : memref<8x128xi32, #tpu.memory_space<vmem>> -> memref<1x128xi32, #tpu.memory_space<vmem>>
    %dma_start3A_682 = tpu.memref_squeeze %dma_start3A_681 : memref<1x128xi32, #tpu.memory_space<vmem>> -> memref<128xi32, #tpu.memory_space<vmem>>
    %dma_start3A_683 = tpu.memref_slice %arg3[%select_n3A_617, %mul3A_673] : memref<8x4096xi32, #tpu.memory_space<hbm>> -> memref<1x128xi32, #tpu.memory_space<hbm>>
    %dma_start3A_684 = tpu.memref_squeeze %dma_start3A_683 : memref<1x128xi32, #tpu.memory_space<hbm>> -> memref<128xi32, #tpu.memory_space<hbm>>
    tpu.enqueue_dma source(%dma_start3A_684 : memref<128xi32, #tpu.memory_space<hbm>>) target(%dma_start3A_682 : memref<128xi32, #tpu.memory_space<vmem>>) target_semaphore(%arg27 : memref<!tpu.dma_semaphore, #tpu.memory_space<semaphore_mem>>)
    %mul3A_685 = arith.constant 128 : i32
    %mul3A_686 = arith.muli %select_n3A_66, %mul3A_685 : i32
    %dma_wait3A = arith.constant 0 : i32
    %dma_wait3A_687 = arith.constant 0 : i32
    %dma_wait3A_688 = tpu.memref_slice %arg6[%dma_wait3A, %dma_wait3A_687] : memref<8x128xi32, #tpu.memory_space<vmem>> -> memref<1x128xi32, #tpu.memory_space<vmem>>
    %dma_wait3A_689 = tpu.memref_squeeze %dma_wait3A_688 : memref<1x128xi32, #tpu.memory_space<vmem>> -> memref<128xi32, #tpu.memory_space<vmem>>
    %dma_wait3A_690 = tpu.memref_slice %arg3[%select_n3A_27, %mul3A_686] : memref<8x4096xi32, #tpu.memory_space<hbm>> -> memref<1x128xi32, #tpu.memory_space<hbm>>
    %dma_wait3A_691 = tpu.memref_squeeze %dma_wait3A_690 : memref<1x128xi32, #tpu.memory_space<hbm>> -> memref<128xi32, #tpu.memory_space<hbm>>
    %dma_wait3A_692 = arith.constant 0 : i32
    %dma_wait3A_693 = tpu.memref_slice %arg6[%dma_wait3A, %dma_wait3A_692] : memref<8x128xi32, #tpu.memory_space<vmem>> -> memref<1x128xi32, #tpu.memory_space<vmem>>
    %dma_wait3A_694 = tpu.memref_squeeze %dma_wait3A_693 : memref<1x128xi32, #tpu.memory_space<vmem>> -> memref<128xi32, #tpu.memory_space<vmem>>
    %dma_wait3A_695 = tpu.memref_slice %arg3[%select_n3A_27, %mul3A_686] : memref<8x4096xi32, #tpu.memory_space<hbm>> -> memref<1x128xi32, #tpu.memory_space<hbm>>
    %dma_wait3A_696 = tpu.memref_squeeze %dma_wait3A_695 : memref<1x128xi32, #tpu.memory_space<hbm>> -> memref<128xi32, #tpu.memory_space<hbm>>
    tpu.wait_dma2 semaphore(%arg27 : memref<!tpu.dma_semaphore, #tpu.memory_space<semaphore_mem>>) src(%dma_wait3A_696 : memref<128xi32, #tpu.memory_space<hbm>>) dst(%dma_wait3A_694 : memref<128xi32, #tpu.memory_space<vmem>>)
    %mul3A_697 = arith.constant 512 : i32
    %mul3A_698 = arith.muli %select_n3A_27, %mul3A_697 : i32
    %broadcast_in_dim3A = vector.broadcast %mul3A_698 : i32 to vector<16xi32>
    %get3A_699 = arith.constant 0 : i32
    %get3A_700 = arith.index_cast %get3A_699 : i32 to index
    %get3A_701 = arith.constant 0 : index
    %get3A_702 = tpu.vector_load %arg6[%get3A_700, %get3A_701] {strides = array<i32>} : memref<8x128xi32, #tpu.memory_space<vmem>>, vector<1x16xi32>,
    %get3A_703 = vector.shape_cast %get3A_702 : vector<1x16xi32> to vector<16xi32>
    %add3A_704 = arith.addi %get3A_703, %broadcast_in_dim3A : vector<16xi32>
    %swap3A = arith.constant 0 : index
    %swap3A_705 = tpu.vector_load %arg7[%swap3A] {strides = array<i32>} : memref<128xi32, #tpu.memory_space<vmem>>, vector<16xi32>,
    %swap3A_706 = vector.shape_cast %swap3A_705 : vector<16xi32> to vector<16xi32>
    %swap3A_707 = vector.shape_cast %add3A_704 : vector<16xi32> to vector<16xi32>
    tpu.vector_store %arg7[%swap3A], %swap3A_707 {strides = array<i32>} : memref<128xi32, #tpu.memory_space<vmem>>, vector<16xi32>,
    %get3A_708 = arith.constant 0 : i32
    %get3A_709 = arith.index_cast %get3A_708 : i32 to index
    %get3A_710 = arith.constant 16 : index
    %get3A_711 = tpu.vector_load %arg6[%get3A_709, %get3A_710] {strides = array<i32>} : memref<8x128xi32, #tpu.memory_space<vmem>>, vector<1x16xi32>,
    %get3A_712 = vector.shape_cast %get3A_711 : vector<1x16xi32> to vector<16xi32>
    %add3A_713 = arith.addi %get3A_712, %broadcast_in_dim3A : vector<16xi32>
    %swap3A_714 = arith.constant 16 : index
    %swap3A_715 = tpu.vector_load %arg7[%swap3A_714] {strides = array<i32>} : memref<128xi32, #tpu.memory_space<vmem>>, vector<16xi32>,
    %swap3A_716 = vector.shape_cast %swap3A_715 : vector<16xi32> to vector<16xi32>
    %swap3A_717 = vector.shape_cast %add3A_713 : vector<16xi32> to vector<16xi32>
    tpu.vector_store %arg7[%swap3A_714], %swap3A_717 {strides = array<i32>} : memref<128xi32, #tpu.memory_space<vmem>>, vector<16xi32>,
    %get3A_718 = arith.constant 0 : i32
    %get3A_719 = arith.index_cast %get3A_718 : i32 to index
    %get3A_720 = arith.constant 32 : index
    %get3A_721 = tpu.vector_load %arg6[%get3A_719, %get3A_720] {strides = array<i32>} : memref<8x128xi32, #tpu.memory_space<vmem>>, vector<1x16xi32>,
    %get3A_722 = vector.shape_cast %get3A_721 : vector<1x16xi32> to vector<16xi32>
    %add3A_723 = arith.addi %get3A_722, %broadcast_in_dim3A : vector<16xi32>
    %swap3A_724 = arith.constant 32 : index
    %swap3A_725 = tpu.vector_load %arg7[%swap3A_724] {strides = array<i32>} : memref<128xi32, #tpu.memory_space<vmem>>, vector<16xi32>,
    %swap3A_726 = vector.shape_cast %swap3A_725 : vector<16xi32> to vector<16xi32>
    %swap3A_727 = vector.shape_cast %add3A_723 : vector<16xi32> to vector<16xi32>
    tpu.vector_store %arg7[%swap3A_724], %swap3A_727 {strides = array<i32>} : memref<128xi32, #tpu.memory_space<vmem>>, vector<16xi32>,
    %get3A_728 = arith.constant 0 : i32
    %get3A_729 = arith.index_cast %get3A_728 : i32 to index
    %get3A_730 = arith.constant 48 : index
    %get3A_731 = tpu.vector_load %arg6[%get3A_729, %get3A_730] {strides = array<i32>} : memref<8x128xi32, #tpu.memory_space<vmem>>, vector<1x16xi32>,
    %get3A_732 = vector.shape_cast %get3A_731 : vector<1x16xi32> to vector<16xi32>
    %add3A_733 = arith.addi %get3A_732, %broadcast_in_dim3A : vector<16xi32>
    %swap3A_734 = arith.constant 48 : index
    %swap3A_735 = tpu.vector_load %arg7[%swap3A_734] {strides = array<i32>} : memref<128xi32, #tpu.memory_space<vmem>>, vector<16xi32>,
    %swap3A_736 = vector.shape_cast %swap3A_735 : vector<16xi32> to vector<16xi32>
    %swap3A_737 = vector.shape_cast %add3A_733 : vector<16xi32> to vector<16xi32>
    tpu.vector_store %arg7[%swap3A_734], %swap3A_737 {strides = array<i32>} : memref<128xi32, #tpu.memory_space<vmem>>, vector<16xi32>,
    %get3A_738 = arith.constant 0 : i32
    %get3A_739 = arith.index_cast %get3A_738 : i32 to index
    %get3A_740 = arith.constant 64 : index
    %get3A_741 = tpu.vector_load %arg6[%get3A_739, %get3A_740] {strides = array<i32>} : memref<8x128xi32, #tpu.memory_space<vmem>>, vector<1x16xi32>,
    %get3A_742 = vector.shape_cast %get3A_741 : vector<1x16xi32> to vector<16xi32>
    %add3A_743 = arith.addi %get3A_742, %broadcast_in_dim3A : vector<16xi32>
    %swap3A_744 = arith.constant 64 : index
    %swap3A_745 = tpu.vector_load %arg7[%swap3A_744] {strides = array<i32>} : memref<128xi32, #tpu.memory_space<vmem>>, vector<16xi32>,
    %swap3A_746 = vector.shape_cast %swap3A_745 : vector<16xi32> to vector<16xi32>
    %swap3A_747 = vector.shape_cast %add3A_743 : vector<16xi32> to vector<16xi32>
    tpu.vector_store %arg7[%swap3A_744], %swap3A_747 {strides = array<i32>} : memref<128xi32, #tpu.memory_space<vmem>>, vector<16xi32>,
    %get3A_748 = arith.constant 0 : i32
    %get3A_749 = arith.index_cast %get3A_748 : i32 to index
    %get3A_750 = arith.constant 80 : index
    %get3A_751 = tpu.vector_load %arg6[%get3A_749, %get3A_750] {strides = array<i32>} : memref<8x128xi32, #tpu.memory_space<vmem>>, vector<1x16xi32>,
    %get3A_752 = vector.shape_cast %get3A_751 : vector<1x16xi32> to vector<16xi32>
    %add3A_753 = arith.addi %get3A_752, %broadcast_in_dim3A : vector<16xi32>
    %swap3A_754 = arith.constant 80 : index
    %swap3A_755 = tpu.vector_load %arg7[%swap3A_754] {strides = array<i32>} : memref<128xi32, #tpu.memory_space<vmem>>, vector<16xi32>,
    %swap3A_756 = vector.shape_cast %swap3A_755 : vector<16xi32> to vector<16xi32>
    %swap3A_757 = vector.shape_cast %add3A_753 : vector<16xi32> to vector<16xi32>
    tpu.vector_store %arg7[%swap3A_754], %swap3A_757 {strides = array<i32>} : memref<128xi32, #tpu.memory_space<vmem>>, vector<16xi32>,
    %get3A_758 = arith.constant 0 : i32
    %get3A_759 = arith.index_cast %get3A_758 : i32 to index
    %get3A_760 = arith.constant 96 : index
    %get3A_761 = tpu.vector_load %arg6[%get3A_759, %get3A_760] {strides = array<i32>} : memref<8x128xi32, #tpu.memory_space<vmem>>, vector<1x16xi32>,
    %get3A_762 = vector.shape_cast %get3A_761 : vector<1x16xi32> to vector<16xi32>
    %add3A_763 = arith.addi %get3A_762, %broadcast_in_dim3A : vector<16xi32>
    %swap3A_764 = arith.constant 96 : index
    %swap3A_765 = tpu.vector_load %arg7[%swap3A_764] {strides = array<i32>} : memref<128xi32, #tpu.memory_space<vmem>>, vector<16xi32>,
    %swap3A_766 = vector.shape_cast %swap3A_765 : vector<16xi32> to vector<16xi32>
    %swap3A_767 = vector.shape_cast %add3A_763 : vector<16xi32> to vector<16xi32>
    tpu.vector_store %arg7[%swap3A_764], %swap3A_767 {strides = array<i32>} : memref<128xi32, #tpu.memory_space<vmem>>, vector<16xi32>,
    %get3A_768 = arith.constant 0 : i32
    %get3A_769 = arith.index_cast %get3A_768 : i32 to index
    %get3A_770 = arith.constant 112 : index
    %get3A_771 = tpu.vector_load %arg6[%get3A_769, %get3A_770] {strides = array<i32>} : memref<8x128xi32, #tpu.memory_space<vmem>>, vector<1x16xi32>,
    %get3A_772 = vector.shape_cast %get3A_771 : vector<1x16xi32> to vector<16xi32>
    %add3A_773 = arith.addi %get3A_772, %broadcast_in_dim3A : vector<16xi32>
    %swap3A_774 = arith.constant 112 : index
    %swap3A_775 = tpu.vector_load %arg7[%swap3A_774] {strides = array<i32>} : memref<128xi32, #tpu.memory_space<vmem>>, vector<16xi32>,
    %swap3A_776 = vector.shape_cast %swap3A_775 : vector<16xi32> to vector<16xi32>
    %swap3A_777 = vector.shape_cast %add3A_773 : vector<16xi32> to vector<16xi32>
    tpu.vector_store %arg7[%swap3A_774], %swap3A_777 {strides = array<i32>} : memref<128xi32, #tpu.memory_space<vmem>>, vector<16xi32>,
    %convert_element_type3A = arith.extui %gt3A_72 : i1 to i32
    %cond3A = arith.constant 0 : i32
    %cond3A_778 = arith.cmpi ne, %convert_element_type3A, %cond3A : i32
    scf.if %cond3A_778 {
      %dma_start3A_1713 = arith.constant 0 : i32
      %dma_start3A_1714 = arith.constant 0 : i32
      %dma_start3A_1715 = tpu.memref_slice %arg2[%dma_start3A_1713, %dma_start3A_1714] : memref<4096x256xf32, #tpu.memory_space<hbm>> -> memref<4096x256xf32, #tpu.memory_space<hbm>>
      tpu.enqueue_indirect_dma source(%dma_start3A_1715 : memref<4096x256xf32, #tpu.memory_space<hbm>>) target(%arg16 : memref<128x256xf32, #tpu.memory_space<vmem>>) offsets(%arg7 : memref<128xi32, #tpu.memory_space<vmem>>) semaphore(%arg20 : memref<!tpu.dma_semaphore, #tpu.memory_space<semaphore_mem>>)
    } else {
    }
    %mul3A_779 = arith.constant 128 : i32
    %mul3A_780 = arith.muli %select_n3A_147, %mul3A_779 : i32
    %dma_wait3A_781 = arith.constant 1 : i32
    %dma_wait3A_782 = arith.constant 0 : i32
    %dma_wait3A_783 = tpu.memref_slice %arg6[%dma_wait3A_781, %dma_wait3A_782] : memref<8x128xi32, #tpu.memory_space<vmem>> -> memref<1x128xi32, #tpu.memory_space<vmem>>
    %dma_wait3A_784 = tpu.memref_squeeze %dma_wait3A_783 : memref<1x128xi32, #tpu.memory_space<vmem>> -> memref<128xi32, #tpu.memory_space<vmem>>
    %dma_wait3A_785 = tpu.memref_slice %arg3[%select_n3A_107, %mul3A_780] : memref<8x4096xi32, #tpu.memory_space<hbm>> -> memref<1x128xi32, #tpu.memory_space<hbm>>
    %dma_wait3A_786 = tpu.memref_squeeze %dma_wait3A_785 : memref<1x128xi32, #tpu.memory_space<hbm>> -> memref<128xi32, #tpu.memory_space<hbm>>
    %dma_wait3A_787 = arith.constant 0 : i32
    %dma_wait3A_788 = tpu.memref_slice %arg6[%dma_wait3A_781, %dma_wait3A_787] : memref<8x128xi32, #tpu.memory_space<vmem>> -> memref<1x128xi32, #tpu.memory_space<vmem>>
    %dma_wait3A_789 = tpu.memref_squeeze %dma_wait3A_788 : memref<1x128xi32, #tpu.memory_space<vmem>> -> memref<128xi32, #tpu.memory_space<vmem>>
    %dma_wait3A_790 = tpu.memref_slice %arg3[%select_n3A_107, %mul3A_780] : memref<8x4096xi32, #tpu.memory_space<hbm>> -> memref<1x128xi32, #tpu.memory_space<hbm>>
    %dma_wait3A_791 = tpu.memref_squeeze %dma_wait3A_790 : memref<1x128xi32, #tpu.memory_space<hbm>> -> memref<128xi32, #tpu.memory_space<hbm>>
    tpu.wait_dma2 semaphore(%arg27 : memref<!tpu.dma_semaphore, #tpu.memory_space<semaphore_mem>>) src(%dma_wait3A_791 : memref<128xi32, #tpu.memory_space<hbm>>) dst(%dma_wait3A_789 : memref<128xi32, #tpu.memory_space<vmem>>)
    %mul3A_792 = arith.constant 512 : i32
    %mul3A_793 = arith.muli %select_n3A_107, %mul3A_792 : i32
    %broadcast_in_dim3A_794 = vector.broadcast %mul3A_793 : i32 to vector<16xi32>
    %get3A_795 = arith.constant 1 : i32
    %get3A_796 = arith.index_cast %get3A_795 : i32 to index
    %get3A_797 = arith.constant 0 : index
    %get3A_798 = tpu.vector_load %arg6[%get3A_796, %get3A_797] {strides = array<i32>} : memref<8x128xi32, #tpu.memory_space<vmem>>, vector<1x16xi32>,
    %get3A_799 = vector.shape_cast %get3A_798 : vector<1x16xi32> to vector<16xi32>
    %add3A_800 = arith.addi %get3A_799, %broadcast_in_dim3A_794 : vector<16xi32>
    %swap3A_801 = arith.constant 0 : index
    %swap3A_802 = tpu.vector_load %arg8[%swap3A_801] {strides = array<i32>} : memref<128xi32, #tpu.memory_space<vmem>>, vector<16xi32>,
    %swap3A_803 = vector.shape_cast %swap3A_802 : vector<16xi32> to vector<16xi32>
    %swap3A_804 = vector.shape_cast %add3A_800 : vector<16xi32> to vector<16xi32>
    tpu.vector_store %arg8[%swap3A_801], %swap3A_804 {strides = array<i32>} : memref<128xi32, #tpu.memory_space<vmem>>, vector<16xi32>,
    %get3A_805 = arith.constant 1 : i32
    %get3A_806 = arith.index_cast %get3A_805 : i32 to index
    %get3A_807 = arith.constant 16 : index
    %get3A_808 = tpu.vector_load %arg6[%get3A_806, %get3A_807] {strides = array<i32>} : memref<8x128xi32, #tpu.memory_space<vmem>>, vector<1x16xi32>,
    %get3A_809 = vector.shape_cast %get3A_808 : vector<1x16xi32> to vector<16xi32>
    %add3A_810 = arith.addi %get3A_809, %broadcast_in_dim3A_794 : vector<16xi32>
    %swap3A_811 = arith.constant 16 : index
    %swap3A_812 = tpu.vector_load %arg8[%swap3A_811] {strides = array<i32>} : memref<128xi32, #tpu.memory_space<vmem>>, vector<16xi32>,
    %swap3A_813 = vector.shape_cast %swap3A_812 : vector<16xi32> to vector<16xi32>
    %swap3A_814 = vector.shape_cast %add3A_810 : vector<16xi32> to vector<16xi32>
    tpu.vector_store %arg8[%swap3A_811], %swap3A_814 {strides = array<i32>} : memref<128xi32, #tpu.memory_space<vmem>>, vector<16xi32>,
    %get3A_815 = arith.constant 1 : i32
    %get3A_816 = arith.index_cast %get3A_815 : i32 to index
    %get3A_817 = arith.constant 32 : index
    %get3A_818 = tpu.vector_load %arg6[%get3A_816, %get3A_817] {strides = array<i32>} : memref<8x128xi32, #tpu.memory_space<vmem>>, vector<1x16xi32>,
    %get3A_819 = vector.shape_cast %get3A_818 : vector<1x16xi32> to vector<16xi32>
    %add3A_820 = arith.addi %get3A_819, %broadcast_in_dim3A_794 : vector<16xi32>
    %swap3A_821 = arith.constant 32 : index
    %swap3A_822 = tpu.vector_load %arg8[%swap3A_821] {strides = array<i32>} : memref<128xi32, #tpu.memory_space<vmem>>, vector<16xi32>,
    %swap3A_823 = vector.shape_cast %swap3A_822 : vector<16xi32> to vector<16xi32>
    %swap3A_824 = vector.shape_cast %add3A_820 : vector<16xi32> to vector<16xi32>
    tpu.vector_store %arg8[%swap3A_821], %swap3A_824 {strides = array<i32>} : memref<128xi32, #tpu.memory_space<vmem>>, vector<16xi32>,
    %get3A_825 = arith.constant 1 : i32
    %get3A_826 = arith.index_cast %get3A_825 : i32 to index
    %get3A_827 = arith.constant 48 : index
    %get3A_828 = tpu.vector_load %arg6[%get3A_826, %get3A_827] {strides = array<i32>} : memref<8x128xi32, #tpu.memory_space<vmem>>, vector<1x16xi32>,
    %get3A_829 = vector.shape_cast %get3A_828 : vector<1x16xi32> to vector<16xi32>
    %add3A_830 = arith.addi %get3A_829, %broadcast_in_dim3A_794 : vector<16xi32>
    %swap3A_831 = arith.constant 48 : index
    %swap3A_832 = tpu.vector_load %arg8[%swap3A_831] {strides = array<i32>} : memref<128xi32, #tpu.memory_space<vmem>>, vector<16xi32>,
    %swap3A_833 = vector.shape_cast %swap3A_832 : vector<16xi32> to vector<16xi32>
    %swap3A_834 = vector.shape_cast %add3A_830 : vector<16xi32> to vector<16xi32>
    tpu.vector_store %arg8[%swap3A_831], %swap3A_834 {strides = array<i32>} : memref<128xi32, #tpu.memory_space<vmem>>, vector<16xi32>,
    %get3A_835 = arith.constant 1 : i32
    %get3A_836 = arith.index_cast %get3A_835 : i32 to index
    %get3A_837 = arith.constant 64 : index
    %get3A_838 = tpu.vector_load %arg6[%get3A_836, %get3A_837] {strides = array<i32>} : memref<8x128xi32, #tpu.memory_space<vmem>>, vector<1x16xi32>,
    %get3A_839 = vector.shape_cast %get3A_838 : vector<1x16xi32> to vector<16xi32>
    %add3A_840 = arith.addi %get3A_839, %broadcast_in_dim3A_794 : vector<16xi32>
    %swap3A_841 = arith.constant 64 : index
    %swap3A_842 = tpu.vector_load %arg8[%swap3A_841] {strides = array<i32>} : memref<128xi32, #tpu.memory_space<vmem>>, vector<16xi32>,
    %swap3A_843 = vector.shape_cast %swap3A_842 : vector<16xi32> to vector<16xi32>
    %swap3A_844 = vector.shape_cast %add3A_840 : vector<16xi32> to vector<16xi32>
    tpu.vector_store %arg8[%swap3A_841], %swap3A_844 {strides = array<i32>} : memref<128xi32, #tpu.memory_space<vmem>>, vector<16xi32>,
    %get3A_845 = arith.constant 1 : i32
    %get3A_846 = arith.index_cast %get3A_845 : i32 to index
    %get3A_847 = arith.constant 80 : index
    %get3A_848 = tpu.vector_load %arg6[%get3A_846, %get3A_847] {strides = array<i32>} : memref<8x128xi32, #tpu.memory_space<vmem>>, vector<1x16xi32>,
    %get3A_849 = vector.shape_cast %get3A_848 : vector<1x16xi32> to vector<16xi32>
    %add3A_850 = arith.addi %get3A_849, %broadcast_in_dim3A_794 : vector<16xi32>
    %swap3A_851 = arith.constant 80 : index
    %swap3A_852 = tpu.vector_load %arg8[%swap3A_851] {strides = array<i32>} : memref<128xi32, #tpu.memory_space<vmem>>, vector<16xi32>,
    %swap3A_853 = vector.shape_cast %swap3A_852 : vector<16xi32> to vector<16xi32>
    %swap3A_854 = vector.shape_cast %add3A_850 : vector<16xi32> to vector<16xi32>
    tpu.vector_store %arg8[%swap3A_851], %swap3A_854 {strides = array<i32>} : memref<128xi32, #tpu.memory_space<vmem>>, vector<16xi32>,
    %get3A_855 = arith.constant 1 : i32
    %get3A_856 = arith.index_cast %get3A_855 : i32 to index
    %get3A_857 = arith.constant 96 : index
    %get3A_858 = tpu.vector_load %arg6[%get3A_856, %get3A_857] {strides = array<i32>} : memref<8x128xi32, #tpu.memory_space<vmem>>, vector<1x16xi32>,
    %get3A_859 = vector.shape_cast %get3A_858 : vector<1x16xi32> to vector<16xi32>
    %add3A_860 = arith.addi %get3A_859, %broadcast_in_dim3A_794 : vector<16xi32>
    %swap3A_861 = arith.constant 96 : index
    %swap3A_862 = tpu.vector_load %arg8[%swap3A_861] {strides = array<i32>} : memref<128xi32, #tpu.memory_space<vmem>>, vector<16xi32>,
    %swap3A_863 = vector.shape_cast %swap3A_862 : vector<16xi32> to vector<16xi32>
    %swap3A_864 = vector.shape_cast %add3A_860 : vector<16xi32> to vector<16xi32>
    tpu.vector_store %arg8[%swap3A_861], %swap3A_864 {strides = array<i32>} : memref<128xi32, #tpu.memory_space<vmem>>, vector<16xi32>,
    %get3A_865 = arith.constant 1 : i32
    %get3A_866 = arith.index_cast %get3A_865 : i32 to index
    %get3A_867 = arith.constant 112 : index
    %get3A_868 = tpu.vector_load %arg6[%get3A_866, %get3A_867] {strides = array<i32>} : memref<8x128xi32, #tpu.memory_space<vmem>>, vector<1x16xi32>,
    %get3A_869 = vector.shape_cast %get3A_868 : vector<1x16xi32> to vector<16xi32>
    %add3A_870 = arith.addi %get3A_869, %broadcast_in_dim3A_794 : vector<16xi32>
    %swap3A_871 = arith.constant 112 : index
    %swap3A_872 = tpu.vector_load %arg8[%swap3A_871] {strides = array<i32>} : memref<128xi32, #tpu.memory_space<vmem>>, vector<16xi32>,
    %swap3A_873 = vector.shape_cast %swap3A_872 : vector<16xi32> to vector<16xi32>
    %swap3A_874 = vector.shape_cast %add3A_870 : vector<16xi32> to vector<16xi32>
    tpu.vector_store %arg8[%swap3A_871], %swap3A_874 {strides = array<i32>} : memref<128xi32, #tpu.memory_space<vmem>>, vector<16xi32>,
    %convert_element_type3A_875 = arith.extui %gt3A_156 : i1 to i32
    %cond3A_876 = arith.constant 0 : i32
    %cond3A_877 = arith.cmpi ne, %convert_element_type3A_875, %cond3A_876 : i32
    scf.if %cond3A_877 {
      %dma_start3A_1713 = arith.constant 0 : i32
      %dma_start3A_1714 = arith.constant 0 : i32
      %dma_start3A_1715 = tpu.memref_slice %arg2[%dma_start3A_1713, %dma_start3A_1714] : memref<4096x256xf32, #tpu.memory_space<hbm>> -> memref<4096x256xf32, #tpu.memory_space<hbm>>
      tpu.enqueue_indirect_dma source(%dma_start3A_1715 : memref<4096x256xf32, #tpu.memory_space<hbm>>) target(%arg17 : memref<128x256xf32, #tpu.memory_space<vmem>>) offsets(%arg8 : memref<128xi32, #tpu.memory_space<vmem>>) semaphore(%arg21 : memref<!tpu.dma_semaphore, #tpu.memory_space<semaphore_mem>>)
    } else {
    }
    %mul3A_878 = arith.constant 128 : i32
    %mul3A_879 = arith.muli %select_n3A_232, %mul3A_878 : i32
    %dma_wait3A_880 = arith.constant 2 : i32
    %dma_wait3A_881 = arith.constant 0 : i32
    %dma_wait3A_882 = tpu.memref_slice %arg6[%dma_wait3A_880, %dma_wait3A_881] : memref<8x128xi32, #tpu.memory_space<vmem>> -> memref<1x128xi32, #tpu.memory_space<vmem>>
    %dma_wait3A_883 = tpu.memref_squeeze %dma_wait3A_882 : memref<1x128xi32, #tpu.memory_space<vmem>> -> memref<128xi32, #tpu.memory_space<vmem>>
    %dma_wait3A_884 = tpu.memref_slice %arg3[%select_n3A_192, %mul3A_879] : memref<8x4096xi32, #tpu.memory_space<hbm>> -> memref<1x128xi32, #tpu.memory_space<hbm>>
    %dma_wait3A_885 = tpu.memref_squeeze %dma_wait3A_884 : memref<1x128xi32, #tpu.memory_space<hbm>> -> memref<128xi32, #tpu.memory_space<hbm>>
    %dma_wait3A_886 = arith.constant 0 : i32
    %dma_wait3A_887 = tpu.memref_slice %arg6[%dma_wait3A_880, %dma_wait3A_886] : memref<8x128xi32, #tpu.memory_space<vmem>> -> memref<1x128xi32, #tpu.memory_space<vmem>>
    %dma_wait3A_888 = tpu.memref_squeeze %dma_wait3A_887 : memref<1x128xi32, #tpu.memory_space<vmem>> -> memref<128xi32, #tpu.memory_space<vmem>>
    %dma_wait3A_889 = tpu.memref_slice %arg3[%select_n3A_192, %mul3A_879] : memref<8x4096xi32, #tpu.memory_space<hbm>> -> memref<1x128xi32, #tpu.memory_space<hbm>>
    %dma_wait3A_890 = tpu.memref_squeeze %dma_wait3A_889 : memref<1x128xi32, #tpu.memory_space<hbm>> -> memref<128xi32, #tpu.memory_space<hbm>>
    tpu.wait_dma2 semaphore(%arg27 : memref<!tpu.dma_semaphore, #tpu.memory_space<semaphore_mem>>) src(%dma_wait3A_890 : memref<128xi32, #tpu.memory_space<hbm>>) dst(%dma_wait3A_888 : memref<128xi32, #tpu.memory_space<vmem>>)
    %mul3A_891 = arith.constant 512 : i32
    %mul3A_892 = arith.muli %select_n3A_192, %mul3A_891 : i32
    %broadcast_in_dim3A_893 = vector.broadcast %mul3A_892 : i32 to vector<16xi32>
    %get3A_894 = arith.constant 2 : i32
    %get3A_895 = arith.index_cast %get3A_894 : i32 to index
    %get3A_896 = arith.constant 0 : index
    %get3A_897 = tpu.vector_load %arg6[%get3A_895, %get3A_896] {strides = array<i32>} : memref<8x128xi32, #tpu.memory_space<vmem>>, vector<1x16xi32>,
    %get3A_898 = vector.shape_cast %get3A_897 : vector<1x16xi32> to vector<16xi32>
    %add3A_899 = arith.addi %get3A_898, %broadcast_in_dim3A_893 : vector<16xi32>
    %swap3A_900 = arith.constant 0 : index
    %swap3A_901 = tpu.vector_load %arg9[%swap3A_900] {strides = array<i32>} : memref<128xi32, #tpu.memory_space<vmem>>, vector<16xi32>,
    %swap3A_902 = vector.shape_cast %swap3A_901 : vector<16xi32> to vector<16xi32>
    %swap3A_903 = vector.shape_cast %add3A_899 : vector<16xi32> to vector<16xi32>
    tpu.vector_store %arg9[%swap3A_900], %swap3A_903 {strides = array<i32>} : memref<128xi32, #tpu.memory_space<vmem>>, vector<16xi32>,
    %get3A_904 = arith.constant 2 : i32
    %get3A_905 = arith.index_cast %get3A_904 : i32 to index
    %get3A_906 = arith.constant 16 : index
    %get3A_907 = tpu.vector_load %arg6[%get3A_905, %get3A_906] {strides = array<i32>} : memref<8x128xi32, #tpu.memory_space<vmem>>, vector<1x16xi32>,
    %get3A_908 = vector.shape_cast %get3A_907 : vector<1x16xi32> to vector<16xi32>
    %add3A_909 = arith.addi %get3A_908, %broadcast_in_dim3A_893 : vector<16xi32>
    %swap3A_910 = arith.constant 16 : index
    %swap3A_911 = tpu.vector_load %arg9[%swap3A_910] {strides = array<i32>} : memref<128xi32, #tpu.memory_space<vmem>>, vector<16xi32>,
    %swap3A_912 = vector.shape_cast %swap3A_911 : vector<16xi32> to vector<16xi32>
    %swap3A_913 = vector.shape_cast %add3A_909 : vector<16xi32> to vector<16xi32>
    tpu.vector_store %arg9[%swap3A_910], %swap3A_913 {strides = array<i32>} : memref<128xi32, #tpu.memory_space<vmem>>, vector<16xi32>,
    %get3A_914 = arith.constant 2 : i32
    %get3A_915 = arith.index_cast %get3A_914 : i32 to index
    %get3A_916 = arith.constant 32 : index
    %get3A_917 = tpu.vector_load %arg6[%get3A_915, %get3A_916] {strides = array<i32>} : memref<8x128xi32, #tpu.memory_space<vmem>>, vector<1x16xi32>,
    %get3A_918 = vector.shape_cast %get3A_917 : vector<1x16xi32> to vector<16xi32>
    %add3A_919 = arith.addi %get3A_918, %broadcast_in_dim3A_893 : vector<16xi32>
    %swap3A_920 = arith.constant 32 : index
    %swap3A_921 = tpu.vector_load %arg9[%swap3A_920] {strides = array<i32>} : memref<128xi32, #tpu.memory_space<vmem>>, vector<16xi32>,
    %swap3A_922 = vector.shape_cast %swap3A_921 : vector<16xi32> to vector<16xi32>
    %swap3A_923 = vector.shape_cast %add3A_919 : vector<16xi32> to vector<16xi32>
    tpu.vector_store %arg9[%swap3A_920], %swap3A_923 {strides = array<i32>} : memref<128xi32, #tpu.memory_space<vmem>>, vector<16xi32>,
    %get3A_924 = arith.constant 2 : i32
    %get3A_925 = arith.index_cast %get3A_924 : i32 to index
    %get3A_926 = arith.constant 48 : index
    %get3A_927 = tpu.vector_load %arg6[%get3A_925, %get3A_926] {strides = array<i32>} : memref<8x128xi32, #tpu.memory_space<vmem>>, vector<1x16xi32>,
    %get3A_928 = vector.shape_cast %get3A_927 : vector<1x16xi32> to vector<16xi32>
    %add3A_929 = arith.addi %get3A_928, %broadcast_in_dim3A_893 : vector<16xi32>
    %swap3A_930 = arith.constant 48 : index
    %swap3A_931 = tpu.vector_load %arg9[%swap3A_930] {strides = array<i32>} : memref<128xi32, #tpu.memory_space<vmem>>, vector<16xi32>,
    %swap3A_932 = vector.shape_cast %swap3A_931 : vector<16xi32> to vector<16xi32>
    %swap3A_933 = vector.shape_cast %add3A_929 : vector<16xi32> to vector<16xi32>
    tpu.vector_store %arg9[%swap3A_930], %swap3A_933 {strides = array<i32>} : memref<128xi32, #tpu.memory_space<vmem>>, vector<16xi32>,
    %get3A_934 = arith.constant 2 : i32
    %get3A_935 = arith.index_cast %get3A_934 : i32 to index
    %get3A_936 = arith.constant 64 : index
    %get3A_937 = tpu.vector_load %arg6[%get3A_935, %get3A_936] {strides = array<i32>} : memref<8x128xi32, #tpu.memory_space<vmem>>, vector<1x16xi32>,
    %get3A_938 = vector.shape_cast %get3A_937 : vector<1x16xi32> to vector<16xi32>
    %add3A_939 = arith.addi %get3A_938, %broadcast_in_dim3A_893 : vector<16xi32>
    %swap3A_940 = arith.constant 64 : index
    %swap3A_941 = tpu.vector_load %arg9[%swap3A_940] {strides = array<i32>} : memref<128xi32, #tpu.memory_space<vmem>>, vector<16xi32>,
    %swap3A_942 = vector.shape_cast %swap3A_941 : vector<16xi32> to vector<16xi32>
    %swap3A_943 = vector.shape_cast %add3A_939 : vector<16xi32> to vector<16xi32>
    tpu.vector_store %arg9[%swap3A_940], %swap3A_943 {strides = array<i32>} : memref<128xi32, #tpu.memory_space<vmem>>, vector<16xi32>,
    %get3A_944 = arith.constant 2 : i32
    %get3A_945 = arith.index_cast %get3A_944 : i32 to index
    %get3A_946 = arith.constant 80 : index
    %get3A_947 = tpu.vector_load %arg6[%get3A_945, %get3A_946] {strides = array<i32>} : memref<8x128xi32, #tpu.memory_space<vmem>>, vector<1x16xi32>,
    %get3A_948 = vector.shape_cast %get3A_947 : vector<1x16xi32> to vector<16xi32>
    %add3A_949 = arith.addi %get3A_948, %broadcast_in_dim3A_893 : vector<16xi32>
    %swap3A_950 = arith.constant 80 : index
    %swap3A_951 = tpu.vector_load %arg9[%swap3A_950] {strides = array<i32>} : memref<128xi32, #tpu.memory_space<vmem>>, vector<16xi32>,
    %swap3A_952 = vector.shape_cast %swap3A_951 : vector<16xi32> to vector<16xi32>
    %swap3A_953 = vector.shape_cast %add3A_949 : vector<16xi32> to vector<16xi32>
    tpu.vector_store %arg9[%swap3A_950], %swap3A_953 {strides = array<i32>} : memref<128xi32, #tpu.memory_space<vmem>>, vector<16xi32>,
    %get3A_954 = arith.constant 2 : i32
    %get3A_955 = arith.index_cast %get3A_954 : i32 to index
    %get3A_956 = arith.constant 96 : index
    %get3A_957 = tpu.vector_load %arg6[%get3A_955, %get3A_956] {strides = array<i32>} : memref<8x128xi32, #tpu.memory_space<vmem>>, vector<1x16xi32>,
    %get3A_958 = vector.shape_cast %get3A_957 : vector<1x16xi32> to vector<16xi32>
    %add3A_959 = arith.addi %get3A_958, %broadcast_in_dim3A_893 : vector<16xi32>
    %swap3A_960 = arith.constant 96 : index
    %swap3A_961 = tpu.vector_load %arg9[%swap3A_960] {strides = array<i32>} : memref<128xi32, #tpu.memory_space<vmem>>, vector<16xi32>,
    %swap3A_962 = vector.shape_cast %swap3A_961 : vector<16xi32> to vector<16xi32>
    %swap3A_963 = vector.shape_cast %add3A_959 : vector<16xi32> to vector<16xi32>
    tpu.vector_store %arg9[%swap3A_960], %swap3A_963 {strides = array<i32>} : memref<128xi32, #tpu.memory_space<vmem>>, vector<16xi32>,
    %get3A_964 = arith.constant 2 : i32
    %get3A_965 = arith.index_cast %get3A_964 : i32 to index
    %get3A_966 = arith.constant 112 : index
    %get3A_967 = tpu.vector_load %arg6[%get3A_965, %get3A_966] {strides = array<i32>} : memref<8x128xi32, #tpu.memory_space<vmem>>, vector<1x16xi32>,
    %get3A_968 = vector.shape_cast %get3A_967 : vector<1x16xi32> to vector<16xi32>
    %add3A_969 = arith.addi %get3A_968, %broadcast_in_dim3A_893 : vector<16xi32>
    %swap3A_970 = arith.constant 112 : index
    %swap3A_971 = tpu.vector_load %arg9[%swap3A_970] {strides = array<i32>} : memref<128xi32, #tpu.memory_space<vmem>>, vector<16xi32>,
    %swap3A_972 = vector.shape_cast %swap3A_971 : vector<16xi32> to vector<16xi32>
    %swap3A_973 = vector.shape_cast %add3A_969 : vector<16xi32> to vector<16xi32>
    tpu.vector_store %arg9[%swap3A_970], %swap3A_973 {strides = array<i32>} : memref<128xi32, #tpu.memory_space<vmem>>, vector<16xi32>,
    %mul3A_974 = arith.constant 128 : i32
    %mul3A_975 = arith.muli %select_n3A_317, %mul3A_974 : i32
    %dma_wait3A_976 = arith.constant 3 : i32
    %dma_wait3A_977 = arith.constant 0 : i32
    %dma_wait3A_978 = tpu.memref_slice %arg6[%dma_wait3A_976, %dma_wait3A_977] : memref<8x128xi32, #tpu.memory_space<vmem>> -> memref<1x128xi32, #tpu.memory_space<vmem>>
    %dma_wait3A_979 = tpu.memref_squeeze %dma_wait3A_978 : memref<1x128xi32, #tpu.memory_space<vmem>> -> memref<128xi32, #tpu.memory_space<vmem>>
    %dma_wait3A_980 = tpu.memref_slice %arg3[%select_n3A_277, %mul3A_975] : memref<8x4096xi32, #tpu.memory_space<hbm>> -> memref<1x128xi32, #tpu.memory_space<hbm>>
    %dma_wait3A_981 = tpu.memref_squeeze %dma_wait3A_980 : memref<1x128xi32, #tpu.memory_space<hbm>> -> memref<128xi32, #tpu.memory_space<hbm>>
    %dma_wait3A_982 = arith.constant 0 : i32
    %dma_wait3A_983 = tpu.memref_slice %arg6[%dma_wait3A_976, %dma_wait3A_982] : memref<8x128xi32, #tpu.memory_space<vmem>> -> memref<1x128xi32, #tpu.memory_space<vmem>>
    %dma_wait3A_984 = tpu.memref_squeeze %dma_wait3A_983 : memref<1x128xi32, #tpu.memory_space<vmem>> -> memref<128xi32, #tpu.memory_space<vmem>>
    %dma_wait3A_985 = tpu.memref_slice %arg3[%select_n3A_277, %mul3A_975] : memref<8x4096xi32, #tpu.memory_space<hbm>> -> memref<1x128xi32, #tpu.memory_space<hbm>>
    %dma_wait3A_986 = tpu.memref_squeeze %dma_wait3A_985 : memref<1x128xi32, #tpu.memory_space<hbm>> -> memref<128xi32, #tpu.memory_space<hbm>>
    tpu.wait_dma2 semaphore(%arg27 : memref<!tpu.dma_semaphore, #tpu.memory_space<semaphore_mem>>) src(%dma_wait3A_986 : memref<128xi32, #tpu.memory_space<hbm>>) dst(%dma_wait3A_984 : memref<128xi32, #tpu.memory_space<vmem>>)
    %mul3A_987 = arith.constant 512 : i32
    %mul3A_988 = arith.muli %select_n3A_277, %mul3A_987 : i32
    %broadcast_in_dim3A_989 = vector.broadcast %mul3A_988 : i32 to vector<16xi32>
    %get3A_990 = arith.constant 3 : i32
    %get3A_991 = arith.index_cast %get3A_990 : i32 to index
    %get3A_992 = arith.constant 0 : index
    %get3A_993 = tpu.vector_load %arg6[%get3A_991, %get3A_992] {strides = array<i32>} : memref<8x128xi32, #tpu.memory_space<vmem>>, vector<1x16xi32>,
    %get3A_994 = vector.shape_cast %get3A_993 : vector<1x16xi32> to vector<16xi32>
    %add3A_995 = arith.addi %get3A_994, %broadcast_in_dim3A_989 : vector<16xi32>
    %swap3A_996 = arith.constant 0 : index
    %swap3A_997 = tpu.vector_load %arg10[%swap3A_996] {strides = array<i32>} : memref<128xi32, #tpu.memory_space<vmem>>, vector<16xi32>,
    %swap3A_998 = vector.shape_cast %swap3A_997 : vector<16xi32> to vector<16xi32>
    %swap3A_999 = vector.shape_cast %add3A_995 : vector<16xi32> to vector<16xi32>
    tpu.vector_store %arg10[%swap3A_996], %swap3A_999 {strides = array<i32>} : memref<128xi32, #tpu.memory_space<vmem>>, vector<16xi32>,
    %get3A_1000 = arith.constant 3 : i32
    %get3A_1001 = arith.index_cast %get3A_1000 : i32 to index
    %get3A_1002 = arith.constant 16 : index
    %get3A_1003 = tpu.vector_load %arg6[%get3A_1001, %get3A_1002] {strides = array<i32>} : memref<8x128xi32, #tpu.memory_space<vmem>>, vector<1x16xi32>,
    %get3A_1004 = vector.shape_cast %get3A_1003 : vector<1x16xi32> to vector<16xi32>
    %add3A_1005 = arith.addi %get3A_1004, %broadcast_in_dim3A_989 : vector<16xi32>
    %swap3A_1006 = arith.constant 16 : index
    %swap3A_1007 = tpu.vector_load %arg10[%swap3A_1006] {strides = array<i32>} : memref<128xi32, #tpu.memory_space<vmem>>, vector<16xi32>,
    %swap3A_1008 = vector.shape_cast %swap3A_1007 : vector<16xi32> to vector<16xi32>
    %swap3A_1009 = vector.shape_cast %add3A_1005 : vector<16xi32> to vector<16xi32>
    tpu.vector_store %arg10[%swap3A_1006], %swap3A_1009 {strides = array<i32>} : memref<128xi32, #tpu.memory_space<vmem>>, vector<16xi32>,
    %get3A_1010 = arith.constant 3 : i32
    %get3A_1011 = arith.index_cast %get3A_1010 : i32 to index
    %get3A_1012 = arith.constant 32 : index
    %get3A_1013 = tpu.vector_load %arg6[%get3A_1011, %get3A_1012] {strides = array<i32>} : memref<8x128xi32, #tpu.memory_space<vmem>>, vector<1x16xi32>,
    %get3A_1014 = vector.shape_cast %get3A_1013 : vector<1x16xi32> to vector<16xi32>
    %add3A_1015 = arith.addi %get3A_1014, %broadcast_in_dim3A_989 : vector<16xi32>
    %swap3A_1016 = arith.constant 32 : index
    %swap3A_1017 = tpu.vector_load %arg10[%swap3A_1016] {strides = array<i32>} : memref<128xi32, #tpu.memory_space<vmem>>, vector<16xi32>,
    %swap3A_1018 = vector.shape_cast %swap3A_1017 : vector<16xi32> to vector<16xi32>
    %swap3A_1019 = vector.shape_cast %add3A_1015 : vector<16xi32> to vector<16xi32>
    tpu.vector_store %arg10[%swap3A_1016], %swap3A_1019 {strides = array<i32>} : memref<128xi32, #tpu.memory_space<vmem>>, vector<16xi32>,
    %get3A_1020 = arith.constant 3 : i32
    %get3A_1021 = arith.index_cast %get3A_1020 : i32 to index
    %get3A_1022 = arith.constant 48 : index
    %get3A_1023 = tpu.vector_load %arg6[%get3A_1021, %get3A_1022] {strides = array<i32>} : memref<8x128xi32, #tpu.memory_space<vmem>>, vector<1x16xi32>,
    %get3A_1024 = vector.shape_cast %get3A_1023 : vector<1x16xi32> to vector<16xi32>
    %add3A_1025 = arith.addi %get3A_1024, %broadcast_in_dim3A_989 : vector<16xi32>
    %swap3A_1026 = arith.constant 48 : index
    %swap3A_1027 = tpu.vector_load %arg10[%swap3A_1026] {strides = array<i32>} : memref<128xi32, #tpu.memory_space<vmem>>, vector<16xi32>,
    %swap3A_1028 = vector.shape_cast %swap3A_1027 : vector<16xi32> to vector<16xi32>
    %swap3A_1029 = vector.shape_cast %add3A_1025 : vector<16xi32> to vector<16xi32>
    tpu.vector_store %arg10[%swap3A_1026], %swap3A_1029 {strides = array<i32>} : memref<128xi32, #tpu.memory_space<vmem>>, vector<16xi32>,
    %get3A_1030 = arith.constant 3 : i32
    %get3A_1031 = arith.index_cast %get3A_1030 : i32 to index
    %get3A_1032 = arith.constant 64 : index
    %get3A_1033 = tpu.vector_load %arg6[%get3A_1031, %get3A_1032] {strides = array<i32>} : memref<8x128xi32, #tpu.memory_space<vmem>>, vector<1x16xi32>,
    %get3A_1034 = vector.shape_cast %get3A_1033 : vector<1x16xi32> to vector<16xi32>
    %add3A_1035 = arith.addi %get3A_1034, %broadcast_in_dim3A_989 : vector<16xi32>
    %swap3A_1036 = arith.constant 64 : index
    %swap3A_1037 = tpu.vector_load %arg10[%swap3A_1036] {strides = array<i32>} : memref<128xi32, #tpu.memory_space<vmem>>, vector<16xi32>,
    %swap3A_1038 = vector.shape_cast %swap3A_1037 : vector<16xi32> to vector<16xi32>
    %swap3A_1039 = vector.shape_cast %add3A_1035 : vector<16xi32> to vector<16xi32>
    tpu.vector_store %arg10[%swap3A_1036], %swap3A_1039 {strides = array<i32>} : memref<128xi32, #tpu.memory_space<vmem>>, vector<16xi32>,
    %get3A_1040 = arith.constant 3 : i32
    %get3A_1041 = arith.index_cast %get3A_1040 : i32 to index
    %get3A_1042 = arith.constant 80 : index
    %get3A_1043 = tpu.vector_load %arg6[%get3A_1041, %get3A_1042] {strides = array<i32>} : memref<8x128xi32, #tpu.memory_space<vmem>>, vector<1x16xi32>,
    %get3A_1044 = vector.shape_cast %get3A_1043 : vector<1x16xi32> to vector<16xi32>
    %add3A_1045 = arith.addi %get3A_1044, %broadcast_in_dim3A_989 : vector<16xi32>
    %swap3A_1046 = arith.constant 80 : index
    %swap3A_1047 = tpu.vector_load %arg10[%swap3A_1046] {strides = array<i32>} : memref<128xi32, #tpu.memory_space<vmem>>, vector<16xi32>,
    %swap3A_1048 = vector.shape_cast %swap3A_1047 : vector<16xi32> to vector<16xi32>
    %swap3A_1049 = vector.shape_cast %add3A_1045 : vector<16xi32> to vector<16xi32>
    tpu.vector_store %arg10[%swap3A_1046], %swap3A_1049 {strides = array<i32>} : memref<128xi32, #tpu.memory_space<vmem>>, vector<16xi32>,
    %get3A_1050 = arith.constant 3 : i32
    %get3A_1051 = arith.index_cast %get3A_1050 : i32 to index
    %get3A_1052 = arith.constant 96 : index
    %get3A_1053 = tpu.vector_load %arg6[%get3A_1051, %get3A_1052] {strides = array<i32>} : memref<8x128xi32, #tpu.memory_space<vmem>>, vector<1x16xi32>,
    %get3A_1054 = vector.shape_cast %get3A_1053 : vector<1x16xi32> to vector<16xi32>
    %add3A_1055 = arith.addi %get3A_1054, %broadcast_in_dim3A_989 : vector<16xi32>
    %swap3A_1056 = arith.constant 96 : index
    %swap3A_1057 = tpu.vector_load %arg10[%swap3A_1056] {strides = array<i32>} : memref<128xi32, #tpu.memory_space<vmem>>, vector<16xi32>,
    %swap3A_1058 = vector.shape_cast %swap3A_1057 : vector<16xi32> to vector<16xi32>
    %swap3A_1059 = vector.shape_cast %add3A_1055 : vector<16xi32> to vector<16xi32>
    tpu.vector_store %arg10[%swap3A_1056], %swap3A_1059 {strides = array<i32>} : memref<128xi32, #tpu.memory_space<vmem>>, vector<16xi32>,
    %get3A_1060 = arith.constant 3 : i32
    %get3A_1061 = arith.index_cast %get3A_1060 : i32 to index
    %get3A_1062 = arith.constant 112 : index
    %get3A_1063 = tpu.vector_load %arg6[%get3A_1061, %get3A_1062] {strides = array<i32>} : memref<8x128xi32, #tpu.memory_space<vmem>>, vector<1x16xi32>,
    %get3A_1064 = vector.shape_cast %get3A_1063 : vector<1x16xi32> to vector<16xi32>
    %add3A_1065 = arith.addi %get3A_1064, %broadcast_in_dim3A_989 : vector<16xi32>
    %swap3A_1066 = arith.constant 112 : index
    %swap3A_1067 = tpu.vector_load %arg10[%swap3A_1066] {strides = array<i32>} : memref<128xi32, #tpu.memory_space<vmem>>, vector<16xi32>,
    %swap3A_1068 = vector.shape_cast %swap3A_1067 : vector<16xi32> to vector<16xi32>
    %swap3A_1069 = vector.shape_cast %add3A_1065 : vector<16xi32> to vector<16xi32>
    tpu.vector_store %arg10[%swap3A_1066], %swap3A_1069 {strides = array<i32>} : memref<128xi32, #tpu.memory_space<vmem>>, vector<16xi32>,
    %mul3A_1070 = arith.constant 128 : i32
    %mul3A_1071 = arith.muli %select_n3A_402, %mul3A_1070 : i32
    %dma_wait3A_1072 = arith.constant 4 : i32
    %dma_wait3A_1073 = arith.constant 0 : i32
    %dma_wait3A_1074 = tpu.memref_slice %arg6[%dma_wait3A_1072, %dma_wait3A_1073] : memref<8x128xi32, #tpu.memory_space<vmem>> -> memref<1x128xi32, #tpu.memory_space<vmem>>
    %dma_wait3A_1075 = tpu.memref_squeeze %dma_wait3A_1074 : memref<1x128xi32, #tpu.memory_space<vmem>> -> memref<128xi32, #tpu.memory_space<vmem>>
    %dma_wait3A_1076 = tpu.memref_slice %arg3[%select_n3A_362, %mul3A_1071] : memref<8x4096xi32, #tpu.memory_space<hbm>> -> memref<1x128xi32, #tpu.memory_space<hbm>>
    %dma_wait3A_1077 = tpu.memref_squeeze %dma_wait3A_1076 : memref<1x128xi32, #tpu.memory_space<hbm>> -> memref<128xi32, #tpu.memory_space<hbm>>
    %dma_wait3A_1078 = arith.constant 0 : i32
    %dma_wait3A_1079 = tpu.memref_slice %arg6[%dma_wait3A_1072, %dma_wait3A_1078] : memref<8x128xi32, #tpu.memory_space<vmem>> -> memref<1x128xi32, #tpu.memory_space<vmem>>
    %dma_wait3A_1080 = tpu.memref_squeeze %dma_wait3A_1079 : memref<1x128xi32, #tpu.memory_space<vmem>> -> memref<128xi32, #tpu.memory_space<vmem>>
    %dma_wait3A_1081 = tpu.memref_slice %arg3[%select_n3A_362, %mul3A_1071] : memref<8x4096xi32, #tpu.memory_space<hbm>> -> memref<1x128xi32, #tpu.memory_space<hbm>>
    %dma_wait3A_1082 = tpu.memref_squeeze %dma_wait3A_1081 : memref<1x128xi32, #tpu.memory_space<hbm>> -> memref<128xi32, #tpu.memory_space<hbm>>
    tpu.wait_dma2 semaphore(%arg27 : memref<!tpu.dma_semaphore, #tpu.memory_space<semaphore_mem>>) src(%dma_wait3A_1082 : memref<128xi32, #tpu.memory_space<hbm>>) dst(%dma_wait3A_1080 : memref<128xi32, #tpu.memory_space<vmem>>)
    %mul3A_1083 = arith.constant 512 : i32
    %mul3A_1084 = arith.muli %select_n3A_362, %mul3A_1083 : i32
    %broadcast_in_dim3A_1085 = vector.broadcast %mul3A_1084 : i32 to vector<16xi32>
    %get3A_1086 = arith.constant 4 : i32
    %get3A_1087 = arith.index_cast %get3A_1086 : i32 to index
    %get3A_1088 = arith.constant 0 : index
    %get3A_1089 = tpu.vector_load %arg6[%get3A_1087, %get3A_1088] {strides = array<i32>} : memref<8x128xi32, #tpu.memory_space<vmem>>, vector<1x16xi32>,
    %get3A_1090 = vector.shape_cast %get3A_1089 : vector<1x16xi32> to vector<16xi32>
    %add3A_1091 = arith.addi %get3A_1090, %broadcast_in_dim3A_1085 : vector<16xi32>
    %swap3A_1092 = arith.constant 0 : index
    %swap3A_1093 = tpu.vector_load %arg11[%swap3A_1092] {strides = array<i32>} : memref<128xi32, #tpu.memory_space<vmem>>, vector<16xi32>,
    %swap3A_1094 = vector.shape_cast %swap3A_1093 : vector<16xi32> to vector<16xi32>
    %swap3A_1095 = vector.shape_cast %add3A_1091 : vector<16xi32> to vector<16xi32>
    tpu.vector_store %arg11[%swap3A_1092], %swap3A_1095 {strides = array<i32>} : memref<128xi32, #tpu.memory_space<vmem>>, vector<16xi32>,
    %get3A_1096 = arith.constant 4 : i32
    %get3A_1097 = arith.index_cast %get3A_1096 : i32 to index
    %get3A_1098 = arith.constant 16 : index
    %get3A_1099 = tpu.vector_load %arg6[%get3A_1097, %get3A_1098] {strides = array<i32>} : memref<8x128xi32, #tpu.memory_space<vmem>>, vector<1x16xi32>,
    %get3A_1100 = vector.shape_cast %get3A_1099 : vector<1x16xi32> to vector<16xi32>
    %add3A_1101 = arith.addi %get3A_1100, %broadcast_in_dim3A_1085 : vector<16xi32>
    %swap3A_1102 = arith.constant 16 : index
    %swap3A_1103 = tpu.vector_load %arg11[%swap3A_1102] {strides = array<i32>} : memref<128xi32, #tpu.memory_space<vmem>>, vector<16xi32>,
    %swap3A_1104 = vector.shape_cast %swap3A_1103 : vector<16xi32> to vector<16xi32>
    %swap3A_1105 = vector.shape_cast %add3A_1101 : vector<16xi32> to vector<16xi32>
    tpu.vector_store %arg11[%swap3A_1102], %swap3A_1105 {strides = array<i32>} : memref<128xi32, #tpu.memory_space<vmem>>, vector<16xi32>,
    %get3A_1106 = arith.constant 4 : i32
    %get3A_1107 = arith.index_cast %get3A_1106 : i32 to index
    %get3A_1108 = arith.constant 32 : index
    %get3A_1109 = tpu.vector_load %arg6[%get3A_1107, %get3A_1108] {strides = array<i32>} : memref<8x128xi32, #tpu.memory_space<vmem>>, vector<1x16xi32>,
    %get3A_1110 = vector.shape_cast %get3A_1109 : vector<1x16xi32> to vector<16xi32>
    %add3A_1111 = arith.addi %get3A_1110, %broadcast_in_dim3A_1085 : vector<16xi32>
    %swap3A_1112 = arith.constant 32 : index
    %swap3A_1113 = tpu.vector_load %arg11[%swap3A_1112] {strides = array<i32>} : memref<128xi32, #tpu.memory_space<vmem>>, vector<16xi32>,
    %swap3A_1114 = vector.shape_cast %swap3A_1113 : vector<16xi32> to vector<16xi32>
    %swap3A_1115 = vector.shape_cast %add3A_1111 : vector<16xi32> to vector<16xi32>
    tpu.vector_store %arg11[%swap3A_1112], %swap3A_1115 {strides = array<i32>} : memref<128xi32, #tpu.memory_space<vmem>>, vector<16xi32>,
    %get3A_1116 = arith.constant 4 : i32
    %get3A_1117 = arith.index_cast %get3A_1116 : i32 to index
    %get3A_1118 = arith.constant 48 : index
    %get3A_1119 = tpu.vector_load %arg6[%get3A_1117, %get3A_1118] {strides = array<i32>} : memref<8x128xi32, #tpu.memory_space<vmem>>, vector<1x16xi32>,
    %get3A_1120 = vector.shape_cast %get3A_1119 : vector<1x16xi32> to vector<16xi32>
    %add3A_1121 = arith.addi %get3A_1120, %broadcast_in_dim3A_1085 : vector<16xi32>
    %swap3A_1122 = arith.constant 48 : index
    %swap3A_1123 = tpu.vector_load %arg11[%swap3A_1122] {strides = array<i32>} : memref<128xi32, #tpu.memory_space<vmem>>, vector<16xi32>,
    %swap3A_1124 = vector.shape_cast %swap3A_1123 : vector<16xi32> to vector<16xi32>
    %swap3A_1125 = vector.shape_cast %add3A_1121 : vector<16xi32> to vector<16xi32>
    tpu.vector_store %arg11[%swap3A_1122], %swap3A_1125 {strides = array<i32>} : memref<128xi32, #tpu.memory_space<vmem>>, vector<16xi32>,
    %get3A_1126 = arith.constant 4 : i32
    %get3A_1127 = arith.index_cast %get3A_1126 : i32 to index
    %get3A_1128 = arith.constant 64 : index
    %get3A_1129 = tpu.vector_load %arg6[%get3A_1127, %get3A_1128] {strides = array<i32>} : memref<8x128xi32, #tpu.memory_space<vmem>>, vector<1x16xi32>,
    %get3A_1130 = vector.shape_cast %get3A_1129 : vector<1x16xi32> to vector<16xi32>
    %add3A_1131 = arith.addi %get3A_1130, %broadcast_in_dim3A_1085 : vector<16xi32>
    %swap3A_1132 = arith.constant 64 : index
    %swap3A_1133 = tpu.vector_load %arg11[%swap3A_1132] {strides = array<i32>} : memref<128xi32, #tpu.memory_space<vmem>>, vector<16xi32>,
    %swap3A_1134 = vector.shape_cast %swap3A_1133 : vector<16xi32> to vector<16xi32>
    %swap3A_1135 = vector.shape_cast %add3A_1131 : vector<16xi32> to vector<16xi32>
    tpu.vector_store %arg11[%swap3A_1132], %swap3A_1135 {strides = array<i32>} : memref<128xi32, #tpu.memory_space<vmem>>, vector<16xi32>,
    %get3A_1136 = arith.constant 4 : i32
    %get3A_1137 = arith.index_cast %get3A_1136 : i32 to index
    %get3A_1138 = arith.constant 80 : index
    %get3A_1139 = tpu.vector_load %arg6[%get3A_1137, %get3A_1138] {strides = array<i32>} : memref<8x128xi32, #tpu.memory_space<vmem>>, vector<1x16xi32>,
    %get3A_1140 = vector.shape_cast %get3A_1139 : vector<1x16xi32> to vector<16xi32>
    %add3A_1141 = arith.addi %get3A_1140, %broadcast_in_dim3A_1085 : vector<16xi32>
    %swap3A_1142 = arith.constant 80 : index
    %swap3A_1143 = tpu.vector_load %arg11[%swap3A_1142] {strides = array<i32>} : memref<128xi32, #tpu.memory_space<vmem>>, vector<16xi32>,
    %swap3A_1144 = vector.shape_cast %swap3A_1143 : vector<16xi32> to vector<16xi32>
    %swap3A_1145 = vector.shape_cast %add3A_1141 : vector<16xi32> to vector<16xi32>
    tpu.vector_store %arg11[%swap3A_1142], %swap3A_1145 {strides = array<i32>} : memref<128xi32, #tpu.memory_space<vmem>>, vector<16xi32>,
    %get3A_1146 = arith.constant 4 : i32
    %get3A_1147 = arith.index_cast %get3A_1146 : i32 to index
    %get3A_1148 = arith.constant 96 : index
    %get3A_1149 = tpu.vector_load %arg6[%get3A_1147, %get3A_1148] {strides = array<i32>} : memref<8x128xi32, #tpu.memory_space<vmem>>, vector<1x16xi32>,
    %get3A_1150 = vector.shape_cast %get3A_1149 : vector<1x16xi32> to vector<16xi32>
    %add3A_1151 = arith.addi %get3A_1150, %broadcast_in_dim3A_1085 : vector<16xi32>
    %swap3A_1152 = arith.constant 96 : index
    %swap3A_1153 = tpu.vector_load %arg11[%swap3A_1152] {strides = array<i32>} : memref<128xi32, #tpu.memory_space<vmem>>, vector<16xi32>,
    %swap3A_1154 = vector.shape_cast %swap3A_1153 : vector<16xi32> to vector<16xi32>
    %swap3A_1155 = vector.shape_cast %add3A_1151 : vector<16xi32> to vector<16xi32>
    tpu.vector_store %arg11[%swap3A_1152], %swap3A_1155 {strides = array<i32>} : memref<128xi32, #tpu.memory_space<vmem>>, vector<16xi32>,
    %get3A_1156 = arith.constant 4 : i32
    %get3A_1157 = arith.index_cast %get3A_1156 : i32 to index
    %get3A_1158 = arith.constant 112 : index
    %get3A_1159 = tpu.vector_load %arg6[%get3A_1157, %get3A_1158] {strides = array<i32>} : memref<8x128xi32, #tpu.memory_space<vmem>>, vector<1x16xi32>,
    %get3A_1160 = vector.shape_cast %get3A_1159 : vector<1x16xi32> to vector<16xi32>
    %add3A_1161 = arith.addi %get3A_1160, %broadcast_in_dim3A_1085 : vector<16xi32>
    %swap3A_1162 = arith.constant 112 : index
    %swap3A_1163 = tpu.vector_load %arg11[%swap3A_1162] {strides = array<i32>} : memref<128xi32, #tpu.memory_space<vmem>>, vector<16xi32>,
    %swap3A_1164 = vector.shape_cast %swap3A_1163 : vector<16xi32> to vector<16xi32>
    %swap3A_1165 = vector.shape_cast %add3A_1161 : vector<16xi32> to vector<16xi32>
    tpu.vector_store %arg11[%swap3A_1162], %swap3A_1165 {strides = array<i32>} : memref<128xi32, #tpu.memory_space<vmem>>, vector<16xi32>,
    %mul3A_1166 = arith.constant 128 : i32
    %mul3A_1167 = arith.muli %select_n3A_487, %mul3A_1166 : i32
    %dma_wait3A_1168 = arith.constant 5 : i32
    %dma_wait3A_1169 = arith.constant 0 : i32
    %dma_wait3A_1170 = tpu.memref_slice %arg6[%dma_wait3A_1168, %dma_wait3A_1169] : memref<8x128xi32, #tpu.memory_space<vmem>> -> memref<1x128xi32, #tpu.memory_space<vmem>>
    %dma_wait3A_1171 = tpu.memref_squeeze %dma_wait3A_1170 : memref<1x128xi32, #tpu.memory_space<vmem>> -> memref<128xi32, #tpu.memory_space<vmem>>
    %dma_wait3A_1172 = tpu.memref_slice %arg3[%select_n3A_447, %mul3A_1167] : memref<8x4096xi32, #tpu.memory_space<hbm>> -> memref<1x128xi32, #tpu.memory_space<hbm>>
    %dma_wait3A_1173 = tpu.memref_squeeze %dma_wait3A_1172 : memref<1x128xi32, #tpu.memory_space<hbm>> -> memref<128xi32, #tpu.memory_space<hbm>>
    %dma_wait3A_1174 = arith.constant 0 : i32
    %dma_wait3A_1175 = tpu.memref_slice %arg6[%dma_wait3A_1168, %dma_wait3A_1174] : memref<8x128xi32, #tpu.memory_space<vmem>> -> memref<1x128xi32, #tpu.memory_space<vmem>>
    %dma_wait3A_1176 = tpu.memref_squeeze %dma_wait3A_1175 : memref<1x128xi32, #tpu.memory_space<vmem>> -> memref<128xi32, #tpu.memory_space<vmem>>
    %dma_wait3A_1177 = tpu.memref_slice %arg3[%select_n3A_447, %mul3A_1167] : memref<8x4096xi32, #tpu.memory_space<hbm>> -> memref<1x128xi32, #tpu.memory_space<hbm>>
    %dma_wait3A_1178 = tpu.memref_squeeze %dma_wait3A_1177 : memref<1x128xi32, #tpu.memory_space<hbm>> -> memref<128xi32, #tpu.memory_space<hbm>>
    tpu.wait_dma2 semaphore(%arg27 : memref<!tpu.dma_semaphore, #tpu.memory_space<semaphore_mem>>) src(%dma_wait3A_1178 : memref<128xi32, #tpu.memory_space<hbm>>) dst(%dma_wait3A_1176 : memref<128xi32, #tpu.memory_space<vmem>>)
    %mul3A_1179 = arith.constant 512 : i32
    %mul3A_1180 = arith.muli %select_n3A_447, %mul3A_1179 : i32
    %broadcast_in_dim3A_1181 = vector.broadcast %mul3A_1180 : i32 to vector<16xi32>
    %get3A_1182 = arith.constant 5 : i32
    %get3A_1183 = arith.index_cast %get3A_1182 : i32 to index
    %get3A_1184 = arith.constant 0 : index
    %get3A_1185 = tpu.vector_load %arg6[%get3A_1183, %get3A_1184] {strides = array<i32>} : memref<8x128xi32, #tpu.memory_space<vmem>>, vector<1x16xi32>,
    %get3A_1186 = vector.shape_cast %get3A_1185 : vector<1x16xi32> to vector<16xi32>
    %add3A_1187 = arith.addi %get3A_1186, %broadcast_in_dim3A_1181 : vector<16xi32>
    %swap3A_1188 = arith.constant 0 : index
    %swap3A_1189 = tpu.vector_load %arg12[%swap3A_1188] {strides = array<i32>} : memref<128xi32, #tpu.memory_space<vmem>>, vector<16xi32>,
    %swap3A_1190 = vector.shape_cast %swap3A_1189 : vector<16xi32> to vector<16xi32>
    %swap3A_1191 = vector.shape_cast %add3A_1187 : vector<16xi32> to vector<16xi32>
    tpu.vector_store %arg12[%swap3A_1188], %swap3A_1191 {strides = array<i32>} : memref<128xi32, #tpu.memory_space<vmem>>, vector<16xi32>,
    %get3A_1192 = arith.constant 5 : i32
    %get3A_1193 = arith.index_cast %get3A_1192 : i32 to index
    %get3A_1194 = arith.constant 16 : index
    %get3A_1195 = tpu.vector_load %arg6[%get3A_1193, %get3A_1194] {strides = array<i32>} : memref<8x128xi32, #tpu.memory_space<vmem>>, vector<1x16xi32>,
    %get3A_1196 = vector.shape_cast %get3A_1195 : vector<1x16xi32> to vector<16xi32>
    %add3A_1197 = arith.addi %get3A_1196, %broadcast_in_dim3A_1181 : vector<16xi32>
    %swap3A_1198 = arith.constant 16 : index
    %swap3A_1199 = tpu.vector_load %arg12[%swap3A_1198] {strides = array<i32>} : memref<128xi32, #tpu.memory_space<vmem>>, vector<16xi32>,
    %swap3A_1200 = vector.shape_cast %swap3A_1199 : vector<16xi32> to vector<16xi32>
    %swap3A_1201 = vector.shape_cast %add3A_1197 : vector<16xi32> to vector<16xi32>
    tpu.vector_store %arg12[%swap3A_1198], %swap3A_1201 {strides = array<i32>} : memref<128xi32, #tpu.memory_space<vmem>>, vector<16xi32>,
    %get3A_1202 = arith.constant 5 : i32
    %get3A_1203 = arith.index_cast %get3A_1202 : i32 to index
    %get3A_1204 = arith.constant 32 : index
    %get3A_1205 = tpu.vector_load %arg6[%get3A_1203, %get3A_1204] {strides = array<i32>} : memref<8x128xi32, #tpu.memory_space<vmem>>, vector<1x16xi32>,
    %get3A_1206 = vector.shape_cast %get3A_1205 : vector<1x16xi32> to vector<16xi32>
    %add3A_1207 = arith.addi %get3A_1206, %broadcast_in_dim3A_1181 : vector<16xi32>
    %swap3A_1208 = arith.constant 32 : index
    %swap3A_1209 = tpu.vector_load %arg12[%swap3A_1208] {strides = array<i32>} : memref<128xi32, #tpu.memory_space<vmem>>, vector<16xi32>,
    %swap3A_1210 = vector.shape_cast %swap3A_1209 : vector<16xi32> to vector<16xi32>
    %swap3A_1211 = vector.shape_cast %add3A_1207 : vector<16xi32> to vector<16xi32>
    tpu.vector_store %arg12[%swap3A_1208], %swap3A_1211 {strides = array<i32>} : memref<128xi32, #tpu.memory_space<vmem>>, vector<16xi32>,
    %get3A_1212 = arith.constant 5 : i32
    %get3A_1213 = arith.index_cast %get3A_1212 : i32 to index
    %get3A_1214 = arith.constant 48 : index
    %get3A_1215 = tpu.vector_load %arg6[%get3A_1213, %get3A_1214] {strides = array<i32>} : memref<8x128xi32, #tpu.memory_space<vmem>>, vector<1x16xi32>,
    %get3A_1216 = vector.shape_cast %get3A_1215 : vector<1x16xi32> to vector<16xi32>
    %add3A_1217 = arith.addi %get3A_1216, %broadcast_in_dim3A_1181 : vector<16xi32>
    %swap3A_1218 = arith.constant 48 : index
    %swap3A_1219 = tpu.vector_load %arg12[%swap3A_1218] {strides = array<i32>} : memref<128xi32, #tpu.memory_space<vmem>>, vector<16xi32>,
    %swap3A_1220 = vector.shape_cast %swap3A_1219 : vector<16xi32> to vector<16xi32>
    %swap3A_1221 = vector.shape_cast %add3A_1217 : vector<16xi32> to vector<16xi32>
    tpu.vector_store %arg12[%swap3A_1218], %swap3A_1221 {strides = array<i32>} : memref<128xi32, #tpu.memory_space<vmem>>, vector<16xi32>,
    %get3A_1222 = arith.constant 5 : i32
    %get3A_1223 = arith.index_cast %get3A_1222 : i32 to index
    %get3A_1224 = arith.constant 64 : index
    %get3A_1225 = tpu.vector_load %arg6[%get3A_1223, %get3A_1224] {strides = array<i32>} : memref<8x128xi32, #tpu.memory_space<vmem>>, vector<1x16xi32>,
    %get3A_1226 = vector.shape_cast %get3A_1225 : vector<1x16xi32> to vector<16xi32>
    %add3A_1227 = arith.addi %get3A_1226, %broadcast_in_dim3A_1181 : vector<16xi32>
    %swap3A_1228 = arith.constant 64 : index
    %swap3A_1229 = tpu.vector_load %arg12[%swap3A_1228] {strides = array<i32>} : memref<128xi32, #tpu.memory_space<vmem>>, vector<16xi32>,
    %swap3A_1230 = vector.shape_cast %swap3A_1229 : vector<16xi32> to vector<16xi32>
    %swap3A_1231 = vector.shape_cast %add3A_1227 : vector<16xi32> to vector<16xi32>
    tpu.vector_store %arg12[%swap3A_1228], %swap3A_1231 {strides = array<i32>} : memref<128xi32, #tpu.memory_space<vmem>>, vector<16xi32>,
    %get3A_1232 = arith.constant 5 : i32
    %get3A_1233 = arith.index_cast %get3A_1232 : i32 to index
    %get3A_1234 = arith.constant 80 : index
    %get3A_1235 = tpu.vector_load %arg6[%get3A_1233, %get3A_1234] {strides = array<i32>} : memref<8x128xi32, #tpu.memory_space<vmem>>, vector<1x16xi32>,
    %get3A_1236 = vector.shape_cast %get3A_1235 : vector<1x16xi32> to vector<16xi32>
    %add3A_1237 = arith.addi %get3A_1236, %broadcast_in_dim3A_1181 : vector<16xi32>
    %swap3A_1238 = arith.constant 80 : index
    %swap3A_1239 = tpu.vector_load %arg12[%swap3A_1238] {strides = array<i32>} : memref<128xi32, #tpu.memory_space<vmem>>, vector<16xi32>,
    %swap3A_1240 = vector.shape_cast %swap3A_1239 : vector<16xi32> to vector<16xi32>
    %swap3A_1241 = vector.shape_cast %add3A_1237 : vector<16xi32> to vector<16xi32>
    tpu.vector_store %arg12[%swap3A_1238], %swap3A_1241 {strides = array<i32>} : memref<128xi32, #tpu.memory_space<vmem>>, vector<16xi32>,
    %get3A_1242 = arith.constant 5 : i32
    %get3A_1243 = arith.index_cast %get3A_1242 : i32 to index
    %get3A_1244 = arith.constant 96 : index
    %get3A_1245 = tpu.vector_load %arg6[%get3A_1243, %get3A_1244] {strides = array<i32>} : memref<8x128xi32, #tpu.memory_space<vmem>>, vector<1x16xi32>,
    %get3A_1246 = vector.shape_cast %get3A_1245 : vector<1x16xi32> to vector<16xi32>
    %add3A_1247 = arith.addi %get3A_1246, %broadcast_in_dim3A_1181 : vector<16xi32>
    %swap3A_1248 = arith.constant 96 : index
    %swap3A_1249 = tpu.vector_load %arg12[%swap3A_1248] {strides = array<i32>} : memref<128xi32, #tpu.memory_space<vmem>>, vector<16xi32>,
    %swap3A_1250 = vector.shape_cast %swap3A_1249 : vector<16xi32> to vector<16xi32>
    %swap3A_1251 = vector.shape_cast %add3A_1247 : vector<16xi32> to vector<16xi32>
    tpu.vector_store %arg12[%swap3A_1248], %swap3A_1251 {strides = array<i32>} : memref<128xi32, #tpu.memory_space<vmem>>, vector<16xi32>,
    %get3A_1252 = arith.constant 5 : i32
    %get3A_1253 = arith.index_cast %get3A_1252 : i32 to index
    %get3A_1254 = arith.constant 112 : index
    %get3A_1255 = tpu.vector_load %arg6[%get3A_1253, %get3A_1254] {strides = array<i32>} : memref<8x128xi32, #tpu.memory_space<vmem>>, vector<1x16xi32>,
    %get3A_1256 = vector.shape_cast %get3A_1255 : vector<1x16xi32> to vector<16xi32>
    %add3A_1257 = arith.addi %get3A_1256, %broadcast_in_dim3A_1181 : vector<16xi32>
    %swap3A_1258 = arith.constant 112 : index
    %swap3A_1259 = tpu.vector_load %arg12[%swap3A_1258] {strides = array<i32>} : memref<128xi32, #tpu.memory_space<vmem>>, vector<16xi32>,
    %swap3A_1260 = vector.shape_cast %swap3A_1259 : vector<16xi32> to vector<16xi32>
    %swap3A_1261 = vector.shape_cast %add3A_1257 : vector<16xi32> to vector<16xi32>
    tpu.vector_store %arg12[%swap3A_1258], %swap3A_1261 {strides = array<i32>} : memref<128xi32, #tpu.memory_space<vmem>>, vector<16xi32>,
    %mul3A_1262 = arith.constant 128 : i32
    %mul3A_1263 = arith.muli %select_n3A_572, %mul3A_1262 : i32
    %dma_wait3A_1264 = arith.constant 6 : i32
    %dma_wait3A_1265 = arith.constant 0 : i32
    %dma_wait3A_1266 = tpu.memref_slice %arg6[%dma_wait3A_1264, %dma_wait3A_1265] : memref<8x128xi32, #tpu.memory_space<vmem>> -> memref<1x128xi32, #tpu.memory_space<vmem>>
    %dma_wait3A_1267 = tpu.memref_squeeze %dma_wait3A_1266 : memref<1x128xi32, #tpu.memory_space<vmem>> -> memref<128xi32, #tpu.memory_space<vmem>>
    %dma_wait3A_1268 = tpu.memref_slice %arg3[%select_n3A_532, %mul3A_1263] : memref<8x4096xi32, #tpu.memory_space<hbm>> -> memref<1x128xi32, #tpu.memory_space<hbm>>
    %dma_wait3A_1269 = tpu.memref_squeeze %dma_wait3A_1268 : memref<1x128xi32, #tpu.memory_space<hbm>> -> memref<128xi32, #tpu.memory_space<hbm>>
    %dma_wait3A_1270 = arith.constant 0 : i32
    %dma_wait3A_1271 = tpu.memref_slice %arg6[%dma_wait3A_1264, %dma_wait3A_1270] : memref<8x128xi32, #tpu.memory_space<vmem>> -> memref<1x128xi32, #tpu.memory_space<vmem>>
    %dma_wait3A_1272 = tpu.memref_squeeze %dma_wait3A_1271 : memref<1x128xi32, #tpu.memory_space<vmem>> -> memref<128xi32, #tpu.memory_space<vmem>>
    %dma_wait3A_1273 = tpu.memref_slice %arg3[%select_n3A_532, %mul3A_1263] : memref<8x4096xi32, #tpu.memory_space<hbm>> -> memref<1x128xi32, #tpu.memory_space<hbm>>
    %dma_wait3A_1274 = tpu.memref_squeeze %dma_wait3A_1273 : memref<1x128xi32, #tpu.memory_space<hbm>> -> memref<128xi32, #tpu.memory_space<hbm>>
    tpu.wait_dma2 semaphore(%arg27 : memref<!tpu.dma_semaphore, #tpu.memory_space<semaphore_mem>>) src(%dma_wait3A_1274 : memref<128xi32, #tpu.memory_space<hbm>>) dst(%dma_wait3A_1272 : memref<128xi32, #tpu.memory_space<vmem>>)
    %mul3A_1275 = arith.constant 512 : i32
    %mul3A_1276 = arith.muli %select_n3A_532, %mul3A_1275 : i32
    %broadcast_in_dim3A_1277 = vector.broadcast %mul3A_1276 : i32 to vector<16xi32>
    %get3A_1278 = arith.constant 6 : i32
    %get3A_1279 = arith.index_cast %get3A_1278 : i32 to index
    %get3A_1280 = arith.constant 0 : index
    %get3A_1281 = tpu.vector_load %arg6[%get3A_1279, %get3A_1280] {strides = array<i32>} : memref<8x128xi32, #tpu.memory_space<vmem>>, vector<1x16xi32>,
    %get3A_1282 = vector.shape_cast %get3A_1281 : vector<1x16xi32> to vector<16xi32>
    %add3A_1283 = arith.addi %get3A_1282, %broadcast_in_dim3A_1277 : vector<16xi32>
    %swap3A_1284 = arith.constant 0 : index
    %swap3A_1285 = tpu.vector_load %arg13[%swap3A_1284] {strides = array<i32>} : memref<128xi32, #tpu.memory_space<vmem>>, vector<16xi32>,
    %swap3A_1286 = vector.shape_cast %swap3A_1285 : vector<16xi32> to vector<16xi32>
    %swap3A_1287 = vector.shape_cast %add3A_1283 : vector<16xi32> to vector<16xi32>
    tpu.vector_store %arg13[%swap3A_1284], %swap3A_1287 {strides = array<i32>} : memref<128xi32, #tpu.memory_space<vmem>>, vector<16xi32>,
    %get3A_1288 = arith.constant 6 : i32
    %get3A_1289 = arith.index_cast %get3A_1288 : i32 to index
    %get3A_1290 = arith.constant 16 : index
    %get3A_1291 = tpu.vector_load %arg6[%get3A_1289, %get3A_1290] {strides = array<i32>} : memref<8x128xi32, #tpu.memory_space<vmem>>, vector<1x16xi32>,
    %get3A_1292 = vector.shape_cast %get3A_1291 : vector<1x16xi32> to vector<16xi32>
    %add3A_1293 = arith.addi %get3A_1292, %broadcast_in_dim3A_1277 : vector<16xi32>
    %swap3A_1294 = arith.constant 16 : index
    %swap3A_1295 = tpu.vector_load %arg13[%swap3A_1294] {strides = array<i32>} : memref<128xi32, #tpu.memory_space<vmem>>, vector<16xi32>,
    %swap3A_1296 = vector.shape_cast %swap3A_1295 : vector<16xi32> to vector<16xi32>
    %swap3A_1297 = vector.shape_cast %add3A_1293 : vector<16xi32> to vector<16xi32>
    tpu.vector_store %arg13[%swap3A_1294], %swap3A_1297 {strides = array<i32>} : memref<128xi32, #tpu.memory_space<vmem>>, vector<16xi32>,
    %get3A_1298 = arith.constant 6 : i32
    %get3A_1299 = arith.index_cast %get3A_1298 : i32 to index
    %get3A_1300 = arith.constant 32 : index
    %get3A_1301 = tpu.vector_load %arg6[%get3A_1299, %get3A_1300] {strides = array<i32>} : memref<8x128xi32, #tpu.memory_space<vmem>>, vector<1x16xi32>,
    %get3A_1302 = vector.shape_cast %get3A_1301 : vector<1x16xi32> to vector<16xi32>
    %add3A_1303 = arith.addi %get3A_1302, %broadcast_in_dim3A_1277 : vector<16xi32>
    %swap3A_1304 = arith.constant 32 : index
    %swap3A_1305 = tpu.vector_load %arg13[%swap3A_1304] {strides = array<i32>} : memref<128xi32, #tpu.memory_space<vmem>>, vector<16xi32>,
    %swap3A_1306 = vector.shape_cast %swap3A_1305 : vector<16xi32> to vector<16xi32>
    %swap3A_1307 = vector.shape_cast %add3A_1303 : vector<16xi32> to vector<16xi32>
    tpu.vector_store %arg13[%swap3A_1304], %swap3A_1307 {strides = array<i32>} : memref<128xi32, #tpu.memory_space<vmem>>, vector<16xi32>,
    %get3A_1308 = arith.constant 6 : i32
    %get3A_1309 = arith.index_cast %get3A_1308 : i32 to index
    %get3A_1310 = arith.constant 48 : index
    %get3A_1311 = tpu.vector_load %arg6[%get3A_1309, %get3A_1310] {strides = array<i32>} : memref<8x128xi32, #tpu.memory_space<vmem>>, vector<1x16xi32>,
    %get3A_1312 = vector.shape_cast %get3A_1311 : vector<1x16xi32> to vector<16xi32>
    %add3A_1313 = arith.addi %get3A_1312, %broadcast_in_dim3A_1277 : vector<16xi32>
    %swap3A_1314 = arith.constant 48 : index
    %swap3A_1315 = tpu.vector_load %arg13[%swap3A_1314] {strides = array<i32>} : memref<128xi32, #tpu.memory_space<vmem>>, vector<16xi32>,
    %swap3A_1316 = vector.shape_cast %swap3A_1315 : vector<16xi32> to vector<16xi32>
    %swap3A_1317 = vector.shape_cast %add3A_1313 : vector<16xi32> to vector<16xi32>
    tpu.vector_store %arg13[%swap3A_1314], %swap3A_1317 {strides = array<i32>} : memref<128xi32, #tpu.memory_space<vmem>>, vector<16xi32>,
    %get3A_1318 = arith.constant 6 : i32
    %get3A_1319 = arith.index_cast %get3A_1318 : i32 to index
    %get3A_1320 = arith.constant 64 : index
    %get3A_1321 = tpu.vector_load %arg6[%get3A_1319, %get3A_1320] {strides = array<i32>} : memref<8x128xi32, #tpu.memory_space<vmem>>, vector<1x16xi32>,
    %get3A_1322 = vector.shape_cast %get3A_1321 : vector<1x16xi32> to vector<16xi32>
    %add3A_1323 = arith.addi %get3A_1322, %broadcast_in_dim3A_1277 : vector<16xi32>
    %swap3A_1324 = arith.constant 64 : index
    %swap3A_1325 = tpu.vector_load %arg13[%swap3A_1324] {strides = array<i32>} : memref<128xi32, #tpu.memory_space<vmem>>, vector<16xi32>,
    %swap3A_1326 = vector.shape_cast %swap3A_1325 : vector<16xi32> to vector<16xi32>
    %swap3A_1327 = vector.shape_cast %add3A_1323 : vector<16xi32> to vector<16xi32>
    tpu.vector_store %arg13[%swap3A_1324], %swap3A_1327 {strides = array<i32>} : memref<128xi32, #tpu.memory_space<vmem>>, vector<16xi32>,
    %get3A_1328 = arith.constant 6 : i32
    %get3A_1329 = arith.index_cast %get3A_1328 : i32 to index
    %get3A_1330 = arith.constant 80 : index
    %get3A_1331 = tpu.vector_load %arg6[%get3A_1329, %get3A_1330] {strides = array<i32>} : memref<8x128xi32, #tpu.memory_space<vmem>>, vector<1x16xi32>,
    %get3A_1332 = vector.shape_cast %get3A_1331 : vector<1x16xi32> to vector<16xi32>
    %add3A_1333 = arith.addi %get3A_1332, %broadcast_in_dim3A_1277 : vector<16xi32>
    %swap3A_1334 = arith.constant 80 : index
    %swap3A_1335 = tpu.vector_load %arg13[%swap3A_1334] {strides = array<i32>} : memref<128xi32, #tpu.memory_space<vmem>>, vector<16xi32>,
    %swap3A_1336 = vector.shape_cast %swap3A_1335 : vector<16xi32> to vector<16xi32>
    %swap3A_1337 = vector.shape_cast %add3A_1333 : vector<16xi32> to vector<16xi32>
    tpu.vector_store %arg13[%swap3A_1334], %swap3A_1337 {strides = array<i32>} : memref<128xi32, #tpu.memory_space<vmem>>, vector<16xi32>,
    %get3A_1338 = arith.constant 6 : i32
    %get3A_1339 = arith.index_cast %get3A_1338 : i32 to index
    %get3A_1340 = arith.constant 96 : index
    %get3A_1341 = tpu.vector_load %arg6[%get3A_1339, %get3A_1340] {strides = array<i32>} : memref<8x128xi32, #tpu.memory_space<vmem>>, vector<1x16xi32>,
    %get3A_1342 = vector.shape_cast %get3A_1341 : vector<1x16xi32> to vector<16xi32>
    %add3A_1343 = arith.addi %get3A_1342, %broadcast_in_dim3A_1277 : vector<16xi32>
    %swap3A_1344 = arith.constant 96 : index
    %swap3A_1345 = tpu.vector_load %arg13[%swap3A_1344] {strides = array<i32>} : memref<128xi32, #tpu.memory_space<vmem>>, vector<16xi32>,
    %swap3A_1346 = vector.shape_cast %swap3A_1345 : vector<16xi32> to vector<16xi32>
    %swap3A_1347 = vector.shape_cast %add3A_1343 : vector<16xi32> to vector<16xi32>
    tpu.vector_store %arg13[%swap3A_1344], %swap3A_1347 {strides = array<i32>} : memref<128xi32, #tpu.memory_space<vmem>>, vector<16xi32>,
    %get3A_1348 = arith.constant 6 : i32
    %get3A_1349 = arith.index_cast %get3A_1348 : i32 to index
    %get3A_1350 = arith.constant 112 : index
    %get3A_1351 = tpu.vector_load %arg6[%get3A_1349, %get3A_1350] {strides = array<i32>} : memref<8x128xi32, #tpu.memory_space<vmem>>, vector<1x16xi32>,
    %get3A_1352 = vector.shape_cast %get3A_1351 : vector<1x16xi32> to vector<16xi32>
    %add3A_1353 = arith.addi %get3A_1352, %broadcast_in_dim3A_1277 : vector<16xi32>
    %swap3A_1354 = arith.constant 112 : index
    %swap3A_1355 = tpu.vector_load %arg13[%swap3A_1354] {strides = array<i32>} : memref<128xi32, #tpu.memory_space<vmem>>, vector<16xi32>,
    %swap3A_1356 = vector.shape_cast %swap3A_1355 : vector<16xi32> to vector<16xi32>
    %swap3A_1357 = vector.shape_cast %add3A_1353 : vector<16xi32> to vector<16xi32>
    tpu.vector_store %arg13[%swap3A_1354], %swap3A_1357 {strides = array<i32>} : memref<128xi32, #tpu.memory_space<vmem>>, vector<16xi32>,
    %mul3A_1358 = arith.constant 128 : i32
    %mul3A_1359 = arith.muli %select_n3A_657, %mul3A_1358 : i32
    %dma_wait3A_1360 = arith.constant 7 : i32
    %dma_wait3A_1361 = arith.constant 0 : i32
    %dma_wait3A_1362 = tpu.memref_slice %arg6[%dma_wait3A_1360, %dma_wait3A_1361] : memref<8x128xi32, #tpu.memory_space<vmem>> -> memref<1x128xi32, #tpu.memory_space<vmem>>
    %dma_wait3A_1363 = tpu.memref_squeeze %dma_wait3A_1362 : memref<1x128xi32, #tpu.memory_space<vmem>> -> memref<128xi32, #tpu.memory_space<vmem>>
    %dma_wait3A_1364 = tpu.memref_slice %arg3[%select_n3A_617, %mul3A_1359] : memref<8x4096xi32, #tpu.memory_space<hbm>> -> memref<1x128xi32, #tpu.memory_space<hbm>>
    %dma_wait3A_1365 = tpu.memref_squeeze %dma_wait3A_1364 : memref<1x128xi32, #tpu.memory_space<hbm>> -> memref<128xi32, #tpu.memory_space<hbm>>
    %dma_wait3A_1366 = arith.constant 0 : i32
    %dma_wait3A_1367 = tpu.memref_slice %arg6[%dma_wait3A_1360, %dma_wait3A_1366] : memref<8x128xi32, #tpu.memory_space<vmem>> -> memref<1x128xi32, #tpu.memory_space<vmem>>
    %dma_wait3A_1368 = tpu.memref_squeeze %dma_wait3A_1367 : memref<1x128xi32, #tpu.memory_space<vmem>> -> memref<128xi32, #tpu.memory_space<vmem>>
    %dma_wait3A_1369 = tpu.memref_slice %arg3[%select_n3A_617, %mul3A_1359] : memref<8x4096xi32, #tpu.memory_space<hbm>> -> memref<1x128xi32, #tpu.memory_space<hbm>>
    %dma_wait3A_1370 = tpu.memref_squeeze %dma_wait3A_1369 : memref<1x128xi32, #tpu.memory_space<hbm>> -> memref<128xi32, #tpu.memory_space<hbm>>
    tpu.wait_dma2 semaphore(%arg27 : memref<!tpu.dma_semaphore, #tpu.memory_space<semaphore_mem>>) src(%dma_wait3A_1370 : memref<128xi32, #tpu.memory_space<hbm>>) dst(%dma_wait3A_1368 : memref<128xi32, #tpu.memory_space<vmem>>)
    %mul3A_1371 = arith.constant 512 : i32
    %mul3A_1372 = arith.muli %select_n3A_617, %mul3A_1371 : i32
    %broadcast_in_dim3A_1373 = vector.broadcast %mul3A_1372 : i32 to vector<16xi32>
    %get3A_1374 = arith.constant 7 : i32
    %get3A_1375 = arith.index_cast %get3A_1374 : i32 to index
    %get3A_1376 = arith.constant 0 : index
    %get3A_1377 = tpu.vector_load %arg6[%get3A_1375, %get3A_1376] {strides = array<i32>} : memref<8x128xi32, #tpu.memory_space<vmem>>, vector<1x16xi32>,
    %get3A_1378 = vector.shape_cast %get3A_1377 : vector<1x16xi32> to vector<16xi32>
    %add3A_1379 = arith.addi %get3A_1378, %broadcast_in_dim3A_1373 : vector<16xi32>
    %swap3A_1380 = arith.constant 0 : index
    %swap3A_1381 = tpu.vector_load %arg14[%swap3A_1380] {strides = array<i32>} : memref<128xi32, #tpu.memory_space<vmem>>, vector<16xi32>,
    %swap3A_1382 = vector.shape_cast %swap3A_1381 : vector<16xi32> to vector<16xi32>
    %swap3A_1383 = vector.shape_cast %add3A_1379 : vector<16xi32> to vector<16xi32>
    tpu.vector_store %arg14[%swap3A_1380], %swap3A_1383 {strides = array<i32>} : memref<128xi32, #tpu.memory_space<vmem>>, vector<16xi32>,
    %get3A_1384 = arith.constant 7 : i32
    %get3A_1385 = arith.index_cast %get3A_1384 : i32 to index
    %get3A_1386 = arith.constant 16 : index
    %get3A_1387 = tpu.vector_load %arg6[%get3A_1385, %get3A_1386] {strides = array<i32>} : memref<8x128xi32, #tpu.memory_space<vmem>>, vector<1x16xi32>,
    %get3A_1388 = vector.shape_cast %get3A_1387 : vector<1x16xi32> to vector<16xi32>
    %add3A_1389 = arith.addi %get3A_1388, %broadcast_in_dim3A_1373 : vector<16xi32>
    %swap3A_1390 = arith.constant 16 : index
    %swap3A_1391 = tpu.vector_load %arg14[%swap3A_1390] {strides = array<i32>} : memref<128xi32, #tpu.memory_space<vmem>>, vector<16xi32>,
    %swap3A_1392 = vector.shape_cast %swap3A_1391 : vector<16xi32> to vector<16xi32>
    %swap3A_1393 = vector.shape_cast %add3A_1389 : vector<16xi32> to vector<16xi32>
    tpu.vector_store %arg14[%swap3A_1390], %swap3A_1393 {strides = array<i32>} : memref<128xi32, #tpu.memory_space<vmem>>, vector<16xi32>,
    %get3A_1394 = arith.constant 7 : i32
    %get3A_1395 = arith.index_cast %get3A_1394 : i32 to index
    %get3A_1396 = arith.constant 32 : index
    %get3A_1397 = tpu.vector_load %arg6[%get3A_1395, %get3A_1396] {strides = array<i32>} : memref<8x128xi32, #tpu.memory_space<vmem>>, vector<1x16xi32>,
    %get3A_1398 = vector.shape_cast %get3A_1397 : vector<1x16xi32> to vector<16xi32>
    %add3A_1399 = arith.addi %get3A_1398, %broadcast_in_dim3A_1373 : vector<16xi32>
    %swap3A_1400 = arith.constant 32 : index
    %swap3A_1401 = tpu.vector_load %arg14[%swap3A_1400] {strides = array<i32>} : memref<128xi32, #tpu.memory_space<vmem>>, vector<16xi32>,
    %swap3A_1402 = vector.shape_cast %swap3A_1401 : vector<16xi32> to vector<16xi32>
    %swap3A_1403 = vector.shape_cast %add3A_1399 : vector<16xi32> to vector<16xi32>
    tpu.vector_store %arg14[%swap3A_1400], %swap3A_1403 {strides = array<i32>} : memref<128xi32, #tpu.memory_space<vmem>>, vector<16xi32>,
    %get3A_1404 = arith.constant 7 : i32
    %get3A_1405 = arith.index_cast %get3A_1404 : i32 to index
    %get3A_1406 = arith.constant 48 : index
    %get3A_1407 = tpu.vector_load %arg6[%get3A_1405, %get3A_1406] {strides = array<i32>} : memref<8x128xi32, #tpu.memory_space<vmem>>, vector<1x16xi32>,
    %get3A_1408 = vector.shape_cast %get3A_1407 : vector<1x16xi32> to vector<16xi32>
    %add3A_1409 = arith.addi %get3A_1408, %broadcast_in_dim3A_1373 : vector<16xi32>
    %swap3A_1410 = arith.constant 48 : index
    %swap3A_1411 = tpu.vector_load %arg14[%swap3A_1410] {strides = array<i32>} : memref<128xi32, #tpu.memory_space<vmem>>, vector<16xi32>,
    %swap3A_1412 = vector.shape_cast %swap3A_1411 : vector<16xi32> to vector<16xi32>
    %swap3A_1413 = vector.shape_cast %add3A_1409 : vector<16xi32> to vector<16xi32>
    tpu.vector_store %arg14[%swap3A_1410], %swap3A_1413 {strides = array<i32>} : memref<128xi32, #tpu.memory_space<vmem>>, vector<16xi32>,
    %get3A_1414 = arith.constant 7 : i32
    %get3A_1415 = arith.index_cast %get3A_1414 : i32 to index
    %get3A_1416 = arith.constant 64 : index
    %get3A_1417 = tpu.vector_load %arg6[%get3A_1415, %get3A_1416] {strides = array<i32>} : memref<8x128xi32, #tpu.memory_space<vmem>>, vector<1x16xi32>,
    %get3A_1418 = vector.shape_cast %get3A_1417 : vector<1x16xi32> to vector<16xi32>
    %add3A_1419 = arith.addi %get3A_1418, %broadcast_in_dim3A_1373 : vector<16xi32>
    %swap3A_1420 = arith.constant 64 : index
    %swap3A_1421 = tpu.vector_load %arg14[%swap3A_1420] {strides = array<i32>} : memref<128xi32, #tpu.memory_space<vmem>>, vector<16xi32>,
    %swap3A_1422 = vector.shape_cast %swap3A_1421 : vector<16xi32> to vector<16xi32>
    %swap3A_1423 = vector.shape_cast %add3A_1419 : vector<16xi32> to vector<16xi32>
    tpu.vector_store %arg14[%swap3A_1420], %swap3A_1423 {strides = array<i32>} : memref<128xi32, #tpu.memory_space<vmem>>, vector<16xi32>,
    %get3A_1424 = arith.constant 7 : i32
    %get3A_1425 = arith.index_cast %get3A_1424 : i32 to index
    %get3A_1426 = arith.constant 80 : index
    %get3A_1427 = tpu.vector_load %arg6[%get3A_1425, %get3A_1426] {strides = array<i32>} : memref<8x128xi32, #tpu.memory_space<vmem>>, vector<1x16xi32>,
    %get3A_1428 = vector.shape_cast %get3A_1427 : vector<1x16xi32> to vector<16xi32>
    %add3A_1429 = arith.addi %get3A_1428, %broadcast_in_dim3A_1373 : vector<16xi32>
    %swap3A_1430 = arith.constant 80 : index
    %swap3A_1431 = tpu.vector_load %arg14[%swap3A_1430] {strides = array<i32>} : memref<128xi32, #tpu.memory_space<vmem>>, vector<16xi32>,
    %swap3A_1432 = vector.shape_cast %swap3A_1431 : vector<16xi32> to vector<16xi32>
    %swap3A_1433 = vector.shape_cast %add3A_1429 : vector<16xi32> to vector<16xi32>
    tpu.vector_store %arg14[%swap3A_1430], %swap3A_1433 {strides = array<i32>} : memref<128xi32, #tpu.memory_space<vmem>>, vector<16xi32>,
    %get3A_1434 = arith.constant 7 : i32
    %get3A_1435 = arith.index_cast %get3A_1434 : i32 to index
    %get3A_1436 = arith.constant 96 : index
    %get3A_1437 = tpu.vector_load %arg6[%get3A_1435, %get3A_1436] {strides = array<i32>} : memref<8x128xi32, #tpu.memory_space<vmem>>, vector<1x16xi32>,
    %get3A_1438 = vector.shape_cast %get3A_1437 : vector<1x16xi32> to vector<16xi32>
    %add3A_1439 = arith.addi %get3A_1438, %broadcast_in_dim3A_1373 : vector<16xi32>
    %swap3A_1440 = arith.constant 96 : index
    %swap3A_1441 = tpu.vector_load %arg14[%swap3A_1440] {strides = array<i32>} : memref<128xi32, #tpu.memory_space<vmem>>, vector<16xi32>,
    %swap3A_1442 = vector.shape_cast %swap3A_1441 : vector<16xi32> to vector<16xi32>
    %swap3A_1443 = vector.shape_cast %add3A_1439 : vector<16xi32> to vector<16xi32>
    tpu.vector_store %arg14[%swap3A_1440], %swap3A_1443 {strides = array<i32>} : memref<128xi32, #tpu.memory_space<vmem>>, vector<16xi32>,
    %get3A_1444 = arith.constant 7 : i32
    %get3A_1445 = arith.index_cast %get3A_1444 : i32 to index
    %get3A_1446 = arith.constant 112 : index
    %get3A_1447 = tpu.vector_load %arg6[%get3A_1445, %get3A_1446] {strides = array<i32>} : memref<8x128xi32, #tpu.memory_space<vmem>>, vector<1x16xi32>,
    %get3A_1448 = vector.shape_cast %get3A_1447 : vector<1x16xi32> to vector<16xi32>
    %add3A_1449 = arith.addi %get3A_1448, %broadcast_in_dim3A_1373 : vector<16xi32>
    %swap3A_1450 = arith.constant 112 : index
    %swap3A_1451 = tpu.vector_load %arg14[%swap3A_1450] {strides = array<i32>} : memref<128xi32, #tpu.memory_space<vmem>>, vector<16xi32>,
    %swap3A_1452 = vector.shape_cast %swap3A_1451 : vector<16xi32> to vector<16xi32>
    %swap3A_1453 = vector.shape_cast %add3A_1449 : vector<16xi32> to vector<16xi32>
    tpu.vector_store %arg14[%swap3A_1450], %swap3A_1453 {strides = array<i32>} : memref<128xi32, #tpu.memory_space<vmem>>, vector<16xi32>,
    %broadcast_in_dim3A_1454 = arith.constant 0.000000e+00 : f32
    %broadcast_in_dim3A_1455 = vector.broadcast %broadcast_in_dim3A_1454 : f32 to vector<16xf32>
    %scan3A = arith.constant 0 : i32
    %scan3A_1456 = arith.constant 0 : i32
    %scan3A_1457 = arith.constant 64 : i32
    %scan3A_1458 = arith.addi %scan3A_1456, %scan3A_1457 : i32
    %scan3A_1459 = arith.constant 1 : i32
    scf.for %scan3A_1713 = %scan3A_1456 to %scan3A_1458 step %scan3A_1459  : i32 {
      %swap3A_1714 = arith.index_cast %scan3A_1713 : i32 to index
      %swap3A_1715 = arith.constant 0 : index
      %swap3A_1716 = tpu.vector_load %arg19[%swap3A_1714, %swap3A_1715] {strides = array<i32>} : memref<64x256xf32, #tpu.memory_space<vmem>>, vector<1x16xf32>,
      %swap3A_1717 = vector.shape_cast %swap3A_1716 : vector<1x16xf32> to vector<16xf32>
      %swap3A_1718 = vector.shape_cast %broadcast_in_dim3A_1455 : vector<16xf32> to vector<1x16xf32>
      tpu.vector_store %arg19[%swap3A_1714, %swap3A_1715], %swap3A_1718 {strides = array<i32>} : memref<64x256xf32, #tpu.memory_space<vmem>>, vector<1x16xf32>,
      %swap3A_1719 = arith.index_cast %scan3A_1713 : i32 to index
      %swap3A_1720 = arith.constant 16 : index
      %swap3A_1721 = tpu.vector_load %arg19[%swap3A_1719, %swap3A_1720] {strides = array<i32>} : memref<64x256xf32, #tpu.memory_space<vmem>>, vector<1x16xf32>,
      %swap3A_1722 = vector.shape_cast %swap3A_1721 : vector<1x16xf32> to vector<16xf32>
      %swap3A_1723 = vector.shape_cast %broadcast_in_dim3A_1455 : vector<16xf32> to vector<1x16xf32>
      tpu.vector_store %arg19[%swap3A_1719, %swap3A_1720], %swap3A_1723 {strides = array<i32>} : memref<64x256xf32, #tpu.memory_space<vmem>>, vector<1x16xf32>,
      %swap3A_1724 = arith.index_cast %scan3A_1713 : i32 to index
      %swap3A_1725 = arith.constant 32 : index
      %swap3A_1726 = tpu.vector_load %arg19[%swap3A_1724, %swap3A_1725] {strides = array<i32>} : memref<64x256xf32, #tpu.memory_space<vmem>>, vector<1x16xf32>,
      %swap3A_1727 = vector.shape_cast %swap3A_1726 : vector<1x16xf32> to vector<16xf32>
      %swap3A_1728 = vector.shape_cast %broadcast_in_dim3A_1455 : vector<16xf32> to vector<1x16xf32>
      tpu.vector_store %arg19[%swap3A_1724, %swap3A_1725], %swap3A_1728 {strides = array<i32>} : memref<64x256xf32, #tpu.memory_space<vmem>>, vector<1x16xf32>,
      %swap3A_1729 = arith.index_cast %scan3A_1713 : i32 to index
      %swap3A_1730 = arith.constant 48 : index
      %swap3A_1731 = tpu.vector_load %arg19[%swap3A_1729, %swap3A_1730] {strides = array<i32>} : memref<64x256xf32, #tpu.memory_space<vmem>>, vector<1x16xf32>,
      %swap3A_1732 = vector.shape_cast %swap3A_1731 : vector<1x16xf32> to vector<16xf32>
      %swap3A_1733 = vector.shape_cast %broadcast_in_dim3A_1455 : vector<16xf32> to vector<1x16xf32>
      tpu.vector_store %arg19[%swap3A_1729, %swap3A_1730], %swap3A_1733 {strides = array<i32>} : memref<64x256xf32, #tpu.memory_space<vmem>>, vector<1x16xf32>,
      %swap3A_1734 = arith.index_cast %scan3A_1713 : i32 to index
      %swap3A_1735 = arith.constant 64 : index
      %swap3A_1736 = tpu.vector_load %arg19[%swap3A_1734, %swap3A_1735] {strides = array<i32>} : memref<64x256xf32, #tpu.memory_space<vmem>>, vector<1x16xf32>,
      %swap3A_1737 = vector.shape_cast %swap3A_1736 : vector<1x16xf32> to vector<16xf32>
      %swap3A_1738 = vector.shape_cast %broadcast_in_dim3A_1455 : vector<16xf32> to vector<1x16xf32>
      tpu.vector_store %arg19[%swap3A_1734, %swap3A_1735], %swap3A_1738 {strides = array<i32>} : memref<64x256xf32, #tpu.memory_space<vmem>>, vector<1x16xf32>,
      %swap3A_1739 = arith.index_cast %scan3A_1713 : i32 to index
      %swap3A_1740 = arith.constant 80 : index
      %swap3A_1741 = tpu.vector_load %arg19[%swap3A_1739, %swap3A_1740] {strides = array<i32>} : memref<64x256xf32, #tpu.memory_space<vmem>>, vector<1x16xf32>,
      %swap3A_1742 = vector.shape_cast %swap3A_1741 : vector<1x16xf32> to vector<16xf32>
      %swap3A_1743 = vector.shape_cast %broadcast_in_dim3A_1455 : vector<16xf32> to vector<1x16xf32>
      tpu.vector_store %arg19[%swap3A_1739, %swap3A_1740], %swap3A_1743 {strides = array<i32>} : memref<64x256xf32, #tpu.memory_space<vmem>>, vector<1x16xf32>,
      %swap3A_1744 = arith.index_cast %scan3A_1713 : i32 to index
      %swap3A_1745 = arith.constant 96 : index
      %swap3A_1746 = tpu.vector_load %arg19[%swap3A_1744, %swap3A_1745] {strides = array<i32>} : memref<64x256xf32, #tpu.memory_space<vmem>>, vector<1x16xf32>,
      %swap3A_1747 = vector.shape_cast %swap3A_1746 : vector<1x16xf32> to vector<16xf32>
      %swap3A_1748 = vector.shape_cast %broadcast_in_dim3A_1455 : vector<16xf32> to vector<1x16xf32>
      tpu.vector_store %arg19[%swap3A_1744, %swap3A_1745], %swap3A_1748 {strides = array<i32>} : memref<64x256xf32, #tpu.memory_space<vmem>>, vector<1x16xf32>,
      %swap3A_1749 = arith.index_cast %scan3A_1713 : i32 to index
      %swap3A_1750 = arith.constant 112 : index
      %swap3A_1751 = tpu.vector_load %arg19[%swap3A_1749, %swap3A_1750] {strides = array<i32>} : memref<64x256xf32, #tpu.memory_space<vmem>>, vector<1x16xf32>,
      %swap3A_1752 = vector.shape_cast %swap3A_1751 : vector<1x16xf32> to vector<16xf32>
      %swap3A_1753 = vector.shape_cast %broadcast_in_dim3A_1455 : vector<16xf32> to vector<1x16xf32>
      tpu.vector_store %arg19[%swap3A_1749, %swap3A_1750], %swap3A_1753 {strides = array<i32>} : memref<64x256xf32, #tpu.memory_space<vmem>>, vector<1x16xf32>,
      %swap3A_1754 = arith.index_cast %scan3A_1713 : i32 to index
      %swap3A_1755 = arith.constant 128 : index
      %swap3A_1756 = tpu.vector_load %arg19[%swap3A_1754, %swap3A_1755] {strides = array<i32>} : memref<64x256xf32, #tpu.memory_space<vmem>>, vector<1x16xf32>,
      %swap3A_1757 = vector.shape_cast %swap3A_1756 : vector<1x16xf32> to vector<16xf32>
      %swap3A_1758 = vector.shape_cast %broadcast_in_dim3A_1455 : vector<16xf32> to vector<1x16xf32>
      tpu.vector_store %arg19[%swap3A_1754, %swap3A_1755], %swap3A_1758 {strides = array<i32>} : memref<64x256xf32, #tpu.memory_space<vmem>>, vector<1x16xf32>,
      %swap3A_1759 = arith.index_cast %scan3A_1713 : i32 to index
      %swap3A_1760 = arith.constant 144 : index
      %swap3A_1761 = tpu.vector_load %arg19[%swap3A_1759, %swap3A_1760] {strides = array<i32>} : memref<64x256xf32, #tpu.memory_space<vmem>>, vector<1x16xf32>,
      %swap3A_1762 = vector.shape_cast %swap3A_1761 : vector<1x16xf32> to vector<16xf32>
      %swap3A_1763 = vector.shape_cast %broadcast_in_dim3A_1455 : vector<16xf32> to vector<1x16xf32>
      tpu.vector_store %arg19[%swap3A_1759, %swap3A_1760], %swap3A_1763 {strides = array<i32>} : memref<64x256xf32, #tpu.memory_space<vmem>>, vector<1x16xf32>,
      %swap3A_1764 = arith.index_cast %scan3A_1713 : i32 to index
      %swap3A_1765 = arith.constant 160 : index
      %swap3A_1766 = tpu.vector_load %arg19[%swap3A_1764, %swap3A_1765] {strides = array<i32>} : memref<64x256xf32, #tpu.memory_space<vmem>>, vector<1x16xf32>,
      %swap3A_1767 = vector.shape_cast %swap3A_1766 : vector<1x16xf32> to vector<16xf32>
      %swap3A_1768 = vector.shape_cast %broadcast_in_dim3A_1455 : vector<16xf32> to vector<1x16xf32>
      tpu.vector_store %arg19[%swap3A_1764, %swap3A_1765], %swap3A_1768 {strides = array<i32>} : memref<64x256xf32, #tpu.memory_space<vmem>>, vector<1x16xf32>,
      %swap3A_1769 = arith.index_cast %scan3A_1713 : i32 to index
      %swap3A_1770 = arith.constant 176 : index
      %swap3A_1771 = tpu.vector_load %arg19[%swap3A_1769, %swap3A_1770] {strides = array<i32>} : memref<64x256xf32, #tpu.memory_space<vmem>>, vector<1x16xf32>,
      %swap3A_1772 = vector.shape_cast %swap3A_1771 : vector<1x16xf32> to vector<16xf32>
      %swap3A_1773 = vector.shape_cast %broadcast_in_dim3A_1455 : vector<16xf32> to vector<1x16xf32>
      tpu.vector_store %arg19[%swap3A_1769, %swap3A_1770], %swap3A_1773 {strides = array<i32>} : memref<64x256xf32, #tpu.memory_space<vmem>>, vector<1x16xf32>,
      %swap3A_1774 = arith.index_cast %scan3A_1713 : i32 to index
      %swap3A_1775 = arith.constant 192 : index
      %swap3A_1776 = tpu.vector_load %arg19[%swap3A_1774, %swap3A_1775] {strides = array<i32>} : memref<64x256xf32, #tpu.memory_space<vmem>>, vector<1x16xf32>,
      %swap3A_1777 = vector.shape_cast %swap3A_1776 : vector<1x16xf32> to vector<16xf32>
      %swap3A_1778 = vector.shape_cast %broadcast_in_dim3A_1455 : vector<16xf32> to vector<1x16xf32>
      tpu.vector_store %arg19[%swap3A_1774, %swap3A_1775], %swap3A_1778 {strides = array<i32>} : memref<64x256xf32, #tpu.memory_space<vmem>>, vector<1x16xf32>,
      %swap3A_1779 = arith.index_cast %scan3A_1713 : i32 to index
      %swap3A_1780 = arith.constant 208 : index
      %swap3A_1781 = tpu.vector_load %arg19[%swap3A_1779, %swap3A_1780] {strides = array<i32>} : memref<64x256xf32, #tpu.memory_space<vmem>>, vector<1x16xf32>,
      %swap3A_1782 = vector.shape_cast %swap3A_1781 : vector<1x16xf32> to vector<16xf32>
      %swap3A_1783 = vector.shape_cast %broadcast_in_dim3A_1455 : vector<16xf32> to vector<1x16xf32>
      tpu.vector_store %arg19[%swap3A_1779, %swap3A_1780], %swap3A_1783 {strides = array<i32>} : memref<64x256xf32, #tpu.memory_space<vmem>>, vector<1x16xf32>,
      %swap3A_1784 = arith.index_cast %scan3A_1713 : i32 to index
      %swap3A_1785 = arith.constant 224 : index
      %swap3A_1786 = tpu.vector_load %arg19[%swap3A_1784, %swap3A_1785] {strides = array<i32>} : memref<64x256xf32, #tpu.memory_space<vmem>>, vector<1x16xf32>,
      %swap3A_1787 = vector.shape_cast %swap3A_1786 : vector<1x16xf32> to vector<16xf32>
      %swap3A_1788 = vector.shape_cast %broadcast_in_dim3A_1455 : vector<16xf32> to vector<1x16xf32>
      tpu.vector_store %arg19[%swap3A_1784, %swap3A_1785], %swap3A_1788 {strides = array<i32>} : memref<64x256xf32, #tpu.memory_space<vmem>>, vector<1x16xf32>,
      %swap3A_1789 = arith.index_cast %scan3A_1713 : i32 to index
      %swap3A_1790 = arith.constant 240 : index
      %swap3A_1791 = tpu.vector_load %arg19[%swap3A_1789, %swap3A_1790] {strides = array<i32>} : memref<64x256xf32, #tpu.memory_space<vmem>>, vector<1x16xf32>,
      %swap3A_1792 = vector.shape_cast %swap3A_1791 : vector<1x16xf32> to vector<16xf32>
      %swap3A_1793 = vector.shape_cast %broadcast_in_dim3A_1455 : vector<16xf32> to vector<1x16xf32>
      tpu.vector_store %arg19[%swap3A_1789, %swap3A_1790], %swap3A_1793 {strides = array<i32>} : memref<64x256xf32, #tpu.memory_space<vmem>>, vector<1x16xf32>,
    }
    %scan3A_1460 = arith.constant 64 : i32
    %not3A = arith.constant true
    %not3A_1461 = arith.xori %gt3A_72, %not3A : i1
    %convert_element_type3A_1462 = arith.extui %not3A_1461 : i1 to i32
    %cond3A_1463 = arith.constant 0 : i32
    %cond3A_1464 = arith.cmpi ne, %convert_element_type3A_1462, %cond3A_1463 : i32
    scf.if %cond3A_1464 {
      %add3A_1713 = arith.constant 0 : i32
      %add3A_1714 = arith.addi %add3A_77, %add3A_1713 : i32
      %dma_start3A_1715 = arith.constant 0 : i32
      %dma_start3A_1716 = tpu.memref_slice %arg5[%add3A_1714, %dma_start3A_1715] : memref<32768x256xf32, #tpu.memory_space<hbm>> -> memref<64x256xf32, #tpu.memory_space<hbm>>
      %dma_start3A_1717 = arith.constant 0 : i32
      %dma_start3A_1718 = tpu.memref_slice %arg5[%add3A_1714, %dma_start3A_1717] : memref<32768x256xf32, #tpu.memory_space<hbm>> -> memref<64x256xf32, #tpu.memory_space<hbm>>
      tpu.enqueue_dma source(%arg19 : memref<64x256xf32, #tpu.memory_space<vmem>>) target(%dma_start3A_1718 : memref<64x256xf32, #tpu.memory_space<hbm>>) target_semaphore(%arg26 : memref<!tpu.dma_semaphore, #tpu.memory_space<semaphore_mem>>)
      %add3A_1719 = arith.constant 64 : i32
      %add3A_1720 = arith.addi %add3A_77, %add3A_1719 : i32
      %dma_start3A_1721 = arith.constant 0 : i32
      %dma_start3A_1722 = tpu.memref_slice %arg5[%add3A_1720, %dma_start3A_1721] : memref<32768x256xf32, #tpu.memory_space<hbm>> -> memref<64x256xf32, #tpu.memory_space<hbm>>
      %dma_start3A_1723 = arith.constant 0 : i32
      %dma_start3A_1724 = tpu.memref_slice %arg5[%add3A_1720, %dma_start3A_1723] : memref<32768x256xf32, #tpu.memory_space<hbm>> -> memref<64x256xf32, #tpu.memory_space<hbm>>
      tpu.enqueue_dma source(%arg19 : memref<64x256xf32, #tpu.memory_space<vmem>>) target(%dma_start3A_1724 : memref<64x256xf32, #tpu.memory_space<hbm>>) target_semaphore(%arg26 : memref<!tpu.dma_semaphore, #tpu.memory_space<semaphore_mem>>)
    } else {
    }
    %not3A_1465 = arith.constant true
    %not3A_1466 = arith.xori %gt3A_156, %not3A_1465 : i1
    %convert_element_type3A_1467 = arith.extui %not3A_1466 : i1 to i32
    %cond3A_1468 = arith.constant 0 : i32
    %cond3A_1469 = arith.cmpi ne, %convert_element_type3A_1467, %cond3A_1468 : i32
    scf.if %cond3A_1469 {
      %add3A_1713 = arith.constant 0 : i32
      %add3A_1714 = arith.addi %add3A_161, %add3A_1713 : i32
      %dma_start3A_1715 = arith.constant 0 : i32
      %dma_start3A_1716 = tpu.memref_slice %arg5[%add3A_1714, %dma_start3A_1715] : memref<32768x256xf32, #tpu.memory_space<hbm>> -> memref<64x256xf32, #tpu.memory_space<hbm>>
      %dma_start3A_1717 = arith.constant 0 : i32
      %dma_start3A_1718 = tpu.memref_slice %arg5[%add3A_1714, %dma_start3A_1717] : memref<32768x256xf32, #tpu.memory_space<hbm>> -> memref<64x256xf32, #tpu.memory_space<hbm>>
      tpu.enqueue_dma source(%arg19 : memref<64x256xf32, #tpu.memory_space<vmem>>) target(%dma_start3A_1718 : memref<64x256xf32, #tpu.memory_space<hbm>>) target_semaphore(%arg26 : memref<!tpu.dma_semaphore, #tpu.memory_space<semaphore_mem>>)
      %add3A_1719 = arith.constant 64 : i32
      %add3A_1720 = arith.addi %add3A_161, %add3A_1719 : i32
      %dma_start3A_1721 = arith.constant 0 : i32
      %dma_start3A_1722 = tpu.memref_slice %arg5[%add3A_1720, %dma_start3A_1721] : memref<32768x256xf32, #tpu.memory_space<hbm>> -> memref<64x256xf32, #tpu.memory_space<hbm>>
      %dma_start3A_1723 = arith.constant 0 : i32
      %dma_start3A_1724 = tpu.memref_slice %arg5[%add3A_1720, %dma_start3A_1723] : memref<32768x256xf32, #tpu.memory_space<hbm>> -> memref<64x256xf32, #tpu.memory_space<hbm>>
      tpu.enqueue_dma source(%arg19 : memref<64x256xf32, #tpu.memory_space<vmem>>) target(%dma_start3A_1724 : memref<64x256xf32, #tpu.memory_space<hbm>>) target_semaphore(%arg26 : memref<!tpu.dma_semaphore, #tpu.memory_space<semaphore_mem>>)
    } else {
    }
    %not3A_1470 = arith.constant true
    %not3A_1471 = arith.xori %gt3A_241, %not3A_1470 : i1
    %convert_element_type3A_1472 = arith.extui %not3A_1471 : i1 to i32
    %cond3A_1473 = arith.constant 0 : i32
    %cond3A_1474 = arith.cmpi ne, %convert_element_type3A_1472, %cond3A_1473 : i32
    scf.if %cond3A_1474 {
      %add3A_1713 = arith.constant 0 : i32
      %add3A_1714 = arith.addi %add3A_246, %add3A_1713 : i32
      %dma_start3A_1715 = arith.constant 0 : i32
      %dma_start3A_1716 = tpu.memref_slice %arg5[%add3A_1714, %dma_start3A_1715] : memref<32768x256xf32, #tpu.memory_space<hbm>> -> memref<64x256xf32, #tpu.memory_space<hbm>>
      %dma_start3A_1717 = arith.constant 0 : i32
      %dma_start3A_1718 = tpu.memref_slice %arg5[%add3A_1714, %dma_start3A_1717] : memref<32768x256xf32, #tpu.memory_space<hbm>> -> memref<64x256xf32, #tpu.memory_space<hbm>>
      tpu.enqueue_dma source(%arg19 : memref<64x256xf32, #tpu.memory_space<vmem>>) target(%dma_start3A_1718 : memref<64x256xf32, #tpu.memory_space<hbm>>) target_semaphore(%arg26 : memref<!tpu.dma_semaphore, #tpu.memory_space<semaphore_mem>>)
      %add3A_1719 = arith.constant 64 : i32
      %add3A_1720 = arith.addi %add3A_246, %add3A_1719 : i32
      %dma_start3A_1721 = arith.constant 0 : i32
      %dma_start3A_1722 = tpu.memref_slice %arg5[%add3A_1720, %dma_start3A_1721] : memref<32768x256xf32, #tpu.memory_space<hbm>> -> memref<64x256xf32, #tpu.memory_space<hbm>>
      %dma_start3A_1723 = arith.constant 0 : i32
      %dma_start3A_1724 = tpu.memref_slice %arg5[%add3A_1720, %dma_start3A_1723] : memref<32768x256xf32, #tpu.memory_space<hbm>> -> memref<64x256xf32, #tpu.memory_space<hbm>>
      tpu.enqueue_dma source(%arg19 : memref<64x256xf32, #tpu.memory_space<vmem>>) target(%dma_start3A_1724 : memref<64x256xf32, #tpu.memory_space<hbm>>) target_semaphore(%arg26 : memref<!tpu.dma_semaphore, #tpu.memory_space<semaphore_mem>>)
    } else {
    }
    %not3A_1475 = arith.constant true
    %not3A_1476 = arith.xori %gt3A_326, %not3A_1475 : i1
    %convert_element_type3A_1477 = arith.extui %not3A_1476 : i1 to i32
    %cond3A_1478 = arith.constant 0 : i32
    %cond3A_1479 = arith.cmpi ne, %convert_element_type3A_1477, %cond3A_1478 : i32
    scf.if %cond3A_1479 {
      %add3A_1713 = arith.constant 0 : i32
      %add3A_1714 = arith.addi %add3A_331, %add3A_1713 : i32
      %dma_start3A_1715 = arith.constant 0 : i32
      %dma_start3A_1716 = tpu.memref_slice %arg5[%add3A_1714, %dma_start3A_1715] : memref<32768x256xf32, #tpu.memory_space<hbm>> -> memref<64x256xf32, #tpu.memory_space<hbm>>
      %dma_start3A_1717 = arith.constant 0 : i32
      %dma_start3A_1718 = tpu.memref_slice %arg5[%add3A_1714, %dma_start3A_1717] : memref<32768x256xf32, #tpu.memory_space<hbm>> -> memref<64x256xf32, #tpu.memory_space<hbm>>
      tpu.enqueue_dma source(%arg19 : memref<64x256xf32, #tpu.memory_space<vmem>>) target(%dma_start3A_1718 : memref<64x256xf32, #tpu.memory_space<hbm>>) target_semaphore(%arg26 : memref<!tpu.dma_semaphore, #tpu.memory_space<semaphore_mem>>)
      %add3A_1719 = arith.constant 64 : i32
      %add3A_1720 = arith.addi %add3A_331, %add3A_1719 : i32
      %dma_start3A_1721 = arith.constant 0 : i32
      %dma_start3A_1722 = tpu.memref_slice %arg5[%add3A_1720, %dma_start3A_1721] : memref<32768x256xf32, #tpu.memory_space<hbm>> -> memref<64x256xf32, #tpu.memory_space<hbm>>
      %dma_start3A_1723 = arith.constant 0 : i32
      %dma_start3A_1724 = tpu.memref_slice %arg5[%add3A_1720, %dma_start3A_1723] : memref<32768x256xf32, #tpu.memory_space<hbm>> -> memref<64x256xf32, #tpu.memory_space<hbm>>
      tpu.enqueue_dma source(%arg19 : memref<64x256xf32, #tpu.memory_space<vmem>>) target(%dma_start3A_1724 : memref<64x256xf32, #tpu.memory_space<hbm>>) target_semaphore(%arg26 : memref<!tpu.dma_semaphore, #tpu.memory_space<semaphore_mem>>)
    } else {
    }
    %not3A_1480 = arith.constant true
    %not3A_1481 = arith.xori %gt3A_411, %not3A_1480 : i1
    %convert_element_type3A_1482 = arith.extui %not3A_1481 : i1 to i32
    %cond3A_1483 = arith.constant 0 : i32
    %cond3A_1484 = arith.cmpi ne, %convert_element_type3A_1482, %cond3A_1483 : i32
    scf.if %cond3A_1484 {
      %add3A_1713 = arith.constant 0 : i32
      %add3A_1714 = arith.addi %add3A_416, %add3A_1713 : i32
      %dma_start3A_1715 = arith.constant 0 : i32
      %dma_start3A_1716 = tpu.memref_slice %arg5[%add3A_1714, %dma_start3A_1715] : memref<32768x256xf32, #tpu.memory_space<hbm>> -> memref<64x256xf32, #tpu.memory_space<hbm>>
      %dma_start3A_1717 = arith.constant 0 : i32
      %dma_start3A_1718 = tpu.memref_slice %arg5[%add3A_1714, %dma_start3A_1717] : memref<32768x256xf32, #tpu.memory_space<hbm>> -> memref<64x256xf32, #tpu.memory_space<hbm>>
      tpu.enqueue_dma source(%arg19 : memref<64x256xf32, #tpu.memory_space<vmem>>) target(%dma_start3A_1718 : memref<64x256xf32, #tpu.memory_space<hbm>>) target_semaphore(%arg26 : memref<!tpu.dma_semaphore, #tpu.memory_space<semaphore_mem>>)
      %add3A_1719 = arith.constant 64 : i32
      %add3A_1720 = arith.addi %add3A_416, %add3A_1719 : i32
      %dma_start3A_1721 = arith.constant 0 : i32
      %dma_start3A_1722 = tpu.memref_slice %arg5[%add3A_1720, %dma_start3A_1721] : memref<32768x256xf32, #tpu.memory_space<hbm>> -> memref<64x256xf32, #tpu.memory_space<hbm>>
      %dma_start3A_1723 = arith.constant 0 : i32
      %dma_start3A_1724 = tpu.memref_slice %arg5[%add3A_1720, %dma_start3A_1723] : memref<32768x256xf32, #tpu.memory_space<hbm>> -> memref<64x256xf32, #tpu.memory_space<hbm>>
      tpu.enqueue_dma source(%arg19 : memref<64x256xf32, #tpu.memory_space<vmem>>) target(%dma_start3A_1724 : memref<64x256xf32, #tpu.memory_space<hbm>>) target_semaphore(%arg26 : memref<!tpu.dma_semaphore, #tpu.memory_space<semaphore_mem>>)
    } else {
    }
    %not3A_1485 = arith.constant true
    %not3A_1486 = arith.xori %gt3A_496, %not3A_1485 : i1
    %convert_element_type3A_1487 = arith.extui %not3A_1486 : i1 to i32
    %cond3A_1488 = arith.constant 0 : i32
    %cond3A_1489 = arith.cmpi ne, %convert_element_type3A_1487, %cond3A_1488 : i32
    scf.if %cond3A_1489 {
      %add3A_1713 = arith.constant 0 : i32
      %add3A_1714 = arith.addi %add3A_501, %add3A_1713 : i32
      %dma_start3A_1715 = arith.constant 0 : i32
      %dma_start3A_1716 = tpu.memref_slice %arg5[%add3A_1714, %dma_start3A_1715] : memref<32768x256xf32, #tpu.memory_space<hbm>> -> memref<64x256xf32, #tpu.memory_space<hbm>>
      %dma_start3A_1717 = arith.constant 0 : i32
      %dma_start3A_1718 = tpu.memref_slice %arg5[%add3A_1714, %dma_start3A_1717] : memref<32768x256xf32, #tpu.memory_space<hbm>> -> memref<64x256xf32, #tpu.memory_space<hbm>>
      tpu.enqueue_dma source(%arg19 : memref<64x256xf32, #tpu.memory_space<vmem>>) target(%dma_start3A_1718 : memref<64x256xf32, #tpu.memory_space<hbm>>) target_semaphore(%arg26 : memref<!tpu.dma_semaphore, #tpu.memory_space<semaphore_mem>>)
      %add3A_1719 = arith.constant 64 : i32
      %add3A_1720 = arith.addi %add3A_501, %add3A_1719 : i32
      %dma_start3A_1721 = arith.constant 0 : i32
      %dma_start3A_1722 = tpu.memref_slice %arg5[%add3A_1720, %dma_start3A_1721] : memref<32768x256xf32, #tpu.memory_space<hbm>> -> memref<64x256xf32, #tpu.memory_space<hbm>>
      %dma_start3A_1723 = arith.constant 0 : i32
      %dma_start3A_1724 = tpu.memref_slice %arg5[%add3A_1720, %dma_start3A_1723] : memref<32768x256xf32, #tpu.memory_space<hbm>> -> memref<64x256xf32, #tpu.memory_space<hbm>>
      tpu.enqueue_dma source(%arg19 : memref<64x256xf32, #tpu.memory_space<vmem>>) target(%dma_start3A_1724 : memref<64x256xf32, #tpu.memory_space<hbm>>) target_semaphore(%arg26 : memref<!tpu.dma_semaphore, #tpu.memory_space<semaphore_mem>>)
    } else {
    }
    %not3A_1490 = arith.constant true
    %not3A_1491 = arith.xori %gt3A_581, %not3A_1490 : i1
    %convert_element_type3A_1492 = arith.extui %not3A_1491 : i1 to i32
    %cond3A_1493 = arith.constant 0 : i32
    %cond3A_1494 = arith.cmpi ne, %convert_element_type3A_1492, %cond3A_1493 : i32
    scf.if %cond3A_1494 {
      %add3A_1713 = arith.constant 0 : i32
      %add3A_1714 = arith.addi %add3A_586, %add3A_1713 : i32
      %dma_start3A_1715 = arith.constant 0 : i32
      %dma_start3A_1716 = tpu.memref_slice %arg5[%add3A_1714, %dma_start3A_1715] : memref<32768x256xf32, #tpu.memory_space<hbm>> -> memref<64x256xf32, #tpu.memory_space<hbm>>
      %dma_start3A_1717 = arith.constant 0 : i32
      %dma_start3A_1718 = tpu.memref_slice %arg5[%add3A_1714, %dma_start3A_1717] : memref<32768x256xf32, #tpu.memory_space<hbm>> -> memref<64x256xf32, #tpu.memory_space<hbm>>
      tpu.enqueue_dma source(%arg19 : memref<64x256xf32, #tpu.memory_space<vmem>>) target(%dma_start3A_1718 : memref<64x256xf32, #tpu.memory_space<hbm>>) target_semaphore(%arg26 : memref<!tpu.dma_semaphore, #tpu.memory_space<semaphore_mem>>)
      %add3A_1719 = arith.constant 64 : i32
      %add3A_1720 = arith.addi %add3A_586, %add3A_1719 : i32
      %dma_start3A_1721 = arith.constant 0 : i32
      %dma_start3A_1722 = tpu.memref_slice %arg5[%add3A_1720, %dma_start3A_1721] : memref<32768x256xf32, #tpu.memory_space<hbm>> -> memref<64x256xf32, #tpu.memory_space<hbm>>
      %dma_start3A_1723 = arith.constant 0 : i32
      %dma_start3A_1724 = tpu.memref_slice %arg5[%add3A_1720, %dma_start3A_1723] : memref<32768x256xf32, #tpu.memory_space<hbm>> -> memref<64x256xf32, #tpu.memory_space<hbm>>
      tpu.enqueue_dma source(%arg19 : memref<64x256xf32, #tpu.memory_space<vmem>>) target(%dma_start3A_1724 : memref<64x256xf32, #tpu.memory_space<hbm>>) target_semaphore(%arg26 : memref<!tpu.dma_semaphore, #tpu.memory_space<semaphore_mem>>)
    } else {
    }
    %not3A_1495 = arith.constant true
    %not3A_1496 = arith.xori %gt3A_666, %not3A_1495 : i1
    %convert_element_type3A_1497 = arith.extui %not3A_1496 : i1 to i32
    %cond3A_1498 = arith.constant 0 : i32
    %cond3A_1499 = arith.cmpi ne, %convert_element_type3A_1497, %cond3A_1498 : i32
    scf.if %cond3A_1499 {
      %add3A_1713 = arith.constant 0 : i32
      %add3A_1714 = arith.addi %add3A_671, %add3A_1713 : i32
      %dma_start3A_1715 = arith.constant 0 : i32
      %dma_start3A_1716 = tpu.memref_slice %arg5[%add3A_1714, %dma_start3A_1715] : memref<32768x256xf32, #tpu.memory_space<hbm>> -> memref<64x256xf32, #tpu.memory_space<hbm>>
      %dma_start3A_1717 = arith.constant 0 : i32
      %dma_start3A_1718 = tpu.memref_slice %arg5[%add3A_1714, %dma_start3A_1717] : memref<32768x256xf32, #tpu.memory_space<hbm>> -> memref<64x256xf32, #tpu.memory_space<hbm>>
      tpu.enqueue_dma source(%arg19 : memref<64x256xf32, #tpu.memory_space<vmem>>) target(%dma_start3A_1718 : memref<64x256xf32, #tpu.memory_space<hbm>>) target_semaphore(%arg26 : memref<!tpu.dma_semaphore, #tpu.memory_space<semaphore_mem>>)
      %add3A_1719 = arith.constant 64 : i32
      %add3A_1720 = arith.addi %add3A_671, %add3A_1719 : i32
      %dma_start3A_1721 = arith.constant 0 : i32
      %dma_start3A_1722 = tpu.memref_slice %arg5[%add3A_1720, %dma_start3A_1721] : memref<32768x256xf32, #tpu.memory_space<hbm>> -> memref<64x256xf32, #tpu.memory_space<hbm>>
      %dma_start3A_1723 = arith.constant 0 : i32
      %dma_start3A_1724 = tpu.memref_slice %arg5[%add3A_1720, %dma_start3A_1723] : memref<32768x256xf32, #tpu.memory_space<hbm>> -> memref<64x256xf32, #tpu.memory_space<hbm>>
      tpu.enqueue_dma source(%arg19 : memref<64x256xf32, #tpu.memory_space<vmem>>) target(%dma_start3A_1724 : memref<64x256xf32, #tpu.memory_space<hbm>>) target_semaphore(%arg26 : memref<!tpu.dma_semaphore, #tpu.memory_space<semaphore_mem>>)
    } else {
    }
    %convert_element_type3A_1500 = arith.extui %gt3A_72 : i1 to i32
    %cond3A_1501 = arith.constant 0 : i32
    %cond3A_1502 = arith.cmpi ne, %convert_element_type3A_1500, %cond3A_1501 : i32
    scf.if %cond3A_1502 {
      %dma_wait3A_1713 = arith.constant 0 : i32
      %dma_wait3A_1714 = arith.constant 0 : i32
      %dma_wait3A_1715 = tpu.memref_slice %arg2[%dma_wait3A_1713, %dma_wait3A_1714] : memref<4096x256xf32, #tpu.memory_space<hbm>> -> memref<4096x256xf32, #tpu.memory_space<hbm>>
      tpu.wait_indirect_dma semaphore(%arg20 : memref<!tpu.dma_semaphore, #tpu.memory_space<semaphore_mem>>) src(%dma_wait3A_1715 : memref<4096x256xf32, #tpu.memory_space<hbm>>) dst(%arg16 : memref<128x256xf32, #tpu.memory_space<vmem>>)
    } else {
    }
    %lt3A_1503 = arith.constant 128 : i32
    %lt3A_1504 = arith.cmpi slt, %min3A, %lt3A_1503 : i32
    %and3A_1505 = arith.andi %gt3A_72, %lt3A_1504 : i1
    %convert_element_type3A_1506 = arith.extui %and3A_1505 : i1 to i32
    %cond3A_1507 = arith.constant 0 : i32
    %cond3A_1508 = arith.cmpi ne, %convert_element_type3A_1506, %cond3A_1507 : i32
    scf.if %cond3A_1508 {
      %broadcast_in_dim3A_1713 = arith.constant 0.000000e+00 : f32
      %broadcast_in_dim3A_1714 = vector.broadcast %broadcast_in_dim3A_1713 : f32 to vector<16xf32>
      %while3A = arith.constant 0 : i32
      %while3A_1715 = arith.constant 128 : i32
      %while3A_1716 = arith.subi %while3A_1715, %min3A : i32
      %while3A_1717 = arith.addi %min3A, %while3A_1716 : i32
      %while3A_1718 = arith.constant 1 : i32
      %while3A_1719 = arith.divsi %while3A_1716, %while3A_1718 : i32
      %while3A_1720 = arith.muli %while3A_1719, %while3A_1718 : i32
      %while3A_1721 = arith.addi %min3A, %while3A_1720 : i32
      %while3A_1722 = arith.constant 1 : i32
      scf.for %while3A_1724 = %min3A to %while3A_1721 step %while3A_1722  : i32 {
        %swap3A_1725 = arith.index_cast %while3A_1724 : i32 to index
        %swap3A_1726 = arith.constant 0 : index
        %swap3A_1727 = tpu.vector_load %arg16[%swap3A_1725, %swap3A_1726] {strides = array<i32>} : memref<128x256xf32, #tpu.memory_space<vmem>>, vector<1x16xf32>,
        %swap3A_1728 = vector.shape_cast %swap3A_1727 : vector<1x16xf32> to vector<16xf32>
        %swap3A_1729 = vector.shape_cast %broadcast_in_dim3A_1714 : vector<16xf32> to vector<1x16xf32>
        tpu.vector_store %arg16[%swap3A_1725, %swap3A_1726], %swap3A_1729 {strides = array<i32>} : memref<128x256xf32, #tpu.memory_space<vmem>>, vector<1x16xf32>,
        %swap3A_1730 = arith.index_cast %while3A_1724 : i32 to index
        %swap3A_1731 = arith.constant 16 : index
        %swap3A_1732 = tpu.vector_load %arg16[%swap3A_1730, %swap3A_1731] {strides = array<i32>} : memref<128x256xf32, #tpu.memory_space<vmem>>, vector<1x16xf32>,
        %swap3A_1733 = vector.shape_cast %swap3A_1732 : vector<1x16xf32> to vector<16xf32>
        %swap3A_1734 = vector.shape_cast %broadcast_in_dim3A_1714 : vector<16xf32> to vector<1x16xf32>
        tpu.vector_store %arg16[%swap3A_1730, %swap3A_1731], %swap3A_1734 {strides = array<i32>} : memref<128x256xf32, #tpu.memory_space<vmem>>, vector<1x16xf32>,
        %swap3A_1735 = arith.index_cast %while3A_1724 : i32 to index
        %swap3A_1736 = arith.constant 32 : index
        %swap3A_1737 = tpu.vector_load %arg16[%swap3A_1735, %swap3A_1736] {strides = array<i32>} : memref<128x256xf32, #tpu.memory_space<vmem>>, vector<1x16xf32>,
        %swap3A_1738 = vector.shape_cast %swap3A_1737 : vector<1x16xf32> to vector<16xf32>
        %swap3A_1739 = vector.shape_cast %broadcast_in_dim3A_1714 : vector<16xf32> to vector<1x16xf32>
        tpu.vector_store %arg16[%swap3A_1735, %swap3A_1736], %swap3A_1739 {strides = array<i32>} : memref<128x256xf32, #tpu.memory_space<vmem>>, vector<1x16xf32>,
        %swap3A_1740 = arith.index_cast %while3A_1724 : i32 to index
        %swap3A_1741 = arith.constant 48 : index
        %swap3A_1742 = tpu.vector_load %arg16[%swap3A_1740, %swap3A_1741] {strides = array<i32>} : memref<128x256xf32, #tpu.memory_space<vmem>>, vector<1x16xf32>,
        %swap3A_1743 = vector.shape_cast %swap3A_1742 : vector<1x16xf32> to vector<16xf32>
        %swap3A_1744 = vector.shape_cast %broadcast_in_dim3A_1714 : vector<16xf32> to vector<1x16xf32>
        tpu.vector_store %arg16[%swap3A_1740, %swap3A_1741], %swap3A_1744 {strides = array<i32>} : memref<128x256xf32, #tpu.memory_space<vmem>>, vector<1x16xf32>,
        %swap3A_1745 = arith.index_cast %while3A_1724 : i32 to index
        %swap3A_1746 = arith.constant 64 : index
        %swap3A_1747 = tpu.vector_load %arg16[%swap3A_1745, %swap3A_1746] {strides = array<i32>} : memref<128x256xf32, #tpu.memory_space<vmem>>, vector<1x16xf32>,
        %swap3A_1748 = vector.shape_cast %swap3A_1747 : vector<1x16xf32> to vector<16xf32>
        %swap3A_1749 = vector.shape_cast %broadcast_in_dim3A_1714 : vector<16xf32> to vector<1x16xf32>
        tpu.vector_store %arg16[%swap3A_1745, %swap3A_1746], %swap3A_1749 {strides = array<i32>} : memref<128x256xf32, #tpu.memory_space<vmem>>, vector<1x16xf32>,
        %swap3A_1750 = arith.index_cast %while3A_1724 : i32 to index
        %swap3A_1751 = arith.constant 80 : index
        %swap3A_1752 = tpu.vector_load %arg16[%swap3A_1750, %swap3A_1751] {strides = array<i32>} : memref<128x256xf32, #tpu.memory_space<vmem>>, vector<1x16xf32>,
        %swap3A_1753 = vector.shape_cast %swap3A_1752 : vector<1x16xf32> to vector<16xf32>
        %swap3A_1754 = vector.shape_cast %broadcast_in_dim3A_1714 : vector<16xf32> to vector<1x16xf32>
        tpu.vector_store %arg16[%swap3A_1750, %swap3A_1751], %swap3A_1754 {strides = array<i32>} : memref<128x256xf32, #tpu.memory_space<vmem>>, vector<1x16xf32>,
        %swap3A_1755 = arith.index_cast %while3A_1724 : i32 to index
        %swap3A_1756 = arith.constant 96 : index
        %swap3A_1757 = tpu.vector_load %arg16[%swap3A_1755, %swap3A_1756] {strides = array<i32>} : memref<128x256xf32, #tpu.memory_space<vmem>>, vector<1x16xf32>,
        %swap3A_1758 = vector.shape_cast %swap3A_1757 : vector<1x16xf32> to vector<16xf32>
        %swap3A_1759 = vector.shape_cast %broadcast_in_dim3A_1714 : vector<16xf32> to vector<1x16xf32>
        tpu.vector_store %arg16[%swap3A_1755, %swap3A_1756], %swap3A_1759 {strides = array<i32>} : memref<128x256xf32, #tpu.memory_space<vmem>>, vector<1x16xf32>,
        %swap3A_1760 = arith.index_cast %while3A_1724 : i32 to index
        %swap3A_1761 = arith.constant 112 : index
        %swap3A_1762 = tpu.vector_load %arg16[%swap3A_1760, %swap3A_1761] {strides = array<i32>} : memref<128x256xf32, #tpu.memory_space<vmem>>, vector<1x16xf32>,
        %swap3A_1763 = vector.shape_cast %swap3A_1762 : vector<1x16xf32> to vector<16xf32>
        %swap3A_1764 = vector.shape_cast %broadcast_in_dim3A_1714 : vector<16xf32> to vector<1x16xf32>
        tpu.vector_store %arg16[%swap3A_1760, %swap3A_1761], %swap3A_1764 {strides = array<i32>} : memref<128x256xf32, #tpu.memory_space<vmem>>, vector<1x16xf32>,
        %swap3A_1765 = arith.index_cast %while3A_1724 : i32 to index
        %swap3A_1766 = arith.constant 128 : index
        %swap3A_1767 = tpu.vector_load %arg16[%swap3A_1765, %swap3A_1766] {strides = array<i32>} : memref<128x256xf32, #tpu.memory_space<vmem>>, vector<1x16xf32>,
        %swap3A_1768 = vector.shape_cast %swap3A_1767 : vector<1x16xf32> to vector<16xf32>
        %swap3A_1769 = vector.shape_cast %broadcast_in_dim3A_1714 : vector<16xf32> to vector<1x16xf32>
        tpu.vector_store %arg16[%swap3A_1765, %swap3A_1766], %swap3A_1769 {strides = array<i32>} : memref<128x256xf32, #tpu.memory_space<vmem>>, vector<1x16xf32>,
        %swap3A_1770 = arith.index_cast %while3A_1724 : i32 to index
        %swap3A_1771 = arith.constant 144 : index
        %swap3A_1772 = tpu.vector_load %arg16[%swap3A_1770, %swap3A_1771] {strides = array<i32>} : memref<128x256xf32, #tpu.memory_space<vmem>>, vector<1x16xf32>,
        %swap3A_1773 = vector.shape_cast %swap3A_1772 : vector<1x16xf32> to vector<16xf32>
        %swap3A_1774 = vector.shape_cast %broadcast_in_dim3A_1714 : vector<16xf32> to vector<1x16xf32>
        tpu.vector_store %arg16[%swap3A_1770, %swap3A_1771], %swap3A_1774 {strides = array<i32>} : memref<128x256xf32, #tpu.memory_space<vmem>>, vector<1x16xf32>,
        %swap3A_1775 = arith.index_cast %while3A_1724 : i32 to index
        %swap3A_1776 = arith.constant 160 : index
        %swap3A_1777 = tpu.vector_load %arg16[%swap3A_1775, %swap3A_1776] {strides = array<i32>} : memref<128x256xf32, #tpu.memory_space<vmem>>, vector<1x16xf32>,
        %swap3A_1778 = vector.shape_cast %swap3A_1777 : vector<1x16xf32> to vector<16xf32>
        %swap3A_1779 = vector.shape_cast %broadcast_in_dim3A_1714 : vector<16xf32> to vector<1x16xf32>
        tpu.vector_store %arg16[%swap3A_1775, %swap3A_1776], %swap3A_1779 {strides = array<i32>} : memref<128x256xf32, #tpu.memory_space<vmem>>, vector<1x16xf32>,
        %swap3A_1780 = arith.index_cast %while3A_1724 : i32 to index
        %swap3A_1781 = arith.constant 176 : index
        %swap3A_1782 = tpu.vector_load %arg16[%swap3A_1780, %swap3A_1781] {strides = array<i32>} : memref<128x256xf32, #tpu.memory_space<vmem>>, vector<1x16xf32>,
        %swap3A_1783 = vector.shape_cast %swap3A_1782 : vector<1x16xf32> to vector<16xf32>
        %swap3A_1784 = vector.shape_cast %broadcast_in_dim3A_1714 : vector<16xf32> to vector<1x16xf32>
        tpu.vector_store %arg16[%swap3A_1780, %swap3A_1781], %swap3A_1784 {strides = array<i32>} : memref<128x256xf32, #tpu.memory_space<vmem>>, vector<1x16xf32>,
        %swap3A_1785 = arith.index_cast %while3A_1724 : i32 to index
        %swap3A_1786 = arith.constant 192 : index
        %swap3A_1787 = tpu.vector_load %arg16[%swap3A_1785, %swap3A_1786] {strides = array<i32>} : memref<128x256xf32, #tpu.memory_space<vmem>>, vector<1x16xf32>,
        %swap3A_1788 = vector.shape_cast %swap3A_1787 : vector<1x16xf32> to vector<16xf32>
        %swap3A_1789 = vector.shape_cast %broadcast_in_dim3A_1714 : vector<16xf32> to vector<1x16xf32>
        tpu.vector_store %arg16[%swap3A_1785, %swap3A_1786], %swap3A_1789 {strides = array<i32>} : memref<128x256xf32, #tpu.memory_space<vmem>>, vector<1x16xf32>,
        %swap3A_1790 = arith.index_cast %while3A_1724 : i32 to index
        %swap3A_1791 = arith.constant 208 : index
        %swap3A_1792 = tpu.vector_load %arg16[%swap3A_1790, %swap3A_1791] {strides = array<i32>} : memref<128x256xf32, #tpu.memory_space<vmem>>, vector<1x16xf32>,
        %swap3A_1793 = vector.shape_cast %swap3A_1792 : vector<1x16xf32> to vector<16xf32>
        %swap3A_1794 = vector.shape_cast %broadcast_in_dim3A_1714 : vector<16xf32> to vector<1x16xf32>
        tpu.vector_store %arg16[%swap3A_1790, %swap3A_1791], %swap3A_1794 {strides = array<i32>} : memref<128x256xf32, #tpu.memory_space<vmem>>, vector<1x16xf32>,
        %swap3A_1795 = arith.index_cast %while3A_1724 : i32 to index
        %swap3A_1796 = arith.constant 224 : index
        %swap3A_1797 = tpu.vector_load %arg16[%swap3A_1795, %swap3A_1796] {strides = array<i32>} : memref<128x256xf32, #tpu.memory_space<vmem>>, vector<1x16xf32>,
        %swap3A_1798 = vector.shape_cast %swap3A_1797 : vector<1x16xf32> to vector<16xf32>
        %swap3A_1799 = vector.shape_cast %broadcast_in_dim3A_1714 : vector<16xf32> to vector<1x16xf32>
        tpu.vector_store %arg16[%swap3A_1795, %swap3A_1796], %swap3A_1799 {strides = array<i32>} : memref<128x256xf32, #tpu.memory_space<vmem>>, vector<1x16xf32>,
        %swap3A_1800 = arith.index_cast %while3A_1724 : i32 to index
        %swap3A_1801 = arith.constant 240 : index
        %swap3A_1802 = tpu.vector_load %arg16[%swap3A_1800, %swap3A_1801] {strides = array<i32>} : memref<128x256xf32, #tpu.memory_space<vmem>>, vector<1x16xf32>,
        %swap3A_1803 = vector.shape_cast %swap3A_1802 : vector<1x16xf32> to vector<16xf32>
        %swap3A_1804 = vector.shape_cast %broadcast_in_dim3A_1714 : vector<16xf32> to vector<1x16xf32>
        tpu.vector_store %arg16[%swap3A_1800, %swap3A_1801], %swap3A_1804 {strides = array<i32>} : memref<128x256xf32, #tpu.memory_space<vmem>>, vector<1x16xf32>,
      }
      %while3A_1723 = arith.constant 1 : i32
      scf.for %while3A_1724 = %while3A_1721 to %while3A_1717 step %while3A_1723  : i32 {
        %swap3A_1725 = arith.index_cast %while3A_1724 : i32 to index
        %swap3A_1726 = arith.constant 0 : index
        %swap3A_1727 = tpu.vector_load %arg16[%swap3A_1725, %swap3A_1726] {strides = array<i32>} : memref<128x256xf32, #tpu.memory_space<vmem>>, vector<1x16xf32>,
        %swap3A_1728 = vector.shape_cast %swap3A_1727 : vector<1x16xf32> to vector<16xf32>
        %swap3A_1729 = vector.shape_cast %broadcast_in_dim3A_1714 : vector<16xf32> to vector<1x16xf32>
        tpu.vector_store %arg16[%swap3A_1725, %swap3A_1726], %swap3A_1729 {strides = array<i32>} : memref<128x256xf32, #tpu.memory_space<vmem>>, vector<1x16xf32>,
        %swap3A_1730 = arith.index_cast %while3A_1724 : i32 to index
        %swap3A_1731 = arith.constant 16 : index
        %swap3A_1732 = tpu.vector_load %arg16[%swap3A_1730, %swap3A_1731] {strides = array<i32>} : memref<128x256xf32, #tpu.memory_space<vmem>>, vector<1x16xf32>,
        %swap3A_1733 = vector.shape_cast %swap3A_1732 : vector<1x16xf32> to vector<16xf32>
        %swap3A_1734 = vector.shape_cast %broadcast_in_dim3A_1714 : vector<16xf32> to vector<1x16xf32>
        tpu.vector_store %arg16[%swap3A_1730, %swap3A_1731], %swap3A_1734 {strides = array<i32>} : memref<128x256xf32, #tpu.memory_space<vmem>>, vector<1x16xf32>,
        %swap3A_1735 = arith.index_cast %while3A_1724 : i32 to index
        %swap3A_1736 = arith.constant 32 : index
        %swap3A_1737 = tpu.vector_load %arg16[%swap3A_1735, %swap3A_1736] {strides = array<i32>} : memref<128x256xf32, #tpu.memory_space<vmem>>, vector<1x16xf32>,
        %swap3A_1738 = vector.shape_cast %swap3A_1737 : vector<1x16xf32> to vector<16xf32>
        %swap3A_1739 = vector.shape_cast %broadcast_in_dim3A_1714 : vector<16xf32> to vector<1x16xf32>
        tpu.vector_store %arg16[%swap3A_1735, %swap3A_1736], %swap3A_1739 {strides = array<i32>} : memref<128x256xf32, #tpu.memory_space<vmem>>, vector<1x16xf32>,
        %swap3A_1740 = arith.index_cast %while3A_1724 : i32 to index
        %swap3A_1741 = arith.constant 48 : index
        %swap3A_1742 = tpu.vector_load %arg16[%swap3A_1740, %swap3A_1741] {strides = array<i32>} : memref<128x256xf32, #tpu.memory_space<vmem>>, vector<1x16xf32>,
        %swap3A_1743 = vector.shape_cast %swap3A_1742 : vector<1x16xf32> to vector<16xf32>
        %swap3A_1744 = vector.shape_cast %broadcast_in_dim3A_1714 : vector<16xf32> to vector<1x16xf32>
        tpu.vector_store %arg16[%swap3A_1740, %swap3A_1741], %swap3A_1744 {strides = array<i32>} : memref<128x256xf32, #tpu.memory_space<vmem>>, vector<1x16xf32>,
        %swap3A_1745 = arith.index_cast %while3A_1724 : i32 to index
        %swap3A_1746 = arith.constant 64 : index
        %swap3A_1747 = tpu.vector_load %arg16[%swap3A_1745, %swap3A_1746] {strides = array<i32>} : memref<128x256xf32, #tpu.memory_space<vmem>>, vector<1x16xf32>,
        %swap3A_1748 = vector.shape_cast %swap3A_1747 : vector<1x16xf32> to vector<16xf32>
        %swap3A_1749 = vector.shape_cast %broadcast_in_dim3A_1714 : vector<16xf32> to vector<1x16xf32>
        tpu.vector_store %arg16[%swap3A_1745, %swap3A_1746], %swap3A_1749 {strides = array<i32>} : memref<128x256xf32, #tpu.memory_space<vmem>>, vector<1x16xf32>,
        %swap3A_1750 = arith.index_cast %while3A_1724 : i32 to index
        %swap3A_1751 = arith.constant 80 : index
        %swap3A_1752 = tpu.vector_load %arg16[%swap3A_1750, %swap3A_1751] {strides = array<i32>} : memref<128x256xf32, #tpu.memory_space<vmem>>, vector<1x16xf32>,
        %swap3A_1753 = vector.shape_cast %swap3A_1752 : vector<1x16xf32> to vector<16xf32>
        %swap3A_1754 = vector.shape_cast %broadcast_in_dim3A_1714 : vector<16xf32> to vector<1x16xf32>
        tpu.vector_store %arg16[%swap3A_1750, %swap3A_1751], %swap3A_1754 {strides = array<i32>} : memref<128x256xf32, #tpu.memory_space<vmem>>, vector<1x16xf32>,
        %swap3A_1755 = arith.index_cast %while3A_1724 : i32 to index
        %swap3A_1756 = arith.constant 96 : index
        %swap3A_1757 = tpu.vector_load %arg16[%swap3A_1755, %swap3A_1756] {strides = array<i32>} : memref<128x256xf32, #tpu.memory_space<vmem>>, vector<1x16xf32>,
        %swap3A_1758 = vector.shape_cast %swap3A_1757 : vector<1x16xf32> to vector<16xf32>
        %swap3A_1759 = vector.shape_cast %broadcast_in_dim3A_1714 : vector<16xf32> to vector<1x16xf32>
        tpu.vector_store %arg16[%swap3A_1755, %swap3A_1756], %swap3A_1759 {strides = array<i32>} : memref<128x256xf32, #tpu.memory_space<vmem>>, vector<1x16xf32>,
        %swap3A_1760 = arith.index_cast %while3A_1724 : i32 to index
        %swap3A_1761 = arith.constant 112 : index
        %swap3A_1762 = tpu.vector_load %arg16[%swap3A_1760, %swap3A_1761] {strides = array<i32>} : memref<128x256xf32, #tpu.memory_space<vmem>>, vector<1x16xf32>,
        %swap3A_1763 = vector.shape_cast %swap3A_1762 : vector<1x16xf32> to vector<16xf32>
        %swap3A_1764 = vector.shape_cast %broadcast_in_dim3A_1714 : vector<16xf32> to vector<1x16xf32>
        tpu.vector_store %arg16[%swap3A_1760, %swap3A_1761], %swap3A_1764 {strides = array<i32>} : memref<128x256xf32, #tpu.memory_space<vmem>>, vector<1x16xf32>,
        %swap3A_1765 = arith.index_cast %while3A_1724 : i32 to index
        %swap3A_1766 = arith.constant 128 : index
        %swap3A_1767 = tpu.vector_load %arg16[%swap3A_1765, %swap3A_1766] {strides = array<i32>} : memref<128x256xf32, #tpu.memory_space<vmem>>, vector<1x16xf32>,
        %swap3A_1768 = vector.shape_cast %swap3A_1767 : vector<1x16xf32> to vector<16xf32>
        %swap3A_1769 = vector.shape_cast %broadcast_in_dim3A_1714 : vector<16xf32> to vector<1x16xf32>
        tpu.vector_store %arg16[%swap3A_1765, %swap3A_1766], %swap3A_1769 {strides = array<i32>} : memref<128x256xf32, #tpu.memory_space<vmem>>, vector<1x16xf32>,
        %swap3A_1770 = arith.index_cast %while3A_1724 : i32 to index
        %swap3A_1771 = arith.constant 144 : index
        %swap3A_1772 = tpu.vector_load %arg16[%swap3A_1770, %swap3A_1771] {strides = array<i32>} : memref<128x256xf32, #tpu.memory_space<vmem>>, vector<1x16xf32>,
        %swap3A_1773 = vector.shape_cast %swap3A_1772 : vector<1x16xf32> to vector<16xf32>
        %swap3A_1774 = vector.shape_cast %broadcast_in_dim3A_1714 : vector<16xf32> to vector<1x16xf32>
        tpu.vector_store %arg16[%swap3A_1770, %swap3A_1771], %swap3A_1774 {strides = array<i32>} : memref<128x256xf32, #tpu.memory_space<vmem>>, vector<1x16xf32>,
        %swap3A_1775 = arith.index_cast %while3A_1724 : i32 to index
        %swap3A_1776 = arith.constant 160 : index
        %swap3A_1777 = tpu.vector_load %arg16[%swap3A_1775, %swap3A_1776] {strides = array<i32>} : memref<128x256xf32, #tpu.memory_space<vmem>>, vector<1x16xf32>,
        %swap3A_1778 = vector.shape_cast %swap3A_1777 : vector<1x16xf32> to vector<16xf32>
        %swap3A_1779 = vector.shape_cast %broadcast_in_dim3A_1714 : vector<16xf32> to vector<1x16xf32>
        tpu.vector_store %arg16[%swap3A_1775, %swap3A_1776], %swap3A_1779 {strides = array<i32>} : memref<128x256xf32, #tpu.memory_space<vmem>>, vector<1x16xf32>,
        %swap3A_1780 = arith.index_cast %while3A_1724 : i32 to index
        %swap3A_1781 = arith.constant 176 : index
        %swap3A_1782 = tpu.vector_load %arg16[%swap3A_1780, %swap3A_1781] {strides = array<i32>} : memref<128x256xf32, #tpu.memory_space<vmem>>, vector<1x16xf32>,
        %swap3A_1783 = vector.shape_cast %swap3A_1782 : vector<1x16xf32> to vector<16xf32>
        %swap3A_1784 = vector.shape_cast %broadcast_in_dim3A_1714 : vector<16xf32> to vector<1x16xf32>
        tpu.vector_store %arg16[%swap3A_1780, %swap3A_1781], %swap3A_1784 {strides = array<i32>} : memref<128x256xf32, #tpu.memory_space<vmem>>, vector<1x16xf32>,
        %swap3A_1785 = arith.index_cast %while3A_1724 : i32 to index
        %swap3A_1786 = arith.constant 192 : index
        %swap3A_1787 = tpu.vector_load %arg16[%swap3A_1785, %swap3A_1786] {strides = array<i32>} : memref<128x256xf32, #tpu.memory_space<vmem>>, vector<1x16xf32>,
        %swap3A_1788 = vector.shape_cast %swap3A_1787 : vector<1x16xf32> to vector<16xf32>
        %swap3A_1789 = vector.shape_cast %broadcast_in_dim3A_1714 : vector<16xf32> to vector<1x16xf32>
        tpu.vector_store %arg16[%swap3A_1785, %swap3A_1786], %swap3A_1789 {strides = array<i32>} : memref<128x256xf32, #tpu.memory_space<vmem>>, vector<1x16xf32>,
        %swap3A_1790 = arith.index_cast %while3A_1724 : i32 to index
        %swap3A_1791 = arith.constant 208 : index
        %swap3A_1792 = tpu.vector_load %arg16[%swap3A_1790, %swap3A_1791] {strides = array<i32>} : memref<128x256xf32, #tpu.memory_space<vmem>>, vector<1x16xf32>,
        %swap3A_1793 = vector.shape_cast %swap3A_1792 : vector<1x16xf32> to vector<16xf32>
        %swap3A_1794 = vector.shape_cast %broadcast_in_dim3A_1714 : vector<16xf32> to vector<1x16xf32>
        tpu.vector_store %arg16[%swap3A_1790, %swap3A_1791], %swap3A_1794 {strides = array<i32>} : memref<128x256xf32, #tpu.memory_space<vmem>>, vector<1x16xf32>,
        %swap3A_1795 = arith.index_cast %while3A_1724 : i32 to index
        %swap3A_1796 = arith.constant 224 : index
        %swap3A_1797 = tpu.vector_load %arg16[%swap3A_1795, %swap3A_1796] {strides = array<i32>} : memref<128x256xf32, #tpu.memory_space<vmem>>, vector<1x16xf32>,
        %swap3A_1798 = vector.shape_cast %swap3A_1797 : vector<1x16xf32> to vector<16xf32>
        %swap3A_1799 = vector.shape_cast %broadcast_in_dim3A_1714 : vector<16xf32> to vector<1x16xf32>
        tpu.vector_store %arg16[%swap3A_1795, %swap3A_1796], %swap3A_1799 {strides = array<i32>} : memref<128x256xf32, #tpu.memory_space<vmem>>, vector<1x16xf32>,
        %swap3A_1800 = arith.index_cast %while3A_1724 : i32 to index
        %swap3A_1801 = arith.constant 240 : index
        %swap3A_1802 = tpu.vector_load %arg16[%swap3A_1800, %swap3A_1801] {strides = array<i32>} : memref<128x256xf32, #tpu.memory_space<vmem>>, vector<1x16xf32>,
        %swap3A_1803 = vector.shape_cast %swap3A_1802 : vector<1x16xf32> to vector<16xf32>
        %swap3A_1804 = vector.shape_cast %broadcast_in_dim3A_1714 : vector<16xf32> to vector<1x16xf32>
        tpu.vector_store %arg16[%swap3A_1800, %swap3A_1801], %swap3A_1804 {strides = array<i32>} : memref<128x256xf32, #tpu.memory_space<vmem>>, vector<1x16xf32>,
      }
    } else {
    }
    %convert_element_type3A_1509 = arith.extui %gt3A_72 : i1 to i32
    %cond3A_1510 = arith.constant 0 : i32
    %cond3A_1511 = arith.cmpi ne, %convert_element_type3A_1509, %cond3A_1510 : i32
    scf.if %cond3A_1511 {
      %dma_start3A_1713 = arith.constant 0 : i32
      %dma_start3A_1714 = tpu.memref_slice %arg5[%add3A_77, %dma_start3A_1713] : memref<32768x256xf32, #tpu.memory_space<hbm>> -> memref<128x256xf32, #tpu.memory_space<hbm>>
      %dma_start3A_1715 = arith.constant 0 : i32
      %dma_start3A_1716 = tpu.memref_slice %arg5[%add3A_77, %dma_start3A_1715] : memref<32768x256xf32, #tpu.memory_space<hbm>> -> memref<128x256xf32, #tpu.memory_space<hbm>>
      tpu.enqueue_dma source(%arg16 : memref<128x256xf32, #tpu.memory_space<vmem>>) target(%dma_start3A_1716 : memref<128x256xf32, #tpu.memory_space<hbm>>) target_semaphore(%arg23 : memref<!tpu.dma_semaphore, #tpu.memory_space<semaphore_mem>>)
    } else {
    }
    %convert_element_type3A_1512 = arith.extui %gt3A_241 : i1 to i32
    %cond3A_1513 = arith.constant 0 : i32
    %cond3A_1514 = arith.cmpi ne, %convert_element_type3A_1512, %cond3A_1513 : i32
    scf.if %cond3A_1514 {
      %dma_start3A_1713 = arith.constant 0 : i32
      %dma_start3A_1714 = arith.constant 0 : i32
      %dma_start3A_1715 = tpu.memref_slice %arg2[%dma_start3A_1713, %dma_start3A_1714] : memref<4096x256xf32, #tpu.memory_space<hbm>> -> memref<4096x256xf32, #tpu.memory_space<hbm>>
      tpu.enqueue_indirect_dma source(%dma_start3A_1715 : memref<4096x256xf32, #tpu.memory_space<hbm>>) target(%arg18 : memref<128x256xf32, #tpu.memory_space<vmem>>) offsets(%arg9 : memref<128xi32, #tpu.memory_space<vmem>>) semaphore(%arg22 : memref<!tpu.dma_semaphore, #tpu.memory_space<semaphore_mem>>)
    } else {
    }
    %convert_element_type3A_1515 = arith.extui %gt3A_156 : i1 to i32
    %cond3A_1516 = arith.constant 0 : i32
    %cond3A_1517 = arith.cmpi ne, %convert_element_type3A_1515, %cond3A_1516 : i32
    scf.if %cond3A_1517 {
      %dma_wait3A_1713 = arith.constant 0 : i32
      %dma_wait3A_1714 = arith.constant 0 : i32
      %dma_wait3A_1715 = tpu.memref_slice %arg2[%dma_wait3A_1713, %dma_wait3A_1714] : memref<4096x256xf32, #tpu.memory_space<hbm>> -> memref<4096x256xf32, #tpu.memory_space<hbm>>
      tpu.wait_indirect_dma semaphore(%arg21 : memref<!tpu.dma_semaphore, #tpu.memory_space<semaphore_mem>>) src(%dma_wait3A_1715 : memref<4096x256xf32, #tpu.memory_space<hbm>>) dst(%arg17 : memref<128x256xf32, #tpu.memory_space<vmem>>)
    } else {
    }
    %lt3A_1518 = arith.constant 128 : i32
    %lt3A_1519 = arith.cmpi slt, %min3A_154, %lt3A_1518 : i32
    %and3A_1520 = arith.andi %gt3A_156, %lt3A_1519 : i1
    %convert_element_type3A_1521 = arith.extui %and3A_1520 : i1 to i32
    %cond3A_1522 = arith.constant 0 : i32
    %cond3A_1523 = arith.cmpi ne, %convert_element_type3A_1521, %cond3A_1522 : i32
    scf.if %cond3A_1523 {
      %broadcast_in_dim3A_1713 = arith.constant 0.000000e+00 : f32
      %broadcast_in_dim3A_1714 = vector.broadcast %broadcast_in_dim3A_1713 : f32 to vector<16xf32>
      %while3A = arith.constant 0 : i32
      %while3A_1715 = arith.constant 128 : i32
      %while3A_1716 = arith.subi %while3A_1715, %min3A_154 : i32
      %while3A_1717 = arith.addi %min3A_154, %while3A_1716 : i32
      %while3A_1718 = arith.constant 1 : i32
      %while3A_1719 = arith.divsi %while3A_1716, %while3A_1718 : i32
      %while3A_1720 = arith.muli %while3A_1719, %while3A_1718 : i32
      %while3A_1721 = arith.addi %min3A_154, %while3A_1720 : i32
      %while3A_1722 = arith.constant 1 : i32
      scf.for %while3A_1724 = %min3A_154 to %while3A_1721 step %while3A_1722  : i32 {
        %swap3A_1725 = arith.index_cast %while3A_1724 : i32 to index
        %swap3A_1726 = arith.constant 0 : index
        %swap3A_1727 = tpu.vector_load %arg17[%swap3A_1725, %swap3A_1726] {strides = array<i32>} : memref<128x256xf32, #tpu.memory_space<vmem>>, vector<1x16xf32>,
        %swap3A_1728 = vector.shape_cast %swap3A_1727 : vector<1x16xf32> to vector<16xf32>
        %swap3A_1729 = vector.shape_cast %broadcast_in_dim3A_1714 : vector<16xf32> to vector<1x16xf32>
        tpu.vector_store %arg17[%swap3A_1725, %swap3A_1726], %swap3A_1729 {strides = array<i32>} : memref<128x256xf32, #tpu.memory_space<vmem>>, vector<1x16xf32>,
        %swap3A_1730 = arith.index_cast %while3A_1724 : i32 to index
        %swap3A_1731 = arith.constant 16 : index
        %swap3A_1732 = tpu.vector_load %arg17[%swap3A_1730, %swap3A_1731] {strides = array<i32>} : memref<128x256xf32, #tpu.memory_space<vmem>>, vector<1x16xf32>,
        %swap3A_1733 = vector.shape_cast %swap3A_1732 : vector<1x16xf32> to vector<16xf32>
        %swap3A_1734 = vector.shape_cast %broadcast_in_dim3A_1714 : vector<16xf32> to vector<1x16xf32>
        tpu.vector_store %arg17[%swap3A_1730, %swap3A_1731], %swap3A_1734 {strides = array<i32>} : memref<128x256xf32, #tpu.memory_space<vmem>>, vector<1x16xf32>,
        %swap3A_1735 = arith.index_cast %while3A_1724 : i32 to index
        %swap3A_1736 = arith.constant 32 : index
        %swap3A_1737 = tpu.vector_load %arg17[%swap3A_1735, %swap3A_1736] {strides = array<i32>} : memref<128x256xf32, #tpu.memory_space<vmem>>, vector<1x16xf32>,
        %swap3A_1738 = vector.shape_cast %swap3A_1737 : vector<1x16xf32> to vector<16xf32>
        %swap3A_1739 = vector.shape_cast %broadcast_in_dim3A_1714 : vector<16xf32> to vector<1x16xf32>
        tpu.vector_store %arg17[%swap3A_1735, %swap3A_1736], %swap3A_1739 {strides = array<i32>} : memref<128x256xf32, #tpu.memory_space<vmem>>, vector<1x16xf32>,
        %swap3A_1740 = arith.index_cast %while3A_1724 : i32 to index
        %swap3A_1741 = arith.constant 48 : index
        %swap3A_1742 = tpu.vector_load %arg17[%swap3A_1740, %swap3A_1741] {strides = array<i32>} : memref<128x256xf32, #tpu.memory_space<vmem>>, vector<1x16xf32>,
        %swap3A_1743 = vector.shape_cast %swap3A_1742 : vector<1x16xf32> to vector<16xf32>
        %swap3A_1744 = vector.shape_cast %broadcast_in_dim3A_1714 : vector<16xf32> to vector<1x16xf32>
        tpu.vector_store %arg17[%swap3A_1740, %swap3A_1741], %swap3A_1744 {strides = array<i32>} : memref<128x256xf32, #tpu.memory_space<vmem>>, vector<1x16xf32>,
        %swap3A_1745 = arith.index_cast %while3A_1724 : i32 to index
        %swap3A_1746 = arith.constant 64 : index
        %swap3A_1747 = tpu.vector_load %arg17[%swap3A_1745, %swap3A_1746] {strides = array<i32>} : memref<128x256xf32, #tpu.memory_space<vmem>>, vector<1x16xf32>,
        %swap3A_1748 = vector.shape_cast %swap3A_1747 : vector<1x16xf32> to vector<16xf32>
        %swap3A_1749 = vector.shape_cast %broadcast_in_dim3A_1714 : vector<16xf32> to vector<1x16xf32>
        tpu.vector_store %arg17[%swap3A_1745, %swap3A_1746], %swap3A_1749 {strides = array<i32>} : memref<128x256xf32, #tpu.memory_space<vmem>>, vector<1x16xf32>,
        %swap3A_1750 = arith.index_cast %while3A_1724 : i32 to index
        %swap3A_1751 = arith.constant 80 : index
        %swap3A_1752 = tpu.vector_load %arg17[%swap3A_1750, %swap3A_1751] {strides = array<i32>} : memref<128x256xf32, #tpu.memory_space<vmem>>, vector<1x16xf32>,
        %swap3A_1753 = vector.shape_cast %swap3A_1752 : vector<1x16xf32> to vector<16xf32>
        %swap3A_1754 = vector.shape_cast %broadcast_in_dim3A_1714 : vector<16xf32> to vector<1x16xf32>
        tpu.vector_store %arg17[%swap3A_1750, %swap3A_1751], %swap3A_1754 {strides = array<i32>} : memref<128x256xf32, #tpu.memory_space<vmem>>, vector<1x16xf32>,
        %swap3A_1755 = arith.index_cast %while3A_1724 : i32 to index
        %swap3A_1756 = arith.constant 96 : index
        %swap3A_1757 = tpu.vector_load %arg17[%swap3A_1755, %swap3A_1756] {strides = array<i32>} : memref<128x256xf32, #tpu.memory_space<vmem>>, vector<1x16xf32>,
        %swap3A_1758 = vector.shape_cast %swap3A_1757 : vector<1x16xf32> to vector<16xf32>
        %swap3A_1759 = vector.shape_cast %broadcast_in_dim3A_1714 : vector<16xf32> to vector<1x16xf32>
        tpu.vector_store %arg17[%swap3A_1755, %swap3A_1756], %swap3A_1759 {strides = array<i32>} : memref<128x256xf32, #tpu.memory_space<vmem>>, vector<1x16xf32>,
        %swap3A_1760 = arith.index_cast %while3A_1724 : i32 to index
        %swap3A_1761 = arith.constant 112 : index
        %swap3A_1762 = tpu.vector_load %arg17[%swap3A_1760, %swap3A_1761] {strides = array<i32>} : memref<128x256xf32, #tpu.memory_space<vmem>>, vector<1x16xf32>,
        %swap3A_1763 = vector.shape_cast %swap3A_1762 : vector<1x16xf32> to vector<16xf32>
        %swap3A_1764 = vector.shape_cast %broadcast_in_dim3A_1714 : vector<16xf32> to vector<1x16xf32>
        tpu.vector_store %arg17[%swap3A_1760, %swap3A_1761], %swap3A_1764 {strides = array<i32>} : memref<128x256xf32, #tpu.memory_space<vmem>>, vector<1x16xf32>,
        %swap3A_1765 = arith.index_cast %while3A_1724 : i32 to index
        %swap3A_1766 = arith.constant 128 : index
        %swap3A_1767 = tpu.vector_load %arg17[%swap3A_1765, %swap3A_1766] {strides = array<i32>} : memref<128x256xf32, #tpu.memory_space<vmem>>, vector<1x16xf32>,
        %swap3A_1768 = vector.shape_cast %swap3A_1767 : vector<1x16xf32> to vector<16xf32>
        %swap3A_1769 = vector.shape_cast %broadcast_in_dim3A_1714 : vector<16xf32> to vector<1x16xf32>
        tpu.vector_store %arg17[%swap3A_1765, %swap3A_1766], %swap3A_1769 {strides = array<i32>} : memref<128x256xf32, #tpu.memory_space<vmem>>, vector<1x16xf32>,
        %swap3A_1770 = arith.index_cast %while3A_1724 : i32 to index
        %swap3A_1771 = arith.constant 144 : index
        %swap3A_1772 = tpu.vector_load %arg17[%swap3A_1770, %swap3A_1771] {strides = array<i32>} : memref<128x256xf32, #tpu.memory_space<vmem>>, vector<1x16xf32>,
        %swap3A_1773 = vector.shape_cast %swap3A_1772 : vector<1x16xf32> to vector<16xf32>
        %swap3A_1774 = vector.shape_cast %broadcast_in_dim3A_1714 : vector<16xf32> to vector<1x16xf32>
        tpu.vector_store %arg17[%swap3A_1770, %swap3A_1771], %swap3A_1774 {strides = array<i32>} : memref<128x256xf32, #tpu.memory_space<vmem>>, vector<1x16xf32>,
        %swap3A_1775 = arith.index_cast %while3A_1724 : i32 to index
        %swap3A_1776 = arith.constant 160 : index
        %swap3A_1777 = tpu.vector_load %arg17[%swap3A_1775, %swap3A_1776] {strides = array<i32>} : memref<128x256xf32, #tpu.memory_space<vmem>>, vector<1x16xf32>,
        %swap3A_1778 = vector.shape_cast %swap3A_1777 : vector<1x16xf32> to vector<16xf32>
        %swap3A_1779 = vector.shape_cast %broadcast_in_dim3A_1714 : vector<16xf32> to vector<1x16xf32>
        tpu.vector_store %arg17[%swap3A_1775, %swap3A_1776], %swap3A_1779 {strides = array<i32>} : memref<128x256xf32, #tpu.memory_space<vmem>>, vector<1x16xf32>,
        %swap3A_1780 = arith.index_cast %while3A_1724 : i32 to index
        %swap3A_1781 = arith.constant 176 : index
        %swap3A_1782 = tpu.vector_load %arg17[%swap3A_1780, %swap3A_1781] {strides = array<i32>} : memref<128x256xf32, #tpu.memory_space<vmem>>, vector<1x16xf32>,
        %swap3A_1783 = vector.shape_cast %swap3A_1782 : vector<1x16xf32> to vector<16xf32>
        %swap3A_1784 = vector.shape_cast %broadcast_in_dim3A_1714 : vector<16xf32> to vector<1x16xf32>
        tpu.vector_store %arg17[%swap3A_1780, %swap3A_1781], %swap3A_1784 {strides = array<i32>} : memref<128x256xf32, #tpu.memory_space<vmem>>, vector<1x16xf32>,
        %swap3A_1785 = arith.index_cast %while3A_1724 : i32 to index
        %swap3A_1786 = arith.constant 192 : index
        %swap3A_1787 = tpu.vector_load %arg17[%swap3A_1785, %swap3A_1786] {strides = array<i32>} : memref<128x256xf32, #tpu.memory_space<vmem>>, vector<1x16xf32>,
        %swap3A_1788 = vector.shape_cast %swap3A_1787 : vector<1x16xf32> to vector<16xf32>
        %swap3A_1789 = vector.shape_cast %broadcast_in_dim3A_1714 : vector<16xf32> to vector<1x16xf32>
        tpu.vector_store %arg17[%swap3A_1785, %swap3A_1786], %swap3A_1789 {strides = array<i32>} : memref<128x256xf32, #tpu.memory_space<vmem>>, vector<1x16xf32>,
        %swap3A_1790 = arith.index_cast %while3A_1724 : i32 to index
        %swap3A_1791 = arith.constant 208 : index
        %swap3A_1792 = tpu.vector_load %arg17[%swap3A_1790, %swap3A_1791] {strides = array<i32>} : memref<128x256xf32, #tpu.memory_space<vmem>>, vector<1x16xf32>,
        %swap3A_1793 = vector.shape_cast %swap3A_1792 : vector<1x16xf32> to vector<16xf32>
        %swap3A_1794 = vector.shape_cast %broadcast_in_dim3A_1714 : vector<16xf32> to vector<1x16xf32>
        tpu.vector_store %arg17[%swap3A_1790, %swap3A_1791], %swap3A_1794 {strides = array<i32>} : memref<128x256xf32, #tpu.memory_space<vmem>>, vector<1x16xf32>,
        %swap3A_1795 = arith.index_cast %while3A_1724 : i32 to index
        %swap3A_1796 = arith.constant 224 : index
        %swap3A_1797 = tpu.vector_load %arg17[%swap3A_1795, %swap3A_1796] {strides = array<i32>} : memref<128x256xf32, #tpu.memory_space<vmem>>, vector<1x16xf32>,
        %swap3A_1798 = vector.shape_cast %swap3A_1797 : vector<1x16xf32> to vector<16xf32>
        %swap3A_1799 = vector.shape_cast %broadcast_in_dim3A_1714 : vector<16xf32> to vector<1x16xf32>
        tpu.vector_store %arg17[%swap3A_1795, %swap3A_1796], %swap3A_1799 {strides = array<i32>} : memref<128x256xf32, #tpu.memory_space<vmem>>, vector<1x16xf32>,
        %swap3A_1800 = arith.index_cast %while3A_1724 : i32 to index
        %swap3A_1801 = arith.constant 240 : index
        %swap3A_1802 = tpu.vector_load %arg17[%swap3A_1800, %swap3A_1801] {strides = array<i32>} : memref<128x256xf32, #tpu.memory_space<vmem>>, vector<1x16xf32>,
        %swap3A_1803 = vector.shape_cast %swap3A_1802 : vector<1x16xf32> to vector<16xf32>
        %swap3A_1804 = vector.shape_cast %broadcast_in_dim3A_1714 : vector<16xf32> to vector<1x16xf32>
        tpu.vector_store %arg17[%swap3A_1800, %swap3A_1801], %swap3A_1804 {strides = array<i32>} : memref<128x256xf32, #tpu.memory_space<vmem>>, vector<1x16xf32>,
      }
      %while3A_1723 = arith.constant 1 : i32
      scf.for %while3A_1724 = %while3A_1721 to %while3A_1717 step %while3A_1723  : i32 {
        %swap3A_1725 = arith.index_cast %while3A_1724 : i32 to index
        %swap3A_1726 = arith.constant 0 : index
        %swap3A_1727 = tpu.vector_load %arg17[%swap3A_1725, %swap3A_1726] {strides = array<i32>} : memref<128x256xf32, #tpu.memory_space<vmem>>, vector<1x16xf32>,
        %swap3A_1728 = vector.shape_cast %swap3A_1727 : vector<1x16xf32> to vector<16xf32>
        %swap3A_1729 = vector.shape_cast %broadcast_in_dim3A_1714 : vector<16xf32> to vector<1x16xf32>
        tpu.vector_store %arg17[%swap3A_1725, %swap3A_1726], %swap3A_1729 {strides = array<i32>} : memref<128x256xf32, #tpu.memory_space<vmem>>, vector<1x16xf32>,
        %swap3A_1730 = arith.index_cast %while3A_1724 : i32 to index
        %swap3A_1731 = arith.constant 16 : index
        %swap3A_1732 = tpu.vector_load %arg17[%swap3A_1730, %swap3A_1731] {strides = array<i32>} : memref<128x256xf32, #tpu.memory_space<vmem>>, vector<1x16xf32>,
        %swap3A_1733 = vector.shape_cast %swap3A_1732 : vector<1x16xf32> to vector<16xf32>
        %swap3A_1734 = vector.shape_cast %broadcast_in_dim3A_1714 : vector<16xf32> to vector<1x16xf32>
        tpu.vector_store %arg17[%swap3A_1730, %swap3A_1731], %swap3A_1734 {strides = array<i32>} : memref<128x256xf32, #tpu.memory_space<vmem>>, vector<1x16xf32>,
        %swap3A_1735 = arith.index_cast %while3A_1724 : i32 to index
        %swap3A_1736 = arith.constant 32 : index
        %swap3A_1737 = tpu.vector_load %arg17[%swap3A_1735, %swap3A_1736] {strides = array<i32>} : memref<128x256xf32, #tpu.memory_space<vmem>>, vector<1x16xf32>,
        %swap3A_1738 = vector.shape_cast %swap3A_1737 : vector<1x16xf32> to vector<16xf32>
        %swap3A_1739 = vector.shape_cast %broadcast_in_dim3A_1714 : vector<16xf32> to vector<1x16xf32>
        tpu.vector_store %arg17[%swap3A_1735, %swap3A_1736], %swap3A_1739 {strides = array<i32>} : memref<128x256xf32, #tpu.memory_space<vmem>>, vector<1x16xf32>,
        %swap3A_1740 = arith.index_cast %while3A_1724 : i32 to index
        %swap3A_1741 = arith.constant 48 : index
        %swap3A_1742 = tpu.vector_load %arg17[%swap3A_1740, %swap3A_1741] {strides = array<i32>} : memref<128x256xf32, #tpu.memory_space<vmem>>, vector<1x16xf32>,
        %swap3A_1743 = vector.shape_cast %swap3A_1742 : vector<1x16xf32> to vector<16xf32>
        %swap3A_1744 = vector.shape_cast %broadcast_in_dim3A_1714 : vector<16xf32> to vector<1x16xf32>
        tpu.vector_store %arg17[%swap3A_1740, %swap3A_1741], %swap3A_1744 {strides = array<i32>} : memref<128x256xf32, #tpu.memory_space<vmem>>, vector<1x16xf32>,
        %swap3A_1745 = arith.index_cast %while3A_1724 : i32 to index
        %swap3A_1746 = arith.constant 64 : index
        %swap3A_1747 = tpu.vector_load %arg17[%swap3A_1745, %swap3A_1746] {strides = array<i32>} : memref<128x256xf32, #tpu.memory_space<vmem>>, vector<1x16xf32>,
        %swap3A_1748 = vector.shape_cast %swap3A_1747 : vector<1x16xf32> to vector<16xf32>
        %swap3A_1749 = vector.shape_cast %broadcast_in_dim3A_1714 : vector<16xf32> to vector<1x16xf32>
        tpu.vector_store %arg17[%swap3A_1745, %swap3A_1746], %swap3A_1749 {strides = array<i32>} : memref<128x256xf32, #tpu.memory_space<vmem>>, vector<1x16xf32>,
        %swap3A_1750 = arith.index_cast %while3A_1724 : i32 to index
        %swap3A_1751 = arith.constant 80 : index
        %swap3A_1752 = tpu.vector_load %arg17[%swap3A_1750, %swap3A_1751] {strides = array<i32>} : memref<128x256xf32, #tpu.memory_space<vmem>>, vector<1x16xf32>,
        %swap3A_1753 = vector.shape_cast %swap3A_1752 : vector<1x16xf32> to vector<16xf32>
        %swap3A_1754 = vector.shape_cast %broadcast_in_dim3A_1714 : vector<16xf32> to vector<1x16xf32>
        tpu.vector_store %arg17[%swap3A_1750, %swap3A_1751], %swap3A_1754 {strides = array<i32>} : memref<128x256xf32, #tpu.memory_space<vmem>>, vector<1x16xf32>,
        %swap3A_1755 = arith.index_cast %while3A_1724 : i32 to index
        %swap3A_1756 = arith.constant 96 : index
        %swap3A_1757 = tpu.vector_load %arg17[%swap3A_1755, %swap3A_1756] {strides = array<i32>} : memref<128x256xf32, #tpu.memory_space<vmem>>, vector<1x16xf32>,
        %swap3A_1758 = vector.shape_cast %swap3A_1757 : vector<1x16xf32> to vector<16xf32>
        %swap3A_1759 = vector.shape_cast %broadcast_in_dim3A_1714 : vector<16xf32> to vector<1x16xf32>
        tpu.vector_store %arg17[%swap3A_1755, %swap3A_1756], %swap3A_1759 {strides = array<i32>} : memref<128x256xf32, #tpu.memory_space<vmem>>, vector<1x16xf32>,
        %swap3A_1760 = arith.index_cast %while3A_1724 : i32 to index
        %swap3A_1761 = arith.constant 112 : index
        %swap3A_1762 = tpu.vector_load %arg17[%swap3A_1760, %swap3A_1761] {strides = array<i32>} : memref<128x256xf32, #tpu.memory_space<vmem>>, vector<1x16xf32>,
        %swap3A_1763 = vector.shape_cast %swap3A_1762 : vector<1x16xf32> to vector<16xf32>
        %swap3A_1764 = vector.shape_cast %broadcast_in_dim3A_1714 : vector<16xf32> to vector<1x16xf32>
        tpu.vector_store %arg17[%swap3A_1760, %swap3A_1761], %swap3A_1764 {strides = array<i32>} : memref<128x256xf32, #tpu.memory_space<vmem>>, vector<1x16xf32>,
        %swap3A_1765 = arith.index_cast %while3A_1724 : i32 to index
        %swap3A_1766 = arith.constant 128 : index
        %swap3A_1767 = tpu.vector_load %arg17[%swap3A_1765, %swap3A_1766] {strides = array<i32>} : memref<128x256xf32, #tpu.memory_space<vmem>>, vector<1x16xf32>,
        %swap3A_1768 = vector.shape_cast %swap3A_1767 : vector<1x16xf32> to vector<16xf32>
        %swap3A_1769 = vector.shape_cast %broadcast_in_dim3A_1714 : vector<16xf32> to vector<1x16xf32>
        tpu.vector_store %arg17[%swap3A_1765, %swap3A_1766], %swap3A_1769 {strides = array<i32>} : memref<128x256xf32, #tpu.memory_space<vmem>>, vector<1x16xf32>,
        %swap3A_1770 = arith.index_cast %while3A_1724 : i32 to index
        %swap3A_1771 = arith.constant 144 : index
        %swap3A_1772 = tpu.vector_load %arg17[%swap3A_1770, %swap3A_1771] {strides = array<i32>} : memref<128x256xf32, #tpu.memory_space<vmem>>, vector<1x16xf32>,
        %swap3A_1773 = vector.shape_cast %swap3A_1772 : vector<1x16xf32> to vector<16xf32>
        %swap3A_1774 = vector.shape_cast %broadcast_in_dim3A_1714 : vector<16xf32> to vector<1x16xf32>
        tpu.vector_store %arg17[%swap3A_1770, %swap3A_1771], %swap3A_1774 {strides = array<i32>} : memref<128x256xf32, #tpu.memory_space<vmem>>, vector<1x16xf32>,
        %swap3A_1775 = arith.index_cast %while3A_1724 : i32 to index
        %swap3A_1776 = arith.constant 160 : index
        %swap3A_1777 = tpu.vector_load %arg17[%swap3A_1775, %swap3A_1776] {strides = array<i32>} : memref<128x256xf32, #tpu.memory_space<vmem>>, vector<1x16xf32>,
        %swap3A_1778 = vector.shape_cast %swap3A_1777 : vector<1x16xf32> to vector<16xf32>
        %swap3A_1779 = vector.shape_cast %broadcast_in_dim3A_1714 : vector<16xf32> to vector<1x16xf32>
        tpu.vector_store %arg17[%swap3A_1775, %swap3A_1776], %swap3A_1779 {strides = array<i32>} : memref<128x256xf32, #tpu.memory_space<vmem>>, vector<1x16xf32>,
        %swap3A_1780 = arith.index_cast %while3A_1724 : i32 to index
        %swap3A_1781 = arith.constant 176 : index
        %swap3A_1782 = tpu.vector_load %arg17[%swap3A_1780, %swap3A_1781] {strides = array<i32>} : memref<128x256xf32, #tpu.memory_space<vmem>>, vector<1x16xf32>,
        %swap3A_1783 = vector.shape_cast %swap3A_1782 : vector<1x16xf32> to vector<16xf32>
        %swap3A_1784 = vector.shape_cast %broadcast_in_dim3A_1714 : vector<16xf32> to vector<1x16xf32>
        tpu.vector_store %arg17[%swap3A_1780, %swap3A_1781], %swap3A_1784 {strides = array<i32>} : memref<128x256xf32, #tpu.memory_space<vmem>>, vector<1x16xf32>,
        %swap3A_1785 = arith.index_cast %while3A_1724 : i32 to index
        %swap3A_1786 = arith.constant 192 : index
        %swap3A_1787 = tpu.vector_load %arg17[%swap3A_1785, %swap3A_1786] {strides = array<i32>} : memref<128x256xf32, #tpu.memory_space<vmem>>, vector<1x16xf32>,
        %swap3A_1788 = vector.shape_cast %swap3A_1787 : vector<1x16xf32> to vector<16xf32>
        %swap3A_1789 = vector.shape_cast %broadcast_in_dim3A_1714 : vector<16xf32> to vector<1x16xf32>
        tpu.vector_store %arg17[%swap3A_1785, %swap3A_1786], %swap3A_1789 {strides = array<i32>} : memref<128x256xf32, #tpu.memory_space<vmem>>, vector<1x16xf32>,
        %swap3A_1790 = arith.index_cast %while3A_1724 : i32 to index
        %swap3A_1791 = arith.constant 208 : index
        %swap3A_1792 = tpu.vector_load %arg17[%swap3A_1790, %swap3A_1791] {strides = array<i32>} : memref<128x256xf32, #tpu.memory_space<vmem>>, vector<1x16xf32>,
        %swap3A_1793 = vector.shape_cast %swap3A_1792 : vector<1x16xf32> to vector<16xf32>
        %swap3A_1794 = vector.shape_cast %broadcast_in_dim3A_1714 : vector<16xf32> to vector<1x16xf32>
        tpu.vector_store %arg17[%swap3A_1790, %swap3A_1791], %swap3A_1794 {strides = array<i32>} : memref<128x256xf32, #tpu.memory_space<vmem>>, vector<1x16xf32>,
        %swap3A_1795 = arith.index_cast %while3A_1724 : i32 to index
        %swap3A_1796 = arith.constant 224 : index
        %swap3A_1797 = tpu.vector_load %arg17[%swap3A_1795, %swap3A_1796] {strides = array<i32>} : memref<128x256xf32, #tpu.memory_space<vmem>>, vector<1x16xf32>,
        %swap3A_1798 = vector.shape_cast %swap3A_1797 : vector<1x16xf32> to vector<16xf32>
        %swap3A_1799 = vector.shape_cast %broadcast_in_dim3A_1714 : vector<16xf32> to vector<1x16xf32>
        tpu.vector_store %arg17[%swap3A_1795, %swap3A_1796], %swap3A_1799 {strides = array<i32>} : memref<128x256xf32, #tpu.memory_space<vmem>>, vector<1x16xf32>,
        %swap3A_1800 = arith.index_cast %while3A_1724 : i32 to index
        %swap3A_1801 = arith.constant 240 : index
        %swap3A_1802 = tpu.vector_load %arg17[%swap3A_1800, %swap3A_1801] {strides = array<i32>} : memref<128x256xf32, #tpu.memory_space<vmem>>, vector<1x16xf32>,
        %swap3A_1803 = vector.shape_cast %swap3A_1802 : vector<1x16xf32> to vector<16xf32>
        %swap3A_1804 = vector.shape_cast %broadcast_in_dim3A_1714 : vector<16xf32> to vector<1x16xf32>
        tpu.vector_store %arg17[%swap3A_1800, %swap3A_1801], %swap3A_1804 {strides = array<i32>} : memref<128x256xf32, #tpu.memory_space<vmem>>, vector<1x16xf32>,
      }
    } else {
    }
    %convert_element_type3A_1524 = arith.extui %gt3A_156 : i1 to i32
    %cond3A_1525 = arith.constant 0 : i32
    %cond3A_1526 = arith.cmpi ne, %convert_element_type3A_1524, %cond3A_1525 : i32
    scf.if %cond3A_1526 {
      %dma_start3A_1713 = arith.constant 0 : i32
      %dma_start3A_1714 = tpu.memref_slice %arg5[%add3A_161, %dma_start3A_1713] : memref<32768x256xf32, #tpu.memory_space<hbm>> -> memref<128x256xf32, #tpu.memory_space<hbm>>
      %dma_start3A_1715 = arith.constant 0 : i32
      %dma_start3A_1716 = tpu.memref_slice %arg5[%add3A_161, %dma_start3A_1715] : memref<32768x256xf32, #tpu.memory_space<hbm>> -> memref<128x256xf32, #tpu.memory_space<hbm>>
      tpu.enqueue_dma source(%arg17 : memref<128x256xf32, #tpu.memory_space<vmem>>) target(%dma_start3A_1716 : memref<128x256xf32, #tpu.memory_space<hbm>>) target_semaphore(%arg24 : memref<!tpu.dma_semaphore, #tpu.memory_space<semaphore_mem>>)
    } else {
    }
    %and3A_1527 = arith.andi %gt3A_326, %gt3A_72 : i1
    %convert_element_type3A_1528 = arith.extui %and3A_1527 : i1 to i32
    %cond3A_1529 = arith.constant 0 : i32
    %cond3A_1530 = arith.cmpi ne, %convert_element_type3A_1528, %cond3A_1529 : i32
    scf.if %cond3A_1530 {
      %dma_wait3A_1713 = arith.constant 0 : i32
      %dma_wait3A_1714 = tpu.memref_slice %arg5[%add3A_77, %dma_wait3A_1713] : memref<32768x256xf32, #tpu.memory_space<hbm>> -> memref<128x256xf32, #tpu.memory_space<hbm>>
      %dma_wait3A_1715 = arith.constant 0 : i32
      %dma_wait3A_1716 = tpu.memref_slice %arg5[%add3A_77, %dma_wait3A_1715] : memref<32768x256xf32, #tpu.memory_space<hbm>> -> memref<128x256xf32, #tpu.memory_space<hbm>>
      tpu.wait_dma2 semaphore(%arg23 : memref<!tpu.dma_semaphore, #tpu.memory_space<semaphore_mem>>) src(%arg16 : memref<128x256xf32, #tpu.memory_space<vmem>>) dst(%dma_wait3A_1716 : memref<128x256xf32, #tpu.memory_space<hbm>>)
    } else {
    }
    %convert_element_type3A_1531 = arith.extui %gt3A_326 : i1 to i32
    %cond3A_1532 = arith.constant 0 : i32
    %cond3A_1533 = arith.cmpi ne, %convert_element_type3A_1531, %cond3A_1532 : i32
    scf.if %cond3A_1533 {
      %dma_start3A_1713 = arith.constant 0 : i32
      %dma_start3A_1714 = arith.constant 0 : i32
      %dma_start3A_1715 = tpu.memref_slice %arg2[%dma_start3A_1713, %dma_start3A_1714] : memref<4096x256xf32, #tpu.memory_space<hbm>> -> memref<4096x256xf32, #tpu.memory_space<hbm>>
      tpu.enqueue_indirect_dma source(%dma_start3A_1715 : memref<4096x256xf32, #tpu.memory_space<hbm>>) target(%arg16 : memref<128x256xf32, #tpu.memory_space<vmem>>) offsets(%arg10 : memref<128xi32, #tpu.memory_space<vmem>>) semaphore(%arg20 : memref<!tpu.dma_semaphore, #tpu.memory_space<semaphore_mem>>)
    } else {
    }
    %convert_element_type3A_1534 = arith.extui %gt3A_241 : i1 to i32
    %cond3A_1535 = arith.constant 0 : i32
    %cond3A_1536 = arith.cmpi ne, %convert_element_type3A_1534, %cond3A_1535 : i32
    scf.if %cond3A_1536 {
      %dma_wait3A_1713 = arith.constant 0 : i32
      %dma_wait3A_1714 = arith.constant 0 : i32
      %dma_wait3A_1715 = tpu.memref_slice %arg2[%dma_wait3A_1713, %dma_wait3A_1714] : memref<4096x256xf32, #tpu.memory_space<hbm>> -> memref<4096x256xf32, #tpu.memory_space<hbm>>
      tpu.wait_indirect_dma semaphore(%arg22 : memref<!tpu.dma_semaphore, #tpu.memory_space<semaphore_mem>>) src(%dma_wait3A_1715 : memref<4096x256xf32, #tpu.memory_space<hbm>>) dst(%arg18 : memref<128x256xf32, #tpu.memory_space<vmem>>)
    } else {
    }
    %lt3A_1537 = arith.constant 128 : i32
    %lt3A_1538 = arith.cmpi slt, %min3A_239, %lt3A_1537 : i32
    %and3A_1539 = arith.andi %gt3A_241, %lt3A_1538 : i1
    %convert_element_type3A_1540 = arith.extui %and3A_1539 : i1 to i32
    %cond3A_1541 = arith.constant 0 : i32
    %cond3A_1542 = arith.cmpi ne, %convert_element_type3A_1540, %cond3A_1541 : i32
    scf.if %cond3A_1542 {
      %broadcast_in_dim3A_1713 = arith.constant 0.000000e+00 : f32
      %broadcast_in_dim3A_1714 = vector.broadcast %broadcast_in_dim3A_1713 : f32 to vector<16xf32>
      %while3A = arith.constant 0 : i32
      %while3A_1715 = arith.constant 128 : i32
      %while3A_1716 = arith.subi %while3A_1715, %min3A_239 : i32
      %while3A_1717 = arith.addi %min3A_239, %while3A_1716 : i32
      %while3A_1718 = arith.constant 1 : i32
      %while3A_1719 = arith.divsi %while3A_1716, %while3A_1718 : i32
      %while3A_1720 = arith.muli %while3A_1719, %while3A_1718 : i32
      %while3A_1721 = arith.addi %min3A_239, %while3A_1720 : i32
      %while3A_1722 = arith.constant 1 : i32
      scf.for %while3A_1724 = %min3A_239 to %while3A_1721 step %while3A_1722  : i32 {
        %swap3A_1725 = arith.index_cast %while3A_1724 : i32 to index
        %swap3A_1726 = arith.constant 0 : index
        %swap3A_1727 = tpu.vector_load %arg18[%swap3A_1725, %swap3A_1726] {strides = array<i32>} : memref<128x256xf32, #tpu.memory_space<vmem>>, vector<1x16xf32>,
        %swap3A_1728 = vector.shape_cast %swap3A_1727 : vector<1x16xf32> to vector<16xf32>
        %swap3A_1729 = vector.shape_cast %broadcast_in_dim3A_1714 : vector<16xf32> to vector<1x16xf32>
        tpu.vector_store %arg18[%swap3A_1725, %swap3A_1726], %swap3A_1729 {strides = array<i32>} : memref<128x256xf32, #tpu.memory_space<vmem>>, vector<1x16xf32>,
        %swap3A_1730 = arith.index_cast %while3A_1724 : i32 to index
        %swap3A_1731 = arith.constant 16 : index
        %swap3A_1732 = tpu.vector_load %arg18[%swap3A_1730, %swap3A_1731] {strides = array<i32>} : memref<128x256xf32, #tpu.memory_space<vmem>>, vector<1x16xf32>,
        %swap3A_1733 = vector.shape_cast %swap3A_1732 : vector<1x16xf32> to vector<16xf32>
        %swap3A_1734 = vector.shape_cast %broadcast_in_dim3A_1714 : vector<16xf32> to vector<1x16xf32>
        tpu.vector_store %arg18[%swap3A_1730, %swap3A_1731], %swap3A_1734 {strides = array<i32>} : memref<128x256xf32, #tpu.memory_space<vmem>>, vector<1x16xf32>,
        %swap3A_1735 = arith.index_cast %while3A_1724 : i32 to index
        %swap3A_1736 = arith.constant 32 : index
        %swap3A_1737 = tpu.vector_load %arg18[%swap3A_1735, %swap3A_1736] {strides = array<i32>} : memref<128x256xf32, #tpu.memory_space<vmem>>, vector<1x16xf32>,
        %swap3A_1738 = vector.shape_cast %swap3A_1737 : vector<1x16xf32> to vector<16xf32>
        %swap3A_1739 = vector.shape_cast %broadcast_in_dim3A_1714 : vector<16xf32> to vector<1x16xf32>
        tpu.vector_store %arg18[%swap3A_1735, %swap3A_1736], %swap3A_1739 {strides = array<i32>} : memref<128x256xf32, #tpu.memory_space<vmem>>, vector<1x16xf32>,
        %swap3A_1740 = arith.index_cast %while3A_1724 : i32 to index
        %swap3A_1741 = arith.constant 48 : index
        %swap3A_1742 = tpu.vector_load %arg18[%swap3A_1740, %swap3A_1741] {strides = array<i32>} : memref<128x256xf32, #tpu.memory_space<vmem>>, vector<1x16xf32>,
        %swap3A_1743 = vector.shape_cast %swap3A_1742 : vector<1x16xf32> to vector<16xf32>
        %swap3A_1744 = vector.shape_cast %broadcast_in_dim3A_1714 : vector<16xf32> to vector<1x16xf32>
        tpu.vector_store %arg18[%swap3A_1740, %swap3A_1741], %swap3A_1744 {strides = array<i32>} : memref<128x256xf32, #tpu.memory_space<vmem>>, vector<1x16xf32>,
        %swap3A_1745 = arith.index_cast %while3A_1724 : i32 to index
        %swap3A_1746 = arith.constant 64 : index
        %swap3A_1747 = tpu.vector_load %arg18[%swap3A_1745, %swap3A_1746] {strides = array<i32>} : memref<128x256xf32, #tpu.memory_space<vmem>>, vector<1x16xf32>,
        %swap3A_1748 = vector.shape_cast %swap3A_1747 : vector<1x16xf32> to vector<16xf32>
        %swap3A_1749 = vector.shape_cast %broadcast_in_dim3A_1714 : vector<16xf32> to vector<1x16xf32>
        tpu.vector_store %arg18[%swap3A_1745, %swap3A_1746], %swap3A_1749 {strides = array<i32>} : memref<128x256xf32, #tpu.memory_space<vmem>>, vector<1x16xf32>,
        %swap3A_1750 = arith.index_cast %while3A_1724 : i32 to index
        %swap3A_1751 = arith.constant 80 : index
        %swap3A_1752 = tpu.vector_load %arg18[%swap3A_1750, %swap3A_1751] {strides = array<i32>} : memref<128x256xf32, #tpu.memory_space<vmem>>, vector<1x16xf32>,
        %swap3A_1753 = vector.shape_cast %swap3A_1752 : vector<1x16xf32> to vector<16xf32>
        %swap3A_1754 = vector.shape_cast %broadcast_in_dim3A_1714 : vector<16xf32> to vector<1x16xf32>
        tpu.vector_store %arg18[%swap3A_1750, %swap3A_1751], %swap3A_1754 {strides = array<i32>} : memref<128x256xf32, #tpu.memory_space<vmem>>, vector<1x16xf32>,
        %swap3A_1755 = arith.index_cast %while3A_1724 : i32 to index
        %swap3A_1756 = arith.constant 96 : index
        %swap3A_1757 = tpu.vector_load %arg18[%swap3A_1755, %swap3A_1756] {strides = array<i32>} : memref<128x256xf32, #tpu.memory_space<vmem>>, vector<1x16xf32>,
        %swap3A_1758 = vector.shape_cast %swap3A_1757 : vector<1x16xf32> to vector<16xf32>
        %swap3A_1759 = vector.shape_cast %broadcast_in_dim3A_1714 : vector<16xf32> to vector<1x16xf32>
        tpu.vector_store %arg18[%swap3A_1755, %swap3A_1756], %swap3A_1759 {strides = array<i32>} : memref<128x256xf32, #tpu.memory_space<vmem>>, vector<1x16xf32>,
        %swap3A_1760 = arith.index_cast %while3A_1724 : i32 to index
        %swap3A_1761 = arith.constant 112 : index
        %swap3A_1762 = tpu.vector_load %arg18[%swap3A_1760, %swap3A_1761] {strides = array<i32>} : memref<128x256xf32, #tpu.memory_space<vmem>>, vector<1x16xf32>,
        %swap3A_1763 = vector.shape_cast %swap3A_1762 : vector<1x16xf32> to vector<16xf32>
        %swap3A_1764 = vector.shape_cast %broadcast_in_dim3A_1714 : vector<16xf32> to vector<1x16xf32>
        tpu.vector_store %arg18[%swap3A_1760, %swap3A_1761], %swap3A_1764 {strides = array<i32>} : memref<128x256xf32, #tpu.memory_space<vmem>>, vector<1x16xf32>,
        %swap3A_1765 = arith.index_cast %while3A_1724 : i32 to index
        %swap3A_1766 = arith.constant 128 : index
        %swap3A_1767 = tpu.vector_load %arg18[%swap3A_1765, %swap3A_1766] {strides = array<i32>} : memref<128x256xf32, #tpu.memory_space<vmem>>, vector<1x16xf32>,
        %swap3A_1768 = vector.shape_cast %swap3A_1767 : vector<1x16xf32> to vector<16xf32>
        %swap3A_1769 = vector.shape_cast %broadcast_in_dim3A_1714 : vector<16xf32> to vector<1x16xf32>
        tpu.vector_store %arg18[%swap3A_1765, %swap3A_1766], %swap3A_1769 {strides = array<i32>} : memref<128x256xf32, #tpu.memory_space<vmem>>, vector<1x16xf32>,
        %swap3A_1770 = arith.index_cast %while3A_1724 : i32 to index
        %swap3A_1771 = arith.constant 144 : index
        %swap3A_1772 = tpu.vector_load %arg18[%swap3A_1770, %swap3A_1771] {strides = array<i32>} : memref<128x256xf32, #tpu.memory_space<vmem>>, vector<1x16xf32>,
        %swap3A_1773 = vector.shape_cast %swap3A_1772 : vector<1x16xf32> to vector<16xf32>
        %swap3A_1774 = vector.shape_cast %broadcast_in_dim3A_1714 : vector<16xf32> to vector<1x16xf32>
        tpu.vector_store %arg18[%swap3A_1770, %swap3A_1771], %swap3A_1774 {strides = array<i32>} : memref<128x256xf32, #tpu.memory_space<vmem>>, vector<1x16xf32>,
        %swap3A_1775 = arith.index_cast %while3A_1724 : i32 to index
        %swap3A_1776 = arith.constant 160 : index
        %swap3A_1777 = tpu.vector_load %arg18[%swap3A_1775, %swap3A_1776] {strides = array<i32>} : memref<128x256xf32, #tpu.memory_space<vmem>>, vector<1x16xf32>,
        %swap3A_1778 = vector.shape_cast %swap3A_1777 : vector<1x16xf32> to vector<16xf32>
        %swap3A_1779 = vector.shape_cast %broadcast_in_dim3A_1714 : vector<16xf32> to vector<1x16xf32>
        tpu.vector_store %arg18[%swap3A_1775, %swap3A_1776], %swap3A_1779 {strides = array<i32>} : memref<128x256xf32, #tpu.memory_space<vmem>>, vector<1x16xf32>,
        %swap3A_1780 = arith.index_cast %while3A_1724 : i32 to index
        %swap3A_1781 = arith.constant 176 : index
        %swap3A_1782 = tpu.vector_load %arg18[%swap3A_1780, %swap3A_1781] {strides = array<i32>} : memref<128x256xf32, #tpu.memory_space<vmem>>, vector<1x16xf32>,
        %swap3A_1783 = vector.shape_cast %swap3A_1782 : vector<1x16xf32> to vector<16xf32>
        %swap3A_1784 = vector.shape_cast %broadcast_in_dim3A_1714 : vector<16xf32> to vector<1x16xf32>
        tpu.vector_store %arg18[%swap3A_1780, %swap3A_1781], %swap3A_1784 {strides = array<i32>} : memref<128x256xf32, #tpu.memory_space<vmem>>, vector<1x16xf32>,
        %swap3A_1785 = arith.index_cast %while3A_1724 : i32 to index
        %swap3A_1786 = arith.constant 192 : index
        %swap3A_1787 = tpu.vector_load %arg18[%swap3A_1785, %swap3A_1786] {strides = array<i32>} : memref<128x256xf32, #tpu.memory_space<vmem>>, vector<1x16xf32>,
        %swap3A_1788 = vector.shape_cast %swap3A_1787 : vector<1x16xf32> to vector<16xf32>
        %swap3A_1789 = vector.shape_cast %broadcast_in_dim3A_1714 : vector<16xf32> to vector<1x16xf32>
        tpu.vector_store %arg18[%swap3A_1785, %swap3A_1786], %swap3A_1789 {strides = array<i32>} : memref<128x256xf32, #tpu.memory_space<vmem>>, vector<1x16xf32>,
        %swap3A_1790 = arith.index_cast %while3A_1724 : i32 to index
        %swap3A_1791 = arith.constant 208 : index
        %swap3A_1792 = tpu.vector_load %arg18[%swap3A_1790, %swap3A_1791] {strides = array<i32>} : memref<128x256xf32, #tpu.memory_space<vmem>>, vector<1x16xf32>,
        %swap3A_1793 = vector.shape_cast %swap3A_1792 : vector<1x16xf32> to vector<16xf32>
        %swap3A_1794 = vector.shape_cast %broadcast_in_dim3A_1714 : vector<16xf32> to vector<1x16xf32>
        tpu.vector_store %arg18[%swap3A_1790, %swap3A_1791], %swap3A_1794 {strides = array<i32>} : memref<128x256xf32, #tpu.memory_space<vmem>>, vector<1x16xf32>,
        %swap3A_1795 = arith.index_cast %while3A_1724 : i32 to index
        %swap3A_1796 = arith.constant 224 : index
        %swap3A_1797 = tpu.vector_load %arg18[%swap3A_1795, %swap3A_1796] {strides = array<i32>} : memref<128x256xf32, #tpu.memory_space<vmem>>, vector<1x16xf32>,
        %swap3A_1798 = vector.shape_cast %swap3A_1797 : vector<1x16xf32> to vector<16xf32>
        %swap3A_1799 = vector.shape_cast %broadcast_in_dim3A_1714 : vector<16xf32> to vector<1x16xf32>
        tpu.vector_store %arg18[%swap3A_1795, %swap3A_1796], %swap3A_1799 {strides = array<i32>} : memref<128x256xf32, #tpu.memory_space<vmem>>, vector<1x16xf32>,
        %swap3A_1800 = arith.index_cast %while3A_1724 : i32 to index
        %swap3A_1801 = arith.constant 240 : index
        %swap3A_1802 = tpu.vector_load %arg18[%swap3A_1800, %swap3A_1801] {strides = array<i32>} : memref<128x256xf32, #tpu.memory_space<vmem>>, vector<1x16xf32>,
        %swap3A_1803 = vector.shape_cast %swap3A_1802 : vector<1x16xf32> to vector<16xf32>
        %swap3A_1804 = vector.shape_cast %broadcast_in_dim3A_1714 : vector<16xf32> to vector<1x16xf32>
        tpu.vector_store %arg18[%swap3A_1800, %swap3A_1801], %swap3A_1804 {strides = array<i32>} : memref<128x256xf32, #tpu.memory_space<vmem>>, vector<1x16xf32>,
      }
      %while3A_1723 = arith.constant 1 : i32
      scf.for %while3A_1724 = %while3A_1721 to %while3A_1717 step %while3A_1723  : i32 {
        %swap3A_1725 = arith.index_cast %while3A_1724 : i32 to index
        %swap3A_1726 = arith.constant 0 : index
        %swap3A_1727 = tpu.vector_load %arg18[%swap3A_1725, %swap3A_1726] {strides = array<i32>} : memref<128x256xf32, #tpu.memory_space<vmem>>, vector<1x16xf32>,
        %swap3A_1728 = vector.shape_cast %swap3A_1727 : vector<1x16xf32> to vector<16xf32>
        %swap3A_1729 = vector.shape_cast %broadcast_in_dim3A_1714 : vector<16xf32> to vector<1x16xf32>
        tpu.vector_store %arg18[%swap3A_1725, %swap3A_1726], %swap3A_1729 {strides = array<i32>} : memref<128x256xf32, #tpu.memory_space<vmem>>, vector<1x16xf32>,
        %swap3A_1730 = arith.index_cast %while3A_1724 : i32 to index
        %swap3A_1731 = arith.constant 16 : index
        %swap3A_1732 = tpu.vector_load %arg18[%swap3A_1730, %swap3A_1731] {strides = array<i32>} : memref<128x256xf32, #tpu.memory_space<vmem>>, vector<1x16xf32>,
        %swap3A_1733 = vector.shape_cast %swap3A_1732 : vector<1x16xf32> to vector<16xf32>
        %swap3A_1734 = vector.shape_cast %broadcast_in_dim3A_1714 : vector<16xf32> to vector<1x16xf32>
        tpu.vector_store %arg18[%swap3A_1730, %swap3A_1731], %swap3A_1734 {strides = array<i32>} : memref<128x256xf32, #tpu.memory_space<vmem>>, vector<1x16xf32>,
        %swap3A_1735 = arith.index_cast %while3A_1724 : i32 to index
        %swap3A_1736 = arith.constant 32 : index
        %swap3A_1737 = tpu.vector_load %arg18[%swap3A_1735, %swap3A_1736] {strides = array<i32>} : memref<128x256xf32, #tpu.memory_space<vmem>>, vector<1x16xf32>,
        %swap3A_1738 = vector.shape_cast %swap3A_1737 : vector<1x16xf32> to vector<16xf32>
        %swap3A_1739 = vector.shape_cast %broadcast_in_dim3A_1714 : vector<16xf32> to vector<1x16xf32>
        tpu.vector_store %arg18[%swap3A_1735, %swap3A_1736], %swap3A_1739 {strides = array<i32>} : memref<128x256xf32, #tpu.memory_space<vmem>>, vector<1x16xf32>,
        %swap3A_1740 = arith.index_cast %while3A_1724 : i32 to index
        %swap3A_1741 = arith.constant 48 : index
        %swap3A_1742 = tpu.vector_load %arg18[%swap3A_1740, %swap3A_1741] {strides = array<i32>} : memref<128x256xf32, #tpu.memory_space<vmem>>, vector<1x16xf32>,
        %swap3A_1743 = vector.shape_cast %swap3A_1742 : vector<1x16xf32> to vector<16xf32>
        %swap3A_1744 = vector.shape_cast %broadcast_in_dim3A_1714 : vector<16xf32> to vector<1x16xf32>
        tpu.vector_store %arg18[%swap3A_1740, %swap3A_1741], %swap3A_1744 {strides = array<i32>} : memref<128x256xf32, #tpu.memory_space<vmem>>, vector<1x16xf32>,
        %swap3A_1745 = arith.index_cast %while3A_1724 : i32 to index
        %swap3A_1746 = arith.constant 64 : index
        %swap3A_1747 = tpu.vector_load %arg18[%swap3A_1745, %swap3A_1746] {strides = array<i32>} : memref<128x256xf32, #tpu.memory_space<vmem>>, vector<1x16xf32>,
        %swap3A_1748 = vector.shape_cast %swap3A_1747 : vector<1x16xf32> to vector<16xf32>
        %swap3A_1749 = vector.shape_cast %broadcast_in_dim3A_1714 : vector<16xf32> to vector<1x16xf32>
        tpu.vector_store %arg18[%swap3A_1745, %swap3A_1746], %swap3A_1749 {strides = array<i32>} : memref<128x256xf32, #tpu.memory_space<vmem>>, vector<1x16xf32>,
        %swap3A_1750 = arith.index_cast %while3A_1724 : i32 to index
        %swap3A_1751 = arith.constant 80 : index
        %swap3A_1752 = tpu.vector_load %arg18[%swap3A_1750, %swap3A_1751] {strides = array<i32>} : memref<128x256xf32, #tpu.memory_space<vmem>>, vector<1x16xf32>,
        %swap3A_1753 = vector.shape_cast %swap3A_1752 : vector<1x16xf32> to vector<16xf32>
        %swap3A_1754 = vector.shape_cast %broadcast_in_dim3A_1714 : vector<16xf32> to vector<1x16xf32>
        tpu.vector_store %arg18[%swap3A_1750, %swap3A_1751], %swap3A_1754 {strides = array<i32>} : memref<128x256xf32, #tpu.memory_space<vmem>>, vector<1x16xf32>,
        %swap3A_1755 = arith.index_cast %while3A_1724 : i32 to index
        %swap3A_1756 = arith.constant 96 : index
        %swap3A_1757 = tpu.vector_load %arg18[%swap3A_1755, %swap3A_1756] {strides = array<i32>} : memref<128x256xf32, #tpu.memory_space<vmem>>, vector<1x16xf32>,
        %swap3A_1758 = vector.shape_cast %swap3A_1757 : vector<1x16xf32> to vector<16xf32>
        %swap3A_1759 = vector.shape_cast %broadcast_in_dim3A_1714 : vector<16xf32> to vector<1x16xf32>
        tpu.vector_store %arg18[%swap3A_1755, %swap3A_1756], %swap3A_1759 {strides = array<i32>} : memref<128x256xf32, #tpu.memory_space<vmem>>, vector<1x16xf32>,
        %swap3A_1760 = arith.index_cast %while3A_1724 : i32 to index
        %swap3A_1761 = arith.constant 112 : index
        %swap3A_1762 = tpu.vector_load %arg18[%swap3A_1760, %swap3A_1761] {strides = array<i32>} : memref<128x256xf32, #tpu.memory_space<vmem>>, vector<1x16xf32>,
        %swap3A_1763 = vector.shape_cast %swap3A_1762 : vector<1x16xf32> to vector<16xf32>
        %swap3A_1764 = vector.shape_cast %broadcast_in_dim3A_1714 : vector<16xf32> to vector<1x16xf32>
        tpu.vector_store %arg18[%swap3A_1760, %swap3A_1761], %swap3A_1764 {strides = array<i32>} : memref<128x256xf32, #tpu.memory_space<vmem>>, vector<1x16xf32>,
        %swap3A_1765 = arith.index_cast %while3A_1724 : i32 to index
        %swap3A_1766 = arith.constant 128 : index
        %swap3A_1767 = tpu.vector_load %arg18[%swap3A_1765, %swap3A_1766] {strides = array<i32>} : memref<128x256xf32, #tpu.memory_space<vmem>>, vector<1x16xf32>,
        %swap3A_1768 = vector.shape_cast %swap3A_1767 : vector<1x16xf32> to vector<16xf32>
        %swap3A_1769 = vector.shape_cast %broadcast_in_dim3A_1714 : vector<16xf32> to vector<1x16xf32>
        tpu.vector_store %arg18[%swap3A_1765, %swap3A_1766], %swap3A_1769 {strides = array<i32>} : memref<128x256xf32, #tpu.memory_space<vmem>>, vector<1x16xf32>,
        %swap3A_1770 = arith.index_cast %while3A_1724 : i32 to index
        %swap3A_1771 = arith.constant 144 : index
        %swap3A_1772 = tpu.vector_load %arg18[%swap3A_1770, %swap3A_1771] {strides = array<i32>} : memref<128x256xf32, #tpu.memory_space<vmem>>, vector<1x16xf32>,
        %swap3A_1773 = vector.shape_cast %swap3A_1772 : vector<1x16xf32> to vector<16xf32>
        %swap3A_1774 = vector.shape_cast %broadcast_in_dim3A_1714 : vector<16xf32> to vector<1x16xf32>
        tpu.vector_store %arg18[%swap3A_1770, %swap3A_1771], %swap3A_1774 {strides = array<i32>} : memref<128x256xf32, #tpu.memory_space<vmem>>, vector<1x16xf32>,
        %swap3A_1775 = arith.index_cast %while3A_1724 : i32 to index
        %swap3A_1776 = arith.constant 160 : index
        %swap3A_1777 = tpu.vector_load %arg18[%swap3A_1775, %swap3A_1776] {strides = array<i32>} : memref<128x256xf32, #tpu.memory_space<vmem>>, vector<1x16xf32>,
        %swap3A_1778 = vector.shape_cast %swap3A_1777 : vector<1x16xf32> to vector<16xf32>
        %swap3A_1779 = vector.shape_cast %broadcast_in_dim3A_1714 : vector<16xf32> to vector<1x16xf32>
        tpu.vector_store %arg18[%swap3A_1775, %swap3A_1776], %swap3A_1779 {strides = array<i32>} : memref<128x256xf32, #tpu.memory_space<vmem>>, vector<1x16xf32>,
        %swap3A_1780 = arith.index_cast %while3A_1724 : i32 to index
        %swap3A_1781 = arith.constant 176 : index
        %swap3A_1782 = tpu.vector_load %arg18[%swap3A_1780, %swap3A_1781] {strides = array<i32>} : memref<128x256xf32, #tpu.memory_space<vmem>>, vector<1x16xf32>,
        %swap3A_1783 = vector.shape_cast %swap3A_1782 : vector<1x16xf32> to vector<16xf32>
        %swap3A_1784 = vector.shape_cast %broadcast_in_dim3A_1714 : vector<16xf32> to vector<1x16xf32>
        tpu.vector_store %arg18[%swap3A_1780, %swap3A_1781], %swap3A_1784 {strides = array<i32>} : memref<128x256xf32, #tpu.memory_space<vmem>>, vector<1x16xf32>,
        %swap3A_1785 = arith.index_cast %while3A_1724 : i32 to index
        %swap3A_1786 = arith.constant 192 : index
        %swap3A_1787 = tpu.vector_load %arg18[%swap3A_1785, %swap3A_1786] {strides = array<i32>} : memref<128x256xf32, #tpu.memory_space<vmem>>, vector<1x16xf32>,
        %swap3A_1788 = vector.shape_cast %swap3A_1787 : vector<1x16xf32> to vector<16xf32>
        %swap3A_1789 = vector.shape_cast %broadcast_in_dim3A_1714 : vector<16xf32> to vector<1x16xf32>
        tpu.vector_store %arg18[%swap3A_1785, %swap3A_1786], %swap3A_1789 {strides = array<i32>} : memref<128x256xf32, #tpu.memory_space<vmem>>, vector<1x16xf32>,
        %swap3A_1790 = arith.index_cast %while3A_1724 : i32 to index
        %swap3A_1791 = arith.constant 208 : index
        %swap3A_1792 = tpu.vector_load %arg18[%swap3A_1790, %swap3A_1791] {strides = array<i32>} : memref<128x256xf32, #tpu.memory_space<vmem>>, vector<1x16xf32>,
        %swap3A_1793 = vector.shape_cast %swap3A_1792 : vector<1x16xf32> to vector<16xf32>
        %swap3A_1794 = vector.shape_cast %broadcast_in_dim3A_1714 : vector<16xf32> to vector<1x16xf32>
        tpu.vector_store %arg18[%swap3A_1790, %swap3A_1791], %swap3A_1794 {strides = array<i32>} : memref<128x256xf32, #tpu.memory_space<vmem>>, vector<1x16xf32>,
        %swap3A_1795 = arith.index_cast %while3A_1724 : i32 to index
        %swap3A_1796 = arith.constant 224 : index
        %swap3A_1797 = tpu.vector_load %arg18[%swap3A_1795, %swap3A_1796] {strides = array<i32>} : memref<128x256xf32, #tpu.memory_space<vmem>>, vector<1x16xf32>,
        %swap3A_1798 = vector.shape_cast %swap3A_1797 : vector<1x16xf32> to vector<16xf32>
        %swap3A_1799 = vector.shape_cast %broadcast_in_dim3A_1714 : vector<16xf32> to vector<1x16xf32>
        tpu.vector_store %arg18[%swap3A_1795, %swap3A_1796], %swap3A_1799 {strides = array<i32>} : memref<128x256xf32, #tpu.memory_space<vmem>>, vector<1x16xf32>,
        %swap3A_1800 = arith.index_cast %while3A_1724 : i32 to index
        %swap3A_1801 = arith.constant 240 : index
        %swap3A_1802 = tpu.vector_load %arg18[%swap3A_1800, %swap3A_1801] {strides = array<i32>} : memref<128x256xf32, #tpu.memory_space<vmem>>, vector<1x16xf32>,
        %swap3A_1803 = vector.shape_cast %swap3A_1802 : vector<1x16xf32> to vector<16xf32>
        %swap3A_1804 = vector.shape_cast %broadcast_in_dim3A_1714 : vector<16xf32> to vector<1x16xf32>
        tpu.vector_store %arg18[%swap3A_1800, %swap3A_1801], %swap3A_1804 {strides = array<i32>} : memref<128x256xf32, #tpu.memory_space<vmem>>, vector<1x16xf32>,
      }
    } else {
    }
    %convert_element_type3A_1543 = arith.extui %gt3A_241 : i1 to i32
    %cond3A_1544 = arith.constant 0 : i32
    %cond3A_1545 = arith.cmpi ne, %convert_element_type3A_1543, %cond3A_1544 : i32
    scf.if %cond3A_1545 {
      %dma_start3A_1713 = arith.constant 0 : i32
      %dma_start3A_1714 = tpu.memref_slice %arg5[%add3A_246, %dma_start3A_1713] : memref<32768x256xf32, #tpu.memory_space<hbm>> -> memref<128x256xf32, #tpu.memory_space<hbm>>
      %dma_start3A_1715 = arith.constant 0 : i32
      %dma_start3A_1716 = tpu.memref_slice %arg5[%add3A_246, %dma_start3A_1715] : memref<32768x256xf32, #tpu.memory_space<hbm>> -> memref<128x256xf32, #tpu.memory_space<hbm>>
      tpu.enqueue_dma source(%arg18 : memref<128x256xf32, #tpu.memory_space<vmem>>) target(%dma_start3A_1716 : memref<128x256xf32, #tpu.memory_space<hbm>>) target_semaphore(%arg25 : memref<!tpu.dma_semaphore, #tpu.memory_space<semaphore_mem>>)
    } else {
    }
    %and3A_1546 = arith.andi %gt3A_411, %gt3A_156 : i1
    %convert_element_type3A_1547 = arith.extui %and3A_1546 : i1 to i32
    %cond3A_1548 = arith.constant 0 : i32
    %cond3A_1549 = arith.cmpi ne, %convert_element_type3A_1547, %cond3A_1548 : i32
    scf.if %cond3A_1549 {
      %dma_wait3A_1713 = arith.constant 0 : i32
      %dma_wait3A_1714 = tpu.memref_slice %arg5[%add3A_161, %dma_wait3A_1713] : memref<32768x256xf32, #tpu.memory_space<hbm>> -> memref<128x256xf32, #tpu.memory_space<hbm>>
      %dma_wait3A_1715 = arith.constant 0 : i32
      %dma_wait3A_1716 = tpu.memref_slice %arg5[%add3A_161, %dma_wait3A_1715] : memref<32768x256xf32, #tpu.memory_space<hbm>> -> memref<128x256xf32, #tpu.memory_space<hbm>>
      tpu.wait_dma2 semaphore(%arg24 : memref<!tpu.dma_semaphore, #tpu.memory_space<semaphore_mem>>) src(%arg17 : memref<128x256xf32, #tpu.memory_space<vmem>>) dst(%dma_wait3A_1716 : memref<128x256xf32, #tpu.memory_space<hbm>>)
    } else {
    }
    %convert_element_type3A_1550 = arith.extui %gt3A_411 : i1 to i32
    %cond3A_1551 = arith.constant 0 : i32
    %cond3A_1552 = arith.cmpi ne, %convert_element_type3A_1550, %cond3A_1551 : i32
    scf.if %cond3A_1552 {
      %dma_start3A_1713 = arith.constant 0 : i32
      %dma_start3A_1714 = arith.constant 0 : i32
      %dma_start3A_1715 = tpu.memref_slice %arg2[%dma_start3A_1713, %dma_start3A_1714] : memref<4096x256xf32, #tpu.memory_space<hbm>> -> memref<4096x256xf32, #tpu.memory_space<hbm>>
      tpu.enqueue_indirect_dma source(%dma_start3A_1715 : memref<4096x256xf32, #tpu.memory_space<hbm>>) target(%arg17 : memref<128x256xf32, #tpu.memory_space<vmem>>) offsets(%arg11 : memref<128xi32, #tpu.memory_space<vmem>>) semaphore(%arg21 : memref<!tpu.dma_semaphore, #tpu.memory_space<semaphore_mem>>)
    } else {
    }
    %convert_element_type3A_1553 = arith.extui %gt3A_326 : i1 to i32
    %cond3A_1554 = arith.constant 0 : i32
    %cond3A_1555 = arith.cmpi ne, %convert_element_type3A_1553, %cond3A_1554 : i32
    scf.if %cond3A_1555 {
      %dma_wait3A_1713 = arith.constant 0 : i32
      %dma_wait3A_1714 = arith.constant 0 : i32
      %dma_wait3A_1715 = tpu.memref_slice %arg2[%dma_wait3A_1713, %dma_wait3A_1714] : memref<4096x256xf32, #tpu.memory_space<hbm>> -> memref<4096x256xf32, #tpu.memory_space<hbm>>
      tpu.wait_indirect_dma semaphore(%arg20 : memref<!tpu.dma_semaphore, #tpu.memory_space<semaphore_mem>>) src(%dma_wait3A_1715 : memref<4096x256xf32, #tpu.memory_space<hbm>>) dst(%arg16 : memref<128x256xf32, #tpu.memory_space<vmem>>)
    } else {
    }
    %lt3A_1556 = arith.constant 128 : i32
    %lt3A_1557 = arith.cmpi slt, %min3A_324, %lt3A_1556 : i32
    %and3A_1558 = arith.andi %gt3A_326, %lt3A_1557 : i1
    %convert_element_type3A_1559 = arith.extui %and3A_1558 : i1 to i32
    %cond3A_1560 = arith.constant 0 : i32
    %cond3A_1561 = arith.cmpi ne, %convert_element_type3A_1559, %cond3A_1560 : i32
    scf.if %cond3A_1561 {
      %broadcast_in_dim3A_1713 = arith.constant 0.000000e+00 : f32
      %broadcast_in_dim3A_1714 = vector.broadcast %broadcast_in_dim3A_1713 : f32 to vector<16xf32>
      %while3A = arith.constant 0 : i32
      %while3A_1715 = arith.constant 128 : i32
      %while3A_1716 = arith.subi %while3A_1715, %min3A_324 : i32
      %while3A_1717 = arith.addi %min3A_324, %while3A_1716 : i32
      %while3A_1718 = arith.constant 1 : i32
      %while3A_1719 = arith.divsi %while3A_1716, %while3A_1718 : i32
      %while3A_1720 = arith.muli %while3A_1719, %while3A_1718 : i32
      %while3A_1721 = arith.addi %min3A_324, %while3A_1720 : i32
      %while3A_1722 = arith.constant 1 : i32
      scf.for %while3A_1724 = %min3A_324 to %while3A_1721 step %while3A_1722  : i32 {
        %swap3A_1725 = arith.index_cast %while3A_1724 : i32 to index
        %swap3A_1726 = arith.constant 0 : index
        %swap3A_1727 = tpu.vector_load %arg16[%swap3A_1725, %swap3A_1726] {strides = array<i32>} : memref<128x256xf32, #tpu.memory_space<vmem>>, vector<1x16xf32>,
        %swap3A_1728 = vector.shape_cast %swap3A_1727 : vector<1x16xf32> to vector<16xf32>
        %swap3A_1729 = vector.shape_cast %broadcast_in_dim3A_1714 : vector<16xf32> to vector<1x16xf32>
        tpu.vector_store %arg16[%swap3A_1725, %swap3A_1726], %swap3A_1729 {strides = array<i32>} : memref<128x256xf32, #tpu.memory_space<vmem>>, vector<1x16xf32>,
        %swap3A_1730 = arith.index_cast %while3A_1724 : i32 to index
        %swap3A_1731 = arith.constant 16 : index
        %swap3A_1732 = tpu.vector_load %arg16[%swap3A_1730, %swap3A_1731] {strides = array<i32>} : memref<128x256xf32, #tpu.memory_space<vmem>>, vector<1x16xf32>,
        %swap3A_1733 = vector.shape_cast %swap3A_1732 : vector<1x16xf32> to vector<16xf32>
        %swap3A_1734 = vector.shape_cast %broadcast_in_dim3A_1714 : vector<16xf32> to vector<1x16xf32>
        tpu.vector_store %arg16[%swap3A_1730, %swap3A_1731], %swap3A_1734 {strides = array<i32>} : memref<128x256xf32, #tpu.memory_space<vmem>>, vector<1x16xf32>,
        %swap3A_1735 = arith.index_cast %while3A_1724 : i32 to index
        %swap3A_1736 = arith.constant 32 : index
        %swap3A_1737 = tpu.vector_load %arg16[%swap3A_1735, %swap3A_1736] {strides = array<i32>} : memref<128x256xf32, #tpu.memory_space<vmem>>, vector<1x16xf32>,
        %swap3A_1738 = vector.shape_cast %swap3A_1737 : vector<1x16xf32> to vector<16xf32>
        %swap3A_1739 = vector.shape_cast %broadcast_in_dim3A_1714 : vector<16xf32> to vector<1x16xf32>
        tpu.vector_store %arg16[%swap3A_1735, %swap3A_1736], %swap3A_1739 {strides = array<i32>} : memref<128x256xf32, #tpu.memory_space<vmem>>, vector<1x16xf32>,
        %swap3A_1740 = arith.index_cast %while3A_1724 : i32 to index
        %swap3A_1741 = arith.constant 48 : index
        %swap3A_1742 = tpu.vector_load %arg16[%swap3A_1740, %swap3A_1741] {strides = array<i32>} : memref<128x256xf32, #tpu.memory_space<vmem>>, vector<1x16xf32>,
        %swap3A_1743 = vector.shape_cast %swap3A_1742 : vector<1x16xf32> to vector<16xf32>
        %swap3A_1744 = vector.shape_cast %broadcast_in_dim3A_1714 : vector<16xf32> to vector<1x16xf32>
        tpu.vector_store %arg16[%swap3A_1740, %swap3A_1741], %swap3A_1744 {strides = array<i32>} : memref<128x256xf32, #tpu.memory_space<vmem>>, vector<1x16xf32>,
        %swap3A_1745 = arith.index_cast %while3A_1724 : i32 to index
        %swap3A_1746 = arith.constant 64 : index
        %swap3A_1747 = tpu.vector_load %arg16[%swap3A_1745, %swap3A_1746] {strides = array<i32>} : memref<128x256xf32, #tpu.memory_space<vmem>>, vector<1x16xf32>,
        %swap3A_1748 = vector.shape_cast %swap3A_1747 : vector<1x16xf32> to vector<16xf32>
        %swap3A_1749 = vector.shape_cast %broadcast_in_dim3A_1714 : vector<16xf32> to vector<1x16xf32>
        tpu.vector_store %arg16[%swap3A_1745, %swap3A_1746], %swap3A_1749 {strides = array<i32>} : memref<128x256xf32, #tpu.memory_space<vmem>>, vector<1x16xf32>,
        %swap3A_1750 = arith.index_cast %while3A_1724 : i32 to index
        %swap3A_1751 = arith.constant 80 : index
        %swap3A_1752 = tpu.vector_load %arg16[%swap3A_1750, %swap3A_1751] {strides = array<i32>} : memref<128x256xf32, #tpu.memory_space<vmem>>, vector<1x16xf32>,
        %swap3A_1753 = vector.shape_cast %swap3A_1752 : vector<1x16xf32> to vector<16xf32>
        %swap3A_1754 = vector.shape_cast %broadcast_in_dim3A_1714 : vector<16xf32> to vector<1x16xf32>
        tpu.vector_store %arg16[%swap3A_1750, %swap3A_1751], %swap3A_1754 {strides = array<i32>} : memref<128x256xf32, #tpu.memory_space<vmem>>, vector<1x16xf32>,
        %swap3A_1755 = arith.index_cast %while3A_1724 : i32 to index
        %swap3A_1756 = arith.constant 96 : index
        %swap3A_1757 = tpu.vector_load %arg16[%swap3A_1755, %swap3A_1756] {strides = array<i32>} : memref<128x256xf32, #tpu.memory_space<vmem>>, vector<1x16xf32>,
        %swap3A_1758 = vector.shape_cast %swap3A_1757 : vector<1x16xf32> to vector<16xf32>
        %swap3A_1759 = vector.shape_cast %broadcast_in_dim3A_1714 : vector<16xf32> to vector<1x16xf32>
        tpu.vector_store %arg16[%swap3A_1755, %swap3A_1756], %swap3A_1759 {strides = array<i32>} : memref<128x256xf32, #tpu.memory_space<vmem>>, vector<1x16xf32>,
        %swap3A_1760 = arith.index_cast %while3A_1724 : i32 to index
        %swap3A_1761 = arith.constant 112 : index
        %swap3A_1762 = tpu.vector_load %arg16[%swap3A_1760, %swap3A_1761] {strides = array<i32>} : memref<128x256xf32, #tpu.memory_space<vmem>>, vector<1x16xf32>,
        %swap3A_1763 = vector.shape_cast %swap3A_1762 : vector<1x16xf32> to vector<16xf32>
        %swap3A_1764 = vector.shape_cast %broadcast_in_dim3A_1714 : vector<16xf32> to vector<1x16xf32>
        tpu.vector_store %arg16[%swap3A_1760, %swap3A_1761], %swap3A_1764 {strides = array<i32>} : memref<128x256xf32, #tpu.memory_space<vmem>>, vector<1x16xf32>,
        %swap3A_1765 = arith.index_cast %while3A_1724 : i32 to index
        %swap3A_1766 = arith.constant 128 : index
        %swap3A_1767 = tpu.vector_load %arg16[%swap3A_1765, %swap3A_1766] {strides = array<i32>} : memref<128x256xf32, #tpu.memory_space<vmem>>, vector<1x16xf32>,
        %swap3A_1768 = vector.shape_cast %swap3A_1767 : vector<1x16xf32> to vector<16xf32>
        %swap3A_1769 = vector.shape_cast %broadcast_in_dim3A_1714 : vector<16xf32> to vector<1x16xf32>
        tpu.vector_store %arg16[%swap3A_1765, %swap3A_1766], %swap3A_1769 {strides = array<i32>} : memref<128x256xf32, #tpu.memory_space<vmem>>, vector<1x16xf32>,
        %swap3A_1770 = arith.index_cast %while3A_1724 : i32 to index
        %swap3A_1771 = arith.constant 144 : index
        %swap3A_1772 = tpu.vector_load %arg16[%swap3A_1770, %swap3A_1771] {strides = array<i32>} : memref<128x256xf32, #tpu.memory_space<vmem>>, vector<1x16xf32>,
        %swap3A_1773 = vector.shape_cast %swap3A_1772 : vector<1x16xf32> to vector<16xf32>
        %swap3A_1774 = vector.shape_cast %broadcast_in_dim3A_1714 : vector<16xf32> to vector<1x16xf32>
        tpu.vector_store %arg16[%swap3A_1770, %swap3A_1771], %swap3A_1774 {strides = array<i32>} : memref<128x256xf32, #tpu.memory_space<vmem>>, vector<1x16xf32>,
        %swap3A_1775 = arith.index_cast %while3A_1724 : i32 to index
        %swap3A_1776 = arith.constant 160 : index
        %swap3A_1777 = tpu.vector_load %arg16[%swap3A_1775, %swap3A_1776] {strides = array<i32>} : memref<128x256xf32, #tpu.memory_space<vmem>>, vector<1x16xf32>,
        %swap3A_1778 = vector.shape_cast %swap3A_1777 : vector<1x16xf32> to vector<16xf32>
        %swap3A_1779 = vector.shape_cast %broadcast_in_dim3A_1714 : vector<16xf32> to vector<1x16xf32>
        tpu.vector_store %arg16[%swap3A_1775, %swap3A_1776], %swap3A_1779 {strides = array<i32>} : memref<128x256xf32, #tpu.memory_space<vmem>>, vector<1x16xf32>,
        %swap3A_1780 = arith.index_cast %while3A_1724 : i32 to index
        %swap3A_1781 = arith.constant 176 : index
        %swap3A_1782 = tpu.vector_load %arg16[%swap3A_1780, %swap3A_1781] {strides = array<i32>} : memref<128x256xf32, #tpu.memory_space<vmem>>, vector<1x16xf32>,
        %swap3A_1783 = vector.shape_cast %swap3A_1782 : vector<1x16xf32> to vector<16xf32>
        %swap3A_1784 = vector.shape_cast %broadcast_in_dim3A_1714 : vector<16xf32> to vector<1x16xf32>
        tpu.vector_store %arg16[%swap3A_1780, %swap3A_1781], %swap3A_1784 {strides = array<i32>} : memref<128x256xf32, #tpu.memory_space<vmem>>, vector<1x16xf32>,
        %swap3A_1785 = arith.index_cast %while3A_1724 : i32 to index
        %swap3A_1786 = arith.constant 192 : index
        %swap3A_1787 = tpu.vector_load %arg16[%swap3A_1785, %swap3A_1786] {strides = array<i32>} : memref<128x256xf32, #tpu.memory_space<vmem>>, vector<1x16xf32>,
        %swap3A_1788 = vector.shape_cast %swap3A_1787 : vector<1x16xf32> to vector<16xf32>
        %swap3A_1789 = vector.shape_cast %broadcast_in_dim3A_1714 : vector<16xf32> to vector<1x16xf32>
        tpu.vector_store %arg16[%swap3A_1785, %swap3A_1786], %swap3A_1789 {strides = array<i32>} : memref<128x256xf32, #tpu.memory_space<vmem>>, vector<1x16xf32>,
        %swap3A_1790 = arith.index_cast %while3A_1724 : i32 to index
        %swap3A_1791 = arith.constant 208 : index
        %swap3A_1792 = tpu.vector_load %arg16[%swap3A_1790, %swap3A_1791] {strides = array<i32>} : memref<128x256xf32, #tpu.memory_space<vmem>>, vector<1x16xf32>,
        %swap3A_1793 = vector.shape_cast %swap3A_1792 : vector<1x16xf32> to vector<16xf32>
        %swap3A_1794 = vector.shape_cast %broadcast_in_dim3A_1714 : vector<16xf32> to vector<1x16xf32>
        tpu.vector_store %arg16[%swap3A_1790, %swap3A_1791], %swap3A_1794 {strides = array<i32>} : memref<128x256xf32, #tpu.memory_space<vmem>>, vector<1x16xf32>,
        %swap3A_1795 = arith.index_cast %while3A_1724 : i32 to index
        %swap3A_1796 = arith.constant 224 : index
        %swap3A_1797 = tpu.vector_load %arg16[%swap3A_1795, %swap3A_1796] {strides = array<i32>} : memref<128x256xf32, #tpu.memory_space<vmem>>, vector<1x16xf32>,
        %swap3A_1798 = vector.shape_cast %swap3A_1797 : vector<1x16xf32> to vector<16xf32>
        %swap3A_1799 = vector.shape_cast %broadcast_in_dim3A_1714 : vector<16xf32> to vector<1x16xf32>
        tpu.vector_store %arg16[%swap3A_1795, %swap3A_1796], %swap3A_1799 {strides = array<i32>} : memref<128x256xf32, #tpu.memory_space<vmem>>, vector<1x16xf32>,
        %swap3A_1800 = arith.index_cast %while3A_1724 : i32 to index
        %swap3A_1801 = arith.constant 240 : index
        %swap3A_1802 = tpu.vector_load %arg16[%swap3A_1800, %swap3A_1801] {strides = array<i32>} : memref<128x256xf32, #tpu.memory_space<vmem>>, vector<1x16xf32>,
        %swap3A_1803 = vector.shape_cast %swap3A_1802 : vector<1x16xf32> to vector<16xf32>
        %swap3A_1804 = vector.shape_cast %broadcast_in_dim3A_1714 : vector<16xf32> to vector<1x16xf32>
        tpu.vector_store %arg16[%swap3A_1800, %swap3A_1801], %swap3A_1804 {strides = array<i32>} : memref<128x256xf32, #tpu.memory_space<vmem>>, vector<1x16xf32>,
      }
      %while3A_1723 = arith.constant 1 : i32
      scf.for %while3A_1724 = %while3A_1721 to %while3A_1717 step %while3A_1723  : i32 {
        %swap3A_1725 = arith.index_cast %while3A_1724 : i32 to index
        %swap3A_1726 = arith.constant 0 : index
        %swap3A_1727 = tpu.vector_load %arg16[%swap3A_1725, %swap3A_1726] {strides = array<i32>} : memref<128x256xf32, #tpu.memory_space<vmem>>, vector<1x16xf32>,
        %swap3A_1728 = vector.shape_cast %swap3A_1727 : vector<1x16xf32> to vector<16xf32>
        %swap3A_1729 = vector.shape_cast %broadcast_in_dim3A_1714 : vector<16xf32> to vector<1x16xf32>
        tpu.vector_store %arg16[%swap3A_1725, %swap3A_1726], %swap3A_1729 {strides = array<i32>} : memref<128x256xf32, #tpu.memory_space<vmem>>, vector<1x16xf32>,
        %swap3A_1730 = arith.index_cast %while3A_1724 : i32 to index
        %swap3A_1731 = arith.constant 16 : index
        %swap3A_1732 = tpu.vector_load %arg16[%swap3A_1730, %swap3A_1731] {strides = array<i32>} : memref<128x256xf32, #tpu.memory_space<vmem>>, vector<1x16xf32>,
        %swap3A_1733 = vector.shape_cast %swap3A_1732 : vector<1x16xf32> to vector<16xf32>
        %swap3A_1734 = vector.shape_cast %broadcast_in_dim3A_1714 : vector<16xf32> to vector<1x16xf32>
        tpu.vector_store %arg16[%swap3A_1730, %swap3A_1731], %swap3A_1734 {strides = array<i32>} : memref<128x256xf32, #tpu.memory_space<vmem>>, vector<1x16xf32>,
        %swap3A_1735 = arith.index_cast %while3A_1724 : i32 to index
        %swap3A_1736 = arith.constant 32 : index
        %swap3A_1737 = tpu.vector_load %arg16[%swap3A_1735, %swap3A_1736] {strides = array<i32>} : memref<128x256xf32, #tpu.memory_space<vmem>>, vector<1x16xf32>,
        %swap3A_1738 = vector.shape_cast %swap3A_1737 : vector<1x16xf32> to vector<16xf32>
        %swap3A_1739 = vector.shape_cast %broadcast_in_dim3A_1714 : vector<16xf32> to vector<1x16xf32>
        tpu.vector_store %arg16[%swap3A_1735, %swap3A_1736], %swap3A_1739 {strides = array<i32>} : memref<128x256xf32, #tpu.memory_space<vmem>>, vector<1x16xf32>,
        %swap3A_1740 = arith.index_cast %while3A_1724 : i32 to index
        %swap3A_1741 = arith.constant 48 : index
        %swap3A_1742 = tpu.vector_load %arg16[%swap3A_1740, %swap3A_1741] {strides = array<i32>} : memref<128x256xf32, #tpu.memory_space<vmem>>, vector<1x16xf32>,
        %swap3A_1743 = vector.shape_cast %swap3A_1742 : vector<1x16xf32> to vector<16xf32>
        %swap3A_1744 = vector.shape_cast %broadcast_in_dim3A_1714 : vector<16xf32> to vector<1x16xf32>
        tpu.vector_store %arg16[%swap3A_1740, %swap3A_1741], %swap3A_1744 {strides = array<i32>} : memref<128x256xf32, #tpu.memory_space<vmem>>, vector<1x16xf32>,
        %swap3A_1745 = arith.index_cast %while3A_1724 : i32 to index
        %swap3A_1746 = arith.constant 64 : index
        %swap3A_1747 = tpu.vector_load %arg16[%swap3A_1745, %swap3A_1746] {strides = array<i32>} : memref<128x256xf32, #tpu.memory_space<vmem>>, vector<1x16xf32>,
        %swap3A_1748 = vector.shape_cast %swap3A_1747 : vector<1x16xf32> to vector<16xf32>
        %swap3A_1749 = vector.shape_cast %broadcast_in_dim3A_1714 : vector<16xf32> to vector<1x16xf32>
        tpu.vector_store %arg16[%swap3A_1745, %swap3A_1746], %swap3A_1749 {strides = array<i32>} : memref<128x256xf32, #tpu.memory_space<vmem>>, vector<1x16xf32>,
        %swap3A_1750 = arith.index_cast %while3A_1724 : i32 to index
        %swap3A_1751 = arith.constant 80 : index
        %swap3A_1752 = tpu.vector_load %arg16[%swap3A_1750, %swap3A_1751] {strides = array<i32>} : memref<128x256xf32, #tpu.memory_space<vmem>>, vector<1x16xf32>,
        %swap3A_1753 = vector.shape_cast %swap3A_1752 : vector<1x16xf32> to vector<16xf32>
        %swap3A_1754 = vector.shape_cast %broadcast_in_dim3A_1714 : vector<16xf32> to vector<1x16xf32>
        tpu.vector_store %arg16[%swap3A_1750, %swap3A_1751], %swap3A_1754 {strides = array<i32>} : memref<128x256xf32, #tpu.memory_space<vmem>>, vector<1x16xf32>,
        %swap3A_1755 = arith.index_cast %while3A_1724 : i32 to index
        %swap3A_1756 = arith.constant 96 : index
        %swap3A_1757 = tpu.vector_load %arg16[%swap3A_1755, %swap3A_1756] {strides = array<i32>} : memref<128x256xf32, #tpu.memory_space<vmem>>, vector<1x16xf32>,
        %swap3A_1758 = vector.shape_cast %swap3A_1757 : vector<1x16xf32> to vector<16xf32>
        %swap3A_1759 = vector.shape_cast %broadcast_in_dim3A_1714 : vector<16xf32> to vector<1x16xf32>
        tpu.vector_store %arg16[%swap3A_1755, %swap3A_1756], %swap3A_1759 {strides = array<i32>} : memref<128x256xf32, #tpu.memory_space<vmem>>, vector<1x16xf32>,
        %swap3A_1760 = arith.index_cast %while3A_1724 : i32 to index
        %swap3A_1761 = arith.constant 112 : index
        %swap3A_1762 = tpu.vector_load %arg16[%swap3A_1760, %swap3A_1761] {strides = array<i32>} : memref<128x256xf32, #tpu.memory_space<vmem>>, vector<1x16xf32>,
        %swap3A_1763 = vector.shape_cast %swap3A_1762 : vector<1x16xf32> to vector<16xf32>
        %swap3A_1764 = vector.shape_cast %broadcast_in_dim3A_1714 : vector<16xf32> to vector<1x16xf32>
        tpu.vector_store %arg16[%swap3A_1760, %swap3A_1761], %swap3A_1764 {strides = array<i32>} : memref<128x256xf32, #tpu.memory_space<vmem>>, vector<1x16xf32>,
        %swap3A_1765 = arith.index_cast %while3A_1724 : i32 to index
        %swap3A_1766 = arith.constant 128 : index
        %swap3A_1767 = tpu.vector_load %arg16[%swap3A_1765, %swap3A_1766] {strides = array<i32>} : memref<128x256xf32, #tpu.memory_space<vmem>>, vector<1x16xf32>,
        %swap3A_1768 = vector.shape_cast %swap3A_1767 : vector<1x16xf32> to vector<16xf32>
        %swap3A_1769 = vector.shape_cast %broadcast_in_dim3A_1714 : vector<16xf32> to vector<1x16xf32>
        tpu.vector_store %arg16[%swap3A_1765, %swap3A_1766], %swap3A_1769 {strides = array<i32>} : memref<128x256xf32, #tpu.memory_space<vmem>>, vector<1x16xf32>,
        %swap3A_1770 = arith.index_cast %while3A_1724 : i32 to index
        %swap3A_1771 = arith.constant 144 : index
        %swap3A_1772 = tpu.vector_load %arg16[%swap3A_1770, %swap3A_1771] {strides = array<i32>} : memref<128x256xf32, #tpu.memory_space<vmem>>, vector<1x16xf32>,
        %swap3A_1773 = vector.shape_cast %swap3A_1772 : vector<1x16xf32> to vector<16xf32>
        %swap3A_1774 = vector.shape_cast %broadcast_in_dim3A_1714 : vector<16xf32> to vector<1x16xf32>
        tpu.vector_store %arg16[%swap3A_1770, %swap3A_1771], %swap3A_1774 {strides = array<i32>} : memref<128x256xf32, #tpu.memory_space<vmem>>, vector<1x16xf32>,
        %swap3A_1775 = arith.index_cast %while3A_1724 : i32 to index
        %swap3A_1776 = arith.constant 160 : index
        %swap3A_1777 = tpu.vector_load %arg16[%swap3A_1775, %swap3A_1776] {strides = array<i32>} : memref<128x256xf32, #tpu.memory_space<vmem>>, vector<1x16xf32>,
        %swap3A_1778 = vector.shape_cast %swap3A_1777 : vector<1x16xf32> to vector<16xf32>
        %swap3A_1779 = vector.shape_cast %broadcast_in_dim3A_1714 : vector<16xf32> to vector<1x16xf32>
        tpu.vector_store %arg16[%swap3A_1775, %swap3A_1776], %swap3A_1779 {strides = array<i32>} : memref<128x256xf32, #tpu.memory_space<vmem>>, vector<1x16xf32>,
        %swap3A_1780 = arith.index_cast %while3A_1724 : i32 to index
        %swap3A_1781 = arith.constant 176 : index
        %swap3A_1782 = tpu.vector_load %arg16[%swap3A_1780, %swap3A_1781] {strides = array<i32>} : memref<128x256xf32, #tpu.memory_space<vmem>>, vector<1x16xf32>,
        %swap3A_1783 = vector.shape_cast %swap3A_1782 : vector<1x16xf32> to vector<16xf32>
        %swap3A_1784 = vector.shape_cast %broadcast_in_dim3A_1714 : vector<16xf32> to vector<1x16xf32>
        tpu.vector_store %arg16[%swap3A_1780, %swap3A_1781], %swap3A_1784 {strides = array<i32>} : memref<128x256xf32, #tpu.memory_space<vmem>>, vector<1x16xf32>,
        %swap3A_1785 = arith.index_cast %while3A_1724 : i32 to index
        %swap3A_1786 = arith.constant 192 : index
        %swap3A_1787 = tpu.vector_load %arg16[%swap3A_1785, %swap3A_1786] {strides = array<i32>} : memref<128x256xf32, #tpu.memory_space<vmem>>, vector<1x16xf32>,
        %swap3A_1788 = vector.shape_cast %swap3A_1787 : vector<1x16xf32> to vector<16xf32>
        %swap3A_1789 = vector.shape_cast %broadcast_in_dim3A_1714 : vector<16xf32> to vector<1x16xf32>
        tpu.vector_store %arg16[%swap3A_1785, %swap3A_1786], %swap3A_1789 {strides = array<i32>} : memref<128x256xf32, #tpu.memory_space<vmem>>, vector<1x16xf32>,
        %swap3A_1790 = arith.index_cast %while3A_1724 : i32 to index
        %swap3A_1791 = arith.constant 208 : index
        %swap3A_1792 = tpu.vector_load %arg16[%swap3A_1790, %swap3A_1791] {strides = array<i32>} : memref<128x256xf32, #tpu.memory_space<vmem>>, vector<1x16xf32>,
        %swap3A_1793 = vector.shape_cast %swap3A_1792 : vector<1x16xf32> to vector<16xf32>
        %swap3A_1794 = vector.shape_cast %broadcast_in_dim3A_1714 : vector<16xf32> to vector<1x16xf32>
        tpu.vector_store %arg16[%swap3A_1790, %swap3A_1791], %swap3A_1794 {strides = array<i32>} : memref<128x256xf32, #tpu.memory_space<vmem>>, vector<1x16xf32>,
        %swap3A_1795 = arith.index_cast %while3A_1724 : i32 to index
        %swap3A_1796 = arith.constant 224 : index
        %swap3A_1797 = tpu.vector_load %arg16[%swap3A_1795, %swap3A_1796] {strides = array<i32>} : memref<128x256xf32, #tpu.memory_space<vmem>>, vector<1x16xf32>,
        %swap3A_1798 = vector.shape_cast %swap3A_1797 : vector<1x16xf32> to vector<16xf32>
        %swap3A_1799 = vector.shape_cast %broadcast_in_dim3A_1714 : vector<16xf32> to vector<1x16xf32>
        tpu.vector_store %arg16[%swap3A_1795, %swap3A_1796], %swap3A_1799 {strides = array<i32>} : memref<128x256xf32, #tpu.memory_space<vmem>>, vector<1x16xf32>,
        %swap3A_1800 = arith.index_cast %while3A_1724 : i32 to index
        %swap3A_1801 = arith.constant 240 : index
        %swap3A_1802 = tpu.vector_load %arg16[%swap3A_1800, %swap3A_1801] {strides = array<i32>} : memref<128x256xf32, #tpu.memory_space<vmem>>, vector<1x16xf32>,
        %swap3A_1803 = vector.shape_cast %swap3A_1802 : vector<1x16xf32> to vector<16xf32>
        %swap3A_1804 = vector.shape_cast %broadcast_in_dim3A_1714 : vector<16xf32> to vector<1x16xf32>
        tpu.vector_store %arg16[%swap3A_1800, %swap3A_1801], %swap3A_1804 {strides = array<i32>} : memref<128x256xf32, #tpu.memory_space<vmem>>, vector<1x16xf32>,
      }
    } else {
    }
    %convert_element_type3A_1562 = arith.extui %gt3A_326 : i1 to i32
    %cond3A_1563 = arith.constant 0 : i32
    %cond3A_1564 = arith.cmpi ne, %convert_element_type3A_1562, %cond3A_1563 : i32
    scf.if %cond3A_1564 {
      %dma_start3A_1713 = arith.constant 0 : i32
      %dma_start3A_1714 = tpu.memref_slice %arg5[%add3A_331, %dma_start3A_1713] : memref<32768x256xf32, #tpu.memory_space<hbm>> -> memref<128x256xf32, #tpu.memory_space<hbm>>
      %dma_start3A_1715 = arith.constant 0 : i32
      %dma_start3A_1716 = tpu.memref_slice %arg5[%add3A_331, %dma_start3A_1715] : memref<32768x256xf32, #tpu.memory_space<hbm>> -> memref<128x256xf32, #tpu.memory_space<hbm>>
      tpu.enqueue_dma source(%arg16 : memref<128x256xf32, #tpu.memory_space<vmem>>) target(%dma_start3A_1716 : memref<128x256xf32, #tpu.memory_space<hbm>>) target_semaphore(%arg23 : memref<!tpu.dma_semaphore, #tpu.memory_space<semaphore_mem>>)
    } else {
    }
    %and3A_1565 = arith.andi %gt3A_496, %gt3A_241 : i1
    %convert_element_type3A_1566 = arith.extui %and3A_1565 : i1 to i32
    %cond3A_1567 = arith.constant 0 : i32
    %cond3A_1568 = arith.cmpi ne, %convert_element_type3A_1566, %cond3A_1567 : i32
    scf.if %cond3A_1568 {
      %dma_wait3A_1713 = arith.constant 0 : i32
      %dma_wait3A_1714 = tpu.memref_slice %arg5[%add3A_246, %dma_wait3A_1713] : memref<32768x256xf32, #tpu.memory_space<hbm>> -> memref<128x256xf32, #tpu.memory_space<hbm>>
      %dma_wait3A_1715 = arith.constant 0 : i32
      %dma_wait3A_1716 = tpu.memref_slice %arg5[%add3A_246, %dma_wait3A_1715] : memref<32768x256xf32, #tpu.memory_space<hbm>> -> memref<128x256xf32, #tpu.memory_space<hbm>>
      tpu.wait_dma2 semaphore(%arg25 : memref<!tpu.dma_semaphore, #tpu.memory_space<semaphore_mem>>) src(%arg18 : memref<128x256xf32, #tpu.memory_space<vmem>>) dst(%dma_wait3A_1716 : memref<128x256xf32, #tpu.memory_space<hbm>>)
    } else {
    }
    %convert_element_type3A_1569 = arith.extui %gt3A_496 : i1 to i32
    %cond3A_1570 = arith.constant 0 : i32
    %cond3A_1571 = arith.cmpi ne, %convert_element_type3A_1569, %cond3A_1570 : i32
    scf.if %cond3A_1571 {
      %dma_start3A_1713 = arith.constant 0 : i32
      %dma_start3A_1714 = arith.constant 0 : i32
      %dma_start3A_1715 = tpu.memref_slice %arg2[%dma_start3A_1713, %dma_start3A_1714] : memref<4096x256xf32, #tpu.memory_space<hbm>> -> memref<4096x256xf32, #tpu.memory_space<hbm>>
      tpu.enqueue_indirect_dma source(%dma_start3A_1715 : memref<4096x256xf32, #tpu.memory_space<hbm>>) target(%arg18 : memref<128x256xf32, #tpu.memory_space<vmem>>) offsets(%arg12 : memref<128xi32, #tpu.memory_space<vmem>>) semaphore(%arg22 : memref<!tpu.dma_semaphore, #tpu.memory_space<semaphore_mem>>)
    } else {
    }
    %convert_element_type3A_1572 = arith.extui %gt3A_411 : i1 to i32
    %cond3A_1573 = arith.constant 0 : i32
    %cond3A_1574 = arith.cmpi ne, %convert_element_type3A_1572, %cond3A_1573 : i32
    scf.if %cond3A_1574 {
      %dma_wait3A_1713 = arith.constant 0 : i32
      %dma_wait3A_1714 = arith.constant 0 : i32
      %dma_wait3A_1715 = tpu.memref_slice %arg2[%dma_wait3A_1713, %dma_wait3A_1714] : memref<4096x256xf32, #tpu.memory_space<hbm>> -> memref<4096x256xf32, #tpu.memory_space<hbm>>
      tpu.wait_indirect_dma semaphore(%arg21 : memref<!tpu.dma_semaphore, #tpu.memory_space<semaphore_mem>>) src(%dma_wait3A_1715 : memref<4096x256xf32, #tpu.memory_space<hbm>>) dst(%arg17 : memref<128x256xf32, #tpu.memory_space<vmem>>)
    } else {
    }
    %lt3A_1575 = arith.constant 128 : i32
    %lt3A_1576 = arith.cmpi slt, %min3A_409, %lt3A_1575 : i32
    %and3A_1577 = arith.andi %gt3A_411, %lt3A_1576 : i1
    %convert_element_type3A_1578 = arith.extui %and3A_1577 : i1 to i32
    %cond3A_1579 = arith.constant 0 : i32
    %cond3A_1580 = arith.cmpi ne, %convert_element_type3A_1578, %cond3A_1579 : i32
    scf.if %cond3A_1580 {
      %broadcast_in_dim3A_1713 = arith.constant 0.000000e+00 : f32
      %broadcast_in_dim3A_1714 = vector.broadcast %broadcast_in_dim3A_1713 : f32 to vector<16xf32>
      %while3A = arith.constant 0 : i32
      %while3A_1715 = arith.constant 128 : i32
      %while3A_1716 = arith.subi %while3A_1715, %min3A_409 : i32
      %while3A_1717 = arith.addi %min3A_409, %while3A_1716 : i32
      %while3A_1718 = arith.constant 1 : i32
      %while3A_1719 = arith.divsi %while3A_1716, %while3A_1718 : i32
      %while3A_1720 = arith.muli %while3A_1719, %while3A_1718 : i32
      %while3A_1721 = arith.addi %min3A_409, %while3A_1720 : i32
      %while3A_1722 = arith.constant 1 : i32
      scf.for %while3A_1724 = %min3A_409 to %while3A_1721 step %while3A_1722  : i32 {
        %swap3A_1725 = arith.index_cast %while3A_1724 : i32 to index
        %swap3A_1726 = arith.constant 0 : index
        %swap3A_1727 = tpu.vector_load %arg17[%swap3A_1725, %swap3A_1726] {strides = array<i32>} : memref<128x256xf32, #tpu.memory_space<vmem>>, vector<1x16xf32>,
        %swap3A_1728 = vector.shape_cast %swap3A_1727 : vector<1x16xf32> to vector<16xf32>
        %swap3A_1729 = vector.shape_cast %broadcast_in_dim3A_1714 : vector<16xf32> to vector<1x16xf32>
        tpu.vector_store %arg17[%swap3A_1725, %swap3A_1726], %swap3A_1729 {strides = array<i32>} : memref<128x256xf32, #tpu.memory_space<vmem>>, vector<1x16xf32>,
        %swap3A_1730 = arith.index_cast %while3A_1724 : i32 to index
        %swap3A_1731 = arith.constant 16 : index
        %swap3A_1732 = tpu.vector_load %arg17[%swap3A_1730, %swap3A_1731] {strides = array<i32>} : memref<128x256xf32, #tpu.memory_space<vmem>>, vector<1x16xf32>,
        %swap3A_1733 = vector.shape_cast %swap3A_1732 : vector<1x16xf32> to vector<16xf32>
        %swap3A_1734 = vector.shape_cast %broadcast_in_dim3A_1714 : vector<16xf32> to vector<1x16xf32>
        tpu.vector_store %arg17[%swap3A_1730, %swap3A_1731], %swap3A_1734 {strides = array<i32>} : memref<128x256xf32, #tpu.memory_space<vmem>>, vector<1x16xf32>,
        %swap3A_1735 = arith.index_cast %while3A_1724 : i32 to index
        %swap3A_1736 = arith.constant 32 : index
        %swap3A_1737 = tpu.vector_load %arg17[%swap3A_1735, %swap3A_1736] {strides = array<i32>} : memref<128x256xf32, #tpu.memory_space<vmem>>, vector<1x16xf32>,
        %swap3A_1738 = vector.shape_cast %swap3A_1737 : vector<1x16xf32> to vector<16xf32>
        %swap3A_1739 = vector.shape_cast %broadcast_in_dim3A_1714 : vector<16xf32> to vector<1x16xf32>
        tpu.vector_store %arg17[%swap3A_1735, %swap3A_1736], %swap3A_1739 {strides = array<i32>} : memref<128x256xf32, #tpu.memory_space<vmem>>, vector<1x16xf32>,
        %swap3A_1740 = arith.index_cast %while3A_1724 : i32 to index
        %swap3A_1741 = arith.constant 48 : index
        %swap3A_1742 = tpu.vector_load %arg17[%swap3A_1740, %swap3A_1741] {strides = array<i32>} : memref<128x256xf32, #tpu.memory_space<vmem>>, vector<1x16xf32>,
        %swap3A_1743 = vector.shape_cast %swap3A_1742 : vector<1x16xf32> to vector<16xf32>
        %swap3A_1744 = vector.shape_cast %broadcast_in_dim3A_1714 : vector<16xf32> to vector<1x16xf32>
        tpu.vector_store %arg17[%swap3A_1740, %swap3A_1741], %swap3A_1744 {strides = array<i32>} : memref<128x256xf32, #tpu.memory_space<vmem>>, vector<1x16xf32>,
        %swap3A_1745 = arith.index_cast %while3A_1724 : i32 to index
        %swap3A_1746 = arith.constant 64 : index
        %swap3A_1747 = tpu.vector_load %arg17[%swap3A_1745, %swap3A_1746] {strides = array<i32>} : memref<128x256xf32, #tpu.memory_space<vmem>>, vector<1x16xf32>,
        %swap3A_1748 = vector.shape_cast %swap3A_1747 : vector<1x16xf32> to vector<16xf32>
        %swap3A_1749 = vector.shape_cast %broadcast_in_dim3A_1714 : vector<16xf32> to vector<1x16xf32>
        tpu.vector_store %arg17[%swap3A_1745, %swap3A_1746], %swap3A_1749 {strides = array<i32>} : memref<128x256xf32, #tpu.memory_space<vmem>>, vector<1x16xf32>,
        %swap3A_1750 = arith.index_cast %while3A_1724 : i32 to index
        %swap3A_1751 = arith.constant 80 : index
        %swap3A_1752 = tpu.vector_load %arg17[%swap3A_1750, %swap3A_1751] {strides = array<i32>} : memref<128x256xf32, #tpu.memory_space<vmem>>, vector<1x16xf32>,
        %swap3A_1753 = vector.shape_cast %swap3A_1752 : vector<1x16xf32> to vector<16xf32>
        %swap3A_1754 = vector.shape_cast %broadcast_in_dim3A_1714 : vector<16xf32> to vector<1x16xf32>
        tpu.vector_store %arg17[%swap3A_1750, %swap3A_1751], %swap3A_1754 {strides = array<i32>} : memref<128x256xf32, #tpu.memory_space<vmem>>, vector<1x16xf32>,
        %swap3A_1755 = arith.index_cast %while3A_1724 : i32 to index
        %swap3A_1756 = arith.constant 96 : index
        %swap3A_1757 = tpu.vector_load %arg17[%swap3A_1755, %swap3A_1756] {strides = array<i32>} : memref<128x256xf32, #tpu.memory_space<vmem>>, vector<1x16xf32>,
        %swap3A_1758 = vector.shape_cast %swap3A_1757 : vector<1x16xf32> to vector<16xf32>
        %swap3A_1759 = vector.shape_cast %broadcast_in_dim3A_1714 : vector<16xf32> to vector<1x16xf32>
        tpu.vector_store %arg17[%swap3A_1755, %swap3A_1756], %swap3A_1759 {strides = array<i32>} : memref<128x256xf32, #tpu.memory_space<vmem>>, vector<1x16xf32>,
        %swap3A_1760 = arith.index_cast %while3A_1724 : i32 to index
        %swap3A_1761 = arith.constant 112 : index
        %swap3A_1762 = tpu.vector_load %arg17[%swap3A_1760, %swap3A_1761] {strides = array<i32>} : memref<128x256xf32, #tpu.memory_space<vmem>>, vector<1x16xf32>,
        %swap3A_1763 = vector.shape_cast %swap3A_1762 : vector<1x16xf32> to vector<16xf32>
        %swap3A_1764 = vector.shape_cast %broadcast_in_dim3A_1714 : vector<16xf32> to vector<1x16xf32>
        tpu.vector_store %arg17[%swap3A_1760, %swap3A_1761], %swap3A_1764 {strides = array<i32>} : memref<128x256xf32, #tpu.memory_space<vmem>>, vector<1x16xf32>,
        %swap3A_1765 = arith.index_cast %while3A_1724 : i32 to index
        %swap3A_1766 = arith.constant 128 : index
        %swap3A_1767 = tpu.vector_load %arg17[%swap3A_1765, %swap3A_1766] {strides = array<i32>} : memref<128x256xf32, #tpu.memory_space<vmem>>, vector<1x16xf32>,
        %swap3A_1768 = vector.shape_cast %swap3A_1767 : vector<1x16xf32> to vector<16xf32>
        %swap3A_1769 = vector.shape_cast %broadcast_in_dim3A_1714 : vector<16xf32> to vector<1x16xf32>
        tpu.vector_store %arg17[%swap3A_1765, %swap3A_1766], %swap3A_1769 {strides = array<i32>} : memref<128x256xf32, #tpu.memory_space<vmem>>, vector<1x16xf32>,
        %swap3A_1770 = arith.index_cast %while3A_1724 : i32 to index
        %swap3A_1771 = arith.constant 144 : index
        %swap3A_1772 = tpu.vector_load %arg17[%swap3A_1770, %swap3A_1771] {strides = array<i32>} : memref<128x256xf32, #tpu.memory_space<vmem>>, vector<1x16xf32>,
        %swap3A_1773 = vector.shape_cast %swap3A_1772 : vector<1x16xf32> to vector<16xf32>
        %swap3A_1774 = vector.shape_cast %broadcast_in_dim3A_1714 : vector<16xf32> to vector<1x16xf32>
        tpu.vector_store %arg17[%swap3A_1770, %swap3A_1771], %swap3A_1774 {strides = array<i32>} : memref<128x256xf32, #tpu.memory_space<vmem>>, vector<1x16xf32>,
        %swap3A_1775 = arith.index_cast %while3A_1724 : i32 to index
        %swap3A_1776 = arith.constant 160 : index
        %swap3A_1777 = tpu.vector_load %arg17[%swap3A_1775, %swap3A_1776] {strides = array<i32>} : memref<128x256xf32, #tpu.memory_space<vmem>>, vector<1x16xf32>,
        %swap3A_1778 = vector.shape_cast %swap3A_1777 : vector<1x16xf32> to vector<16xf32>
        %swap3A_1779 = vector.shape_cast %broadcast_in_dim3A_1714 : vector<16xf32> to vector<1x16xf32>
        tpu.vector_store %arg17[%swap3A_1775, %swap3A_1776], %swap3A_1779 {strides = array<i32>} : memref<128x256xf32, #tpu.memory_space<vmem>>, vector<1x16xf32>,
        %swap3A_1780 = arith.index_cast %while3A_1724 : i32 to index
        %swap3A_1781 = arith.constant 176 : index
        %swap3A_1782 = tpu.vector_load %arg17[%swap3A_1780, %swap3A_1781] {strides = array<i32>} : memref<128x256xf32, #tpu.memory_space<vmem>>, vector<1x16xf32>,
        %swap3A_1783 = vector.shape_cast %swap3A_1782 : vector<1x16xf32> to vector<16xf32>
        %swap3A_1784 = vector.shape_cast %broadcast_in_dim3A_1714 : vector<16xf32> to vector<1x16xf32>
        tpu.vector_store %arg17[%swap3A_1780, %swap3A_1781], %swap3A_1784 {strides = array<i32>} : memref<128x256xf32, #tpu.memory_space<vmem>>, vector<1x16xf32>,
        %swap3A_1785 = arith.index_cast %while3A_1724 : i32 to index
        %swap3A_1786 = arith.constant 192 : index
        %swap3A_1787 = tpu.vector_load %arg17[%swap3A_1785, %swap3A_1786] {strides = array<i32>} : memref<128x256xf32, #tpu.memory_space<vmem>>, vector<1x16xf32>,
        %swap3A_1788 = vector.shape_cast %swap3A_1787 : vector<1x16xf32> to vector<16xf32>
        %swap3A_1789 = vector.shape_cast %broadcast_in_dim3A_1714 : vector<16xf32> to vector<1x16xf32>
        tpu.vector_store %arg17[%swap3A_1785, %swap3A_1786], %swap3A_1789 {strides = array<i32>} : memref<128x256xf32, #tpu.memory_space<vmem>>, vector<1x16xf32>,
        %swap3A_1790 = arith.index_cast %while3A_1724 : i32 to index
        %swap3A_1791 = arith.constant 208 : index
        %swap3A_1792 = tpu.vector_load %arg17[%swap3A_1790, %swap3A_1791] {strides = array<i32>} : memref<128x256xf32, #tpu.memory_space<vmem>>, vector<1x16xf32>,
        %swap3A_1793 = vector.shape_cast %swap3A_1792 : vector<1x16xf32> to vector<16xf32>
        %swap3A_1794 = vector.shape_cast %broadcast_in_dim3A_1714 : vector<16xf32> to vector<1x16xf32>
        tpu.vector_store %arg17[%swap3A_1790, %swap3A_1791], %swap3A_1794 {strides = array<i32>} : memref<128x256xf32, #tpu.memory_space<vmem>>, vector<1x16xf32>,
        %swap3A_1795 = arith.index_cast %while3A_1724 : i32 to index
        %swap3A_1796 = arith.constant 224 : index
        %swap3A_1797 = tpu.vector_load %arg17[%swap3A_1795, %swap3A_1796] {strides = array<i32>} : memref<128x256xf32, #tpu.memory_space<vmem>>, vector<1x16xf32>,
        %swap3A_1798 = vector.shape_cast %swap3A_1797 : vector<1x16xf32> to vector<16xf32>
        %swap3A_1799 = vector.shape_cast %broadcast_in_dim3A_1714 : vector<16xf32> to vector<1x16xf32>
        tpu.vector_store %arg17[%swap3A_1795, %swap3A_1796], %swap3A_1799 {strides = array<i32>} : memref<128x256xf32, #tpu.memory_space<vmem>>, vector<1x16xf32>,
        %swap3A_1800 = arith.index_cast %while3A_1724 : i32 to index
        %swap3A_1801 = arith.constant 240 : index
        %swap3A_1802 = tpu.vector_load %arg17[%swap3A_1800, %swap3A_1801] {strides = array<i32>} : memref<128x256xf32, #tpu.memory_space<vmem>>, vector<1x16xf32>,
        %swap3A_1803 = vector.shape_cast %swap3A_1802 : vector<1x16xf32> to vector<16xf32>
        %swap3A_1804 = vector.shape_cast %broadcast_in_dim3A_1714 : vector<16xf32> to vector<1x16xf32>
        tpu.vector_store %arg17[%swap3A_1800, %swap3A_1801], %swap3A_1804 {strides = array<i32>} : memref<128x256xf32, #tpu.memory_space<vmem>>, vector<1x16xf32>,
      }
      %while3A_1723 = arith.constant 1 : i32
      scf.for %while3A_1724 = %while3A_1721 to %while3A_1717 step %while3A_1723  : i32 {
        %swap3A_1725 = arith.index_cast %while3A_1724 : i32 to index
        %swap3A_1726 = arith.constant 0 : index
        %swap3A_1727 = tpu.vector_load %arg17[%swap3A_1725, %swap3A_1726] {strides = array<i32>} : memref<128x256xf32, #tpu.memory_space<vmem>>, vector<1x16xf32>,
        %swap3A_1728 = vector.shape_cast %swap3A_1727 : vector<1x16xf32> to vector<16xf32>
        %swap3A_1729 = vector.shape_cast %broadcast_in_dim3A_1714 : vector<16xf32> to vector<1x16xf32>
        tpu.vector_store %arg17[%swap3A_1725, %swap3A_1726], %swap3A_1729 {strides = array<i32>} : memref<128x256xf32, #tpu.memory_space<vmem>>, vector<1x16xf32>,
        %swap3A_1730 = arith.index_cast %while3A_1724 : i32 to index
        %swap3A_1731 = arith.constant 16 : index
        %swap3A_1732 = tpu.vector_load %arg17[%swap3A_1730, %swap3A_1731] {strides = array<i32>} : memref<128x256xf32, #tpu.memory_space<vmem>>, vector<1x16xf32>,
        %swap3A_1733 = vector.shape_cast %swap3A_1732 : vector<1x16xf32> to vector<16xf32>
        %swap3A_1734 = vector.shape_cast %broadcast_in_dim3A_1714 : vector<16xf32> to vector<1x16xf32>
        tpu.vector_store %arg17[%swap3A_1730, %swap3A_1731], %swap3A_1734 {strides = array<i32>} : memref<128x256xf32, #tpu.memory_space<vmem>>, vector<1x16xf32>,
        %swap3A_1735 = arith.index_cast %while3A_1724 : i32 to index
        %swap3A_1736 = arith.constant 32 : index
        %swap3A_1737 = tpu.vector_load %arg17[%swap3A_1735, %swap3A_1736] {strides = array<i32>} : memref<128x256xf32, #tpu.memory_space<vmem>>, vector<1x16xf32>,
        %swap3A_1738 = vector.shape_cast %swap3A_1737 : vector<1x16xf32> to vector<16xf32>
        %swap3A_1739 = vector.shape_cast %broadcast_in_dim3A_1714 : vector<16xf32> to vector<1x16xf32>
        tpu.vector_store %arg17[%swap3A_1735, %swap3A_1736], %swap3A_1739 {strides = array<i32>} : memref<128x256xf32, #tpu.memory_space<vmem>>, vector<1x16xf32>,
        %swap3A_1740 = arith.index_cast %while3A_1724 : i32 to index
        %swap3A_1741 = arith.constant 48 : index
        %swap3A_1742 = tpu.vector_load %arg17[%swap3A_1740, %swap3A_1741] {strides = array<i32>} : memref<128x256xf32, #tpu.memory_space<vmem>>, vector<1x16xf32>,
        %swap3A_1743 = vector.shape_cast %swap3A_1742 : vector<1x16xf32> to vector<16xf32>
        %swap3A_1744 = vector.shape_cast %broadcast_in_dim3A_1714 : vector<16xf32> to vector<1x16xf32>
        tpu.vector_store %arg17[%swap3A_1740, %swap3A_1741], %swap3A_1744 {strides = array<i32>} : memref<128x256xf32, #tpu.memory_space<vmem>>, vector<1x16xf32>,
        %swap3A_1745 = arith.index_cast %while3A_1724 : i32 to index
        %swap3A_1746 = arith.constant 64 : index
        %swap3A_1747 = tpu.vector_load %arg17[%swap3A_1745, %swap3A_1746] {strides = array<i32>} : memref<128x256xf32, #tpu.memory_space<vmem>>, vector<1x16xf32>,
        %swap3A_1748 = vector.shape_cast %swap3A_1747 : vector<1x16xf32> to vector<16xf32>
        %swap3A_1749 = vector.shape_cast %broadcast_in_dim3A_1714 : vector<16xf32> to vector<1x16xf32>
        tpu.vector_store %arg17[%swap3A_1745, %swap3A_1746], %swap3A_1749 {strides = array<i32>} : memref<128x256xf32, #tpu.memory_space<vmem>>, vector<1x16xf32>,
        %swap3A_1750 = arith.index_cast %while3A_1724 : i32 to index
        %swap3A_1751 = arith.constant 80 : index
        %swap3A_1752 = tpu.vector_load %arg17[%swap3A_1750, %swap3A_1751] {strides = array<i32>} : memref<128x256xf32, #tpu.memory_space<vmem>>, vector<1x16xf32>,
        %swap3A_1753 = vector.shape_cast %swap3A_1752 : vector<1x16xf32> to vector<16xf32>
        %swap3A_1754 = vector.shape_cast %broadcast_in_dim3A_1714 : vector<16xf32> to vector<1x16xf32>
        tpu.vector_store %arg17[%swap3A_1750, %swap3A_1751], %swap3A_1754 {strides = array<i32>} : memref<128x256xf32, #tpu.memory_space<vmem>>, vector<1x16xf32>,
        %swap3A_1755 = arith.index_cast %while3A_1724 : i32 to index
        %swap3A_1756 = arith.constant 96 : index
        %swap3A_1757 = tpu.vector_load %arg17[%swap3A_1755, %swap3A_1756] {strides = array<i32>} : memref<128x256xf32, #tpu.memory_space<vmem>>, vector<1x16xf32>,
        %swap3A_1758 = vector.shape_cast %swap3A_1757 : vector<1x16xf32> to vector<16xf32>
        %swap3A_1759 = vector.shape_cast %broadcast_in_dim3A_1714 : vector<16xf32> to vector<1x16xf32>
        tpu.vector_store %arg17[%swap3A_1755, %swap3A_1756], %swap3A_1759 {strides = array<i32>} : memref<128x256xf32, #tpu.memory_space<vmem>>, vector<1x16xf32>,
        %swap3A_1760 = arith.index_cast %while3A_1724 : i32 to index
        %swap3A_1761 = arith.constant 112 : index
        %swap3A_1762 = tpu.vector_load %arg17[%swap3A_1760, %swap3A_1761] {strides = array<i32>} : memref<128x256xf32, #tpu.memory_space<vmem>>, vector<1x16xf32>,
        %swap3A_1763 = vector.shape_cast %swap3A_1762 : vector<1x16xf32> to vector<16xf32>
        %swap3A_1764 = vector.shape_cast %broadcast_in_dim3A_1714 : vector<16xf32> to vector<1x16xf32>
        tpu.vector_store %arg17[%swap3A_1760, %swap3A_1761], %swap3A_1764 {strides = array<i32>} : memref<128x256xf32, #tpu.memory_space<vmem>>, vector<1x16xf32>,
        %swap3A_1765 = arith.index_cast %while3A_1724 : i32 to index
        %swap3A_1766 = arith.constant 128 : index
        %swap3A_1767 = tpu.vector_load %arg17[%swap3A_1765, %swap3A_1766] {strides = array<i32>} : memref<128x256xf32, #tpu.memory_space<vmem>>, vector<1x16xf32>,
        %swap3A_1768 = vector.shape_cast %swap3A_1767 : vector<1x16xf32> to vector<16xf32>
        %swap3A_1769 = vector.shape_cast %broadcast_in_dim3A_1714 : vector<16xf32> to vector<1x16xf32>
        tpu.vector_store %arg17[%swap3A_1765, %swap3A_1766], %swap3A_1769 {strides = array<i32>} : memref<128x256xf32, #tpu.memory_space<vmem>>, vector<1x16xf32>,
        %swap3A_1770 = arith.index_cast %while3A_1724 : i32 to index
        %swap3A_1771 = arith.constant 144 : index
        %swap3A_1772 = tpu.vector_load %arg17[%swap3A_1770, %swap3A_1771] {strides = array<i32>} : memref<128x256xf32, #tpu.memory_space<vmem>>, vector<1x16xf32>,
        %swap3A_1773 = vector.shape_cast %swap3A_1772 : vector<1x16xf32> to vector<16xf32>
        %swap3A_1774 = vector.shape_cast %broadcast_in_dim3A_1714 : vector<16xf32> to vector<1x16xf32>
        tpu.vector_store %arg17[%swap3A_1770, %swap3A_1771], %swap3A_1774 {strides = array<i32>} : memref<128x256xf32, #tpu.memory_space<vmem>>, vector<1x16xf32>,
        %swap3A_1775 = arith.index_cast %while3A_1724 : i32 to index
        %swap3A_1776 = arith.constant 160 : index
        %swap3A_1777 = tpu.vector_load %arg17[%swap3A_1775, %swap3A_1776] {strides = array<i32>} : memref<128x256xf32, #tpu.memory_space<vmem>>, vector<1x16xf32>,
        %swap3A_1778 = vector.shape_cast %swap3A_1777 : vector<1x16xf32> to vector<16xf32>
        %swap3A_1779 = vector.shape_cast %broadcast_in_dim3A_1714 : vector<16xf32> to vector<1x16xf32>
        tpu.vector_store %arg17[%swap3A_1775, %swap3A_1776], %swap3A_1779 {strides = array<i32>} : memref<128x256xf32, #tpu.memory_space<vmem>>, vector<1x16xf32>,
        %swap3A_1780 = arith.index_cast %while3A_1724 : i32 to index
        %swap3A_1781 = arith.constant 176 : index
        %swap3A_1782 = tpu.vector_load %arg17[%swap3A_1780, %swap3A_1781] {strides = array<i32>} : memref<128x256xf32, #tpu.memory_space<vmem>>, vector<1x16xf32>,
        %swap3A_1783 = vector.shape_cast %swap3A_1782 : vector<1x16xf32> to vector<16xf32>
        %swap3A_1784 = vector.shape_cast %broadcast_in_dim3A_1714 : vector<16xf32> to vector<1x16xf32>
        tpu.vector_store %arg17[%swap3A_1780, %swap3A_1781], %swap3A_1784 {strides = array<i32>} : memref<128x256xf32, #tpu.memory_space<vmem>>, vector<1x16xf32>,
        %swap3A_1785 = arith.index_cast %while3A_1724 : i32 to index
        %swap3A_1786 = arith.constant 192 : index
        %swap3A_1787 = tpu.vector_load %arg17[%swap3A_1785, %swap3A_1786] {strides = array<i32>} : memref<128x256xf32, #tpu.memory_space<vmem>>, vector<1x16xf32>,
        %swap3A_1788 = vector.shape_cast %swap3A_1787 : vector<1x16xf32> to vector<16xf32>
        %swap3A_1789 = vector.shape_cast %broadcast_in_dim3A_1714 : vector<16xf32> to vector<1x16xf32>
        tpu.vector_store %arg17[%swap3A_1785, %swap3A_1786], %swap3A_1789 {strides = array<i32>} : memref<128x256xf32, #tpu.memory_space<vmem>>, vector<1x16xf32>,
        %swap3A_1790 = arith.index_cast %while3A_1724 : i32 to index
        %swap3A_1791 = arith.constant 208 : index
        %swap3A_1792 = tpu.vector_load %arg17[%swap3A_1790, %swap3A_1791] {strides = array<i32>} : memref<128x256xf32, #tpu.memory_space<vmem>>, vector<1x16xf32>,
        %swap3A_1793 = vector.shape_cast %swap3A_1792 : vector<1x16xf32> to vector<16xf32>
        %swap3A_1794 = vector.shape_cast %broadcast_in_dim3A_1714 : vector<16xf32> to vector<1x16xf32>
        tpu.vector_store %arg17[%swap3A_1790, %swap3A_1791], %swap3A_1794 {strides = array<i32>} : memref<128x256xf32, #tpu.memory_space<vmem>>, vector<1x16xf32>,
        %swap3A_1795 = arith.index_cast %while3A_1724 : i32 to index
        %swap3A_1796 = arith.constant 224 : index
        %swap3A_1797 = tpu.vector_load %arg17[%swap3A_1795, %swap3A_1796] {strides = array<i32>} : memref<128x256xf32, #tpu.memory_space<vmem>>, vector<1x16xf32>,
        %swap3A_1798 = vector.shape_cast %swap3A_1797 : vector<1x16xf32> to vector<16xf32>
        %swap3A_1799 = vector.shape_cast %broadcast_in_dim3A_1714 : vector<16xf32> to vector<1x16xf32>
        tpu.vector_store %arg17[%swap3A_1795, %swap3A_1796], %swap3A_1799 {strides = array<i32>} : memref<128x256xf32, #tpu.memory_space<vmem>>, vector<1x16xf32>,
        %swap3A_1800 = arith.index_cast %while3A_1724 : i32 to index
        %swap3A_1801 = arith.constant 240 : index
        %swap3A_1802 = tpu.vector_load %arg17[%swap3A_1800, %swap3A_1801] {strides = array<i32>} : memref<128x256xf32, #tpu.memory_space<vmem>>, vector<1x16xf32>,
        %swap3A_1803 = vector.shape_cast %swap3A_1802 : vector<1x16xf32> to vector<16xf32>
        %swap3A_1804 = vector.shape_cast %broadcast_in_dim3A_1714 : vector<16xf32> to vector<1x16xf32>
        tpu.vector_store %arg17[%swap3A_1800, %swap3A_1801], %swap3A_1804 {strides = array<i32>} : memref<128x256xf32, #tpu.memory_space<vmem>>, vector<1x16xf32>,
      }
    } else {
    }
    %convert_element_type3A_1581 = arith.extui %gt3A_411 : i1 to i32
    %cond3A_1582 = arith.constant 0 : i32
    %cond3A_1583 = arith.cmpi ne, %convert_element_type3A_1581, %cond3A_1582 : i32
    scf.if %cond3A_1583 {
      %dma_start3A_1713 = arith.constant 0 : i32
      %dma_start3A_1714 = tpu.memref_slice %arg5[%add3A_416, %dma_start3A_1713] : memref<32768x256xf32, #tpu.memory_space<hbm>> -> memref<128x256xf32, #tpu.memory_space<hbm>>
      %dma_start3A_1715 = arith.constant 0 : i32
      %dma_start3A_1716 = tpu.memref_slice %arg5[%add3A_416, %dma_start3A_1715] : memref<32768x256xf32, #tpu.memory_space<hbm>> -> memref<128x256xf32, #tpu.memory_space<hbm>>
      tpu.enqueue_dma source(%arg17 : memref<128x256xf32, #tpu.memory_space<vmem>>) target(%dma_start3A_1716 : memref<128x256xf32, #tpu.memory_space<hbm>>) target_semaphore(%arg24 : memref<!tpu.dma_semaphore, #tpu.memory_space<semaphore_mem>>)
    } else {
    }
    %and3A_1584 = arith.andi %gt3A_581, %gt3A_326 : i1
    %convert_element_type3A_1585 = arith.extui %and3A_1584 : i1 to i32
    %cond3A_1586 = arith.constant 0 : i32
    %cond3A_1587 = arith.cmpi ne, %convert_element_type3A_1585, %cond3A_1586 : i32
    scf.if %cond3A_1587 {
      %dma_wait3A_1713 = arith.constant 0 : i32
      %dma_wait3A_1714 = tpu.memref_slice %arg5[%add3A_331, %dma_wait3A_1713] : memref<32768x256xf32, #tpu.memory_space<hbm>> -> memref<128x256xf32, #tpu.memory_space<hbm>>
      %dma_wait3A_1715 = arith.constant 0 : i32
      %dma_wait3A_1716 = tpu.memref_slice %arg5[%add3A_331, %dma_wait3A_1715] : memref<32768x256xf32, #tpu.memory_space<hbm>> -> memref<128x256xf32, #tpu.memory_space<hbm>>
      tpu.wait_dma2 semaphore(%arg23 : memref<!tpu.dma_semaphore, #tpu.memory_space<semaphore_mem>>) src(%arg16 : memref<128x256xf32, #tpu.memory_space<vmem>>) dst(%dma_wait3A_1716 : memref<128x256xf32, #tpu.memory_space<hbm>>)
    } else {
    }
    %convert_element_type3A_1588 = arith.extui %gt3A_581 : i1 to i32
    %cond3A_1589 = arith.constant 0 : i32
    %cond3A_1590 = arith.cmpi ne, %convert_element_type3A_1588, %cond3A_1589 : i32
    scf.if %cond3A_1590 {
      %dma_start3A_1713 = arith.constant 0 : i32
      %dma_start3A_1714 = arith.constant 0 : i32
      %dma_start3A_1715 = tpu.memref_slice %arg2[%dma_start3A_1713, %dma_start3A_1714] : memref<4096x256xf32, #tpu.memory_space<hbm>> -> memref<4096x256xf32, #tpu.memory_space<hbm>>
      tpu.enqueue_indirect_dma source(%dma_start3A_1715 : memref<4096x256xf32, #tpu.memory_space<hbm>>) target(%arg16 : memref<128x256xf32, #tpu.memory_space<vmem>>) offsets(%arg13 : memref<128xi32, #tpu.memory_space<vmem>>) semaphore(%arg20 : memref<!tpu.dma_semaphore, #tpu.memory_space<semaphore_mem>>)
    } else {
    }
    %convert_element_type3A_1591 = arith.extui %gt3A_496 : i1 to i32
    %cond3A_1592 = arith.constant 0 : i32
    %cond3A_1593 = arith.cmpi ne, %convert_element_type3A_1591, %cond3A_1592 : i32
    scf.if %cond3A_1593 {
      %dma_wait3A_1713 = arith.constant 0 : i32
      %dma_wait3A_1714 = arith.constant 0 : i32
      %dma_wait3A_1715 = tpu.memref_slice %arg2[%dma_wait3A_1713, %dma_wait3A_1714] : memref<4096x256xf32, #tpu.memory_space<hbm>> -> memref<4096x256xf32, #tpu.memory_space<hbm>>
      tpu.wait_indirect_dma semaphore(%arg22 : memref<!tpu.dma_semaphore, #tpu.memory_space<semaphore_mem>>) src(%dma_wait3A_1715 : memref<4096x256xf32, #tpu.memory_space<hbm>>) dst(%arg18 : memref<128x256xf32, #tpu.memory_space<vmem>>)
    } else {
    }
    %lt3A_1594 = arith.constant 128 : i32
    %lt3A_1595 = arith.cmpi slt, %min3A_494, %lt3A_1594 : i32
    %and3A_1596 = arith.andi %gt3A_496, %lt3A_1595 : i1
    %convert_element_type3A_1597 = arith.extui %and3A_1596 : i1 to i32
    %cond3A_1598 = arith.constant 0 : i32
    %cond3A_1599 = arith.cmpi ne, %convert_element_type3A_1597, %cond3A_1598 : i32
    scf.if %cond3A_1599 {
      %broadcast_in_dim3A_1713 = arith.constant 0.000000e+00 : f32
      %broadcast_in_dim3A_1714 = vector.broadcast %broadcast_in_dim3A_1713 : f32 to vector<16xf32>
      %while3A = arith.constant 0 : i32
      %while3A_1715 = arith.constant 128 : i32
      %while3A_1716 = arith.subi %while3A_1715, %min3A_494 : i32
      %while3A_1717 = arith.addi %min3A_494, %while3A_1716 : i32
      %while3A_1718 = arith.constant 1 : i32
      %while3A_1719 = arith.divsi %while3A_1716, %while3A_1718 : i32
      %while3A_1720 = arith.muli %while3A_1719, %while3A_1718 : i32
      %while3A_1721 = arith.addi %min3A_494, %while3A_1720 : i32
      %while3A_1722 = arith.constant 1 : i32
      scf.for %while3A_1724 = %min3A_494 to %while3A_1721 step %while3A_1722  : i32 {
        %swap3A_1725 = arith.index_cast %while3A_1724 : i32 to index
        %swap3A_1726 = arith.constant 0 : index
        %swap3A_1727 = tpu.vector_load %arg18[%swap3A_1725, %swap3A_1726] {strides = array<i32>} : memref<128x256xf32, #tpu.memory_space<vmem>>, vector<1x16xf32>,
        %swap3A_1728 = vector.shape_cast %swap3A_1727 : vector<1x16xf32> to vector<16xf32>
        %swap3A_1729 = vector.shape_cast %broadcast_in_dim3A_1714 : vector<16xf32> to vector<1x16xf32>
        tpu.vector_store %arg18[%swap3A_1725, %swap3A_1726], %swap3A_1729 {strides = array<i32>} : memref<128x256xf32, #tpu.memory_space<vmem>>, vector<1x16xf32>,
        %swap3A_1730 = arith.index_cast %while3A_1724 : i32 to index
        %swap3A_1731 = arith.constant 16 : index
        %swap3A_1732 = tpu.vector_load %arg18[%swap3A_1730, %swap3A_1731] {strides = array<i32>} : memref<128x256xf32, #tpu.memory_space<vmem>>, vector<1x16xf32>,
        %swap3A_1733 = vector.shape_cast %swap3A_1732 : vector<1x16xf32> to vector<16xf32>
        %swap3A_1734 = vector.shape_cast %broadcast_in_dim3A_1714 : vector<16xf32> to vector<1x16xf32>
        tpu.vector_store %arg18[%swap3A_1730, %swap3A_1731], %swap3A_1734 {strides = array<i32>} : memref<128x256xf32, #tpu.memory_space<vmem>>, vector<1x16xf32>,
        %swap3A_1735 = arith.index_cast %while3A_1724 : i32 to index
        %swap3A_1736 = arith.constant 32 : index
        %swap3A_1737 = tpu.vector_load %arg18[%swap3A_1735, %swap3A_1736] {strides = array<i32>} : memref<128x256xf32, #tpu.memory_space<vmem>>, vector<1x16xf32>,
        %swap3A_1738 = vector.shape_cast %swap3A_1737 : vector<1x16xf32> to vector<16xf32>
        %swap3A_1739 = vector.shape_cast %broadcast_in_dim3A_1714 : vector<16xf32> to vector<1x16xf32>
        tpu.vector_store %arg18[%swap3A_1735, %swap3A_1736], %swap3A_1739 {strides = array<i32>} : memref<128x256xf32, #tpu.memory_space<vmem>>, vector<1x16xf32>,
        %swap3A_1740 = arith.index_cast %while3A_1724 : i32 to index
        %swap3A_1741 = arith.constant 48 : index
        %swap3A_1742 = tpu.vector_load %arg18[%swap3A_1740, %swap3A_1741] {strides = array<i32>} : memref<128x256xf32, #tpu.memory_space<vmem>>, vector<1x16xf32>,
        %swap3A_1743 = vector.shape_cast %swap3A_1742 : vector<1x16xf32> to vector<16xf32>
        %swap3A_1744 = vector.shape_cast %broadcast_in_dim3A_1714 : vector<16xf32> to vector<1x16xf32>
        tpu.vector_store %arg18[%swap3A_1740, %swap3A_1741], %swap3A_1744 {strides = array<i32>} : memref<128x256xf32, #tpu.memory_space<vmem>>, vector<1x16xf32>,
        %swap3A_1745 = arith.index_cast %while3A_1724 : i32 to index
        %swap3A_1746 = arith.constant 64 : index
        %swap3A_1747 = tpu.vector_load %arg18[%swap3A_1745, %swap3A_1746] {strides = array<i32>} : memref<128x256xf32, #tpu.memory_space<vmem>>, vector<1x16xf32>,
        %swap3A_1748 = vector.shape_cast %swap3A_1747 : vector<1x16xf32> to vector<16xf32>
        %swap3A_1749 = vector.shape_cast %broadcast_in_dim3A_1714 : vector<16xf32> to vector<1x16xf32>
        tpu.vector_store %arg18[%swap3A_1745, %swap3A_1746], %swap3A_1749 {strides = array<i32>} : memref<128x256xf32, #tpu.memory_space<vmem>>, vector<1x16xf32>,
        %swap3A_1750 = arith.index_cast %while3A_1724 : i32 to index
        %swap3A_1751 = arith.constant 80 : index
        %swap3A_1752 = tpu.vector_load %arg18[%swap3A_1750, %swap3A_1751] {strides = array<i32>} : memref<128x256xf32, #tpu.memory_space<vmem>>, vector<1x16xf32>,
        %swap3A_1753 = vector.shape_cast %swap3A_1752 : vector<1x16xf32> to vector<16xf32>
        %swap3A_1754 = vector.shape_cast %broadcast_in_dim3A_1714 : vector<16xf32> to vector<1x16xf32>
        tpu.vector_store %arg18[%swap3A_1750, %swap3A_1751], %swap3A_1754 {strides = array<i32>} : memref<128x256xf32, #tpu.memory_space<vmem>>, vector<1x16xf32>,
        %swap3A_1755 = arith.index_cast %while3A_1724 : i32 to index
        %swap3A_1756 = arith.constant 96 : index
        %swap3A_1757 = tpu.vector_load %arg18[%swap3A_1755, %swap3A_1756] {strides = array<i32>} : memref<128x256xf32, #tpu.memory_space<vmem>>, vector<1x16xf32>,
        %swap3A_1758 = vector.shape_cast %swap3A_1757 : vector<1x16xf32> to vector<16xf32>
        %swap3A_1759 = vector.shape_cast %broadcast_in_dim3A_1714 : vector<16xf32> to vector<1x16xf32>
        tpu.vector_store %arg18[%swap3A_1755, %swap3A_1756], %swap3A_1759 {strides = array<i32>} : memref<128x256xf32, #tpu.memory_space<vmem>>, vector<1x16xf32>,
        %swap3A_1760 = arith.index_cast %while3A_1724 : i32 to index
        %swap3A_1761 = arith.constant 112 : index
        %swap3A_1762 = tpu.vector_load %arg18[%swap3A_1760, %swap3A_1761] {strides = array<i32>} : memref<128x256xf32, #tpu.memory_space<vmem>>, vector<1x16xf32>,
        %swap3A_1763 = vector.shape_cast %swap3A_1762 : vector<1x16xf32> to vector<16xf32>
        %swap3A_1764 = vector.shape_cast %broadcast_in_dim3A_1714 : vector<16xf32> to vector<1x16xf32>
        tpu.vector_store %arg18[%swap3A_1760, %swap3A_1761], %swap3A_1764 {strides = array<i32>} : memref<128x256xf32, #tpu.memory_space<vmem>>, vector<1x16xf32>,
        %swap3A_1765 = arith.index_cast %while3A_1724 : i32 to index
        %swap3A_1766 = arith.constant 128 : index
        %swap3A_1767 = tpu.vector_load %arg18[%swap3A_1765, %swap3A_1766] {strides = array<i32>} : memref<128x256xf32, #tpu.memory_space<vmem>>, vector<1x16xf32>,
        %swap3A_1768 = vector.shape_cast %swap3A_1767 : vector<1x16xf32> to vector<16xf32>
        %swap3A_1769 = vector.shape_cast %broadcast_in_dim3A_1714 : vector<16xf32> to vector<1x16xf32>
        tpu.vector_store %arg18[%swap3A_1765, %swap3A_1766], %swap3A_1769 {strides = array<i32>} : memref<128x256xf32, #tpu.memory_space<vmem>>, vector<1x16xf32>,
        %swap3A_1770 = arith.index_cast %while3A_1724 : i32 to index
        %swap3A_1771 = arith.constant 144 : index
        %swap3A_1772 = tpu.vector_load %arg18[%swap3A_1770, %swap3A_1771] {strides = array<i32>} : memref<128x256xf32, #tpu.memory_space<vmem>>, vector<1x16xf32>,
        %swap3A_1773 = vector.shape_cast %swap3A_1772 : vector<1x16xf32> to vector<16xf32>
        %swap3A_1774 = vector.shape_cast %broadcast_in_dim3A_1714 : vector<16xf32> to vector<1x16xf32>
        tpu.vector_store %arg18[%swap3A_1770, %swap3A_1771], %swap3A_1774 {strides = array<i32>} : memref<128x256xf32, #tpu.memory_space<vmem>>, vector<1x16xf32>,
        %swap3A_1775 = arith.index_cast %while3A_1724 : i32 to index
        %swap3A_1776 = arith.constant 160 : index
        %swap3A_1777 = tpu.vector_load %arg18[%swap3A_1775, %swap3A_1776] {strides = array<i32>} : memref<128x256xf32, #tpu.memory_space<vmem>>, vector<1x16xf32>,
        %swap3A_1778 = vector.shape_cast %swap3A_1777 : vector<1x16xf32> to vector<16xf32>
        %swap3A_1779 = vector.shape_cast %broadcast_in_dim3A_1714 : vector<16xf32> to vector<1x16xf32>
        tpu.vector_store %arg18[%swap3A_1775, %swap3A_1776], %swap3A_1779 {strides = array<i32>} : memref<128x256xf32, #tpu.memory_space<vmem>>, vector<1x16xf32>,
        %swap3A_1780 = arith.index_cast %while3A_1724 : i32 to index
        %swap3A_1781 = arith.constant 176 : index
        %swap3A_1782 = tpu.vector_load %arg18[%swap3A_1780, %swap3A_1781] {strides = array<i32>} : memref<128x256xf32, #tpu.memory_space<vmem>>, vector<1x16xf32>,
        %swap3A_1783 = vector.shape_cast %swap3A_1782 : vector<1x16xf32> to vector<16xf32>
        %swap3A_1784 = vector.shape_cast %broadcast_in_dim3A_1714 : vector<16xf32> to vector<1x16xf32>
        tpu.vector_store %arg18[%swap3A_1780, %swap3A_1781], %swap3A_1784 {strides = array<i32>} : memref<128x256xf32, #tpu.memory_space<vmem>>, vector<1x16xf32>,
        %swap3A_1785 = arith.index_cast %while3A_1724 : i32 to index
        %swap3A_1786 = arith.constant 192 : index
        %swap3A_1787 = tpu.vector_load %arg18[%swap3A_1785, %swap3A_1786] {strides = array<i32>} : memref<128x256xf32, #tpu.memory_space<vmem>>, vector<1x16xf32>,
        %swap3A_1788 = vector.shape_cast %swap3A_1787 : vector<1x16xf32> to vector<16xf32>
        %swap3A_1789 = vector.shape_cast %broadcast_in_dim3A_1714 : vector<16xf32> to vector<1x16xf32>
        tpu.vector_store %arg18[%swap3A_1785, %swap3A_1786], %swap3A_1789 {strides = array<i32>} : memref<128x256xf32, #tpu.memory_space<vmem>>, vector<1x16xf32>,
        %swap3A_1790 = arith.index_cast %while3A_1724 : i32 to index
        %swap3A_1791 = arith.constant 208 : index
        %swap3A_1792 = tpu.vector_load %arg18[%swap3A_1790, %swap3A_1791] {strides = array<i32>} : memref<128x256xf32, #tpu.memory_space<vmem>>, vector<1x16xf32>,
        %swap3A_1793 = vector.shape_cast %swap3A_1792 : vector<1x16xf32> to vector<16xf32>
        %swap3A_1794 = vector.shape_cast %broadcast_in_dim3A_1714 : vector<16xf32> to vector<1x16xf32>
        tpu.vector_store %arg18[%swap3A_1790, %swap3A_1791], %swap3A_1794 {strides = array<i32>} : memref<128x256xf32, #tpu.memory_space<vmem>>, vector<1x16xf32>,
        %swap3A_1795 = arith.index_cast %while3A_1724 : i32 to index
        %swap3A_1796 = arith.constant 224 : index
        %swap3A_1797 = tpu.vector_load %arg18[%swap3A_1795, %swap3A_1796] {strides = array<i32>} : memref<128x256xf32, #tpu.memory_space<vmem>>, vector<1x16xf32>,
        %swap3A_1798 = vector.shape_cast %swap3A_1797 : vector<1x16xf32> to vector<16xf32>
        %swap3A_1799 = vector.shape_cast %broadcast_in_dim3A_1714 : vector<16xf32> to vector<1x16xf32>
        tpu.vector_store %arg18[%swap3A_1795, %swap3A_1796], %swap3A_1799 {strides = array<i32>} : memref<128x256xf32, #tpu.memory_space<vmem>>, vector<1x16xf32>,
        %swap3A_1800 = arith.index_cast %while3A_1724 : i32 to index
        %swap3A_1801 = arith.constant 240 : index
        %swap3A_1802 = tpu.vector_load %arg18[%swap3A_1800, %swap3A_1801] {strides = array<i32>} : memref<128x256xf32, #tpu.memory_space<vmem>>, vector<1x16xf32>,
        %swap3A_1803 = vector.shape_cast %swap3A_1802 : vector<1x16xf32> to vector<16xf32>
        %swap3A_1804 = vector.shape_cast %broadcast_in_dim3A_1714 : vector<16xf32> to vector<1x16xf32>
        tpu.vector_store %arg18[%swap3A_1800, %swap3A_1801], %swap3A_1804 {strides = array<i32>} : memref<128x256xf32, #tpu.memory_space<vmem>>, vector<1x16xf32>,
      }
      %while3A_1723 = arith.constant 1 : i32
      scf.for %while3A_1724 = %while3A_1721 to %while3A_1717 step %while3A_1723  : i32 {
        %swap3A_1725 = arith.index_cast %while3A_1724 : i32 to index
        %swap3A_1726 = arith.constant 0 : index
        %swap3A_1727 = tpu.vector_load %arg18[%swap3A_1725, %swap3A_1726] {strides = array<i32>} : memref<128x256xf32, #tpu.memory_space<vmem>>, vector<1x16xf32>,
        %swap3A_1728 = vector.shape_cast %swap3A_1727 : vector<1x16xf32> to vector<16xf32>
        %swap3A_1729 = vector.shape_cast %broadcast_in_dim3A_1714 : vector<16xf32> to vector<1x16xf32>
        tpu.vector_store %arg18[%swap3A_1725, %swap3A_1726], %swap3A_1729 {strides = array<i32>} : memref<128x256xf32, #tpu.memory_space<vmem>>, vector<1x16xf32>,
        %swap3A_1730 = arith.index_cast %while3A_1724 : i32 to index
        %swap3A_1731 = arith.constant 16 : index
        %swap3A_1732 = tpu.vector_load %arg18[%swap3A_1730, %swap3A_1731] {strides = array<i32>} : memref<128x256xf32, #tpu.memory_space<vmem>>, vector<1x16xf32>,
        %swap3A_1733 = vector.shape_cast %swap3A_1732 : vector<1x16xf32> to vector<16xf32>
        %swap3A_1734 = vector.shape_cast %broadcast_in_dim3A_1714 : vector<16xf32> to vector<1x16xf32>
        tpu.vector_store %arg18[%swap3A_1730, %swap3A_1731], %swap3A_1734 {strides = array<i32>} : memref<128x256xf32, #tpu.memory_space<vmem>>, vector<1x16xf32>,
        %swap3A_1735 = arith.index_cast %while3A_1724 : i32 to index
        %swap3A_1736 = arith.constant 32 : index
        %swap3A_1737 = tpu.vector_load %arg18[%swap3A_1735, %swap3A_1736] {strides = array<i32>} : memref<128x256xf32, #tpu.memory_space<vmem>>, vector<1x16xf32>,
        %swap3A_1738 = vector.shape_cast %swap3A_1737 : vector<1x16xf32> to vector<16xf32>
        %swap3A_1739 = vector.shape_cast %broadcast_in_dim3A_1714 : vector<16xf32> to vector<1x16xf32>
        tpu.vector_store %arg18[%swap3A_1735, %swap3A_1736], %swap3A_1739 {strides = array<i32>} : memref<128x256xf32, #tpu.memory_space<vmem>>, vector<1x16xf32>,
        %swap3A_1740 = arith.index_cast %while3A_1724 : i32 to index
        %swap3A_1741 = arith.constant 48 : index
        %swap3A_1742 = tpu.vector_load %arg18[%swap3A_1740, %swap3A_1741] {strides = array<i32>} : memref<128x256xf32, #tpu.memory_space<vmem>>, vector<1x16xf32>,
        %swap3A_1743 = vector.shape_cast %swap3A_1742 : vector<1x16xf32> to vector<16xf32>
        %swap3A_1744 = vector.shape_cast %broadcast_in_dim3A_1714 : vector<16xf32> to vector<1x16xf32>
        tpu.vector_store %arg18[%swap3A_1740, %swap3A_1741], %swap3A_1744 {strides = array<i32>} : memref<128x256xf32, #tpu.memory_space<vmem>>, vector<1x16xf32>,
        %swap3A_1745 = arith.index_cast %while3A_1724 : i32 to index
        %swap3A_1746 = arith.constant 64 : index
        %swap3A_1747 = tpu.vector_load %arg18[%swap3A_1745, %swap3A_1746] {strides = array<i32>} : memref<128x256xf32, #tpu.memory_space<vmem>>, vector<1x16xf32>,
        %swap3A_1748 = vector.shape_cast %swap3A_1747 : vector<1x16xf32> to vector<16xf32>
        %swap3A_1749 = vector.shape_cast %broadcast_in_dim3A_1714 : vector<16xf32> to vector<1x16xf32>
        tpu.vector_store %arg18[%swap3A_1745, %swap3A_1746], %swap3A_1749 {strides = array<i32>} : memref<128x256xf32, #tpu.memory_space<vmem>>, vector<1x16xf32>,
        %swap3A_1750 = arith.index_cast %while3A_1724 : i32 to index
        %swap3A_1751 = arith.constant 80 : index
        %swap3A_1752 = tpu.vector_load %arg18[%swap3A_1750, %swap3A_1751] {strides = array<i32>} : memref<128x256xf32, #tpu.memory_space<vmem>>, vector<1x16xf32>,
        %swap3A_1753 = vector.shape_cast %swap3A_1752 : vector<1x16xf32> to vector<16xf32>
        %swap3A_1754 = vector.shape_cast %broadcast_in_dim3A_1714 : vector<16xf32> to vector<1x16xf32>
        tpu.vector_store %arg18[%swap3A_1750, %swap3A_1751], %swap3A_1754 {strides = array<i32>} : memref<128x256xf32, #tpu.memory_space<vmem>>, vector<1x16xf32>,
        %swap3A_1755 = arith.index_cast %while3A_1724 : i32 to index
        %swap3A_1756 = arith.constant 96 : index
        %swap3A_1757 = tpu.vector_load %arg18[%swap3A_1755, %swap3A_1756] {strides = array<i32>} : memref<128x256xf32, #tpu.memory_space<vmem>>, vector<1x16xf32>,
        %swap3A_1758 = vector.shape_cast %swap3A_1757 : vector<1x16xf32> to vector<16xf32>
        %swap3A_1759 = vector.shape_cast %broadcast_in_dim3A_1714 : vector<16xf32> to vector<1x16xf32>
        tpu.vector_store %arg18[%swap3A_1755, %swap3A_1756], %swap3A_1759 {strides = array<i32>} : memref<128x256xf32, #tpu.memory_space<vmem>>, vector<1x16xf32>,
        %swap3A_1760 = arith.index_cast %while3A_1724 : i32 to index
        %swap3A_1761 = arith.constant 112 : index
        %swap3A_1762 = tpu.vector_load %arg18[%swap3A_1760, %swap3A_1761] {strides = array<i32>} : memref<128x256xf32, #tpu.memory_space<vmem>>, vector<1x16xf32>,
        %swap3A_1763 = vector.shape_cast %swap3A_1762 : vector<1x16xf32> to vector<16xf32>
        %swap3A_1764 = vector.shape_cast %broadcast_in_dim3A_1714 : vector<16xf32> to vector<1x16xf32>
        tpu.vector_store %arg18[%swap3A_1760, %swap3A_1761], %swap3A_1764 {strides = array<i32>} : memref<128x256xf32, #tpu.memory_space<vmem>>, vector<1x16xf32>,
        %swap3A_1765 = arith.index_cast %while3A_1724 : i32 to index
        %swap3A_1766 = arith.constant 128 : index
        %swap3A_1767 = tpu.vector_load %arg18[%swap3A_1765, %swap3A_1766] {strides = array<i32>} : memref<128x256xf32, #tpu.memory_space<vmem>>, vector<1x16xf32>,
        %swap3A_1768 = vector.shape_cast %swap3A_1767 : vector<1x16xf32> to vector<16xf32>
        %swap3A_1769 = vector.shape_cast %broadcast_in_dim3A_1714 : vector<16xf32> to vector<1x16xf32>
        tpu.vector_store %arg18[%swap3A_1765, %swap3A_1766], %swap3A_1769 {strides = array<i32>} : memref<128x256xf32, #tpu.memory_space<vmem>>, vector<1x16xf32>,
        %swap3A_1770 = arith.index_cast %while3A_1724 : i32 to index
        %swap3A_1771 = arith.constant 144 : index
        %swap3A_1772 = tpu.vector_load %arg18[%swap3A_1770, %swap3A_1771] {strides = array<i32>} : memref<128x256xf32, #tpu.memory_space<vmem>>, vector<1x16xf32>,
        %swap3A_1773 = vector.shape_cast %swap3A_1772 : vector<1x16xf32> to vector<16xf32>
        %swap3A_1774 = vector.shape_cast %broadcast_in_dim3A_1714 : vector<16xf32> to vector<1x16xf32>
        tpu.vector_store %arg18[%swap3A_1770, %swap3A_1771], %swap3A_1774 {strides = array<i32>} : memref<128x256xf32, #tpu.memory_space<vmem>>, vector<1x16xf32>,
        %swap3A_1775 = arith.index_cast %while3A_1724 : i32 to index
        %swap3A_1776 = arith.constant 160 : index
        %swap3A_1777 = tpu.vector_load %arg18[%swap3A_1775, %swap3A_1776] {strides = array<i32>} : memref<128x256xf32, #tpu.memory_space<vmem>>, vector<1x16xf32>,
        %swap3A_1778 = vector.shape_cast %swap3A_1777 : vector<1x16xf32> to vector<16xf32>
        %swap3A_1779 = vector.shape_cast %broadcast_in_dim3A_1714 : vector<16xf32> to vector<1x16xf32>
        tpu.vector_store %arg18[%swap3A_1775, %swap3A_1776], %swap3A_1779 {strides = array<i32>} : memref<128x256xf32, #tpu.memory_space<vmem>>, vector<1x16xf32>,
        %swap3A_1780 = arith.index_cast %while3A_1724 : i32 to index
        %swap3A_1781 = arith.constant 176 : index
        %swap3A_1782 = tpu.vector_load %arg18[%swap3A_1780, %swap3A_1781] {strides = array<i32>} : memref<128x256xf32, #tpu.memory_space<vmem>>, vector<1x16xf32>,
        %swap3A_1783 = vector.shape_cast %swap3A_1782 : vector<1x16xf32> to vector<16xf32>
        %swap3A_1784 = vector.shape_cast %broadcast_in_dim3A_1714 : vector<16xf32> to vector<1x16xf32>
        tpu.vector_store %arg18[%swap3A_1780, %swap3A_1781], %swap3A_1784 {strides = array<i32>} : memref<128x256xf32, #tpu.memory_space<vmem>>, vector<1x16xf32>,
        %swap3A_1785 = arith.index_cast %while3A_1724 : i32 to index
        %swap3A_1786 = arith.constant 192 : index
        %swap3A_1787 = tpu.vector_load %arg18[%swap3A_1785, %swap3A_1786] {strides = array<i32>} : memref<128x256xf32, #tpu.memory_space<vmem>>, vector<1x16xf32>,
        %swap3A_1788 = vector.shape_cast %swap3A_1787 : vector<1x16xf32> to vector<16xf32>
        %swap3A_1789 = vector.shape_cast %broadcast_in_dim3A_1714 : vector<16xf32> to vector<1x16xf32>
        tpu.vector_store %arg18[%swap3A_1785, %swap3A_1786], %swap3A_1789 {strides = array<i32>} : memref<128x256xf32, #tpu.memory_space<vmem>>, vector<1x16xf32>,
        %swap3A_1790 = arith.index_cast %while3A_1724 : i32 to index
        %swap3A_1791 = arith.constant 208 : index
        %swap3A_1792 = tpu.vector_load %arg18[%swap3A_1790, %swap3A_1791] {strides = array<i32>} : memref<128x256xf32, #tpu.memory_space<vmem>>, vector<1x16xf32>,
        %swap3A_1793 = vector.shape_cast %swap3A_1792 : vector<1x16xf32> to vector<16xf32>
        %swap3A_1794 = vector.shape_cast %broadcast_in_dim3A_1714 : vector<16xf32> to vector<1x16xf32>
        tpu.vector_store %arg18[%swap3A_1790, %swap3A_1791], %swap3A_1794 {strides = array<i32>} : memref<128x256xf32, #tpu.memory_space<vmem>>, vector<1x16xf32>,
        %swap3A_1795 = arith.index_cast %while3A_1724 : i32 to index
        %swap3A_1796 = arith.constant 224 : index
        %swap3A_1797 = tpu.vector_load %arg18[%swap3A_1795, %swap3A_1796] {strides = array<i32>} : memref<128x256xf32, #tpu.memory_space<vmem>>, vector<1x16xf32>,
        %swap3A_1798 = vector.shape_cast %swap3A_1797 : vector<1x16xf32> to vector<16xf32>
        %swap3A_1799 = vector.shape_cast %broadcast_in_dim3A_1714 : vector<16xf32> to vector<1x16xf32>
        tpu.vector_store %arg18[%swap3A_1795, %swap3A_1796], %swap3A_1799 {strides = array<i32>} : memref<128x256xf32, #tpu.memory_space<vmem>>, vector<1x16xf32>,
        %swap3A_1800 = arith.index_cast %while3A_1724 : i32 to index
        %swap3A_1801 = arith.constant 240 : index
        %swap3A_1802 = tpu.vector_load %arg18[%swap3A_1800, %swap3A_1801] {strides = array<i32>} : memref<128x256xf32, #tpu.memory_space<vmem>>, vector<1x16xf32>,
        %swap3A_1803 = vector.shape_cast %swap3A_1802 : vector<1x16xf32> to vector<16xf32>
        %swap3A_1804 = vector.shape_cast %broadcast_in_dim3A_1714 : vector<16xf32> to vector<1x16xf32>
        tpu.vector_store %arg18[%swap3A_1800, %swap3A_1801], %swap3A_1804 {strides = array<i32>} : memref<128x256xf32, #tpu.memory_space<vmem>>, vector<1x16xf32>,
      }
    } else {
    }
    %convert_element_type3A_1600 = arith.extui %gt3A_496 : i1 to i32
    %cond3A_1601 = arith.constant 0 : i32
    %cond3A_1602 = arith.cmpi ne, %convert_element_type3A_1600, %cond3A_1601 : i32
    scf.if %cond3A_1602 {
      %dma_start3A_1713 = arith.constant 0 : i32
      %dma_start3A_1714 = tpu.memref_slice %arg5[%add3A_501, %dma_start3A_1713] : memref<32768x256xf32, #tpu.memory_space<hbm>> -> memref<128x256xf32, #tpu.memory_space<hbm>>
      %dma_start3A_1715 = arith.constant 0 : i32
      %dma_start3A_1716 = tpu.memref_slice %arg5[%add3A_501, %dma_start3A_1715] : memref<32768x256xf32, #tpu.memory_space<hbm>> -> memref<128x256xf32, #tpu.memory_space<hbm>>
      tpu.enqueue_dma source(%arg18 : memref<128x256xf32, #tpu.memory_space<vmem>>) target(%dma_start3A_1716 : memref<128x256xf32, #tpu.memory_space<hbm>>) target_semaphore(%arg25 : memref<!tpu.dma_semaphore, #tpu.memory_space<semaphore_mem>>)
    } else {
    }
    %and3A_1603 = arith.andi %gt3A_666, %gt3A_411 : i1
    %convert_element_type3A_1604 = arith.extui %and3A_1603 : i1 to i32
    %cond3A_1605 = arith.constant 0 : i32
    %cond3A_1606 = arith.cmpi ne, %convert_element_type3A_1604, %cond3A_1605 : i32
    scf.if %cond3A_1606 {
      %dma_wait3A_1713 = arith.constant 0 : i32
      %dma_wait3A_1714 = tpu.memref_slice %arg5[%add3A_416, %dma_wait3A_1713] : memref<32768x256xf32, #tpu.memory_space<hbm>> -> memref<128x256xf32, #tpu.memory_space<hbm>>
      %dma_wait3A_1715 = arith.constant 0 : i32
      %dma_wait3A_1716 = tpu.memref_slice %arg5[%add3A_416, %dma_wait3A_1715] : memref<32768x256xf32, #tpu.memory_space<hbm>> -> memref<128x256xf32, #tpu.memory_space<hbm>>
      tpu.wait_dma2 semaphore(%arg24 : memref<!tpu.dma_semaphore, #tpu.memory_space<semaphore_mem>>) src(%arg17 : memref<128x256xf32, #tpu.memory_space<vmem>>) dst(%dma_wait3A_1716 : memref<128x256xf32, #tpu.memory_space<hbm>>)
    } else {
    }
    %convert_element_type3A_1607 = arith.extui %gt3A_666 : i1 to i32
    %cond3A_1608 = arith.constant 0 : i32
    %cond3A_1609 = arith.cmpi ne, %convert_element_type3A_1607, %cond3A_1608 : i32
    scf.if %cond3A_1609 {
      %dma_start3A_1713 = arith.constant 0 : i32
      %dma_start3A_1714 = arith.constant 0 : i32
      %dma_start3A_1715 = tpu.memref_slice %arg2[%dma_start3A_1713, %dma_start3A_1714] : memref<4096x256xf32, #tpu.memory_space<hbm>> -> memref<4096x256xf32, #tpu.memory_space<hbm>>
      tpu.enqueue_indirect_dma source(%dma_start3A_1715 : memref<4096x256xf32, #tpu.memory_space<hbm>>) target(%arg17 : memref<128x256xf32, #tpu.memory_space<vmem>>) offsets(%arg14 : memref<128xi32, #tpu.memory_space<vmem>>) semaphore(%arg21 : memref<!tpu.dma_semaphore, #tpu.memory_space<semaphore_mem>>)
    } else {
    }
    %convert_element_type3A_1610 = arith.extui %gt3A_581 : i1 to i32
    %cond3A_1611 = arith.constant 0 : i32
    %cond3A_1612 = arith.cmpi ne, %convert_element_type3A_1610, %cond3A_1611 : i32
    scf.if %cond3A_1612 {
      %dma_wait3A_1713 = arith.constant 0 : i32
      %dma_wait3A_1714 = arith.constant 0 : i32
      %dma_wait3A_1715 = tpu.memref_slice %arg2[%dma_wait3A_1713, %dma_wait3A_1714] : memref<4096x256xf32, #tpu.memory_space<hbm>> -> memref<4096x256xf32, #tpu.memory_space<hbm>>
      tpu.wait_indirect_dma semaphore(%arg20 : memref<!tpu.dma_semaphore, #tpu.memory_space<semaphore_mem>>) src(%dma_wait3A_1715 : memref<4096x256xf32, #tpu.memory_space<hbm>>) dst(%arg16 : memref<128x256xf32, #tpu.memory_space<vmem>>)
    } else {
    }
    %lt3A_1613 = arith.constant 128 : i32
    %lt3A_1614 = arith.cmpi slt, %min3A_579, %lt3A_1613 : i32
    %and3A_1615 = arith.andi %gt3A_581, %lt3A_1614 : i1
    %convert_element_type3A_1616 = arith.extui %and3A_1615 : i1 to i32
    %cond3A_1617 = arith.constant 0 : i32
    %cond3A_1618 = arith.cmpi ne, %convert_element_type3A_1616, %cond3A_1617 : i32
    scf.if %cond3A_1618 {
      %broadcast_in_dim3A_1713 = arith.constant 0.000000e+00 : f32
      %broadcast_in_dim3A_1714 = vector.broadcast %broadcast_in_dim3A_1713 : f32 to vector<16xf32>
      %while3A = arith.constant 0 : i32
      %while3A_1715 = arith.constant 128 : i32
      %while3A_1716 = arith.subi %while3A_1715, %min3A_579 : i32
      %while3A_1717 = arith.addi %min3A_579, %while3A_1716 : i32
      %while3A_1718 = arith.constant 1 : i32
      %while3A_1719 = arith.divsi %while3A_1716, %while3A_1718 : i32
      %while3A_1720 = arith.muli %while3A_1719, %while3A_1718 : i32
      %while3A_1721 = arith.addi %min3A_579, %while3A_1720 : i32
      %while3A_1722 = arith.constant 1 : i32
      scf.for %while3A_1724 = %min3A_579 to %while3A_1721 step %while3A_1722  : i32 {
        %swap3A_1725 = arith.index_cast %while3A_1724 : i32 to index
        %swap3A_1726 = arith.constant 0 : index
        %swap3A_1727 = tpu.vector_load %arg16[%swap3A_1725, %swap3A_1726] {strides = array<i32>} : memref<128x256xf32, #tpu.memory_space<vmem>>, vector<1x16xf32>,
        %swap3A_1728 = vector.shape_cast %swap3A_1727 : vector<1x16xf32> to vector<16xf32>
        %swap3A_1729 = vector.shape_cast %broadcast_in_dim3A_1714 : vector<16xf32> to vector<1x16xf32>
        tpu.vector_store %arg16[%swap3A_1725, %swap3A_1726], %swap3A_1729 {strides = array<i32>} : memref<128x256xf32, #tpu.memory_space<vmem>>, vector<1x16xf32>,
        %swap3A_1730 = arith.index_cast %while3A_1724 : i32 to index
        %swap3A_1731 = arith.constant 16 : index
        %swap3A_1732 = tpu.vector_load %arg16[%swap3A_1730, %swap3A_1731] {strides = array<i32>} : memref<128x256xf32, #tpu.memory_space<vmem>>, vector<1x16xf32>,
        %swap3A_1733 = vector.shape_cast %swap3A_1732 : vector<1x16xf32> to vector<16xf32>
        %swap3A_1734 = vector.shape_cast %broadcast_in_dim3A_1714 : vector<16xf32> to vector<1x16xf32>
        tpu.vector_store %arg16[%swap3A_1730, %swap3A_1731], %swap3A_1734 {strides = array<i32>} : memref<128x256xf32, #tpu.memory_space<vmem>>, vector<1x16xf32>,
        %swap3A_1735 = arith.index_cast %while3A_1724 : i32 to index
        %swap3A_1736 = arith.constant 32 : index
        %swap3A_1737 = tpu.vector_load %arg16[%swap3A_1735, %swap3A_1736] {strides = array<i32>} : memref<128x256xf32, #tpu.memory_space<vmem>>, vector<1x16xf32>,
        %swap3A_1738 = vector.shape_cast %swap3A_1737 : vector<1x16xf32> to vector<16xf32>
        %swap3A_1739 = vector.shape_cast %broadcast_in_dim3A_1714 : vector<16xf32> to vector<1x16xf32>
        tpu.vector_store %arg16[%swap3A_1735, %swap3A_1736], %swap3A_1739 {strides = array<i32>} : memref<128x256xf32, #tpu.memory_space<vmem>>, vector<1x16xf32>,
        %swap3A_1740 = arith.index_cast %while3A_1724 : i32 to index
        %swap3A_1741 = arith.constant 48 : index
        %swap3A_1742 = tpu.vector_load %arg16[%swap3A_1740, %swap3A_1741] {strides = array<i32>} : memref<128x256xf32, #tpu.memory_space<vmem>>, vector<1x16xf32>,
        %swap3A_1743 = vector.shape_cast %swap3A_1742 : vector<1x16xf32> to vector<16xf32>
        %swap3A_1744 = vector.shape_cast %broadcast_in_dim3A_1714 : vector<16xf32> to vector<1x16xf32>
        tpu.vector_store %arg16[%swap3A_1740, %swap3A_1741], %swap3A_1744 {strides = array<i32>} : memref<128x256xf32, #tpu.memory_space<vmem>>, vector<1x16xf32>,
        %swap3A_1745 = arith.index_cast %while3A_1724 : i32 to index
        %swap3A_1746 = arith.constant 64 : index
        %swap3A_1747 = tpu.vector_load %arg16[%swap3A_1745, %swap3A_1746] {strides = array<i32>} : memref<128x256xf32, #tpu.memory_space<vmem>>, vector<1x16xf32>,
        %swap3A_1748 = vector.shape_cast %swap3A_1747 : vector<1x16xf32> to vector<16xf32>
        %swap3A_1749 = vector.shape_cast %broadcast_in_dim3A_1714 : vector<16xf32> to vector<1x16xf32>
        tpu.vector_store %arg16[%swap3A_1745, %swap3A_1746], %swap3A_1749 {strides = array<i32>} : memref<128x256xf32, #tpu.memory_space<vmem>>, vector<1x16xf32>,
        %swap3A_1750 = arith.index_cast %while3A_1724 : i32 to index
        %swap3A_1751 = arith.constant 80 : index
        %swap3A_1752 = tpu.vector_load %arg16[%swap3A_1750, %swap3A_1751] {strides = array<i32>} : memref<128x256xf32, #tpu.memory_space<vmem>>, vector<1x16xf32>,
        %swap3A_1753 = vector.shape_cast %swap3A_1752 : vector<1x16xf32> to vector<16xf32>
        %swap3A_1754 = vector.shape_cast %broadcast_in_dim3A_1714 : vector<16xf32> to vector<1x16xf32>
        tpu.vector_store %arg16[%swap3A_1750, %swap3A_1751], %swap3A_1754 {strides = array<i32>} : memref<128x256xf32, #tpu.memory_space<vmem>>, vector<1x16xf32>,
        %swap3A_1755 = arith.index_cast %while3A_1724 : i32 to index
        %swap3A_1756 = arith.constant 96 : index
        %swap3A_1757 = tpu.vector_load %arg16[%swap3A_1755, %swap3A_1756] {strides = array<i32>} : memref<128x256xf32, #tpu.memory_space<vmem>>, vector<1x16xf32>,
        %swap3A_1758 = vector.shape_cast %swap3A_1757 : vector<1x16xf32> to vector<16xf32>
        %swap3A_1759 = vector.shape_cast %broadcast_in_dim3A_1714 : vector<16xf32> to vector<1x16xf32>
        tpu.vector_store %arg16[%swap3A_1755, %swap3A_1756], %swap3A_1759 {strides = array<i32>} : memref<128x256xf32, #tpu.memory_space<vmem>>, vector<1x16xf32>,
        %swap3A_1760 = arith.index_cast %while3A_1724 : i32 to index
        %swap3A_1761 = arith.constant 112 : index
        %swap3A_1762 = tpu.vector_load %arg16[%swap3A_1760, %swap3A_1761] {strides = array<i32>} : memref<128x256xf32, #tpu.memory_space<vmem>>, vector<1x16xf32>,
        %swap3A_1763 = vector.shape_cast %swap3A_1762 : vector<1x16xf32> to vector<16xf32>
        %swap3A_1764 = vector.shape_cast %broadcast_in_dim3A_1714 : vector<16xf32> to vector<1x16xf32>
        tpu.vector_store %arg16[%swap3A_1760, %swap3A_1761], %swap3A_1764 {strides = array<i32>} : memref<128x256xf32, #tpu.memory_space<vmem>>, vector<1x16xf32>,
        %swap3A_1765 = arith.index_cast %while3A_1724 : i32 to index
        %swap3A_1766 = arith.constant 128 : index
        %swap3A_1767 = tpu.vector_load %arg16[%swap3A_1765, %swap3A_1766] {strides = array<i32>} : memref<128x256xf32, #tpu.memory_space<vmem>>, vector<1x16xf32>,
        %swap3A_1768 = vector.shape_cast %swap3A_1767 : vector<1x16xf32> to vector<16xf32>
        %swap3A_1769 = vector.shape_cast %broadcast_in_dim3A_1714 : vector<16xf32> to vector<1x16xf32>
        tpu.vector_store %arg16[%swap3A_1765, %swap3A_1766], %swap3A_1769 {strides = array<i32>} : memref<128x256xf32, #tpu.memory_space<vmem>>, vector<1x16xf32>,
        %swap3A_1770 = arith.index_cast %while3A_1724 : i32 to index
        %swap3A_1771 = arith.constant 144 : index
        %swap3A_1772 = tpu.vector_load %arg16[%swap3A_1770, %swap3A_1771] {strides = array<i32>} : memref<128x256xf32, #tpu.memory_space<vmem>>, vector<1x16xf32>,
        %swap3A_1773 = vector.shape_cast %swap3A_1772 : vector<1x16xf32> to vector<16xf32>
        %swap3A_1774 = vector.shape_cast %broadcast_in_dim3A_1714 : vector<16xf32> to vector<1x16xf32>
        tpu.vector_store %arg16[%swap3A_1770, %swap3A_1771], %swap3A_1774 {strides = array<i32>} : memref<128x256xf32, #tpu.memory_space<vmem>>, vector<1x16xf32>,
        %swap3A_1775 = arith.index_cast %while3A_1724 : i32 to index
        %swap3A_1776 = arith.constant 160 : index
        %swap3A_1777 = tpu.vector_load %arg16[%swap3A_1775, %swap3A_1776] {strides = array<i32>} : memref<128x256xf32, #tpu.memory_space<vmem>>, vector<1x16xf32>,
        %swap3A_1778 = vector.shape_cast %swap3A_1777 : vector<1x16xf32> to vector<16xf32>
        %swap3A_1779 = vector.shape_cast %broadcast_in_dim3A_1714 : vector<16xf32> to vector<1x16xf32>
        tpu.vector_store %arg16[%swap3A_1775, %swap3A_1776], %swap3A_1779 {strides = array<i32>} : memref<128x256xf32, #tpu.memory_space<vmem>>, vector<1x16xf32>,
        %swap3A_1780 = arith.index_cast %while3A_1724 : i32 to index
        %swap3A_1781 = arith.constant 176 : index
        %swap3A_1782 = tpu.vector_load %arg16[%swap3A_1780, %swap3A_1781] {strides = array<i32>} : memref<128x256xf32, #tpu.memory_space<vmem>>, vector<1x16xf32>,
        %swap3A_1783 = vector.shape_cast %swap3A_1782 : vector<1x16xf32> to vector<16xf32>
        %swap3A_1784 = vector.shape_cast %broadcast_in_dim3A_1714 : vector<16xf32> to vector<1x16xf32>
        tpu.vector_store %arg16[%swap3A_1780, %swap3A_1781], %swap3A_1784 {strides = array<i32>} : memref<128x256xf32, #tpu.memory_space<vmem>>, vector<1x16xf32>,
        %swap3A_1785 = arith.index_cast %while3A_1724 : i32 to index
        %swap3A_1786 = arith.constant 192 : index
        %swap3A_1787 = tpu.vector_load %arg16[%swap3A_1785, %swap3A_1786] {strides = array<i32>} : memref<128x256xf32, #tpu.memory_space<vmem>>, vector<1x16xf32>,
        %swap3A_1788 = vector.shape_cast %swap3A_1787 : vector<1x16xf32> to vector<16xf32>
        %swap3A_1789 = vector.shape_cast %broadcast_in_dim3A_1714 : vector<16xf32> to vector<1x16xf32>
        tpu.vector_store %arg16[%swap3A_1785, %swap3A_1786], %swap3A_1789 {strides = array<i32>} : memref<128x256xf32, #tpu.memory_space<vmem>>, vector<1x16xf32>,
        %swap3A_1790 = arith.index_cast %while3A_1724 : i32 to index
        %swap3A_1791 = arith.constant 208 : index
        %swap3A_1792 = tpu.vector_load %arg16[%swap3A_1790, %swap3A_1791] {strides = array<i32>} : memref<128x256xf32, #tpu.memory_space<vmem>>, vector<1x16xf32>,
        %swap3A_1793 = vector.shape_cast %swap3A_1792 : vector<1x16xf32> to vector<16xf32>
        %swap3A_1794 = vector.shape_cast %broadcast_in_dim3A_1714 : vector<16xf32> to vector<1x16xf32>
        tpu.vector_store %arg16[%swap3A_1790, %swap3A_1791], %swap3A_1794 {strides = array<i32>} : memref<128x256xf32, #tpu.memory_space<vmem>>, vector<1x16xf32>,
        %swap3A_1795 = arith.index_cast %while3A_1724 : i32 to index
        %swap3A_1796 = arith.constant 224 : index
        %swap3A_1797 = tpu.vector_load %arg16[%swap3A_1795, %swap3A_1796] {strides = array<i32>} : memref<128x256xf32, #tpu.memory_space<vmem>>, vector<1x16xf32>,
        %swap3A_1798 = vector.shape_cast %swap3A_1797 : vector<1x16xf32> to vector<16xf32>
        %swap3A_1799 = vector.shape_cast %broadcast_in_dim3A_1714 : vector<16xf32> to vector<1x16xf32>
        tpu.vector_store %arg16[%swap3A_1795, %swap3A_1796], %swap3A_1799 {strides = array<i32>} : memref<128x256xf32, #tpu.memory_space<vmem>>, vector<1x16xf32>,
        %swap3A_1800 = arith.index_cast %while3A_1724 : i32 to index
        %swap3A_1801 = arith.constant 240 : index
        %swap3A_1802 = tpu.vector_load %arg16[%swap3A_1800, %swap3A_1801] {strides = array<i32>} : memref<128x256xf32, #tpu.memory_space<vmem>>, vector<1x16xf32>,
        %swap3A_1803 = vector.shape_cast %swap3A_1802 : vector<1x16xf32> to vector<16xf32>
        %swap3A_1804 = vector.shape_cast %broadcast_in_dim3A_1714 : vector<16xf32> to vector<1x16xf32>
        tpu.vector_store %arg16[%swap3A_1800, %swap3A_1801], %swap3A_1804 {strides = array<i32>} : memref<128x256xf32, #tpu.memory_space<vmem>>, vector<1x16xf32>,
      }
      %while3A_1723 = arith.constant 1 : i32
      scf.for %while3A_1724 = %while3A_1721 to %while3A_1717 step %while3A_1723  : i32 {
        %swap3A_1725 = arith.index_cast %while3A_1724 : i32 to index
        %swap3A_1726 = arith.constant 0 : index
        %swap3A_1727 = tpu.vector_load %arg16[%swap3A_1725, %swap3A_1726] {strides = array<i32>} : memref<128x256xf32, #tpu.memory_space<vmem>>, vector<1x16xf32>,
        %swap3A_1728 = vector.shape_cast %swap3A_1727 : vector<1x16xf32> to vector<16xf32>
        %swap3A_1729 = vector.shape_cast %broadcast_in_dim3A_1714 : vector<16xf32> to vector<1x16xf32>
        tpu.vector_store %arg16[%swap3A_1725, %swap3A_1726], %swap3A_1729 {strides = array<i32>} : memref<128x256xf32, #tpu.memory_space<vmem>>, vector<1x16xf32>,
        %swap3A_1730 = arith.index_cast %while3A_1724 : i32 to index
        %swap3A_1731 = arith.constant 16 : index
        %swap3A_1732 = tpu.vector_load %arg16[%swap3A_1730, %swap3A_1731] {strides = array<i32>} : memref<128x256xf32, #tpu.memory_space<vmem>>, vector<1x16xf32>,
        %swap3A_1733 = vector.shape_cast %swap3A_1732 : vector<1x16xf32> to vector<16xf32>
        %swap3A_1734 = vector.shape_cast %broadcast_in_dim3A_1714 : vector<16xf32> to vector<1x16xf32>
        tpu.vector_store %arg16[%swap3A_1730, %swap3A_1731], %swap3A_1734 {strides = array<i32>} : memref<128x256xf32, #tpu.memory_space<vmem>>, vector<1x16xf32>,
        %swap3A_1735 = arith.index_cast %while3A_1724 : i32 to index
        %swap3A_1736 = arith.constant 32 : index
        %swap3A_1737 = tpu.vector_load %arg16[%swap3A_1735, %swap3A_1736] {strides = array<i32>} : memref<128x256xf32, #tpu.memory_space<vmem>>, vector<1x16xf32>,
        %swap3A_1738 = vector.shape_cast %swap3A_1737 : vector<1x16xf32> to vector<16xf32>
        %swap3A_1739 = vector.shape_cast %broadcast_in_dim3A_1714 : vector<16xf32> to vector<1x16xf32>
        tpu.vector_store %arg16[%swap3A_1735, %swap3A_1736], %swap3A_1739 {strides = array<i32>} : memref<128x256xf32, #tpu.memory_space<vmem>>, vector<1x16xf32>,
        %swap3A_1740 = arith.index_cast %while3A_1724 : i32 to index
        %swap3A_1741 = arith.constant 48 : index
        %swap3A_1742 = tpu.vector_load %arg16[%swap3A_1740, %swap3A_1741] {strides = array<i32>} : memref<128x256xf32, #tpu.memory_space<vmem>>, vector<1x16xf32>,
        %swap3A_1743 = vector.shape_cast %swap3A_1742 : vector<1x16xf32> to vector<16xf32>
        %swap3A_1744 = vector.shape_cast %broadcast_in_dim3A_1714 : vector<16xf32> to vector<1x16xf32>
        tpu.vector_store %arg16[%swap3A_1740, %swap3A_1741], %swap3A_1744 {strides = array<i32>} : memref<128x256xf32, #tpu.memory_space<vmem>>, vector<1x16xf32>,
        %swap3A_1745 = arith.index_cast %while3A_1724 : i32 to index
        %swap3A_1746 = arith.constant 64 : index
        %swap3A_1747 = tpu.vector_load %arg16[%swap3A_1745, %swap3A_1746] {strides = array<i32>} : memref<128x256xf32, #tpu.memory_space<vmem>>, vector<1x16xf32>,
        %swap3A_1748 = vector.shape_cast %swap3A_1747 : vector<1x16xf32> to vector<16xf32>
        %swap3A_1749 = vector.shape_cast %broadcast_in_dim3A_1714 : vector<16xf32> to vector<1x16xf32>
        tpu.vector_store %arg16[%swap3A_1745, %swap3A_1746], %swap3A_1749 {strides = array<i32>} : memref<128x256xf32, #tpu.memory_space<vmem>>, vector<1x16xf32>,
        %swap3A_1750 = arith.index_cast %while3A_1724 : i32 to index
        %swap3A_1751 = arith.constant 80 : index
        %swap3A_1752 = tpu.vector_load %arg16[%swap3A_1750, %swap3A_1751] {strides = array<i32>} : memref<128x256xf32, #tpu.memory_space<vmem>>, vector<1x16xf32>,
        %swap3A_1753 = vector.shape_cast %swap3A_1752 : vector<1x16xf32> to vector<16xf32>
        %swap3A_1754 = vector.shape_cast %broadcast_in_dim3A_1714 : vector<16xf32> to vector<1x16xf32>
        tpu.vector_store %arg16[%swap3A_1750, %swap3A_1751], %swap3A_1754 {strides = array<i32>} : memref<128x256xf32, #tpu.memory_space<vmem>>, vector<1x16xf32>,
        %swap3A_1755 = arith.index_cast %while3A_1724 : i32 to index
        %swap3A_1756 = arith.constant 96 : index
        %swap3A_1757 = tpu.vector_load %arg16[%swap3A_1755, %swap3A_1756] {strides = array<i32>} : memref<128x256xf32, #tpu.memory_space<vmem>>, vector<1x16xf32>,
        %swap3A_1758 = vector.shape_cast %swap3A_1757 : vector<1x16xf32> to vector<16xf32>
        %swap3A_1759 = vector.shape_cast %broadcast_in_dim3A_1714 : vector<16xf32> to vector<1x16xf32>
        tpu.vector_store %arg16[%swap3A_1755, %swap3A_1756], %swap3A_1759 {strides = array<i32>} : memref<128x256xf32, #tpu.memory_space<vmem>>, vector<1x16xf32>,
        %swap3A_1760 = arith.index_cast %while3A_1724 : i32 to index
        %swap3A_1761 = arith.constant 112 : index
        %swap3A_1762 = tpu.vector_load %arg16[%swap3A_1760, %swap3A_1761] {strides = array<i32>} : memref<128x256xf32, #tpu.memory_space<vmem>>, vector<1x16xf32>,
        %swap3A_1763 = vector.shape_cast %swap3A_1762 : vector<1x16xf32> to vector<16xf32>
        %swap3A_1764 = vector.shape_cast %broadcast_in_dim3A_1714 : vector<16xf32> to vector<1x16xf32>
        tpu.vector_store %arg16[%swap3A_1760, %swap3A_1761], %swap3A_1764 {strides = array<i32>} : memref<128x256xf32, #tpu.memory_space<vmem>>, vector<1x16xf32>,
        %swap3A_1765 = arith.index_cast %while3A_1724 : i32 to index
        %swap3A_1766 = arith.constant 128 : index
        %swap3A_1767 = tpu.vector_load %arg16[%swap3A_1765, %swap3A_1766] {strides = array<i32>} : memref<128x256xf32, #tpu.memory_space<vmem>>, vector<1x16xf32>,
        %swap3A_1768 = vector.shape_cast %swap3A_1767 : vector<1x16xf32> to vector<16xf32>
        %swap3A_1769 = vector.shape_cast %broadcast_in_dim3A_1714 : vector<16xf32> to vector<1x16xf32>
        tpu.vector_store %arg16[%swap3A_1765, %swap3A_1766], %swap3A_1769 {strides = array<i32>} : memref<128x256xf32, #tpu.memory_space<vmem>>, vector<1x16xf32>,
        %swap3A_1770 = arith.index_cast %while3A_1724 : i32 to index
        %swap3A_1771 = arith.constant 144 : index
        %swap3A_1772 = tpu.vector_load %arg16[%swap3A_1770, %swap3A_1771] {strides = array<i32>} : memref<128x256xf32, #tpu.memory_space<vmem>>, vector<1x16xf32>,
        %swap3A_1773 = vector.shape_cast %swap3A_1772 : vector<1x16xf32> to vector<16xf32>
        %swap3A_1774 = vector.shape_cast %broadcast_in_dim3A_1714 : vector<16xf32> to vector<1x16xf32>
        tpu.vector_store %arg16[%swap3A_1770, %swap3A_1771], %swap3A_1774 {strides = array<i32>} : memref<128x256xf32, #tpu.memory_space<vmem>>, vector<1x16xf32>,
        %swap3A_1775 = arith.index_cast %while3A_1724 : i32 to index
        %swap3A_1776 = arith.constant 160 : index
        %swap3A_1777 = tpu.vector_load %arg16[%swap3A_1775, %swap3A_1776] {strides = array<i32>} : memref<128x256xf32, #tpu.memory_space<vmem>>, vector<1x16xf32>,
        %swap3A_1778 = vector.shape_cast %swap3A_1777 : vector<1x16xf32> to vector<16xf32>
        %swap3A_1779 = vector.shape_cast %broadcast_in_dim3A_1714 : vector<16xf32> to vector<1x16xf32>
        tpu.vector_store %arg16[%swap3A_1775, %swap3A_1776], %swap3A_1779 {strides = array<i32>} : memref<128x256xf32, #tpu.memory_space<vmem>>, vector<1x16xf32>,
        %swap3A_1780 = arith.index_cast %while3A_1724 : i32 to index
        %swap3A_1781 = arith.constant 176 : index
        %swap3A_1782 = tpu.vector_load %arg16[%swap3A_1780, %swap3A_1781] {strides = array<i32>} : memref<128x256xf32, #tpu.memory_space<vmem>>, vector<1x16xf32>,
        %swap3A_1783 = vector.shape_cast %swap3A_1782 : vector<1x16xf32> to vector<16xf32>
        %swap3A_1784 = vector.shape_cast %broadcast_in_dim3A_1714 : vector<16xf32> to vector<1x16xf32>
        tpu.vector_store %arg16[%swap3A_1780, %swap3A_1781], %swap3A_1784 {strides = array<i32>} : memref<128x256xf32, #tpu.memory_space<vmem>>, vector<1x16xf32>,
        %swap3A_1785 = arith.index_cast %while3A_1724 : i32 to index
        %swap3A_1786 = arith.constant 192 : index
        %swap3A_1787 = tpu.vector_load %arg16[%swap3A_1785, %swap3A_1786] {strides = array<i32>} : memref<128x256xf32, #tpu.memory_space<vmem>>, vector<1x16xf32>,
        %swap3A_1788 = vector.shape_cast %swap3A_1787 : vector<1x16xf32> to vector<16xf32>
        %swap3A_1789 = vector.shape_cast %broadcast_in_dim3A_1714 : vector<16xf32> to vector<1x16xf32>
        tpu.vector_store %arg16[%swap3A_1785, %swap3A_1786], %swap3A_1789 {strides = array<i32>} : memref<128x256xf32, #tpu.memory_space<vmem>>, vector<1x16xf32>,
        %swap3A_1790 = arith.index_cast %while3A_1724 : i32 to index
        %swap3A_1791 = arith.constant 208 : index
        %swap3A_1792 = tpu.vector_load %arg16[%swap3A_1790, %swap3A_1791] {strides = array<i32>} : memref<128x256xf32, #tpu.memory_space<vmem>>, vector<1x16xf32>,
        %swap3A_1793 = vector.shape_cast %swap3A_1792 : vector<1x16xf32> to vector<16xf32>
        %swap3A_1794 = vector.shape_cast %broadcast_in_dim3A_1714 : vector<16xf32> to vector<1x16xf32>
        tpu.vector_store %arg16[%swap3A_1790, %swap3A_1791], %swap3A_1794 {strides = array<i32>} : memref<128x256xf32, #tpu.memory_space<vmem>>, vector<1x16xf32>,
        %swap3A_1795 = arith.index_cast %while3A_1724 : i32 to index
        %swap3A_1796 = arith.constant 224 : index
        %swap3A_1797 = tpu.vector_load %arg16[%swap3A_1795, %swap3A_1796] {strides = array<i32>} : memref<128x256xf32, #tpu.memory_space<vmem>>, vector<1x16xf32>,
        %swap3A_1798 = vector.shape_cast %swap3A_1797 : vector<1x16xf32> to vector<16xf32>
        %swap3A_1799 = vector.shape_cast %broadcast_in_dim3A_1714 : vector<16xf32> to vector<1x16xf32>
        tpu.vector_store %arg16[%swap3A_1795, %swap3A_1796], %swap3A_1799 {strides = array<i32>} : memref<128x256xf32, #tpu.memory_space<vmem>>, vector<1x16xf32>,
        %swap3A_1800 = arith.index_cast %while3A_1724 : i32 to index
        %swap3A_1801 = arith.constant 240 : index
        %swap3A_1802 = tpu.vector_load %arg16[%swap3A_1800, %swap3A_1801] {strides = array<i32>} : memref<128x256xf32, #tpu.memory_space<vmem>>, vector<1x16xf32>,
        %swap3A_1803 = vector.shape_cast %swap3A_1802 : vector<1x16xf32> to vector<16xf32>
        %swap3A_1804 = vector.shape_cast %broadcast_in_dim3A_1714 : vector<16xf32> to vector<1x16xf32>
        tpu.vector_store %arg16[%swap3A_1800, %swap3A_1801], %swap3A_1804 {strides = array<i32>} : memref<128x256xf32, #tpu.memory_space<vmem>>, vector<1x16xf32>,
      }
    } else {
    }
    %convert_element_type3A_1619 = arith.extui %gt3A_581 : i1 to i32
    %cond3A_1620 = arith.constant 0 : i32
    %cond3A_1621 = arith.cmpi ne, %convert_element_type3A_1619, %cond3A_1620 : i32
    scf.if %cond3A_1621 {
      %dma_start3A_1713 = arith.constant 0 : i32
      %dma_start3A_1714 = tpu.memref_slice %arg5[%add3A_586, %dma_start3A_1713] : memref<32768x256xf32, #tpu.memory_space<hbm>> -> memref<128x256xf32, #tpu.memory_space<hbm>>
      %dma_start3A_1715 = arith.constant 0 : i32
      %dma_start3A_1716 = tpu.memref_slice %arg5[%add3A_586, %dma_start3A_1715] : memref<32768x256xf32, #tpu.memory_space<hbm>> -> memref<128x256xf32, #tpu.memory_space<hbm>>
      tpu.enqueue_dma source(%arg16 : memref<128x256xf32, #tpu.memory_space<vmem>>) target(%dma_start3A_1716 : memref<128x256xf32, #tpu.memory_space<hbm>>) target_semaphore(%arg23 : memref<!tpu.dma_semaphore, #tpu.memory_space<semaphore_mem>>)
    } else {
    }
    %convert_element_type3A_1622 = arith.extui %gt3A_666 : i1 to i32
    %cond3A_1623 = arith.constant 0 : i32
    %cond3A_1624 = arith.cmpi ne, %convert_element_type3A_1622, %cond3A_1623 : i32
    scf.if %cond3A_1624 {
      %dma_wait3A_1713 = arith.constant 0 : i32
      %dma_wait3A_1714 = arith.constant 0 : i32
      %dma_wait3A_1715 = tpu.memref_slice %arg2[%dma_wait3A_1713, %dma_wait3A_1714] : memref<4096x256xf32, #tpu.memory_space<hbm>> -> memref<4096x256xf32, #tpu.memory_space<hbm>>
      tpu.wait_indirect_dma semaphore(%arg21 : memref<!tpu.dma_semaphore, #tpu.memory_space<semaphore_mem>>) src(%dma_wait3A_1715 : memref<4096x256xf32, #tpu.memory_space<hbm>>) dst(%arg17 : memref<128x256xf32, #tpu.memory_space<vmem>>)
    } else {
    }
    %lt3A_1625 = arith.constant 128 : i32
    %lt3A_1626 = arith.cmpi slt, %min3A_664, %lt3A_1625 : i32
    %and3A_1627 = arith.andi %gt3A_666, %lt3A_1626 : i1
    %convert_element_type3A_1628 = arith.extui %and3A_1627 : i1 to i32
    %cond3A_1629 = arith.constant 0 : i32
    %cond3A_1630 = arith.cmpi ne, %convert_element_type3A_1628, %cond3A_1629 : i32
    scf.if %cond3A_1630 {
      %broadcast_in_dim3A_1713 = arith.constant 0.000000e+00 : f32
      %broadcast_in_dim3A_1714 = vector.broadcast %broadcast_in_dim3A_1713 : f32 to vector<16xf32>
      %while3A = arith.constant 0 : i32
      %while3A_1715 = arith.constant 128 : i32
      %while3A_1716 = arith.subi %while3A_1715, %min3A_664 : i32
      %while3A_1717 = arith.addi %min3A_664, %while3A_1716 : i32
      %while3A_1718 = arith.constant 1 : i32
      %while3A_1719 = arith.divsi %while3A_1716, %while3A_1718 : i32
      %while3A_1720 = arith.muli %while3A_1719, %while3A_1718 : i32
      %while3A_1721 = arith.addi %min3A_664, %while3A_1720 : i32
      %while3A_1722 = arith.constant 1 : i32
      scf.for %while3A_1724 = %min3A_664 to %while3A_1721 step %while3A_1722  : i32 {
        %swap3A_1725 = arith.index_cast %while3A_1724 : i32 to index
        %swap3A_1726 = arith.constant 0 : index
        %swap3A_1727 = tpu.vector_load %arg17[%swap3A_1725, %swap3A_1726] {strides = array<i32>} : memref<128x256xf32, #tpu.memory_space<vmem>>, vector<1x16xf32>,
        %swap3A_1728 = vector.shape_cast %swap3A_1727 : vector<1x16xf32> to vector<16xf32>
        %swap3A_1729 = vector.shape_cast %broadcast_in_dim3A_1714 : vector<16xf32> to vector<1x16xf32>
        tpu.vector_store %arg17[%swap3A_1725, %swap3A_1726], %swap3A_1729 {strides = array<i32>} : memref<128x256xf32, #tpu.memory_space<vmem>>, vector<1x16xf32>,
        %swap3A_1730 = arith.index_cast %while3A_1724 : i32 to index
        %swap3A_1731 = arith.constant 16 : index
        %swap3A_1732 = tpu.vector_load %arg17[%swap3A_1730, %swap3A_1731] {strides = array<i32>} : memref<128x256xf32, #tpu.memory_space<vmem>>, vector<1x16xf32>,
        %swap3A_1733 = vector.shape_cast %swap3A_1732 : vector<1x16xf32> to vector<16xf32>
        %swap3A_1734 = vector.shape_cast %broadcast_in_dim3A_1714 : vector<16xf32> to vector<1x16xf32>
        tpu.vector_store %arg17[%swap3A_1730, %swap3A_1731], %swap3A_1734 {strides = array<i32>} : memref<128x256xf32, #tpu.memory_space<vmem>>, vector<1x16xf32>,
        %swap3A_1735 = arith.index_cast %while3A_1724 : i32 to index
        %swap3A_1736 = arith.constant 32 : index
        %swap3A_1737 = tpu.vector_load %arg17[%swap3A_1735, %swap3A_1736] {strides = array<i32>} : memref<128x256xf32, #tpu.memory_space<vmem>>, vector<1x16xf32>,
        %swap3A_1738 = vector.shape_cast %swap3A_1737 : vector<1x16xf32> to vector<16xf32>
        %swap3A_1739 = vector.shape_cast %broadcast_in_dim3A_1714 : vector<16xf32> to vector<1x16xf32>
        tpu.vector_store %arg17[%swap3A_1735, %swap3A_1736], %swap3A_1739 {strides = array<i32>} : memref<128x256xf32, #tpu.memory_space<vmem>>, vector<1x16xf32>,
        %swap3A_1740 = arith.index_cast %while3A_1724 : i32 to index
        %swap3A_1741 = arith.constant 48 : index
        %swap3A_1742 = tpu.vector_load %arg17[%swap3A_1740, %swap3A_1741] {strides = array<i32>} : memref<128x256xf32, #tpu.memory_space<vmem>>, vector<1x16xf32>,
        %swap3A_1743 = vector.shape_cast %swap3A_1742 : vector<1x16xf32> to vector<16xf32>
        %swap3A_1744 = vector.shape_cast %broadcast_in_dim3A_1714 : vector<16xf32> to vector<1x16xf32>
        tpu.vector_store %arg17[%swap3A_1740, %swap3A_1741], %swap3A_1744 {strides = array<i32>} : memref<128x256xf32, #tpu.memory_space<vmem>>, vector<1x16xf32>,
        %swap3A_1745 = arith.index_cast %while3A_1724 : i32 to index
        %swap3A_1746 = arith.constant 64 : index
        %swap3A_1747 = tpu.vector_load %arg17[%swap3A_1745, %swap3A_1746] {strides = array<i32>} : memref<128x256xf32, #tpu.memory_space<vmem>>, vector<1x16xf32>,
        %swap3A_1748 = vector.shape_cast %swap3A_1747 : vector<1x16xf32> to vector<16xf32>
        %swap3A_1749 = vector.shape_cast %broadcast_in_dim3A_1714 : vector<16xf32> to vector<1x16xf32>
        tpu.vector_store %arg17[%swap3A_1745, %swap3A_1746], %swap3A_1749 {strides = array<i32>} : memref<128x256xf32, #tpu.memory_space<vmem>>, vector<1x16xf32>,
        %swap3A_1750 = arith.index_cast %while3A_1724 : i32 to index
        %swap3A_1751 = arith.constant 80 : index
        %swap3A_1752 = tpu.vector_load %arg17[%swap3A_1750, %swap3A_1751] {strides = array<i32>} : memref<128x256xf32, #tpu.memory_space<vmem>>, vector<1x16xf32>,
        %swap3A_1753 = vector.shape_cast %swap3A_1752 : vector<1x16xf32> to vector<16xf32>
        %swap3A_1754 = vector.shape_cast %broadcast_in_dim3A_1714 : vector<16xf32> to vector<1x16xf32>
        tpu.vector_store %arg17[%swap3A_1750, %swap3A_1751], %swap3A_1754 {strides = array<i32>} : memref<128x256xf32, #tpu.memory_space<vmem>>, vector<1x16xf32>,
        %swap3A_1755 = arith.index_cast %while3A_1724 : i32 to index
        %swap3A_1756 = arith.constant 96 : index
        %swap3A_1757 = tpu.vector_load %arg17[%swap3A_1755, %swap3A_1756] {strides = array<i32>} : memref<128x256xf32, #tpu.memory_space<vmem>>, vector<1x16xf32>,
        %swap3A_1758 = vector.shape_cast %swap3A_1757 : vector<1x16xf32> to vector<16xf32>
        %swap3A_1759 = vector.shape_cast %broadcast_in_dim3A_1714 : vector<16xf32> to vector<1x16xf32>
        tpu.vector_store %arg17[%swap3A_1755, %swap3A_1756], %swap3A_1759 {strides = array<i32>} : memref<128x256xf32, #tpu.memory_space<vmem>>, vector<1x16xf32>,
        %swap3A_1760 = arith.index_cast %while3A_1724 : i32 to index
        %swap3A_1761 = arith.constant 112 : index
        %swap3A_1762 = tpu.vector_load %arg17[%swap3A_1760, %swap3A_1761] {strides = array<i32>} : memref<128x256xf32, #tpu.memory_space<vmem>>, vector<1x16xf32>,
        %swap3A_1763 = vector.shape_cast %swap3A_1762 : vector<1x16xf32> to vector<16xf32>
        %swap3A_1764 = vector.shape_cast %broadcast_in_dim3A_1714 : vector<16xf32> to vector<1x16xf32>
        tpu.vector_store %arg17[%swap3A_1760, %swap3A_1761], %swap3A_1764 {strides = array<i32>} : memref<128x256xf32, #tpu.memory_space<vmem>>, vector<1x16xf32>,
        %swap3A_1765 = arith.index_cast %while3A_1724 : i32 to index
        %swap3A_1766 = arith.constant 128 : index
        %swap3A_1767 = tpu.vector_load %arg17[%swap3A_1765, %swap3A_1766] {strides = array<i32>} : memref<128x256xf32, #tpu.memory_space<vmem>>, vector<1x16xf32>,
        %swap3A_1768 = vector.shape_cast %swap3A_1767 : vector<1x16xf32> to vector<16xf32>
        %swap3A_1769 = vector.shape_cast %broadcast_in_dim3A_1714 : vector<16xf32> to vector<1x16xf32>
        tpu.vector_store %arg17[%swap3A_1765, %swap3A_1766], %swap3A_1769 {strides = array<i32>} : memref<128x256xf32, #tpu.memory_space<vmem>>, vector<1x16xf32>,
        %swap3A_1770 = arith.index_cast %while3A_1724 : i32 to index
        %swap3A_1771 = arith.constant 144 : index
        %swap3A_1772 = tpu.vector_load %arg17[%swap3A_1770, %swap3A_1771] {strides = array<i32>} : memref<128x256xf32, #tpu.memory_space<vmem>>, vector<1x16xf32>,
        %swap3A_1773 = vector.shape_cast %swap3A_1772 : vector<1x16xf32> to vector<16xf32>
        %swap3A_1774 = vector.shape_cast %broadcast_in_dim3A_1714 : vector<16xf32> to vector<1x16xf32>
        tpu.vector_store %arg17[%swap3A_1770, %swap3A_1771], %swap3A_1774 {strides = array<i32>} : memref<128x256xf32, #tpu.memory_space<vmem>>, vector<1x16xf32>,
        %swap3A_1775 = arith.index_cast %while3A_1724 : i32 to index
        %swap3A_1776 = arith.constant 160 : index
        %swap3A_1777 = tpu.vector_load %arg17[%swap3A_1775, %swap3A_1776] {strides = array<i32>} : memref<128x256xf32, #tpu.memory_space<vmem>>, vector<1x16xf32>,
        %swap3A_1778 = vector.shape_cast %swap3A_1777 : vector<1x16xf32> to vector<16xf32>
        %swap3A_1779 = vector.shape_cast %broadcast_in_dim3A_1714 : vector<16xf32> to vector<1x16xf32>
        tpu.vector_store %arg17[%swap3A_1775, %swap3A_1776], %swap3A_1779 {strides = array<i32>} : memref<128x256xf32, #tpu.memory_space<vmem>>, vector<1x16xf32>,
        %swap3A_1780 = arith.index_cast %while3A_1724 : i32 to index
        %swap3A_1781 = arith.constant 176 : index
        %swap3A_1782 = tpu.vector_load %arg17[%swap3A_1780, %swap3A_1781] {strides = array<i32>} : memref<128x256xf32, #tpu.memory_space<vmem>>, vector<1x16xf32>,
        %swap3A_1783 = vector.shape_cast %swap3A_1782 : vector<1x16xf32> to vector<16xf32>
        %swap3A_1784 = vector.shape_cast %broadcast_in_dim3A_1714 : vector<16xf32> to vector<1x16xf32>
        tpu.vector_store %arg17[%swap3A_1780, %swap3A_1781], %swap3A_1784 {strides = array<i32>} : memref<128x256xf32, #tpu.memory_space<vmem>>, vector<1x16xf32>,
        %swap3A_1785 = arith.index_cast %while3A_1724 : i32 to index
        %swap3A_1786 = arith.constant 192 : index
        %swap3A_1787 = tpu.vector_load %arg17[%swap3A_1785, %swap3A_1786] {strides = array<i32>} : memref<128x256xf32, #tpu.memory_space<vmem>>, vector<1x16xf32>,
        %swap3A_1788 = vector.shape_cast %swap3A_1787 : vector<1x16xf32> to vector<16xf32>
        %swap3A_1789 = vector.shape_cast %broadcast_in_dim3A_1714 : vector<16xf32> to vector<1x16xf32>
        tpu.vector_store %arg17[%swap3A_1785, %swap3A_1786], %swap3A_1789 {strides = array<i32>} : memref<128x256xf32, #tpu.memory_space<vmem>>, vector<1x16xf32>,
        %swap3A_1790 = arith.index_cast %while3A_1724 : i32 to index
        %swap3A_1791 = arith.constant 208 : index
        %swap3A_1792 = tpu.vector_load %arg17[%swap3A_1790, %swap3A_1791] {strides = array<i32>} : memref<128x256xf32, #tpu.memory_space<vmem>>, vector<1x16xf32>,
        %swap3A_1793 = vector.shape_cast %swap3A_1792 : vector<1x16xf32> to vector<16xf32>
        %swap3A_1794 = vector.shape_cast %broadcast_in_dim3A_1714 : vector<16xf32> to vector<1x16xf32>
        tpu.vector_store %arg17[%swap3A_1790, %swap3A_1791], %swap3A_1794 {strides = array<i32>} : memref<128x256xf32, #tpu.memory_space<vmem>>, vector<1x16xf32>,
        %swap3A_1795 = arith.index_cast %while3A_1724 : i32 to index
        %swap3A_1796 = arith.constant 224 : index
        %swap3A_1797 = tpu.vector_load %arg17[%swap3A_1795, %swap3A_1796] {strides = array<i32>} : memref<128x256xf32, #tpu.memory_space<vmem>>, vector<1x16xf32>,
        %swap3A_1798 = vector.shape_cast %swap3A_1797 : vector<1x16xf32> to vector<16xf32>
        %swap3A_1799 = vector.shape_cast %broadcast_in_dim3A_1714 : vector<16xf32> to vector<1x16xf32>
        tpu.vector_store %arg17[%swap3A_1795, %swap3A_1796], %swap3A_1799 {strides = array<i32>} : memref<128x256xf32, #tpu.memory_space<vmem>>, vector<1x16xf32>,
        %swap3A_1800 = arith.index_cast %while3A_1724 : i32 to index
        %swap3A_1801 = arith.constant 240 : index
        %swap3A_1802 = tpu.vector_load %arg17[%swap3A_1800, %swap3A_1801] {strides = array<i32>} : memref<128x256xf32, #tpu.memory_space<vmem>>, vector<1x16xf32>,
        %swap3A_1803 = vector.shape_cast %swap3A_1802 : vector<1x16xf32> to vector<16xf32>
        %swap3A_1804 = vector.shape_cast %broadcast_in_dim3A_1714 : vector<16xf32> to vector<1x16xf32>
        tpu.vector_store %arg17[%swap3A_1800, %swap3A_1801], %swap3A_1804 {strides = array<i32>} : memref<128x256xf32, #tpu.memory_space<vmem>>, vector<1x16xf32>,
      }
      %while3A_1723 = arith.constant 1 : i32
      scf.for %while3A_1724 = %while3A_1721 to %while3A_1717 step %while3A_1723  : i32 {
        %swap3A_1725 = arith.index_cast %while3A_1724 : i32 to index
        %swap3A_1726 = arith.constant 0 : index
        %swap3A_1727 = tpu.vector_load %arg17[%swap3A_1725, %swap3A_1726] {strides = array<i32>} : memref<128x256xf32, #tpu.memory_space<vmem>>, vector<1x16xf32>,
        %swap3A_1728 = vector.shape_cast %swap3A_1727 : vector<1x16xf32> to vector<16xf32>
        %swap3A_1729 = vector.shape_cast %broadcast_in_dim3A_1714 : vector<16xf32> to vector<1x16xf32>
        tpu.vector_store %arg17[%swap3A_1725, %swap3A_1726], %swap3A_1729 {strides = array<i32>} : memref<128x256xf32, #tpu.memory_space<vmem>>, vector<1x16xf32>,
        %swap3A_1730 = arith.index_cast %while3A_1724 : i32 to index
        %swap3A_1731 = arith.constant 16 : index
        %swap3A_1732 = tpu.vector_load %arg17[%swap3A_1730, %swap3A_1731] {strides = array<i32>} : memref<128x256xf32, #tpu.memory_space<vmem>>, vector<1x16xf32>,
        %swap3A_1733 = vector.shape_cast %swap3A_1732 : vector<1x16xf32> to vector<16xf32>
        %swap3A_1734 = vector.shape_cast %broadcast_in_dim3A_1714 : vector<16xf32> to vector<1x16xf32>
        tpu.vector_store %arg17[%swap3A_1730, %swap3A_1731], %swap3A_1734 {strides = array<i32>} : memref<128x256xf32, #tpu.memory_space<vmem>>, vector<1x16xf32>,
        %swap3A_1735 = arith.index_cast %while3A_1724 : i32 to index
        %swap3A_1736 = arith.constant 32 : index
        %swap3A_1737 = tpu.vector_load %arg17[%swap3A_1735, %swap3A_1736] {strides = array<i32>} : memref<128x256xf32, #tpu.memory_space<vmem>>, vector<1x16xf32>,
        %swap3A_1738 = vector.shape_cast %swap3A_1737 : vector<1x16xf32> to vector<16xf32>
        %swap3A_1739 = vector.shape_cast %broadcast_in_dim3A_1714 : vector<16xf32> to vector<1x16xf32>
        tpu.vector_store %arg17[%swap3A_1735, %swap3A_1736], %swap3A_1739 {strides = array<i32>} : memref<128x256xf32, #tpu.memory_space<vmem>>, vector<1x16xf32>,
        %swap3A_1740 = arith.index_cast %while3A_1724 : i32 to index
        %swap3A_1741 = arith.constant 48 : index
        %swap3A_1742 = tpu.vector_load %arg17[%swap3A_1740, %swap3A_1741] {strides = array<i32>} : memref<128x256xf32, #tpu.memory_space<vmem>>, vector<1x16xf32>,
        %swap3A_1743 = vector.shape_cast %swap3A_1742 : vector<1x16xf32> to vector<16xf32>
        %swap3A_1744 = vector.shape_cast %broadcast_in_dim3A_1714 : vector<16xf32> to vector<1x16xf32>
        tpu.vector_store %arg17[%swap3A_1740, %swap3A_1741], %swap3A_1744 {strides = array<i32>} : memref<128x256xf32, #tpu.memory_space<vmem>>, vector<1x16xf32>,
        %swap3A_1745 = arith.index_cast %while3A_1724 : i32 to index
        %swap3A_1746 = arith.constant 64 : index
        %swap3A_1747 = tpu.vector_load %arg17[%swap3A_1745, %swap3A_1746] {strides = array<i32>} : memref<128x256xf32, #tpu.memory_space<vmem>>, vector<1x16xf32>,
        %swap3A_1748 = vector.shape_cast %swap3A_1747 : vector<1x16xf32> to vector<16xf32>
        %swap3A_1749 = vector.shape_cast %broadcast_in_dim3A_1714 : vector<16xf32> to vector<1x16xf32>
        tpu.vector_store %arg17[%swap3A_1745, %swap3A_1746], %swap3A_1749 {strides = array<i32>} : memref<128x256xf32, #tpu.memory_space<vmem>>, vector<1x16xf32>,
        %swap3A_1750 = arith.index_cast %while3A_1724 : i32 to index
        %swap3A_1751 = arith.constant 80 : index
        %swap3A_1752 = tpu.vector_load %arg17[%swap3A_1750, %swap3A_1751] {strides = array<i32>} : memref<128x256xf32, #tpu.memory_space<vmem>>, vector<1x16xf32>,
        %swap3A_1753 = vector.shape_cast %swap3A_1752 : vector<1x16xf32> to vector<16xf32>
        %swap3A_1754 = vector.shape_cast %broadcast_in_dim3A_1714 : vector<16xf32> to vector<1x16xf32>
        tpu.vector_store %arg17[%swap3A_1750, %swap3A_1751], %swap3A_1754 {strides = array<i32>} : memref<128x256xf32, #tpu.memory_space<vmem>>, vector<1x16xf32>,
        %swap3A_1755 = arith.index_cast %while3A_1724 : i32 to index
        %swap3A_1756 = arith.constant 96 : index
        %swap3A_1757 = tpu.vector_load %arg17[%swap3A_1755, %swap3A_1756] {strides = array<i32>} : memref<128x256xf32, #tpu.memory_space<vmem>>, vector<1x16xf32>,
        %swap3A_1758 = vector.shape_cast %swap3A_1757 : vector<1x16xf32> to vector<16xf32>
        %swap3A_1759 = vector.shape_cast %broadcast_in_dim3A_1714 : vector<16xf32> to vector<1x16xf32>
        tpu.vector_store %arg17[%swap3A_1755, %swap3A_1756], %swap3A_1759 {strides = array<i32>} : memref<128x256xf32, #tpu.memory_space<vmem>>, vector<1x16xf32>,
        %swap3A_1760 = arith.index_cast %while3A_1724 : i32 to index
        %swap3A_1761 = arith.constant 112 : index
        %swap3A_1762 = tpu.vector_load %arg17[%swap3A_1760, %swap3A_1761] {strides = array<i32>} : memref<128x256xf32, #tpu.memory_space<vmem>>, vector<1x16xf32>,
        %swap3A_1763 = vector.shape_cast %swap3A_1762 : vector<1x16xf32> to vector<16xf32>
        %swap3A_1764 = vector.shape_cast %broadcast_in_dim3A_1714 : vector<16xf32> to vector<1x16xf32>
        tpu.vector_store %arg17[%swap3A_1760, %swap3A_1761], %swap3A_1764 {strides = array<i32>} : memref<128x256xf32, #tpu.memory_space<vmem>>, vector<1x16xf32>,
        %swap3A_1765 = arith.index_cast %while3A_1724 : i32 to index
        %swap3A_1766 = arith.constant 128 : index
        %swap3A_1767 = tpu.vector_load %arg17[%swap3A_1765, %swap3A_1766] {strides = array<i32>} : memref<128x256xf32, #tpu.memory_space<vmem>>, vector<1x16xf32>,
        %swap3A_1768 = vector.shape_cast %swap3A_1767 : vector<1x16xf32> to vector<16xf32>
        %swap3A_1769 = vector.shape_cast %broadcast_in_dim3A_1714 : vector<16xf32> to vector<1x16xf32>
        tpu.vector_store %arg17[%swap3A_1765, %swap3A_1766], %swap3A_1769 {strides = array<i32>} : memref<128x256xf32, #tpu.memory_space<vmem>>, vector<1x16xf32>,
        %swap3A_1770 = arith.index_cast %while3A_1724 : i32 to index
        %swap3A_1771 = arith.constant 144 : index
        %swap3A_1772 = tpu.vector_load %arg17[%swap3A_1770, %swap3A_1771] {strides = array<i32>} : memref<128x256xf32, #tpu.memory_space<vmem>>, vector<1x16xf32>,
        %swap3A_1773 = vector.shape_cast %swap3A_1772 : vector<1x16xf32> to vector<16xf32>
        %swap3A_1774 = vector.shape_cast %broadcast_in_dim3A_1714 : vector<16xf32> to vector<1x16xf32>
        tpu.vector_store %arg17[%swap3A_1770, %swap3A_1771], %swap3A_1774 {strides = array<i32>} : memref<128x256xf32, #tpu.memory_space<vmem>>, vector<1x16xf32>,
        %swap3A_1775 = arith.index_cast %while3A_1724 : i32 to index
        %swap3A_1776 = arith.constant 160 : index
        %swap3A_1777 = tpu.vector_load %arg17[%swap3A_1775, %swap3A_1776] {strides = array<i32>} : memref<128x256xf32, #tpu.memory_space<vmem>>, vector<1x16xf32>,
        %swap3A_1778 = vector.shape_cast %swap3A_1777 : vector<1x16xf32> to vector<16xf32>
        %swap3A_1779 = vector.shape_cast %broadcast_in_dim3A_1714 : vector<16xf32> to vector<1x16xf32>
        tpu.vector_store %arg17[%swap3A_1775, %swap3A_1776], %swap3A_1779 {strides = array<i32>} : memref<128x256xf32, #tpu.memory_space<vmem>>, vector<1x16xf32>,
        %swap3A_1780 = arith.index_cast %while3A_1724 : i32 to index
        %swap3A_1781 = arith.constant 176 : index
        %swap3A_1782 = tpu.vector_load %arg17[%swap3A_1780, %swap3A_1781] {strides = array<i32>} : memref<128x256xf32, #tpu.memory_space<vmem>>, vector<1x16xf32>,
        %swap3A_1783 = vector.shape_cast %swap3A_1782 : vector<1x16xf32> to vector<16xf32>
        %swap3A_1784 = vector.shape_cast %broadcast_in_dim3A_1714 : vector<16xf32> to vector<1x16xf32>
        tpu.vector_store %arg17[%swap3A_1780, %swap3A_1781], %swap3A_1784 {strides = array<i32>} : memref<128x256xf32, #tpu.memory_space<vmem>>, vector<1x16xf32>,
        %swap3A_1785 = arith.index_cast %while3A_1724 : i32 to index
        %swap3A_1786 = arith.constant 192 : index
        %swap3A_1787 = tpu.vector_load %arg17[%swap3A_1785, %swap3A_1786] {strides = array<i32>} : memref<128x256xf32, #tpu.memory_space<vmem>>, vector<1x16xf32>,
        %swap3A_1788 = vector.shape_cast %swap3A_1787 : vector<1x16xf32> to vector<16xf32>
        %swap3A_1789 = vector.shape_cast %broadcast_in_dim3A_1714 : vector<16xf32> to vector<1x16xf32>
        tpu.vector_store %arg17[%swap3A_1785, %swap3A_1786], %swap3A_1789 {strides = array<i32>} : memref<128x256xf32, #tpu.memory_space<vmem>>, vector<1x16xf32>,
        %swap3A_1790 = arith.index_cast %while3A_1724 : i32 to index
        %swap3A_1791 = arith.constant 208 : index
        %swap3A_1792 = tpu.vector_load %arg17[%swap3A_1790, %swap3A_1791] {strides = array<i32>} : memref<128x256xf32, #tpu.memory_space<vmem>>, vector<1x16xf32>,
        %swap3A_1793 = vector.shape_cast %swap3A_1792 : vector<1x16xf32> to vector<16xf32>
        %swap3A_1794 = vector.shape_cast %broadcast_in_dim3A_1714 : vector<16xf32> to vector<1x16xf32>
        tpu.vector_store %arg17[%swap3A_1790, %swap3A_1791], %swap3A_1794 {strides = array<i32>} : memref<128x256xf32, #tpu.memory_space<vmem>>, vector<1x16xf32>,
        %swap3A_1795 = arith.index_cast %while3A_1724 : i32 to index
        %swap3A_1796 = arith.constant 224 : index
        %swap3A_1797 = tpu.vector_load %arg17[%swap3A_1795, %swap3A_1796] {strides = array<i32>} : memref<128x256xf32, #tpu.memory_space<vmem>>, vector<1x16xf32>,
        %swap3A_1798 = vector.shape_cast %swap3A_1797 : vector<1x16xf32> to vector<16xf32>
        %swap3A_1799 = vector.shape_cast %broadcast_in_dim3A_1714 : vector<16xf32> to vector<1x16xf32>
        tpu.vector_store %arg17[%swap3A_1795, %swap3A_1796], %swap3A_1799 {strides = array<i32>} : memref<128x256xf32, #tpu.memory_space<vmem>>, vector<1x16xf32>,
        %swap3A_1800 = arith.index_cast %while3A_1724 : i32 to index
        %swap3A_1801 = arith.constant 240 : index
        %swap3A_1802 = tpu.vector_load %arg17[%swap3A_1800, %swap3A_1801] {strides = array<i32>} : memref<128x256xf32, #tpu.memory_space<vmem>>, vector<1x16xf32>,
        %swap3A_1803 = vector.shape_cast %swap3A_1802 : vector<1x16xf32> to vector<16xf32>
        %swap3A_1804 = vector.shape_cast %broadcast_in_dim3A_1714 : vector<16xf32> to vector<1x16xf32>
        tpu.vector_store %arg17[%swap3A_1800, %swap3A_1801], %swap3A_1804 {strides = array<i32>} : memref<128x256xf32, #tpu.memory_space<vmem>>, vector<1x16xf32>,
      }
    } else {
    }
    %convert_element_type3A_1631 = arith.extui %gt3A_666 : i1 to i32
    %cond3A_1632 = arith.constant 0 : i32
    %cond3A_1633 = arith.cmpi ne, %convert_element_type3A_1631, %cond3A_1632 : i32
    scf.if %cond3A_1633 {
      %dma_start3A_1713 = arith.constant 0 : i32
      %dma_start3A_1714 = tpu.memref_slice %arg5[%add3A_671, %dma_start3A_1713] : memref<32768x256xf32, #tpu.memory_space<hbm>> -> memref<128x256xf32, #tpu.memory_space<hbm>>
      %dma_start3A_1715 = arith.constant 0 : i32
      %dma_start3A_1716 = tpu.memref_slice %arg5[%add3A_671, %dma_start3A_1715] : memref<32768x256xf32, #tpu.memory_space<hbm>> -> memref<128x256xf32, #tpu.memory_space<hbm>>
      tpu.enqueue_dma source(%arg17 : memref<128x256xf32, #tpu.memory_space<vmem>>) target(%dma_start3A_1716 : memref<128x256xf32, #tpu.memory_space<hbm>>) target_semaphore(%arg24 : memref<!tpu.dma_semaphore, #tpu.memory_space<semaphore_mem>>)
    } else {
    }
    %not3A_1634 = arith.constant true
    %not3A_1635 = arith.xori %gt3A_326, %not3A_1634 : i1
    %and3A_1636 = arith.andi %gt3A_72, %not3A_1635 : i1
    %convert_element_type3A_1637 = arith.extui %and3A_1636 : i1 to i32
    %cond3A_1638 = arith.constant 0 : i32
    %cond3A_1639 = arith.cmpi ne, %convert_element_type3A_1637, %cond3A_1638 : i32
    scf.if %cond3A_1639 {
      %dma_wait3A_1713 = arith.constant 0 : i32
      %dma_wait3A_1714 = tpu.memref_slice %arg5[%add3A_77, %dma_wait3A_1713] : memref<32768x256xf32, #tpu.memory_space<hbm>> -> memref<128x256xf32, #tpu.memory_space<hbm>>
      %dma_wait3A_1715 = arith.constant 0 : i32
      %dma_wait3A_1716 = tpu.memref_slice %arg5[%add3A_77, %dma_wait3A_1715] : memref<32768x256xf32, #tpu.memory_space<hbm>> -> memref<128x256xf32, #tpu.memory_space<hbm>>
      tpu.wait_dma2 semaphore(%arg23 : memref<!tpu.dma_semaphore, #tpu.memory_space<semaphore_mem>>) src(%arg16 : memref<128x256xf32, #tpu.memory_space<vmem>>) dst(%dma_wait3A_1716 : memref<128x256xf32, #tpu.memory_space<hbm>>)
    } else {
    }
    %not3A_1640 = arith.constant true
    %not3A_1641 = arith.xori %gt3A_411, %not3A_1640 : i1
    %and3A_1642 = arith.andi %gt3A_156, %not3A_1641 : i1
    %convert_element_type3A_1643 = arith.extui %and3A_1642 : i1 to i32
    %cond3A_1644 = arith.constant 0 : i32
    %cond3A_1645 = arith.cmpi ne, %convert_element_type3A_1643, %cond3A_1644 : i32
    scf.if %cond3A_1645 {
      %dma_wait3A_1713 = arith.constant 0 : i32
      %dma_wait3A_1714 = tpu.memref_slice %arg5[%add3A_161, %dma_wait3A_1713] : memref<32768x256xf32, #tpu.memory_space<hbm>> -> memref<128x256xf32, #tpu.memory_space<hbm>>
      %dma_wait3A_1715 = arith.constant 0 : i32
      %dma_wait3A_1716 = tpu.memref_slice %arg5[%add3A_161, %dma_wait3A_1715] : memref<32768x256xf32, #tpu.memory_space<hbm>> -> memref<128x256xf32, #tpu.memory_space<hbm>>
      tpu.wait_dma2 semaphore(%arg24 : memref<!tpu.dma_semaphore, #tpu.memory_space<semaphore_mem>>) src(%arg17 : memref<128x256xf32, #tpu.memory_space<vmem>>) dst(%dma_wait3A_1716 : memref<128x256xf32, #tpu.memory_space<hbm>>)
    } else {
    }
    %not3A_1646 = arith.constant true
    %not3A_1647 = arith.xori %gt3A_496, %not3A_1646 : i1
    %and3A_1648 = arith.andi %gt3A_241, %not3A_1647 : i1
    %convert_element_type3A_1649 = arith.extui %and3A_1648 : i1 to i32
    %cond3A_1650 = arith.constant 0 : i32
    %cond3A_1651 = arith.cmpi ne, %convert_element_type3A_1649, %cond3A_1650 : i32
    scf.if %cond3A_1651 {
      %dma_wait3A_1713 = arith.constant 0 : i32
      %dma_wait3A_1714 = tpu.memref_slice %arg5[%add3A_246, %dma_wait3A_1713] : memref<32768x256xf32, #tpu.memory_space<hbm>> -> memref<128x256xf32, #tpu.memory_space<hbm>>
      %dma_wait3A_1715 = arith.constant 0 : i32
      %dma_wait3A_1716 = tpu.memref_slice %arg5[%add3A_246, %dma_wait3A_1715] : memref<32768x256xf32, #tpu.memory_space<hbm>> -> memref<128x256xf32, #tpu.memory_space<hbm>>
      tpu.wait_dma2 semaphore(%arg25 : memref<!tpu.dma_semaphore, #tpu.memory_space<semaphore_mem>>) src(%arg18 : memref<128x256xf32, #tpu.memory_space<vmem>>) dst(%dma_wait3A_1716 : memref<128x256xf32, #tpu.memory_space<hbm>>)
    } else {
    }
    %not3A_1652 = arith.constant true
    %not3A_1653 = arith.xori %gt3A_581, %not3A_1652 : i1
    %and3A_1654 = arith.andi %gt3A_326, %not3A_1653 : i1
    %convert_element_type3A_1655 = arith.extui %and3A_1654 : i1 to i32
    %cond3A_1656 = arith.constant 0 : i32
    %cond3A_1657 = arith.cmpi ne, %convert_element_type3A_1655, %cond3A_1656 : i32
    scf.if %cond3A_1657 {
      %dma_wait3A_1713 = arith.constant 0 : i32
      %dma_wait3A_1714 = tpu.memref_slice %arg5[%add3A_331, %dma_wait3A_1713] : memref<32768x256xf32, #tpu.memory_space<hbm>> -> memref<128x256xf32, #tpu.memory_space<hbm>>
      %dma_wait3A_1715 = arith.constant 0 : i32
      %dma_wait3A_1716 = tpu.memref_slice %arg5[%add3A_331, %dma_wait3A_1715] : memref<32768x256xf32, #tpu.memory_space<hbm>> -> memref<128x256xf32, #tpu.memory_space<hbm>>
      tpu.wait_dma2 semaphore(%arg23 : memref<!tpu.dma_semaphore, #tpu.memory_space<semaphore_mem>>) src(%arg16 : memref<128x256xf32, #tpu.memory_space<vmem>>) dst(%dma_wait3A_1716 : memref<128x256xf32, #tpu.memory_space<hbm>>)
    } else {
    }
    %not3A_1658 = arith.constant true
    %not3A_1659 = arith.xori %gt3A_666, %not3A_1658 : i1
    %and3A_1660 = arith.andi %gt3A_411, %not3A_1659 : i1
    %convert_element_type3A_1661 = arith.extui %and3A_1660 : i1 to i32
    %cond3A_1662 = arith.constant 0 : i32
    %cond3A_1663 = arith.cmpi ne, %convert_element_type3A_1661, %cond3A_1662 : i32
    scf.if %cond3A_1663 {
      %dma_wait3A_1713 = arith.constant 0 : i32
      %dma_wait3A_1714 = tpu.memref_slice %arg5[%add3A_416, %dma_wait3A_1713] : memref<32768x256xf32, #tpu.memory_space<hbm>> -> memref<128x256xf32, #tpu.memory_space<hbm>>
      %dma_wait3A_1715 = arith.constant 0 : i32
      %dma_wait3A_1716 = tpu.memref_slice %arg5[%add3A_416, %dma_wait3A_1715] : memref<32768x256xf32, #tpu.memory_space<hbm>> -> memref<128x256xf32, #tpu.memory_space<hbm>>
      tpu.wait_dma2 semaphore(%arg24 : memref<!tpu.dma_semaphore, #tpu.memory_space<semaphore_mem>>) src(%arg17 : memref<128x256xf32, #tpu.memory_space<vmem>>) dst(%dma_wait3A_1716 : memref<128x256xf32, #tpu.memory_space<hbm>>)
    } else {
    }
    %convert_element_type3A_1664 = arith.extui %gt3A_496 : i1 to i32
    %cond3A_1665 = arith.constant 0 : i32
    %cond3A_1666 = arith.cmpi ne, %convert_element_type3A_1664, %cond3A_1665 : i32
    scf.if %cond3A_1666 {
      %dma_wait3A_1713 = arith.constant 0 : i32
      %dma_wait3A_1714 = tpu.memref_slice %arg5[%add3A_501, %dma_wait3A_1713] : memref<32768x256xf32, #tpu.memory_space<hbm>> -> memref<128x256xf32, #tpu.memory_space<hbm>>
      %dma_wait3A_1715 = arith.constant 0 : i32
      %dma_wait3A_1716 = tpu.memref_slice %arg5[%add3A_501, %dma_wait3A_1715] : memref<32768x256xf32, #tpu.memory_space<hbm>> -> memref<128x256xf32, #tpu.memory_space<hbm>>
      tpu.wait_dma2 semaphore(%arg25 : memref<!tpu.dma_semaphore, #tpu.memory_space<semaphore_mem>>) src(%arg18 : memref<128x256xf32, #tpu.memory_space<vmem>>) dst(%dma_wait3A_1716 : memref<128x256xf32, #tpu.memory_space<hbm>>)
    } else {
    }
    %convert_element_type3A_1667 = arith.extui %gt3A_581 : i1 to i32
    %cond3A_1668 = arith.constant 0 : i32
    %cond3A_1669 = arith.cmpi ne, %convert_element_type3A_1667, %cond3A_1668 : i32
    scf.if %cond3A_1669 {
      %dma_wait3A_1713 = arith.constant 0 : i32
      %dma_wait3A_1714 = tpu.memref_slice %arg5[%add3A_586, %dma_wait3A_1713] : memref<32768x256xf32, #tpu.memory_space<hbm>> -> memref<128x256xf32, #tpu.memory_space<hbm>>
      %dma_wait3A_1715 = arith.constant 0 : i32
      %dma_wait3A_1716 = tpu.memref_slice %arg5[%add3A_586, %dma_wait3A_1715] : memref<32768x256xf32, #tpu.memory_space<hbm>> -> memref<128x256xf32, #tpu.memory_space<hbm>>
      tpu.wait_dma2 semaphore(%arg23 : memref<!tpu.dma_semaphore, #tpu.memory_space<semaphore_mem>>) src(%arg16 : memref<128x256xf32, #tpu.memory_space<vmem>>) dst(%dma_wait3A_1716 : memref<128x256xf32, #tpu.memory_space<hbm>>)
    } else {
    }
    %convert_element_type3A_1670 = arith.extui %gt3A_666 : i1 to i32
    %cond3A_1671 = arith.constant 0 : i32
    %cond3A_1672 = arith.cmpi ne, %convert_element_type3A_1670, %cond3A_1671 : i32
    scf.if %cond3A_1672 {
      %dma_wait3A_1713 = arith.constant 0 : i32
      %dma_wait3A_1714 = tpu.memref_slice %arg5[%add3A_671, %dma_wait3A_1713] : memref<32768x256xf32, #tpu.memory_space<hbm>> -> memref<128x256xf32, #tpu.memory_space<hbm>>
      %dma_wait3A_1715 = arith.constant 0 : i32
      %dma_wait3A_1716 = tpu.memref_slice %arg5[%add3A_671, %dma_wait3A_1715] : memref<32768x256xf32, #tpu.memory_space<hbm>> -> memref<128x256xf32, #tpu.memory_space<hbm>>
      tpu.wait_dma2 semaphore(%arg24 : memref<!tpu.dma_semaphore, #tpu.memory_space<semaphore_mem>>) src(%arg17 : memref<128x256xf32, #tpu.memory_space<vmem>>) dst(%dma_wait3A_1716 : memref<128x256xf32, #tpu.memory_space<hbm>>)
    } else {
    }
    %not3A_1673 = arith.constant true
    %not3A_1674 = arith.xori %gt3A_72, %not3A_1673 : i1
    %convert_element_type3A_1675 = arith.extui %not3A_1674 : i1 to i32
    %cond3A_1676 = arith.constant 0 : i32
    %cond3A_1677 = arith.cmpi ne, %convert_element_type3A_1675, %cond3A_1676 : i32
    scf.if %cond3A_1677 {
      %add3A_1713 = arith.constant 0 : i32
      %add3A_1714 = arith.addi %add3A_77, %add3A_1713 : i32
      %dma_wait3A_1715 = arith.constant 0 : i32
      %dma_wait3A_1716 = tpu.memref_slice %arg5[%add3A_1714, %dma_wait3A_1715] : memref<32768x256xf32, #tpu.memory_space<hbm>> -> memref<64x256xf32, #tpu.memory_space<hbm>>
      %dma_wait3A_1717 = arith.constant 0 : i32
      %dma_wait3A_1718 = tpu.memref_slice %arg5[%add3A_1714, %dma_wait3A_1717] : memref<32768x256xf32, #tpu.memory_space<hbm>> -> memref<64x256xf32, #tpu.memory_space<hbm>>
      tpu.wait_dma2 semaphore(%arg26 : memref<!tpu.dma_semaphore, #tpu.memory_space<semaphore_mem>>) src(%arg19 : memref<64x256xf32, #tpu.memory_space<vmem>>) dst(%dma_wait3A_1718 : memref<64x256xf32, #tpu.memory_space<hbm>>)
      %add3A_1719 = arith.constant 64 : i32
      %add3A_1720 = arith.addi %add3A_77, %add3A_1719 : i32
      %dma_wait3A_1721 = arith.constant 0 : i32
      %dma_wait3A_1722 = tpu.memref_slice %arg5[%add3A_1720, %dma_wait3A_1721] : memref<32768x256xf32, #tpu.memory_space<hbm>> -> memref<64x256xf32, #tpu.memory_space<hbm>>
      %dma_wait3A_1723 = arith.constant 0 : i32
      %dma_wait3A_1724 = tpu.memref_slice %arg5[%add3A_1720, %dma_wait3A_1723] : memref<32768x256xf32, #tpu.memory_space<hbm>> -> memref<64x256xf32, #tpu.memory_space<hbm>>
      tpu.wait_dma2 semaphore(%arg26 : memref<!tpu.dma_semaphore, #tpu.memory_space<semaphore_mem>>) src(%arg19 : memref<64x256xf32, #tpu.memory_space<vmem>>) dst(%dma_wait3A_1724 : memref<64x256xf32, #tpu.memory_space<hbm>>)
    } else {
    }
    %not3A_1678 = arith.constant true
    %not3A_1679 = arith.xori %gt3A_156, %not3A_1678 : i1
    %convert_element_type3A_1680 = arith.extui %not3A_1679 : i1 to i32
    %cond3A_1681 = arith.constant 0 : i32
    %cond3A_1682 = arith.cmpi ne, %convert_element_type3A_1680, %cond3A_1681 : i32
    scf.if %cond3A_1682 {
      %add3A_1713 = arith.constant 0 : i32
      %add3A_1714 = arith.addi %add3A_161, %add3A_1713 : i32
      %dma_wait3A_1715 = arith.constant 0 : i32
      %dma_wait3A_1716 = tpu.memref_slice %arg5[%add3A_1714, %dma_wait3A_1715] : memref<32768x256xf32, #tpu.memory_space<hbm>> -> memref<64x256xf32, #tpu.memory_space<hbm>>
      %dma_wait3A_1717 = arith.constant 0 : i32
      %dma_wait3A_1718 = tpu.memref_slice %arg5[%add3A_1714, %dma_wait3A_1717] : memref<32768x256xf32, #tpu.memory_space<hbm>> -> memref<64x256xf32, #tpu.memory_space<hbm>>
      tpu.wait_dma2 semaphore(%arg26 : memref<!tpu.dma_semaphore, #tpu.memory_space<semaphore_mem>>) src(%arg19 : memref<64x256xf32, #tpu.memory_space<vmem>>) dst(%dma_wait3A_1718 : memref<64x256xf32, #tpu.memory_space<hbm>>)
      %add3A_1719 = arith.constant 64 : i32
      %add3A_1720 = arith.addi %add3A_161, %add3A_1719 : i32
      %dma_wait3A_1721 = arith.constant 0 : i32
      %dma_wait3A_1722 = tpu.memref_slice %arg5[%add3A_1720, %dma_wait3A_1721] : memref<32768x256xf32, #tpu.memory_space<hbm>> -> memref<64x256xf32, #tpu.memory_space<hbm>>
      %dma_wait3A_1723 = arith.constant 0 : i32
      %dma_wait3A_1724 = tpu.memref_slice %arg5[%add3A_1720, %dma_wait3A_1723] : memref<32768x256xf32, #tpu.memory_space<hbm>> -> memref<64x256xf32, #tpu.memory_space<hbm>>
      tpu.wait_dma2 semaphore(%arg26 : memref<!tpu.dma_semaphore, #tpu.memory_space<semaphore_mem>>) src(%arg19 : memref<64x256xf32, #tpu.memory_space<vmem>>) dst(%dma_wait3A_1724 : memref<64x256xf32, #tpu.memory_space<hbm>>)
    } else {
    }
    %not3A_1683 = arith.constant true
    %not3A_1684 = arith.xori %gt3A_241, %not3A_1683 : i1
    %convert_element_type3A_1685 = arith.extui %not3A_1684 : i1 to i32
    %cond3A_1686 = arith.constant 0 : i32
    %cond3A_1687 = arith.cmpi ne, %convert_element_type3A_1685, %cond3A_1686 : i32
    scf.if %cond3A_1687 {
      %add3A_1713 = arith.constant 0 : i32
      %add3A_1714 = arith.addi %add3A_246, %add3A_1713 : i32
      %dma_wait3A_1715 = arith.constant 0 : i32
      %dma_wait3A_1716 = tpu.memref_slice %arg5[%add3A_1714, %dma_wait3A_1715] : memref<32768x256xf32, #tpu.memory_space<hbm>> -> memref<64x256xf32, #tpu.memory_space<hbm>>
      %dma_wait3A_1717 = arith.constant 0 : i32
      %dma_wait3A_1718 = tpu.memref_slice %arg5[%add3A_1714, %dma_wait3A_1717] : memref<32768x256xf32, #tpu.memory_space<hbm>> -> memref<64x256xf32, #tpu.memory_space<hbm>>
      tpu.wait_dma2 semaphore(%arg26 : memref<!tpu.dma_semaphore, #tpu.memory_space<semaphore_mem>>) src(%arg19 : memref<64x256xf32, #tpu.memory_space<vmem>>) dst(%dma_wait3A_1718 : memref<64x256xf32, #tpu.memory_space<hbm>>)
      %add3A_1719 = arith.constant 64 : i32
      %add3A_1720 = arith.addi %add3A_246, %add3A_1719 : i32
      %dma_wait3A_1721 = arith.constant 0 : i32
      %dma_wait3A_1722 = tpu.memref_slice %arg5[%add3A_1720, %dma_wait3A_1721] : memref<32768x256xf32, #tpu.memory_space<hbm>> -> memref<64x256xf32, #tpu.memory_space<hbm>>
      %dma_wait3A_1723 = arith.constant 0 : i32
      %dma_wait3A_1724 = tpu.memref_slice %arg5[%add3A_1720, %dma_wait3A_1723] : memref<32768x256xf32, #tpu.memory_space<hbm>> -> memref<64x256xf32, #tpu.memory_space<hbm>>
      tpu.wait_dma2 semaphore(%arg26 : memref<!tpu.dma_semaphore, #tpu.memory_space<semaphore_mem>>) src(%arg19 : memref<64x256xf32, #tpu.memory_space<vmem>>) dst(%dma_wait3A_1724 : memref<64x256xf32, #tpu.memory_space<hbm>>)
    } else {
    }
    %not3A_1688 = arith.constant true
    %not3A_1689 = arith.xori %gt3A_326, %not3A_1688 : i1
    %convert_element_type3A_1690 = arith.extui %not3A_1689 : i1 to i32
    %cond3A_1691 = arith.constant 0 : i32
    %cond3A_1692 = arith.cmpi ne, %convert_element_type3A_1690, %cond3A_1691 : i32
    scf.if %cond3A_1692 {
      %add3A_1713 = arith.constant 0 : i32
      %add3A_1714 = arith.addi %add3A_331, %add3A_1713 : i32
      %dma_wait3A_1715 = arith.constant 0 : i32
      %dma_wait3A_1716 = tpu.memref_slice %arg5[%add3A_1714, %dma_wait3A_1715] : memref<32768x256xf32, #tpu.memory_space<hbm>> -> memref<64x256xf32, #tpu.memory_space<hbm>>
      %dma_wait3A_1717 = arith.constant 0 : i32
      %dma_wait3A_1718 = tpu.memref_slice %arg5[%add3A_1714, %dma_wait3A_1717] : memref<32768x256xf32, #tpu.memory_space<hbm>> -> memref<64x256xf32, #tpu.memory_space<hbm>>
      tpu.wait_dma2 semaphore(%arg26 : memref<!tpu.dma_semaphore, #tpu.memory_space<semaphore_mem>>) src(%arg19 : memref<64x256xf32, #tpu.memory_space<vmem>>) dst(%dma_wait3A_1718 : memref<64x256xf32, #tpu.memory_space<hbm>>)
      %add3A_1719 = arith.constant 64 : i32
      %add3A_1720 = arith.addi %add3A_331, %add3A_1719 : i32
      %dma_wait3A_1721 = arith.constant 0 : i32
      %dma_wait3A_1722 = tpu.memref_slice %arg5[%add3A_1720, %dma_wait3A_1721] : memref<32768x256xf32, #tpu.memory_space<hbm>> -> memref<64x256xf32, #tpu.memory_space<hbm>>
      %dma_wait3A_1723 = arith.constant 0 : i32
      %dma_wait3A_1724 = tpu.memref_slice %arg5[%add3A_1720, %dma_wait3A_1723] : memref<32768x256xf32, #tpu.memory_space<hbm>> -> memref<64x256xf32, #tpu.memory_space<hbm>>
      tpu.wait_dma2 semaphore(%arg26 : memref<!tpu.dma_semaphore, #tpu.memory_space<semaphore_mem>>) src(%arg19 : memref<64x256xf32, #tpu.memory_space<vmem>>) dst(%dma_wait3A_1724 : memref<64x256xf32, #tpu.memory_space<hbm>>)
    } else {
    }
    %not3A_1693 = arith.constant true
    %not3A_1694 = arith.xori %gt3A_411, %not3A_1693 : i1
    %convert_element_type3A_1695 = arith.extui %not3A_1694 : i1 to i32
    %cond3A_1696 = arith.constant 0 : i32
    %cond3A_1697 = arith.cmpi ne, %convert_element_type3A_1695, %cond3A_1696 : i32
    scf.if %cond3A_1697 {
      %add3A_1713 = arith.constant 0 : i32
      %add3A_1714 = arith.addi %add3A_416, %add3A_1713 : i32
      %dma_wait3A_1715 = arith.constant 0 : i32
      %dma_wait3A_1716 = tpu.memref_slice %arg5[%add3A_1714, %dma_wait3A_1715] : memref<32768x256xf32, #tpu.memory_space<hbm>> -> memref<64x256xf32, #tpu.memory_space<hbm>>
      %dma_wait3A_1717 = arith.constant 0 : i32
      %dma_wait3A_1718 = tpu.memref_slice %arg5[%add3A_1714, %dma_wait3A_1717] : memref<32768x256xf32, #tpu.memory_space<hbm>> -> memref<64x256xf32, #tpu.memory_space<hbm>>
      tpu.wait_dma2 semaphore(%arg26 : memref<!tpu.dma_semaphore, #tpu.memory_space<semaphore_mem>>) src(%arg19 : memref<64x256xf32, #tpu.memory_space<vmem>>) dst(%dma_wait3A_1718 : memref<64x256xf32, #tpu.memory_space<hbm>>)
      %add3A_1719 = arith.constant 64 : i32
      %add3A_1720 = arith.addi %add3A_416, %add3A_1719 : i32
      %dma_wait3A_1721 = arith.constant 0 : i32
      %dma_wait3A_1722 = tpu.memref_slice %arg5[%add3A_1720, %dma_wait3A_1721] : memref<32768x256xf32, #tpu.memory_space<hbm>> -> memref<64x256xf32, #tpu.memory_space<hbm>>
      %dma_wait3A_1723 = arith.constant 0 : i32
      %dma_wait3A_1724 = tpu.memref_slice %arg5[%add3A_1720, %dma_wait3A_1723] : memref<32768x256xf32, #tpu.memory_space<hbm>> -> memref<64x256xf32, #tpu.memory_space<hbm>>
      tpu.wait_dma2 semaphore(%arg26 : memref<!tpu.dma_semaphore, #tpu.memory_space<semaphore_mem>>) src(%arg19 : memref<64x256xf32, #tpu.memory_space<vmem>>) dst(%dma_wait3A_1724 : memref<64x256xf32, #tpu.memory_space<hbm>>)
    } else {
    }
    %not3A_1698 = arith.constant true
    %not3A_1699 = arith.xori %gt3A_496, %not3A_1698 : i1
    %convert_element_type3A_1700 = arith.extui %not3A_1699 : i1 to i32
    %cond3A_1701 = arith.constant 0 : i32
    %cond3A_1702 = arith.cmpi ne, %convert_element_type3A_1700, %cond3A_1701 : i32
    scf.if %cond3A_1702 {
      %add3A_1713 = arith.constant 0 : i32
      %add3A_1714 = arith.addi %add3A_501, %add3A_1713 : i32
      %dma_wait3A_1715 = arith.constant 0 : i32
      %dma_wait3A_1716 = tpu.memref_slice %arg5[%add3A_1714, %dma_wait3A_1715] : memref<32768x256xf32, #tpu.memory_space<hbm>> -> memref<64x256xf32, #tpu.memory_space<hbm>>
      %dma_wait3A_1717 = arith.constant 0 : i32
      %dma_wait3A_1718 = tpu.memref_slice %arg5[%add3A_1714, %dma_wait3A_1717] : memref<32768x256xf32, #tpu.memory_space<hbm>> -> memref<64x256xf32, #tpu.memory_space<hbm>>
      tpu.wait_dma2 semaphore(%arg26 : memref<!tpu.dma_semaphore, #tpu.memory_space<semaphore_mem>>) src(%arg19 : memref<64x256xf32, #tpu.memory_space<vmem>>) dst(%dma_wait3A_1718 : memref<64x256xf32, #tpu.memory_space<hbm>>)
      %add3A_1719 = arith.constant 64 : i32
      %add3A_1720 = arith.addi %add3A_501, %add3A_1719 : i32
      %dma_wait3A_1721 = arith.constant 0 : i32
      %dma_wait3A_1722 = tpu.memref_slice %arg5[%add3A_1720, %dma_wait3A_1721] : memref<32768x256xf32, #tpu.memory_space<hbm>> -> memref<64x256xf32, #tpu.memory_space<hbm>>
      %dma_wait3A_1723 = arith.constant 0 : i32
      %dma_wait3A_1724 = tpu.memref_slice %arg5[%add3A_1720, %dma_wait3A_1723] : memref<32768x256xf32, #tpu.memory_space<hbm>> -> memref<64x256xf32, #tpu.memory_space<hbm>>
      tpu.wait_dma2 semaphore(%arg26 : memref<!tpu.dma_semaphore, #tpu.memory_space<semaphore_mem>>) src(%arg19 : memref<64x256xf32, #tpu.memory_space<vmem>>) dst(%dma_wait3A_1724 : memref<64x256xf32, #tpu.memory_space<hbm>>)
    } else {
    }
    %not3A_1703 = arith.constant true
    %not3A_1704 = arith.xori %gt3A_581, %not3A_1703 : i1
    %convert_element_type3A_1705 = arith.extui %not3A_1704 : i1 to i32
    %cond3A_1706 = arith.constant 0 : i32
    %cond3A_1707 = arith.cmpi ne, %convert_element_type3A_1705, %cond3A_1706 : i32
    scf.if %cond3A_1707 {
      %add3A_1713 = arith.constant 0 : i32
      %add3A_1714 = arith.addi %add3A_586, %add3A_1713 : i32
      %dma_wait3A_1715 = arith.constant 0 : i32
      %dma_wait3A_1716 = tpu.memref_slice %arg5[%add3A_1714, %dma_wait3A_1715] : memref<32768x256xf32, #tpu.memory_space<hbm>> -> memref<64x256xf32, #tpu.memory_space<hbm>>
      %dma_wait3A_1717 = arith.constant 0 : i32
      %dma_wait3A_1718 = tpu.memref_slice %arg5[%add3A_1714, %dma_wait3A_1717] : memref<32768x256xf32, #tpu.memory_space<hbm>> -> memref<64x256xf32, #tpu.memory_space<hbm>>
      tpu.wait_dma2 semaphore(%arg26 : memref<!tpu.dma_semaphore, #tpu.memory_space<semaphore_mem>>) src(%arg19 : memref<64x256xf32, #tpu.memory_space<vmem>>) dst(%dma_wait3A_1718 : memref<64x256xf32, #tpu.memory_space<hbm>>)
      %add3A_1719 = arith.constant 64 : i32
      %add3A_1720 = arith.addi %add3A_586, %add3A_1719 : i32
      %dma_wait3A_1721 = arith.constant 0 : i32
      %dma_wait3A_1722 = tpu.memref_slice %arg5[%add3A_1720, %dma_wait3A_1721] : memref<32768x256xf32, #tpu.memory_space<hbm>> -> memref<64x256xf32, #tpu.memory_space<hbm>>
      %dma_wait3A_1723 = arith.constant 0 : i32
      %dma_wait3A_1724 = tpu.memref_slice %arg5[%add3A_1720, %dma_wait3A_1723] : memref<32768x256xf32, #tpu.memory_space<hbm>> -> memref<64x256xf32, #tpu.memory_space<hbm>>
      tpu.wait_dma2 semaphore(%arg26 : memref<!tpu.dma_semaphore, #tpu.memory_space<semaphore_mem>>) src(%arg19 : memref<64x256xf32, #tpu.memory_space<vmem>>) dst(%dma_wait3A_1724 : memref<64x256xf32, #tpu.memory_space<hbm>>)
    } else {
    }
    %not3A_1708 = arith.constant true
    %not3A_1709 = arith.xori %gt3A_666, %not3A_1708 : i1
    %convert_element_type3A_1710 = arith.extui %not3A_1709 : i1 to i32
    %cond3A_1711 = arith.constant 0 : i32
    %cond3A_1712 = arith.cmpi ne, %convert_element_type3A_1710, %cond3A_1711 : i32
    scf.if %cond3A_1712 {
      %add3A_1713 = arith.constant 0 : i32
      %add3A_1714 = arith.addi %add3A_671, %add3A_1713 : i32
      %dma_wait3A_1715 = arith.constant 0 : i32
      %dma_wait3A_1716 = tpu.memref_slice %arg5[%add3A_1714, %dma_wait3A_1715] : memref<32768x256xf32, #tpu.memory_space<hbm>> -> memref<64x256xf32, #tpu.memory_space<hbm>>
      %dma_wait3A_1717 = arith.constant 0 : i32
      %dma_wait3A_1718 = tpu.memref_slice %arg5[%add3A_1714, %dma_wait3A_1717] : memref<32768x256xf32, #tpu.memory_space<hbm>> -> memref<64x256xf32, #tpu.memory_space<hbm>>
      tpu.wait_dma2 semaphore(%arg26 : memref<!tpu.dma_semaphore, #tpu.memory_space<semaphore_mem>>) src(%arg19 : memref<64x256xf32, #tpu.memory_space<vmem>>) dst(%dma_wait3A_1718 : memref<64x256xf32, #tpu.memory_space<hbm>>)
      %add3A_1719 = arith.constant 64 : i32
      %add3A_1720 = arith.addi %add3A_671, %add3A_1719 : i32
      %dma_wait3A_1721 = arith.constant 0 : i32
      %dma_wait3A_1722 = tpu.memref_slice %arg5[%add3A_1720, %dma_wait3A_1721] : memref<32768x256xf32, #tpu.memory_space<hbm>> -> memref<64x256xf32, #tpu.memory_space<hbm>>
      %dma_wait3A_1723 = arith.constant 0 : i32
      %dma_wait3A_1724 = tpu.memref_slice %arg5[%add3A_1720, %dma_wait3A_1723] : memref<32768x256xf32, #tpu.memory_space<hbm>> -> memref<64x256xf32, #tpu.memory_space<hbm>>
      tpu.wait_dma2 semaphore(%arg26 : memref<!tpu.dma_semaphore, #tpu.memory_space<semaphore_mem>>) src(%arg19 : memref<64x256xf32, #tpu.memory_space<vmem>>) dst(%dma_wait3A_1724 : memref<64x256xf32, #tpu.memory_space<hbm>>)
    } else {
    }
    return
  }
}

</mosaic_0001>

<sc_bundles>
// kernel: kernel.3.cloned.1.call-start
scs
__scs_entry_jumppad:
0x0: {  	(pc) =	sbr.rel $0x88, $3  }
0x1: {  	(tag) =	ssettag $0x0;
	lr =	simm.s32 $0x1  }
0x2: {  	[smem:$0x3F9E] =	sst lr;
	_ =	strace $0xD0000000  }
0x3: {  	_ = 	snop  }
0x4: {  	_ = 	snop  }
0x5: {  	_ = 	snop  }
0x6: {  	_ = 	snop  }
0x7: {  	_ = 	snop  }
__scs_overlays_trampoline_lowered:
0x8: {  	[smem:$0x3FAD] =	sst s0  }
0x9: {  	[smem:$0x3FAE] =	sst s1  }
0xa: {  	[smem:$0x3FAF] =	sst s2  }
0xb: {  	[smem:$0x3FB0] =	sst s3  }
0xc: {  	[smem:$0x3FB1] =	sst s4  }
0xd: {  	[smem:$0x3FB2] =	sst s5  }
0xe: {  	[smem:$0x3FB3] =	sst s6  }
0xf: {  	[smem:$0x3FB4] =	sst s7  }
0x10: {  	[smem:$0x3FB5] =	sst s8  }
0x11: {  	[smem:$0x3FB6] =	sst s9;
	s0 =	simm.s32 @!p0 $0x0  }
0x12: {  	s1 =	sld [smem:$0x3F9C];
	s0 =	simm.s32 @p0 $0x1  }
0x13: {  	[smem:$0x3FB7] =	sst s0;
	s0 =	simm.s32 @!p1 $0x0  }
0x14: {  	s2 =	sld [smem:$0x3F9B];
	s0 =	simm.s32 @p1 $0x1  }
0x15: {  	[smem:$0x3FB8] =	sst s0;
	s0 =	simm.s32 @!p2 $0x0  }
0x16: {  	s3 =	sld [smem:$0x3FDB];
	s0 =	simm.s32 @p2 $0x1  }
0x17: {  	s4 =	simm.s32 $0x1BF5;
	[smem:$0x3FBA] =	sst s0  }
0x18: {  	s0 =	sld [smem:$0x3F9D];
	_ =	swait.ge [sflag:s4], $0x0  }
0x19: {  	s7 =	sld [smem:$0x3F9E]  }
0x1a: {  	s8 =	sadd.s32 $0xFFFFE003, lr  }
0x1b: {  	s9 =	sadd.s32 $0xFFFFFEF7, lr;
	s5 =	simm.s32 $0xFFFFFFFF;
	p2 =	slt.u32 s8, $0xFFFFF086  }
0x1c: {  	p1 =	slt.u32 s9, $0xF7A;
	s5 =	simm.s32 @!p2 $0x0  }
0x1d: {  	s5 =	simm.s32 @p1 $0x1;
	p0 =	seq.s32 s7, s2  }
0x1e: {  	s7 =	smul.u32 @!p0 $0xF7A, s2;
	p2 =	seq.s32 @!p0 s5, $0x0  }
0x1f: {  	s9 =	smul.u32 $0xF7A, s1;
	s8 =	simm.s32 @!p0 $0x1BF5;
	p2 =	por !p2, p0  }
0x20: {  	[sflag:s8] =	ssyncset.s32 @!p0 $0xFFFFF086;
	s6 =	sadd.s32 @!p0 s3, s7;
	s7 =	simm.s32 @!p0 $0x108  }
0x21: {  	s3 =	sadd.s32 s3, s9;
	s6 =	sadd.s32 @!p0 $0x88, s6;
	s7 =	simm.s32 @p2 $0x1082  }
0x22: {  	[simem:s7], [sflag:s8] =	dma.local @!p0 [hbm:s6], $0xF7A  }
0x23: {  	s9 =	sor.u32 $0xD0000000, s2;
	s6 =	simm.s32 $0x108;
	_ =	swait.ge @!p0 [sflag:s8], $0x0  }
0x24: {  	s3 =	sadd.s32 $0x88, s3;
	s6 =	simm.s32 @!p1 $0x1082;
	[sflag:s4] =	ssyncset.s32 $0xFFFFF086  }
0x25: {  	[simem:s6], [sflag:s4] =	dma.local [hbm:s3], $0xF7A  }
0x26: {  	[smem:$0x3F9E] =	sst s1;
	(tag) =	ssettag s2;
	_ =	strace s9  }
0x27: {  	s1 =	sld [smem:$0x3FAE]  }
0x28: {  	s2 =	sld [smem:$0x3FAF]  }
0x29: {  	s4 =	sld [smem:$0x3FB1]  }
0x2a: {  	p0 =	seq.s32 s5, $0x0;
	s5 =	sld [smem:$0x3FB2]  }
0x2b: {  	s6 =	sld [smem:$0x3FB3]  }
0x2c: {  	s7 =	sld [smem:$0x3FB4]  }
0x2d: {  	s3 =	simm.s32 $0x108;
	s8 =	sld [smem:$0x3FB5]  }
0x2e: {  	s3 =	simm.s32 @!p0 $0x1082;
	s9 =	sld [smem:$0x3FB6]  }
0x2f: {  	lr =	sadd.s32 s0, s3;
	s0 =	sld [smem:$0x3FAD]  }
0x30: {  	s3 =	sld [smem:$0x3FB0]  }
0x31: {  	[smem:$0x3FB9] =	sst s10  }
0x32: {  	s10 =	sld [smem:$0x3FB7];
	_ =	sdelay $0x3  }
0x33: {  	p0 =	seq.s32 s10, $0x1;
	s10 =	sld [smem:$0x3FB9];
	_ =	sdelay $0x3  }
0x34: {  	[smem:$0x3FB9] =	sst s10  }
0x35: {  	s10 =	sld [smem:$0x3FB8];
	_ =	sdelay $0x3  }
0x36: {  	p1 =	seq.s32 s10, $0x1;
	s10 =	sld [smem:$0x3FB9];
	_ =	sdelay $0x3  }
0x37: {  	[smem:$0x3FB9] =	sst s10  }
0x38: {  	s10 =	sld [smem:$0x3FBA]  }
0x39: {  	_ = 	snop;
	(pc) =	sbr.ind lr, $3  }
0x3a: {  	_ = 	snop  }
0x3b: {  	_ = 	snop  }
0x3c: {  	p2 =	seq.s32 s10, $0x1;
	s10 =	sld [smem:$0x3FB9]  }
0x3d: {  	_ =	shalt  }
0x3e: {  	_ =	shalt  }
0x3f: {  	_ =	shalt  }
0x40: {  	_ =	shalt  }
0x41: {  	_ =	shalt  }
0x42: {  	_ =	shalt  }
0x43: {  	_ =	shalt  }
0x44: {  	_ =	shalt  }
0x45: {  	_ =	shalt  }
0x46: {  	_ =	shalt  }
0x47: {  	_ =	shalt  }
0x48: {  	_ =	shalt  }
0x49: {  	_ =	shalt  }
0x4a: {  	_ =	shalt  }
0x4b: {  	_ =	shalt  }
0x4c: {  	_ =	shalt  }
0x4d: {  	_ =	shalt  }
0x4e: {  	_ =	shalt  }
0x4f: {  	_ =	shalt  }
0x50: {  	_ =	shalt  }
0x51: {  	_ =	shalt  }
0x52: {  	_ =	shalt  }
0x53: {  	_ =	shalt  }
0x54: {  	_ =	shalt  }
0x55: {  	_ =	shalt  }
0x56: {  	_ =	shalt  }
0x57: {  	_ =	shalt  }
0x58: {  	_ =	shalt  }
0x59: {  	_ =	shalt  }
0x5a: {  	_ =	shalt  }
0x5b: {  	_ =	shalt  }
0x5c: {  	_ =	shalt  }
0x5d: {  	_ =	shalt  }
0x5e: {  	_ =	shalt  }
0x5f: {  	_ =	shalt  }
0x60: {  	_ =	shalt  }
0x61: {  	_ =	shalt  }
0x62: {  	_ =	shalt  }
0x63: {  	_ =	shalt  }
0x64: {  	_ =	shalt  }
0x65: {  	_ =	shalt  }
0x66: {  	_ =	shalt  }
0x67: {  	_ =	shalt  }
0x68: {  	_ =	shalt  }
0x69: {  	_ =	shalt  }
0x6a: {  	_ =	shalt  }
0x6b: {  	_ =	shalt  }
0x6c: {  	_ =	shalt  }
0x6d: {  	_ =	shalt  }
0x6e: {  	_ =	shalt  }
0x6f: {  	_ =	shalt  }
0x70: {  	_ =	shalt  }
0x71: {  	_ =	shalt  }
0x72: {  	_ =	shalt  }
0x73: {  	_ =	shalt  }
0x74: {  	_ =	shalt  }
0x75: {  	_ =	shalt  }
0x76: {  	_ =	shalt  }
0x77: {  	_ =	shalt  }
0x78: {  	_ =	shalt  }
0x79: {  	_ =	shalt  }
0x7a: {  	_ =	shalt  }
0x7b: {  	_ =	shalt  }
0x7c: {  	_ =	shalt  }
0x7d: {  	_ =	shalt  }
0x7e: {  	_ =	shalt  }
0x7f: {  	_ =	shalt  }
0x80: {  	_ =	shalt  }
0x81: {  	_ =	shalt  }
0x82: {  	_ =	shalt  }
0x83: {  	_ =	shalt  }
0x84: {  	_ =	shalt  }
0x85: {  	_ =	shalt  }
0x86: {  	_ =	shalt  }
0x87: {  	_ =	shalt  }
.Lfunc_end0:
.L_simem_size_0:
called_computation_lowered:
.L_overlay_start_0:
0x88: {  	s2 =	sld [smem:$0x3FD9]  }
0x89: {  	s3 =	sld [smem:$0x3FFE];
	_ =	sdelay $0x1  }
0x8a: {  	s1 =	srdreg.scid  }
0x8b: {  	s0 =	sand.u32 $0x1, s1  }
0x8c: {  	s17 =	sshll.u32 s0, $0xA;
	s2 =	sadd.s32 s3, s2  }
0x8d: {  	s2 =	sadd.s32 s2, s17  }
0x8e: {  	[smem:$0x3FC5] =	sst s2  }
0x8f: {  	_ = 	snop  }
0x90: {  	s2 =	sld [smem:$0x3FC9]  }
0x91: {  	s18 =	sld [smem:$0x3FC8]  }
0x92: {  	s4 =	sld [smem:$0x3FD0];
	(tm) =	ssettm $0x1  }
0x93: {  	s5 =	sld [smem:$0x3FFB];
	_ =	sdelay $0x3  }
0x94: {  	_ =	strace s5  }
0x95: {  	s5 =	sld [smem:$0x3FFC];
	_ =	sdelay $0x3  }
0x96: {  	_ =	strace s5  }
0x97: {  	s5 =	sld [smem:$0x3FFD];
	_ =	sdelay $0x3  }
0x98: {  	_ =	strace s5  }
0x99: {  	_ =	strace $0x8FFFFFFF  }
0x9a: {  	s19 =	sld [smem:$0x3FDB];
	_ =	sdelay $0x1  }
0x9b: {  	s6 =	simm.s32 $_scs_section_size  }
0x9c: {  	s7 =	simm.s32 $_size__tile_overlayer_lowered;
	s8 =	simm.s32 $_tile_overlayer_lowered  }
0x9d: {  	s22 =	simm.s32 $0x1BFF;
	s21 =	sshll.u32 s8, $0x1;
	s5 =	sadd.s32 s6, s19  }
0x9e: {  	s9 =	simm.s32 $0x0;
	s20 =	sshll.u32 s7, $0x1;
	s7 =	sadd.s32 s21, s5  }
0x9f: {  	[timem:s9], [sflag:s22] =	dma.local [hbm:s7], s20  }
0xa0: {  	_ =	swait.ge [sflag:s22], s20  }
0xa1: {  	s6 =	ssub.s32 $0x0, s20;
	[sflag:s22] =	ssyncset.done $0x0  }
0xa2: {  	[sflag:s22] =	ssyncadd.s32 s6;
	_ =	sdelay $0x1  }
0xa3: {  	s23 =	simm.s32 $0x1B8B  }
0xa4: {  	_ =	swait.ge [sflag:s23], $0x1  }
0xa5: {  	[sflag:s23] =	ssyncset.done $0x0  }
0xa6: {  	s25 =	simm.s32 $0x1B8E;
	s24 =	sld [smem:$0x3FFE];
	[sflag:s23] =	ssyncadd.s32 $0xFFFFFFFF  }
0xa7: {  	s26 =	simm.s32 $execute0_lowered;
	[smem:$0x3FD2] =	sst s25  }
0xa8: {  	s7 =	sshll.u32 s26, $0x1;
	_ =	strace $0x80000046;
	[dreg:$0x1] =	wrdreg $0xFFFFFFFF  }
0xa9: {  	s28 =	simm.s32 $_size_execute0_lowered;
	s5 =	sadd.s32 s5, s7;
	[dreg:$0x0] =	wrdreg $0x0  }
0xaa: {  	s7 =	sshll.u32 s28, $0x1;
	[dreg:$0x2] =	wrdreg s5  }
0xab: {  	[dreg:$0x3] =	wrdreg s7  }
0xac: {  	[dreg:$0x4] =	wrdreg $0xC0  }
0xad: {  	_ =	task [dreg:s9], $0x5FFFF  }
0xae: {  	[dreg:$0x1] =	wrdreg $0xFFFFFFFF  }
0xaf: {  	[dreg:$0x0] =	wrdreg $0x60  }
0xb0: {  	[dreg:$0x2] =	wrdreg s2  }
0xb1: {  	[dreg:$0x3] =	wrdreg s18  }
0xb2: {  	[dreg:$0x4] =	wrdreg s24  }
0xb3: {  	[dreg:$0x5] =	wrdreg s4  }
0xb4: {  	[dreg:$0x6] =	wrdreg $0x9  }
0xb5: {  	_ =	task.clear_ibuf [dreg:s9], $0x7FFFF;
	_ =	strace $0x90000046  }
0xb6: {  	s29 =	simm.s32 $0x9;
	_ =	strace $0x80000048  }
0xb7: {  	_ =	swait.ge [sflag:s29], $0x1  }
0xb8: {  	[sflag:s29] =	ssyncadd.s32 $0xFFFFFFFF  }
0xb9: {  	_ =	strace $0x90000048  }
0xba: {  	_ =	sfence  }
0xbb: {  	s30 =	sld [smem:$0x0];
	_ =	sdelay $0x2  }
0xbc: {  	s31 =	sshll.u32 s1, $0xD;
	s1 =	sshrl.u32 s1, $0x2  }
0xbd: {  	s3 =	sand.u32 $0x4000, s31;
	s1 =	sadd.s32 s1, s30  }
0xbe: {  	s0 =	sor.u32 s3, s0;
	s1 =	sshll.u32 s1, $0x11  }
0xbf: {  	s0 =	sor.u32 s1, s0  }
0xc0: {  	s0 =	sadd.s32 $0x8F2B, s0  }
0xc1: {  	[sflag:s0] =	ssyncadd.remote.s32 $0x1  }
0xc2: {  	_ =	sfence.sel $0xFFFF  }
0xc3: {  	[dreg:$0x0] =	wrdreg $0xFFFFFFFF;
	(pc) =	sbr.abs _section_cstart, $3  }
0xc4: {  	[dreg:$0x1] =	wrdreg $0xFFFFFFFF  }
0xc5: {  	_ =	task.clear_ibuf [dreg:s9], $0x2FFFF;
	_ =	strace $0x9FFFFFFF  }
0xc6: {  	(tm) =	ssettm $0x7FFFFFFF  }
0xc7: {  	_ =	shalt  }
tec
execute0_lowered:
.L_overlay_start_1:
0x0: {  	(tag) =	ssettag $0x1  }
0x1: {  	s0 =	srdreg.scid;
	s1 =	stileid.u32  }
0x2: {  	s22 =	sand.u32 $0x1, s0;
	s9 =	sshll.u32 s1, $0x1  }
0x3: {  	s17 =	sor.u32 s22, s9  }
0x4: {  	s6 =	rddreg [dreg:$0x1];
	s3 =	ssub.s32 $0x2, s22;
	s1 =	sand.u32 $0x7, s17  }
0x5: {  	s4 =	sshrl.u32 s3, $0x1;
	s0 =	sshll.u32 s17, $0x7;
	s25 =	sadd.s32 $0x1, s17  }
0x6: {  	s26 =	sadd.s32 $0x2, s17;
	s28 =	sadd.s32 $0x3, s17;
	s16 =	sadd.s32 $0x5, s17  }
0x7: {  	s21 =	sadd.s32 $0x6, s17;
	s2 =	sshll.u32 s1, $0x9;
	s3 =	ssub.s32 s3, s4  }
0x8: {  	s11 =	sshll.u32 s1, $0x4;
	s18 =	sand.u32 $0x7, s26;
	[smem:$0x7E2] =	sst s16  }
0x9: {  	s23 =	sand.u32 $0x7, s28;
	s9 =	sxor.u32 $0x4, s1;
	[smem:$0x7E3] =	sst s21  }
0xa: {  	s30 =	sand.u32 $0x7, s16;
	s31 =	sand.u32 $0x7, s21;
	[smem:$0x7F8] =	sst s2  }
0xb: {  	[smem:$0x7D6] =	sst s3;
	s10 =	ssub.s32 s0, s2;
	s12 =	sadd.s32 s6, s11  }
0xc: {  	s3 =	sand.u32 $0x7, s25;
	s14 =	sshll.u32 s18, $0x4;
	s7 =	sshll.u32 s23, $0x4  }
0xd: {  	s20 =	sshll.u32 s9, $0x4;
	s11 =	sadd.s32 $0xFFFFFFFF, s17;
	[smem:$0x7C7] =	sst s12  }
0xe: {  	s8 =	sshll.u32 s30, $0x4;
	s16 =	sshll.u32 s18, $0x9;
	[smem:$0x7E4] =	sst s11  }
0xf: {  	s4 =	sshll.u32 s23, $0x9;
	s24 =	sand.u32 $0xF80, s10;
	[smem:$0x7FA] =	sst s16  }
0x10: {  	s5 =	sshll.u32 s3, $0x4;
	s15 =	sadd.s32 s6, s14;
	[smem:$0x7FB] =	sst s4  }
0x11: {  	s19 =	sadd.s32 s6, s7;
	s7 =	sadd.s32 s6, s8;
	[smem:$0x7CA] =	sst s15  }
0x12: {  	s8 =	sshll.u32 s3, $0x9;
	s10 =	sshll.u32 s31, $0x4;
	[smem:$0x7CC] =	sst s19  }
0x13: {  	s29 =	sand.u32 $0x7, s11;
	s2 =	ssub.s32 s0, s16;
	[smem:$0x7D0] =	sst s7  }
0x14: {  	s13 =	sadd.s32 s6, s5;
	s5 =	sadd.s32 s6, s20;
	[smem:$0x7F9] =	sst s8  }
0x15: {  	s12 =	sadd.s32 s6, s10;
	s14 =	sshll.u32 s29, $0x4;
	s10 =	sshll.u32 s1, $0x11  }
0x16: {  	s11 =	sshll.u32 s24, $0x5;
	s19 =	sshll.u32 s3, $0x11;
	[smem:$0x7C8] =	sst s13  }
0x17: {  	s16 =	sand.u32 $0xF80, s2;
	s2 =	sshll.u32 s9, $0x11;
	[smem:$0x7CE] =	sst s5  }
0x18: {  	[smem:$0x7D2] =	sst s12;
	s13 =	ssub.s32 s0, s8;
	s15 =	sadd.s32 s6, s14  }
0x19: {  	s12 =	sor.u32 s11, s10;
	s5 =	ssub.s32 s0, s4;
	s6 =	sshll.u32 s9, $0x9  }
0x1a: {  	s4 =	sshll.u32 s30, $0x9;
	s11 =	sshll.u32 s31, $0x9;
	[smem:$0x7D4] =	sst s15  }
0x1b: {  	s20 =	sand.u32 $0xF80, s13;
	[smem:$0x7E5] =	sst s6;
	s14 =	sand.u32 $0xF80, s5  }
0x1c: {  	s8 =	ssub.s32 s0, s6;
	s13 =	sshll.u32 s18, $0x11;
	[smem:$0x7FC] =	sst s4  }
0x1d: {  	s9 =	ssub.s32 s0, s4;
	s21 =	sshll.u32 s20, $0x5;
	s15 =	sshll.u32 s14, $0x5  }
0x1e: {  	s7 =	sor.u32 s21, s19;
	s19 =	sshll.u32 s16, $0x5;
	s21 =	sshll.u32 s23, $0x11  }
0x1f: {  	s10 =	sand.u32 $0xF80, s9;
	s5 =	sor.u32 s19, s13;
	s6 =	sor.u32 s15, s21  }
0x20: {  	s13 =	sand.u32 $0xF80, s8;
	s19 =	ssub.s32 s0, s11;
	s21 =	sshll.u32 s29, $0x9  }
0x21: {  	s8 =	sshll.u32 s13, $0x5;
	[smem:$0x7FD] =	sst s21;
	s9 =	sand.u32 $0xF80, s19  }
0x22: {  	s4 =	ssub.s32 s0, s21;
	s0 =	sshll.u32 s30, $0x11;
	s19 =	sshll.u32 s10, $0x5  }
0x23: {  	s21 =	sshll.u32 s31, $0x11;
	s15 =	sor.u32 s8, s2;
	s8 =	sshll.u32 s9, $0x5  }
0x24: {  	s2 =	sor.u32 s19, s0;
	s0 =	sor.u32 s8, s21;
	s8 =	sand.u32 $0xF80, s4  }
0x25: {  	s19 =	sshll.u32 s29, $0x11;
	s4 =	rddreg [dreg:$0x3];
	s21 =	sshll.u32 s8, $0x5  }
0x26: {  	s19 =	sor.u32 s21, s19;
	s21 =	sadd.s32 s4, s12  }
0x27: {  	[dreg:$0xe] =	wrdreg s21;
	s21 =	sadd.s32 $0x800, s4  }
0x28: {  	s12 =	sadd.s32 s12, s21  }
0x29: {  	[dreg:$0xf] =	wrdreg s12;
	s12 =	sadd.s32 s4, s7  }
0x2a: {  	s7 =	sadd.s32 s7, s21;
	[dreg:$0x10] =	wrdreg s12  }
0x2b: {  	[dreg:$0x11] =	wrdreg s7;
	s12 =	sadd.s32 s4, s5  }
0x2c: {  	s7 =	sadd.s32 s6, s21;
	[dreg:$0x12] =	wrdreg s12  }
0x2d: {  	p0 =	seq.s32 s29, $0x7;
	s12 =	sadd.s32 s4, s6;
	[dreg:$0x15] =	wrdreg s7  }
0x2e: {  	s7 =	sadd.s32 s4, s2;
	s2 =	sadd.s32 s2, s21;
	[dreg:$0x14] =	wrdreg s12  }
0x2f: {  	s6 =	sadd.s32 s15, s21;
	s12 =	sadd.s32 s4, s15;
	[dreg:$0x19] =	wrdreg s2  }
0x30: {  	s15 =	sshll.u32 s22, $0x7;
	s22 =	stileid.u32;
	[dreg:$0x16] =	wrdreg s12  }
0x31: {  	s12 =	sadd.s32 s4, s0;
	s0 =	sadd.s32 s0, s21;
	s2 =	sshll.u32 s22, $0x8  }
0x32: {  	[dreg:$0x1b] =	wrdreg s0;
	s0 =	sor.u32 s15, s2;
	s2 =	simm.s32 @!p0 $0x0  }
0x33: {  	s2 =	simm.s32 @p0 $0x1;
	p0 =	seq.s32 s29, $0x6  }
0x34: {  	[smem:$0x7AB] =	sst s2;
	s2 =	simm.s32 @!p0 $0x0  }
0x35: {  	s2 =	simm.s32 @p0 $0x1;
	p0 =	seq.s32 s29, $0x5  }
0x36: {  	[smem:$0x7AC] =	sst s2;
	s2 =	simm.s32 @!p0 $0x0  }
0x37: {  	s2 =	simm.s32 @p0 $0x1;
	p0 =	seq.s32 s29, $0x4  }
0x38: {  	[smem:$0x7AD] =	sst s2;
	s2 =	simm.s32 @!p0 $0x0  }
0x39: {  	s2 =	simm.s32 @p0 $0x1;
	p0 =	seq.s32 s29, $0x3  }
0x3a: {  	[smem:$0x7AE] =	sst s2;
	s2 =	simm.s32 @!p0 $0x0  }
0x3b: {  	s2 =	simm.s32 @p0 $0x1;
	p0 =	seq.s32 s29, $0x2  }
0x3c: {  	[smem:$0x7AF] =	sst s2;
	s2 =	simm.s32 @!p0 $0x0  }
0x3d: {  	s2 =	simm.s32 @p0 $0x1;
	p0 =	seq.s32 s29, $0x1  }
0x3e: {  	[smem:$0x7B0] =	sst s2;
	s2 =	simm.s32 @!p0 $0x0  }
0x3f: {  	s2 =	simm.s32 @p0 $0x1;
	p0 =	seq.s32 s31, $0x7  }
0x40: {  	[smem:$0x7B1] =	sst s2;
	s2 =	simm.s32 @!p0 $0x0  }
0x41: {  	s2 =	simm.s32 @p0 $0x1;
	p0 =	seq.s32 s31, $0x6  }
0x42: {  	[smem:$0x7B2] =	sst s2;
	s2 =	simm.s32 @!p0 $0x0  }
0x43: {  	s2 =	simm.s32 @p0 $0x1;
	p0 =	seq.s32 s31, $0x5  }
0x44: {  	[smem:$0x7B3] =	sst s2;
	s2 =	simm.s32 @!p0 $0x0  }
0x45: {  	s2 =	simm.s32 @p0 $0x1;
	p0 =	seq.s32 s31, $0x4  }
0x46: {  	[smem:$0x7B4] =	sst s2;
	s2 =	simm.s32 @!p0 $0x0  }
0x47: {  	s2 =	simm.s32 @p0 $0x1;
	p0 =	seq.s32 s31, $0x3  }
0x48: {  	[smem:$0x7B5] =	sst s2;
	s2 =	simm.s32 @!p0 $0x0  }
0x49: {  	s2 =	simm.s32 @p0 $0x1;
	p0 =	seq.s32 s31, $0x2  }
0x4a: {  	[smem:$0x7B6] =	sst s2;
	s2 =	simm.s32 @!p0 $0x0  }
0x4b: {  	s2 =	simm.s32 @p0 $0x1;
	p0 =	seq.s32 s31, $0x1  }
0x4c: {  	[smem:$0x7B7] =	sst s2;
	s2 =	simm.s32 @!p0 $0x0  }
0x4d: {  	s2 =	simm.s32 @p0 $0x1;
	p0 =	seq.s32 s30, $0x7  }
0x4e: {  	[smem:$0x7B8] =	sst s2;
	s2 =	simm.s32 @!p0 $0x0  }
0x4f: {  	s2 =	simm.s32 @p0 $0x1;
	p0 =	seq.s32 s30, $0x6  }
0x50: {  	[smem:$0x7B9] =	sst s2;
	s2 =	simm.s32 @!p0 $0x0  }
0x51: {  	s2 =	simm.s32 @p0 $0x1;
	p0 =	seq.s32 s30, $0x5  }
0x52: {  	[smem:$0x7BA] =	sst s2;
	s2 =	simm.s32 @!p0 $0x0  }
0x53: {  	s2 =	simm.s32 @p0 $0x1;
	p0 =	seq.s32 s30, $0x4  }
0x54: {  	[smem:$0x7BB] =	sst s2;
	s2 =	simm.s32 @!p0 $0x0  }
0x55: {  	s2 =	simm.s32 @p0 $0x1;
	p0 =	seq.s32 s30, $0x3  }
0x56: {  	s5 =	sadd.s32 s5, s21;
	[smem:$0x7BC] =	sst s2;
	s2 =	simm.s32 @!p0 $0x0  }
0x57: {  	[dreg:$0x13] =	wrdreg s5;
	s2 =	simm.s32 @p0 $0x1;
	p0 =	seq.s32 s30, $0x2  }
0x58: {  	[smem:$0x7BD] =	sst s2;
	s2 =	simm.s32 @!p0 $0x0  }
0x59: {  	[dreg:$0x17] =	wrdreg s6;
	s2 =	simm.s32 @p0 $0x1;
	p0 =	seq.s32 s30, $0x1  }
0x5a: {  	[smem:$0x7BE] =	sst s2;
	s2 =	simm.s32 @!p0 $0x0  }
0x5b: {  	[dreg:$0x18] =	wrdreg s7;
	s2 =	simm.s32 @p0 $0x1;
	p0 =	seq.s32 s23, $0x7  }
0x5c: {  	s5 =	sadd.s32 s19, s21;
	[smem:$0x7BF] =	sst s2;
	s2 =	simm.s32 @!p0 $0x0  }
0x5d: {  	[dreg:$0x1d] =	wrdreg s5;
	s2 =	simm.s32 @p0 $0x1;
	p0 =	seq.s32 s23, $0x6  }
0x5e: {  	[smem:$0x7C0] =	sst s2;
	s2 =	simm.s32 @!p0 $0x0  }
0x5f: {  	s6 =	rddreg [dreg:$0x2];
	s2 =	simm.s32 @p0 $0x1;
	p0 =	seq.s32 s23, $0x5  }
0x60: {  	[smem:$0x7C1] =	sst s2;
	s2 =	simm.s32 @!p0 $0x0  }
0x61: {  	[dreg:$0x1a] =	wrdreg s12;
	s2 =	simm.s32 @p0 $0x1;
	p0 =	seq.s32 s23, $0x4  }
0x62: {  	s4 =	sadd.s32 s4, s19;
	[smem:$0x7C2] =	sst s2;
	s2 =	simm.s32 @!p0 $0x0  }
0x63: {  	[dreg:$0x1c] =	wrdreg s4;
	s2 =	simm.s32 @p0 $0x1;
	p0 =	seq.s32 s23, $0x3  }
0x64: {  	[smem:$0x7C3] =	sst s2;
	s2 =	simm.s32 @!p0 $0x0  }
0x65: {  	s29 =	simm.s32 $0x0;
	s2 =	simm.s32 @p0 $0x1;
	p0 =	seq.s32 s23, $0x2  }
0x66: {  	[smem:$0x7FF] =	sst s29;
	s4 =	simm.s32 @!p0 $0x0  }
0x67: {  	s31 =	rddreg [dreg:$0x0];
	s4 =	simm.s32 @p0 $0x1;
	p0 =	seq.s32 s23, $0x1  }
0x68: {  	[smem:$0x7C5] =	sst s4;
	s4 =	simm.s32 @!p0 $0x0  }
0x69: {  	[smem:$0x7C4] =	sst s2;
	s4 =	simm.s32 @p0 $0x1  }
0x6a: {  	s2 =	sadd.s32 $0x400, s6;
	[smem:$0x7C6] =	sst s4  }
0x6b: {  	_ =	strace $0x80000047;
	[dreg:$0x1e] =	wrdreg s2  }
0x6c: {  	[dreg:$0x5] =	wrdreg s24  }
0x6d: {  	[dreg:$0x7] =	wrdreg s20  }
0x6e: {  	[dreg:$0x8] =	wrdreg s16  }
0x6f: {  	[dreg:$0x9] =	wrdreg s14  }
0x70: {  	[dreg:$0xa] =	wrdreg s13  }
0x71: {  	[dreg:$0xb] =	wrdreg s10  }
0x72: {  	[dreg:$0xc] =	wrdreg s9  }
0x73: {  	[dreg:$0xd] =	wrdreg s8  }
0x74: {  	[dreg:$0x6] =	wrdreg s18  }
0x75: {  	s7 =	sld [smem:$0x7C7]  }
0x76: {  	s12 =	sld [smem:$0x7C8]  }
0x77: {  	s15 =	sld [smem:$0x7CA]  }
0x78: {  	s21 =	sld [smem:$0x7CE]  }
0x79: {  	s22 =	sld [smem:$0x7D0]  }
0x7a: {  	s23 =	sld [smem:$0x7D2]  }
0x7b: {  	s6 =	sld [smem:$0x7D6]  }
0x7c: {  	s2 =	sadd.s32 s24, s7;
	s24 =	sld [smem:$0x7D4]  }
0x7d: {  	[dreg:$0x1f] =	wrdreg s2  }
0x7e: {  	s5 =	smax.u32 s6, $0x1;
	s2 =	sadd.s32 s20, s12;
	s20 =	sld [smem:$0x7CC]  }
0x7f: {  	[smem:$0x7D7] =	sst s5  }
0x80: {  	[smem:$0x7C9] =	sst s2;
	s2 =	sadd.s32 s16, s15  }
0x81: {  	[smem:$0x7CB] =	sst s2  }
0x82: {  	s19 =	sshll.u32 s17, $0x9;
	s4 =	sadd.s32 s14, s20;
	s20 =	sld [smem:$0x7E2]  }
0x83: {  	s30 =	sshll.u32 s25, $0x9;
	s2 =	ssub.s32 s0, s19;
	[smem:$0x7CD] =	sst s4  }
0x84: {  	s2 =	sshrl.u32 s2, $0x7;
	s4 =	sadd.s32 s13, s21;
	s21 =	sld [smem:$0x7E3]  }
0x85: {  	p0 =	seq.s32 s1, $0x0;
	s2 =	sand.u32 $0x1F, s2;
	[smem:$0x7CF] =	sst s4  }
0x86: {  	s13 =	sshll.u32 s28, $0x9;
	s4 =	sadd.s32 s10, s22;
	s22 =	sld [smem:$0x7E4]  }
0x87: {  	s7 =	sshll.u32 s2, $0x7;
	[smem:$0x7D1] =	sst s4;
	s4 =	sadd.s32 s9, s23  }
0x88: {  	s5 =	sxor.u32 $0xFFFFFFFF, s7;
	s9 =	sshll.u32 s26, $0x9;
	[smem:$0x7D3] =	sst s4  }
0x89: {  	s4 =	sadd.s32 s8, s24;
	[smem:$0x7D8] =	sst s5;
	s8 =	sshll.u32 s2, $0xE  }
0x8a: {  	s2 =	sshll.u32 s2, $0xF;
	[smem:$0x7D5] =	sst s4;
	s4 =	ssub.s32 s0, s30  }
0x8b: {  	s5 =	ssub.s32 $0x0, s8;
	s2 =	ssub.s32 $0x0, s2;
	s8 =	sld [smem:$0x7E5]  }
0x8c: {  	s4 =	sshrl.u32 s4, $0x7;
	[smem:$0x7DA] =	sst s2;
	s2 =	ssub.s32 s0, s9  }
0x8d: {  	[smem:$0x7D9] =	sst s5;
	s4 =	sand.u32 $0x1F, s4;
	s2 =	sshrl.u32 s2, $0x7  }
0x8e: {  	s10 =	sshll.u32 s4, $0x7;
	s12 =	sshll.u32 s4, $0xE;
	s4 =	sshll.u32 s4, $0xF  }
0x8f: {  	s2 =	sand.u32 $0x1F, s2;
	s5 =	sxor.u32 $0xFFFFFFFF, s10;
	s4 =	ssub.s32 $0x0, s4  }
0x90: {  	s15 =	sshll.u32 s2, $0x7;
	s16 =	sshll.u32 s2, $0xE;
	[smem:$0x7DB] =	sst s5  }
0x91: {  	s2 =	sshll.u32 s2, $0xF;
	s5 =	ssub.s32 $0x0, s12;
	[smem:$0x7DD] =	sst s4  }
0x92: {  	s28 =	simm.s32 $0x880;
	s2 =	ssub.s32 $0x0, s2;
	[smem:$0x7DC] =	sst s5  }
0x93: {  	s6 =	sshll.u32 s22, $0x9;
	s5 =	ssub.s32 s0, s13;
	[smem:$0x7E0] =	sst s2  }
0x94: {  	s2 =	sshll.u32 s20, $0x9;
	s14 =	sshrl.u32 s5, $0x7;
	s5 =	sxor.u32 $0xFFFFFFFF, s15  }
0x95: {  	s6 =	ssub.s32 s0, s6;
	s2 =	ssub.s32 s0, s2;
	[smem:$0x7DE] =	sst s5  }
0x96: {  	s4 =	sand.u32 $0x1F, s14;
	s5 =	ssub.s32 $0x0, s16;
	s2 =	sshrl.u32 s2, $0x7  }
0x97: {  	[smem:$0x7DF] =	sst s5;
	s17 =	sshll.u32 s4, $0x7;
	s5 =	sshll.u32 s21, $0x9  }
0x98: {  	s23 =	sshll.u32 s4, $0xE;
	s4 =	sshll.u32 s4, $0xF;
	s21 =	sld [smem:$0x7F8]  }
0x99: {  	s19 =	sxor.u32 $0xFFFFFFFF, s17;
	s7 =	ssub.s32 $0x0, s23;
	s23 =	sld [smem:$0x7F9]  }
0x9a: {  	s2 =	sand.u32 $0x1F, s2;
	s5 =	ssub.s32 s0, s5;
	[smem:$0x7E1] =	sst s19  }
0x9b: {  	s0 =	ssub.s32 s0, s8;
	s4 =	ssub.s32 $0x0, s4;
	[smem:$0x7E6] =	sst s7  }
0x9c: {  	s12 =	sshll.u32 s2, $0xE;
	s0 =	sshrl.u32 s0, $0x7;
	[smem:$0x7E7] =	sst s4  }
0x9d: {  	s30 =	sshrl.u32 s5, $0x7;
	s7 =	sshll.u32 s2, $0x7;
	s2 =	sshll.u32 s2, $0xF  }
0x9e: {  	s9 =	sxor.u32 $0xFFFFFFFF, s7;
	s10 =	sand.u32 $0x1F, s30;
	s30 =	sld [smem:$0x7FD]  }
0x9f: {  	s0 =	sand.u32 $0x1F, s0;
	s2 =	ssub.s32 $0x0, s2;
	[smem:$0x7EB] =	sst s9  }
0xa0: {  	s22 =	simm.s32 $0x9080;
	s24 =	sshll.u32 s0, $0x7;
	[smem:$0x7ED] =	sst s2  }
0xa1: {  	s25 =	sshll.u32 s0, $0xE;
	s4 =	sxor.u32 $0xFFFFFFFF, s24;
	s24 =	sld [smem:$0x7FA]  }
0xa2: {  	s16 =	sshrl.u32 s6, $0x7;
	s26 =	ssub.s32 $0x0, s25;
	s25 =	sld [smem:$0x7FB]  }
0xa3: {  	s17 =	sand.u32 $0x1F, s16;
	s0 =	sshll.u32 s0, $0xF;
	[smem:$0x7E8] =	sst s4  }
0xa4: {  	s13 =	sshll.u32 s10, $0x7;
	s0 =	ssub.s32 $0x0, s0;
	[smem:$0x7E9] =	sst s26  }
0xa5: {  	s15 =	sshll.u32 s10, $0xE;
	s14 =	sxor.u32 $0xFFFFFFFF, s13;
	[smem:$0x7EA] =	sst s0  }
0xa6: {  	s2 =	ssub.s32 $0x0, s15;
	[smem:$0x7EE] =	sst s14;
	s0 =	sshll.u32 s10, $0xF  }
0xa7: {  	s19 =	sshll.u32 s17, $0x7;
	[smem:$0x7EF] =	sst s2;
	s0 =	ssub.s32 $0x0, s0  }
0xa8: {  	s5 =	simm.s32 $0x0;
	[smem:$0x7F0] =	sst s0;
	s0 =	sshll.u32 s17, $0xF  }
0xa9: {  	s15 =	simm.s32 $0x1;
	s26 =	sld [smem:$0x7FC];
	s0 =	ssub.s32 $0x0, s0  }
0xaa: {  	s4 =	ssub.s32 $0x0, s12;
	[smem:$0x7F3] =	sst s0;
	s0 =	simm.s32 @!p0 $0x0  }
0xab: {  	[smem:$0x7EC] =	sst s4;
	s0 =	simm.s32 @p0 $0x1;
	p0 =	seq.s32 s18, $0x7  }
0xac: {  	s2 =	sxor.u32 $0xFFFFFFFF, s19;
	[smem:$0x7F4] =	sst s0;
	s0 =	simm.s32 @!p0 $0x0  }
0xad: {  	s4 =	sshll.u32 s17, $0xE;
	s0 =	simm.s32 @p0 $0x1;
	p0 =	seq.s32 s18, $0x6  }
.Ltmp0:
0xae: {  	v10 =	vlaneseq.u32;
	vm0 =	vmmov $0xffff;
	v11 =	vimm.f32 $0.0e+00;
	[smem:$0x7F5] =	sst s0;
	s0 =	simm.s32 @!p0 $0x0;
	(pc) =	sbr.rel .LBB2_1-.Ltmp0, $4  }
0xaf: {  	v9 =	vshrl.u32 v10, $0x3;
	v8 =	vand.u32 $0x7, v10;
	v10 =	vor.u32 $0x8, v10;
	[smem:$0x7F1] =	sst s2;
	s0 =	simm.s32 @p0 $0x1;
	p0 =	seq.s32 s18, $0x5  }
0xb0: {  	v9 =	vmul.u32 $0x8, v9;
	v6 =	vmov s11;
	v4 =	vmov s8;
	s20 =	ssub.s32 $0x0, s4;
	[smem:$0x7F6] =	sst s0;
	s0 =	simm.s32 @!p0 $0x0  }
0xb1: {  	v0 =	vmov s21;
	v1 =	vmov s23;
	v7 =	vmov s30;
	s19 =	simm.s32 $0x2;
	[smem:$0x7F2] =	sst s20;
	s0 =	simm.s32 @p0 $0x1  }
0xb2: {  	s4 =	simm.s32 $0x8880;
	v2 =	vmov s24;
	v3 =	vmov s25;
	v5 =	vmov s26;
	[smem:$0x7F7] =	sst s0;
	s0 =	simm.s32 $0x8  }
.LBB2_75:
0xb3: {  	[tilespmem:s2+$0x8CD0] =	vst v11  }
0xb4: {  	[tilespmem:s2+$0x8CE0] =	vst v11  }
.LBB2_76:
0xb5: {  	s2 =	rddreg [dreg:$0x1c]  }
0xb6: {  	[hbm4b:s2+s29] =	stream.linear.scatter [tilespmem:s4], [sflag:$0x5], $0x8000, $0x38;
	[tilespmem:$0x1C880] =	vst v63  }
.LBB2_77:
0xb7: {  	p3 =	sgt.s32 @!p4 s10, $0x0  }
0xb8: {  	p3 =	por p3, p4  }
0xb9: {  	s2 =	simm.s32 @!p3 $0x4  }
0xba: {  	_ =	swait.ge @!p3 [sflag:s2], $0x8000  }
0xbb: {  	s6 =	sld [smem:$0x7A8];
	_ =	sdelay $0x2  }
0xbc: {  	p5 =	seq.s32 s6, $0x1  }
0xbd: {  	p4 =	sgt.s32 @!p5 s11, $0x0  }
0xbe: {  	[sflag:s2] =	ssyncset.done @!p3 $0x0;
	p4 =	por p4, p5  }
0xbf: {  	[sflag:s2] =	ssyncadd.s32 @!p3 $0xFFFF8000;
	s2 =	simm.s32 @!p4 $0x5  }
0xc0: {  	_ =	swait.ge @!p4 [sflag:s2], $0x8000  }
0xc1: {  	s14 =	sld [smem:$0x7A0];
	_ =	sdelay $0x2  }
0xc2: {  	p5 =	seq.s32 s14, $0x1  }
0xc3: {  	p3 =	sgt.s32 @!p5 s9, $0x0  }
0xc4: {  	[sflag:s2] =	ssyncset.done @!p4 $0x0;
	p3 =	por p3, p5  }
0xc5: {  	[sflag:s2] =	ssyncadd.s32 @!p4 $0xFFFF8000;
	s2 =	simm.s32 @!p3 $0x6  }
0xc6: {  	_ =	swait.ge @!p3 [sflag:s2], $0x8000  }
0xc7: {  	s16 =	sld [smem:$0x79F];
	_ =	sdelay $0x2  }
0xc8: {  	p5 =	seq.s32 s16, $0x1  }
0xc9: {  	p4 =	sgt.s32 @!p5 s8, $0x0  }
0xca: {  	[sflag:s2] =	ssyncset.done @!p3 $0x0;
	p4 =	por p4, p5  }
0xcb: {  	[sflag:s2] =	ssyncadd.s32 @!p3 $0xFFFF8000;
	s2 =	simm.s32 @!p4 $0x4  }
0xcc: {  	_ =	swait.ge @!p4 [sflag:s2], $0x8000  }
0xcd: {  	s17 =	sld [smem:$0x79E];
	_ =	sdelay $0x2  }
0xce: {  	p5 =	seq.s32 s17, $0x1  }
0xcf: {  	p3 =	sgt.s32 @!p5 s7, $0x0  }
0xd0: {  	[sflag:s2] =	ssyncset.done @!p4 $0x0;
	p3 =	por p3, p5  }
0xd1: {  	[sflag:s2] =	ssyncadd.s32 @!p4 $0xFFFF8000;
	s2 =	simm.s32 @!p3 $0x5  }
0xd2: {  	_ =	swait.ge @!p3 [sflag:s2], $0x8000  }
0xd3: {  	[sflag:s2] =	ssyncset.done @!p3 $0x0  }
0xd4: {  	[sflag:s2] =	ssyncadd.s32 @!p3 $0xFFFF8000;
	s2 =	simm.s32 @!p0 $0x6  }
0xd5: {  	_ =	swait.ge @!p0 [sflag:s2], $0x8000  }
0xd6: {  	[sflag:s2] =	ssyncset.done @!p0 $0x0  }
0xd7: {  	[sflag:s2] =	ssyncadd.s32 @!p0 $0xFFFF8000;
	s2 =	simm.s32 @!p1 $0x4  }
0xd8: {  	_ =	swait.ge @!p1 [sflag:s2], $0x8000  }
0xd9: {  	[sflag:s2] =	ssyncset.done @!p1 $0x0  }
0xda: {  	[sflag:s2] =	ssyncadd.s32 @!p1 $0xFFFF8000;
	s2 =	simm.s32 @!p2 $0x5  }
0xdb: {  	_ =	swait.ge @!p2 [sflag:s2], $0x8000  }
0xdc: {  	[sflag:s2] =	ssyncset.done @!p2 $0x0  }
0xdd: {  	[sflag:s2] =	ssyncadd.s32 @!p2 $0xFFFF8000;
	s2 =	simm.s32 @!p6 $0x7  }
0xde: {  	_ =	swait.ge @!p6 [sflag:s2], $0x4000  }
0xdf: {  	[sflag:s2] =	ssyncset.done @!p6 $0x0  }
0xe0: {  	[sflag:s2] =	ssyncadd.s32 @!p6 $0xFFFFC000  }
0xe1: {  	_ =	swait.ge @!p6 [sflag:s2], $0x4000  }
0xe2: {  	s18 =	sld [smem:$0x7A1];
	_ =	sdelay $0x2  }
0xe3: {  	[sflag:s2] =	ssyncset.done @!p6 $0x0;
	p0 =	seq.s32 s18, $0x1  }
0xe4: {  	[sflag:s2] =	ssyncadd.s32 @!p6 $0xFFFFC000;
	s2 =	simm.s32 @!p0 $0x7  }
0xe5: {  	_ =	swait.ge @!p0 [sflag:s2], $0x4000  }
0xe6: {  	[sflag:s2] =	ssyncset.done @!p0 $0x0  }
0xe7: {  	[sflag:s2] =	ssyncadd.s32 @!p0 $0xFFFFC000  }
0xe8: {  	_ =	swait.ge @!p0 [sflag:s2], $0x4000  }
0xe9: {  	s20 =	sld [smem:$0x7A2];
	_ =	sdelay $0x1  }
0xea: {  	[sflag:s2] =	ssyncset.done @!p0 $0x0  }
0xeb: {  	[sflag:s2] =	ssyncadd.s32 @!p0 $0xFFFFC000;
	p0 =	seq.s32 s20, $0x1  }
0xec: {  	s2 =	simm.s32 @!p0 $0x7  }
0xed: {  	_ =	swait.ge @!p0 [sflag:s2], $0x4000  }
0xee: {  	[sflag:s2] =	ssyncset.done @!p0 $0x0  }
0xef: {  	[sflag:s2] =	ssyncadd.s32 @!p0 $0xFFFFC000  }
0xf0: {  	_ =	swait.ge @!p0 [sflag:s2], $0x4000  }
0xf1: {  	s21 =	sld [smem:$0x7A3];
	_ =	sdelay $0x1  }
0xf2: {  	[sflag:s2] =	ssyncset.done @!p0 $0x0  }
0xf3: {  	[sflag:s2] =	ssyncadd.s32 @!p0 $0xFFFFC000;
	p0 =	seq.s32 s21, $0x1  }
0xf4: {  	s2 =	simm.s32 @!p0 $0x7  }
0xf5: {  	_ =	swait.ge @!p0 [sflag:s2], $0x4000  }
0xf6: {  	[sflag:s2] =	ssyncset.done @!p0 $0x0  }
0xf7: {  	[sflag:s2] =	ssyncadd.s32 @!p0 $0xFFFFC000  }
0xf8: {  	_ =	swait.ge @!p0 [sflag:s2], $0x4000  }
0xf9: {  	s23 =	sld [smem:$0x7A4];
	_ =	sdelay $0x1  }
0xfa: {  	[sflag:s2] =	ssyncset.done @!p0 $0x0  }
0xfb: {  	[sflag:s2] =	ssyncadd.s32 @!p0 $0xFFFFC000;
	p0 =	seq.s32 s23, $0x1  }
0xfc: {  	s2 =	simm.s32 @!p0 $0x7  }
0xfd: {  	_ =	swait.ge @!p0 [sflag:s2], $0x4000  }
0xfe: {  	[sflag:s2] =	ssyncset.done @!p0 $0x0  }
0xff: {  	[sflag:s2] =	ssyncadd.s32 @!p0 $0xFFFFC000  }
0x100: {  	_ =	swait.ge @!p0 [sflag:s2], $0x4000  }
0x101: {  	s24 =	sld [smem:$0x7A5];
	_ =	sdelay $0x1  }
0x102: {  	[sflag:s2] =	ssyncset.done @!p0 $0x0  }
0x103: {  	[sflag:s2] =	ssyncadd.s32 @!p0 $0xFFFFC000;
	p0 =	seq.s32 s24, $0x1  }
0x104: {  	s2 =	simm.s32 @!p0 $0x7  }
0x105: {  	_ =	swait.ge @!p0 [sflag:s2], $0x4000  }
0x106: {  	[sflag:s2] =	ssyncset.done @!p0 $0x0  }
0x107: {  	[sflag:s2] =	ssyncadd.s32 @!p0 $0xFFFFC000  }
0x108: {  	_ =	swait.ge @!p0 [sflag:s2], $0x4000  }
0x109: {  	s25 =	sld [smem:$0x7A6];
	_ =	sdelay $0x1  }
0x10a: {  	[sflag:s2] =	ssyncset.done @!p0 $0x0  }
0x10b: {  	[sflag:s2] =	ssyncadd.s32 @!p0 $0xFFFFC000;
	p0 =	seq.s32 s25, $0x1  }
0x10c: {  	s2 =	simm.s32 @!p0 $0x7  }
0x10d: {  	_ =	swait.ge @!p0 [sflag:s2], $0x4000  }
0x10e: {  	[sflag:s2] =	ssyncset.done @!p0 $0x0  }
0x10f: {  	[sflag:s2] =	ssyncadd.s32 @!p0 $0xFFFFC000  }
0x110: {  	_ =	swait.ge @!p0 [sflag:s2], $0x4000  }
0x111: {  	s26 =	sld [smem:$0x7A7];
	_ =	sdelay $0x2  }
0x112: {  	[sflag:s2] =	ssyncset.done @!p0 $0x0;
	p1 =	seq.s32 s26, $0x1  }
0x113: {  	[sflag:s2] =	ssyncadd.s32 @!p0 $0xFFFFC000;
	s2 =	simm.s32 @!p1 $0x7  }
0x114: {  	_ =	swait.ge @!p1 [sflag:s2], $0x4000  }
0x115: {  	[sflag:s2] =	ssyncset.done @!p1 $0x0  }
0x116: {  	[sflag:s2] =	ssyncadd.s32 @!p1 $0xFFFFC000  }
0x117: {  	_ =	swait.ge @!p1 [sflag:s2], $0x4000  }
0x118: {  	s30 =	sld [smem:$0x7D7];
	_ =	sdelay $0x1  }
0x119: {  	s5 =	sadd.s32 $0x1, s5  }
0x11a: {  	p0 =	sne.s32 s5, s30  }
.Ltmp1:
0x11b: {  	_ = 	snop;
	(pc) =	sbr.rel @!p0 .LBB2_78-.Ltmp1, $3  }
0x11c: {  	_ =	sdelay $0x1  }
0x11d: {  	[sflag:s2] =	ssyncset.done @!p1 $0x0  }
0x11e: {  	[sflag:s2] =	ssyncadd.s32 @!p1 $0xFFFFC000  }
.LBB2_1:
0x11f: {  	s2 =	rddreg [dreg:$0x1e];
	s6 =	simm.s32 $0x800;
	s26 =	simm.s32 $0x9  }
0x120: {  	[tilespmem:s6], [sflag:$0x9] =	stream.linear.gather [hbm4b:s2+s29], $0x80, $0x38;
	[tilespmem:$0x1C880] =	vst v63  }
0x121: {  	_ =	swait.ge [sflag:s26], $0x80  }
0x122: {  	[sflag:s26] =	ssyncset.done $0x0  }
0x123: {  	[sflag:s26] =	ssyncadd.s32 $0xFFFFFF80  }
0x124: {  	v12 =	vld [tilespmem:$0x800];
	_ =	sdelay $0x2  }
0x125: {  	s30 =	rddreg [dreg:$0x1f]  }
0x126: {  	s6 =	sld [smem:$0x7C9]  }
0x127: {  	[tilespmem:s29], [sflag:$0x8] =	stream.linear.gather [hbm4b:s30+s29], $0x80, $0x38;
	(v2sf) =	vpush v12, $0x0;
	[tilespmem:$0x1C880] =	vst v63  }
0x128: {  	s7 =	simm.s32 $0x80;
	s8 =	sld [smem:$0x7CB];
	(v2sf) =	vpush v12, $0x1  }
0x129: {  	[tilespmem:s7], [sflag:$0x8] =	stream.linear.gather [hbm4b:s6+s29], $0x80, $0x38;
	(v2sf) =	vpush v12, $0x2;
	[tilespmem:$0x1C880] =	vst v63  }
0x12a: {  	s9 =	simm.s32 $0x100;
	s10 =	sld [smem:$0x7CD];
	(v2sf) =	vpush v12, $0x3  }
0x12b: {  	[tilespmem:s9], [sflag:$0x8] =	stream.linear.gather [hbm4b:s8+s29], $0x80, $0x38;
	(v2sf) =	vpush v12, $0x4;
	[tilespmem:$0x1C880] =	vst v63  }
0x12c: {  	s12 =	simm.s32 $0x180;
	s13 =	sld [smem:$0x7CF];
	(v2sf) =	vpush v12, $0x5  }
0x12d: {  	[tilespmem:s12], [sflag:$0x8] =	stream.linear.gather [hbm4b:s10+s29], $0x80, $0x38;
	(v2sf) =	vpush v12, $0x6;
	[tilespmem:$0x1C880] =	vst v63  }
0x12e: {  	s14 =	simm.s32 $0x200;
	s17 =	sld [smem:$0x7D1];
	(v2sf) =	vpush v12, $0x7  }
0x12f: {  	[tilespmem:s14], [sflag:$0x8] =	stream.linear.gather [hbm4b:s13+s29], $0x80, $0x38;
	[tilespmem:$0x1C880] =	vst v63  }
0x130: {  	s18 =	simm.s32 $0x280;
	s20 =	sld [smem:$0x7D3]  }
0x131: {  	[tilespmem:s18], [sflag:$0x8] =	stream.linear.gather [hbm4b:s17+s29], $0x80, $0x38;
	[tilespmem:$0x1C880] =	vst v63  }
0x132: {  	s21 =	simm.s32 $0x300;
	s23 =	sld [smem:$0x7D5]  }
0x133: {  	[tilespmem:s21], [sflag:$0x8] =	stream.linear.gather [hbm4b:s20+s29], $0x80, $0x38;
	[tilespmem:$0x1C880] =	vst v63  }
0x134: {  	s25 =	simm.s32 $0x380  }
0x135: {  	[tilespmem:s25], [sflag:$0x8] =	stream.linear.gather [hbm4b:s23+s29], $0x80, $0x38;
	[tilespmem:$0x1C880] =	vst v63  }
0x136: {  	s24 =	spop (v2sf)  }
0x137: {  	s26 =	spop (v2sf)  }
0x138: {  	s16 =	spop (v2sf)  }
0x139: {  	s11 =	spop (v2sf)  }
0x13a: {  	s10 =	spop (v2sf)  }
0x13b: {  	s9 =	spop (v2sf)  }
0x13c: {  	s8 =	spop (v2sf)  }
0x13d: {  	s7 =	spop (v2sf)  }
0x13e: {  	_ =	swait.ge [sflag:s0], $0x80  }
0x13f: {  	[sflag:s0] =	ssyncset.done $0x0  }
0x140: {  	p2 =	seq.s32 s1, $0x1;
	s20 =	smov.u32 s24;
	[sflag:s0] =	ssyncadd.s32 $0xFFFFFF80  }
0x141: {  	p1 =	seq.s32 s1, $0x2;
	s20 =	smov.u32 @p2 s26;
	v12 =	vld [tilespmem:$0x10]  }
0x142: {  	p0 =	seq.s32 s1, $0x3;
	s20 =	smov.u32 @p1 s16;
	v13 =	vld [tilespmem:$0x20]  }
0x143: {  	p3 =	seq.s32 s1, $0x4;
	s20 =	smov.u32 @p0 s11;
	v14 =	vld [tilespmem:$0x30]  }
0x144: {  	p4 =	seq.s32 s1, $0x5;
	s20 =	smov.u32 @p3 s10;
	v15 =	vld [tilespmem:$0x40]  }
0x145: {  	p5 =	seq.s32 s1, $0x6;
	s20 =	smov.u32 @p4 s9;
	v16 =	vld [tilespmem:$0x50]  }
0x146: {  	p3 =	seq.s32 s1, $0x7;
	s20 =	smov.u32 @p5 s8;
	v17 =	vld [tilespmem:$0x60];
	v12 =	vadd.s32 v0, v12  }
0x147: {  	s20 =	smov.u32 @p3 s7;
	s30 =	rddreg [dreg:$0x5];
	v13 =	vadd.s32 v0, v13;
	[tilespmem:$0x410] =	vst v12;
	v12 =	vld [tilespmem:$0x0]  }
0x148: {  	s2 =	simm.s32 @!p0 $0x0;
	s14 =	ssub.s32 s20, s30;
	[tilespmem:$0x420] =	vst v13;
	v13 =	vadd.s32 v0, v14;
	v14 =	vld [tilespmem:$0x70]  }
0x149: {  	s2 =	simm.s32 @p0 $0x1;
	p0 =	slt.s32 s14, $0x1;
	[tilespmem:$0x430] =	vst v13;
	v13 =	vadd.s32 v0, v15  }
.Ltmp2:
0x14a: {  	[tilespmem:$0x440] =	vst v13;
	v13 =	vadd.s32 v0, v16;
	(pc) =	sbr.rel @p0 .LBB2_3-.Ltmp2, $4  }
0x14b: {  	[tilespmem:$0x450] =	vst v13;
	v13 =	vadd.s32 v0, v17  }
0x14c: {  	[smem:$0x7A9] =	sst s2;
	s2 =	simm.s32 @!p0 $0x0;
	[tilespmem:$0x460] =	vst v13;
	v13 =	vadd.s32 v0, v12  }
0x14d: {  	s2 =	simm.s32 @p0 $0x1;
	v14 =	vadd.s32 v0, v14;
	[tilespmem:$0x400] =	vst v13  }
0x14e: {  	[smem:$0x7AA] =	sst s2;
	[tilespmem:$0x470] =	vst v14  }
0x14f: {  	v13 =	vshll.u32 v13, $0x1  }
0x150: {  	v12 =	vand.u32 $0x7, v12;
	v13 =	vand.u32 $0xFFFFFFF0, v13  }
0x151: {  	v12 =	vor.u32 v12, v13  }
0x152: {  	v13 =	vperm.xlane v12, v8;
	_ =	sdelay $0x1  }
0x153: {  	v12 =	vperm.xlane v12, v10;
	v13 =	vadd.s32 v9, v13;
	_ =	sdelay $0x1  }
0x154: {  	v12 =	vadd.s32 v9, v12;
	_ =	sdelay $0x2  }
0x155: {  	[tilespmem:s28], [sflag:$0x1] =	stream.indirect_vreg.gather [hbm4b:s31+s29], $0x80, v13, vm0, $0xb8;
	[tilespmem:$0x1C880] =	vst v63  }
0x156: {  	s2 =	simm.s32 $0x1080  }
0x157: {  	[tilespmem:s2], [sflag:$0x1] =	stream.indirect_vreg.gather [hbm4b:s31+s29], $0x80, v12, vm0, $0xb8;
	[tilespmem:$0x1C880] =	vst v63  }
0x158: {  	v12 =	vld [tilespmem:$0x410];
	_ =	sdelay $0x4  }
0x159: {  	v57 =	vshll.u32 v12, $0x1  }
0x15a: {  	v12 =	vand.u32 $0x7, v12;
	v13 =	vand.u32 $0xFFFFFFF0, v57  }
0x15b: {  	v12 =	vor.u32 v12, v13  }
0x15c: {  	v13 =	vperm.xlane v12, v8;
	_ =	sdelay $0x1  }
0x15d: {  	v12 =	vperm.xlane v12, v10;
	v13 =	vadd.s32 v9, v13;
	_ =	sdelay $0x1  }
0x15e: {  	v12 =	vadd.s32 v9, v12;
	_ =	sdelay $0x1  }
0x15f: {  	s23 =	simm.s32 $0x1880  }
0x160: {  	[tilespmem:s23], [sflag:$0x1] =	stream.indirect_vreg.gather [hbm4b:s31+s29], $0x80, v13, vm0, $0xb8;
	[tilespmem:$0x1C880] =	vst v63  }
0x161: {  	s25 =	simm.s32 $0x2080  }
0x162: {  	[tilespmem:s25], [sflag:$0x1] =	stream.indirect_vreg.gather [hbm4b:s31+s29], $0x80, v12, vm0, $0xb8;
	[tilespmem:$0x1C880] =	vst v63  }
0x163: {  	v12 =	vld [tilespmem:$0x420];
	_ =	sdelay $0x4  }
0x164: {  	v58 =	vshll.u32 v12, $0x1  }
0x165: {  	v12 =	vand.u32 $0x7, v12;
	v13 =	vand.u32 $0xFFFFFFF0, v58  }
0x166: {  	v12 =	vor.u32 v12, v13  }
0x167: {  	v13 =	vperm.xlane v12, v8;
	_ =	sdelay $0x1  }
0x168: {  	v12 =	vperm.xlane v12, v10;
	v13 =	vadd.s32 v9, v13;
	_ =	sdelay $0x1  }
0x169: {  	v12 =	vadd.s32 v9, v12;
	_ =	sdelay $0x1  }
0x16a: {  	s28 =	simm.s32 $0x2880  }
0x16b: {  	[tilespmem:s28], [sflag:$0x1] =	stream.indirect_vreg.gather [hbm4b:s31+s29], $0x80, v13, vm0, $0xb8;
	[tilespmem:$0x1C880] =	vst v63  }
0x16c: {  	s30 =	simm.s32 $0x3080  }
0x16d: {  	[tilespmem:s30], [sflag:$0x1] =	stream.indirect_vreg.gather [hbm4b:s31+s29], $0x80, v12, vm0, $0xb8;
	[tilespmem:$0x1C880] =	vst v63  }
0x16e: {  	v12 =	vld [tilespmem:$0x430];
	_ =	sdelay $0x4  }
0x16f: {  	v59 =	vshll.u32 v12, $0x1  }
0x170: {  	v12 =	vand.u32 $0x7, v12;
	v13 =	vand.u32 $0xFFFFFFF0, v59  }
0x171: {  	v12 =	vor.u32 v12, v13  }
0x172: {  	v13 =	vperm.xlane v12, v8;
	_ =	sdelay $0x1  }
0x173: {  	v12 =	vperm.xlane v12, v10;
	v13 =	vadd.s32 v9, v13;
	_ =	sdelay $0x1  }
0x174: {  	v12 =	vadd.s32 v9, v12;
	_ =	sdelay $0x1  }
0x175: {  	s6 =	simm.s32 $0x3880  }
0x176: {  	[tilespmem:s6], [sflag:$0x1] =	stream.indirect_vreg.gather [hbm4b:s31+s29], $0x80, v13, vm0, $0xb8;
	[tilespmem:$0x1C880] =	vst v63  }
0x177: {  	s12 =	simm.s32 $0x4080  }
0x178: {  	[tilespmem:s12], [sflag:$0x1] =	stream.indirect_vreg.gather [hbm4b:s31+s29], $0x80, v12, vm0, $0xb8;
	[tilespmem:$0x1C880] =	vst v63  }
0x179: {  	v12 =	vld [tilespmem:$0x440];
	_ =	sdelay $0x4  }
0x17a: {  	v60 =	vshll.u32 v12, $0x1  }
0x17b: {  	v12 =	vand.u32 $0x7, v12;
	v13 =	vand.u32 $0xFFFFFFF0, v60  }
0x17c: {  	v12 =	vor.u32 v12, v13  }
0x17d: {  	v13 =	vperm.xlane v12, v8;
	_ =	sdelay $0x1  }
0x17e: {  	v12 =	vperm.xlane v12, v10;
	v13 =	vadd.s32 v9, v13;
	_ =	sdelay $0x1  }
0x17f: {  	v12 =	vadd.s32 v9, v12;
	_ =	sdelay $0x1  }
0x180: {  	s13 =	simm.s32 $0x4880  }
0x181: {  	[tilespmem:s13], [sflag:$0x1] =	stream.indirect_vreg.gather [hbm4b:s31+s29], $0x80, v13, vm0, $0xb8;
	[tilespmem:$0x1C880] =	vst v63  }
0x182: {  	s17 =	simm.s32 $0x5080  }
0x183: {  	[tilespmem:s17], [sflag:$0x1] =	stream.indirect_vreg.gather [hbm4b:s31+s29], $0x80, v12, vm0, $0xb8;
	[tilespmem:$0x1C880] =	vst v63  }
0x184: {  	v12 =	vld [tilespmem:$0x450];
	_ =	sdelay $0x4  }
0x185: {  	v61 =	vshll.u32 v12, $0x1  }
0x186: {  	v12 =	vand.u32 $0x7, v12;
	v13 =	vand.u32 $0xFFFFFFF0, v61  }
0x187: {  	v12 =	vor.u32 v12, v13  }
0x188: {  	v13 =	vperm.xlane v12, v8;
	_ =	sdelay $0x1  }
0x189: {  	v12 =	vperm.xlane v12, v10;
	v13 =	vadd.s32 v9, v13;
	_ =	sdelay $0x1  }
0x18a: {  	v12 =	vadd.s32 v9, v12;
	_ =	sdelay $0x1  }
0x18b: {  	s18 =	simm.s32 $0x5880  }
0x18c: {  	[tilespmem:s18], [sflag:$0x1] =	stream.indirect_vreg.gather [hbm4b:s31+s29], $0x80, v13, vm0, $0xb8;
	[tilespmem:$0x1C880] =	vst v63  }
0x18d: {  	s21 =	simm.s32 $0x6080  }
0x18e: {  	[tilespmem:s21], [sflag:$0x1] =	stream.indirect_vreg.gather [hbm4b:s31+s29], $0x80, v12, vm0, $0xb8;
	[tilespmem:$0x1C880] =	vst v63  }
0x18f: {  	v12 =	vld [tilespmem:$0x460];
	_ =	sdelay $0x4  }
0x190: {  	v62 =	vshll.u32 v12, $0x1  }
0x191: {  	v12 =	vand.u32 $0x7, v12;
	v13 =	vand.u32 $0xFFFFFFF0, v62  }
0x192: {  	v12 =	vor.u32 v12, v13  }
0x193: {  	v13 =	vperm.xlane v12, v8;
	_ =	sdelay $0x1  }
0x194: {  	v12 =	vperm.xlane v12, v10;
	v13 =	vadd.s32 v9, v13;
	_ =	sdelay $0x1  }
0x195: {  	v12 =	vadd.s32 v9, v12;
	_ =	sdelay $0x1  }
0x196: {  	s23 =	simm.s32 $0x6880  }
0x197: {  	[tilespmem:s23], [sflag:$0x1] =	stream.indirect_vreg.gather [hbm4b:s31+s29], $0x80, v13, vm0, $0xb8;
	[tilespmem:$0x1C880] =	vst v63  }
0x198: {  	s25 =	simm.s32 $0x7080  }
0x199: {  	[tilespmem:s25], [sflag:$0x1] =	stream.indirect_vreg.gather [hbm4b:s31+s29], $0x80, v12, vm0, $0xb8;
	[tilespmem:$0x1C880] =	vst v63  }
0x19a: {  	v12 =	vld [tilespmem:$0x470];
	_ =	sdelay $0x4  }
0x19b: {  	v63 =	vshll.u32 v12, $0x1  }
0x19c: {  	v12 =	vand.u32 $0x7, v12;
	v13 =	vand.u32 $0xFFFFFFF0, v63  }
0x19d: {  	v12 =	vor.u32 v12, v13  }
0x19e: {  	v13 =	vperm.xlane v12, v8;
	_ =	sdelay $0x1  }
0x19f: {  	v12 =	vperm.xlane v12, v10;
	v13 =	vadd.s32 v9, v13;
	_ =	sdelay $0x1  }
0x1a0: {  	v12 =	vadd.s32 v9, v12;
	_ =	sdelay $0x1  }
0x1a1: {  	s28 =	simm.s32 $0x7880  }
0x1a2: {  	[tilespmem:s28], [sflag:$0x1] =	stream.indirect_vreg.gather [hbm4b:s31+s29], $0x80, v13, vm0, $0xb8;
	[tilespmem:$0x1C880] =	vst v63  }
0x1a3: {  	s30 =	simm.s32 $0x8080  }
0x1a4: {  	[tilespmem:s30], [sflag:$0x1] =	stream.indirect_vreg.gather [hbm4b:s31+s29], $0x80, v12, vm0, $0xb8;
	[tilespmem:$0x1C880] =	vst v63  }
.LBB2_3:
0x1a5: {  	_ =	swait.ge [sflag:s0], $0x80  }
0x1a6: {  	[sflag:s0] =	ssyncset.done $0x0  }
0x1a7: {  	p6 =	seq.s32 s3, $0x1;
	s18 =	smov.u32 s24;
	[sflag:s0] =	ssyncadd.s32 $0xFFFFFF80  }
0x1a8: {  	p0 =	seq.s32 s3, $0x2;
	s18 =	smov.u32 @p6 s26;
	v12 =	vld [tilespmem:$0x90]  }
0x1a9: {  	p6 =	seq.s32 s3, $0x3;
	s18 =	smov.u32 @p0 s16;
	v13 =	vld [tilespmem:$0xA0]  }
0x1aa: {  	p0 =	seq.s32 s3, $0x4;
	v14 =	vld [tilespmem:$0xB0];
	s18 =	smov.u32 @p6 s11  }
0x1ab: {  	v15 =	vld [tilespmem:$0xC0];
	p6 =	seq.s32 s3, $0x5;
	s18 =	smov.u32 @p0 s10  }
0x1ac: {  	v16 =	vld [tilespmem:$0xD0];
	p0 =	seq.s32 s3, $0x6;
	s18 =	smov.u32 @p6 s9  }
0x1ad: {  	v17 =	vld [tilespmem:$0xE0];
	p6 =	seq.s32 s3, $0x7;
	s18 =	smov.u32 @p0 s8;
	v12 =	vadd.s32 v1, v12  }
0x1ae: {  	s2 =	rddreg [dreg:$0x7];
	s18 =	smov.u32 @p6 s7;
	v13 =	vadd.s32 v1, v13;
	[tilespmem:$0x490] =	vst v12;
	v12 =	vld [tilespmem:$0x80]  }
0x1af: {  	s12 =	ssub.s32 s18, s2;
	[tilespmem:$0x4A0] =	vst v13;
	v13 =	vadd.s32 v1, v14;
	v14 =	vld [tilespmem:$0xF0]  }
0x1b0: {  	p0 =	slt.s32 s12, $0x1;
	[tilespmem:$0x4B0] =	vst v13;
	v13 =	vadd.s32 v1, v15  }
.Ltmp3:
0x1b1: {  	[tilespmem:$0x4C0] =	vst v13;
	v13 =	vadd.s32 v1, v16;
	(pc) =	sbr.rel @p0 .LBB2_5-.Ltmp3, $4  }
0x1b2: {  	[tilespmem:$0x4D0] =	vst v13;
	v13 =	vadd.s32 v1, v17  }
0x1b3: {  	s2 =	simm.s32 @!p0 $0x0;
	[tilespmem:$0x4E0] =	vst v13;
	v13 =	vadd.s32 v1, v12  }
0x1b4: {  	s2 =	simm.s32 @p0 $0x1;
	v14 =	vadd.s32 v1, v14;
	[tilespmem:$0x480] =	vst v13  }
0x1b5: {  	[smem:$0x7A8] =	sst s2;
	[tilespmem:$0x4F0] =	vst v14  }
0x1b6: {  	v13 =	vshll.u32 v13, $0x1  }
0x1b7: {  	v12 =	vand.u32 $0x7, v12;
	v13 =	vand.u32 $0xFFFFFFF0, v13  }
0x1b8: {  	v12 =	vor.u32 v12, v13  }
0x1b9: {  	v13 =	vperm.xlane v12, v8;
	_ =	sdelay $0x1  }
0x1ba: {  	v12 =	vperm.xlane v12, v10;
	v13 =	vadd.s32 v9, v13;
	_ =	sdelay $0x1  }
0x1bb: {  	v12 =	vadd.s32 v9, v12;
	_ =	sdelay $0x2  }
0x1bc: {  	[tilespmem:s4], [sflag:$0x2] =	stream.indirect_vreg.gather [hbm4b:s31+s29], $0x80, v13, vm0, $0xb8;
	[tilespmem:$0x1C880] =	vst v63  }
0x1bd: {  	_ = 	snop  }
0x1be: {  	[tilespmem:s22], [sflag:$0x2] =	stream.indirect_vreg.gather [hbm4b:s31+s29], $0x80, v12, vm0, $0xb8;
	[tilespmem:$0x1C880] =	vst v63  }
0x1bf: {  	v12 =	vld [tilespmem:$0x490];
	_ =	sdelay $0x4  }
0x1c0: {  	v57 =	vshll.u32 v12, $0x1  }
0x1c1: {  	v12 =	vand.u32 $0x7, v12;
	v13 =	vand.u32 $0xFFFFFFF0, v57  }
0x1c2: {  	v12 =	vor.u32 v12, v13  }
0x1c3: {  	v13 =	vperm.xlane v12, v8;
	_ =	sdelay $0x1  }
0x1c4: {  	v12 =	vperm.xlane v12, v10;
	v13 =	vadd.s32 v9, v13;
	_ =	sdelay $0x1  }
0x1c5: {  	v12 =	vadd.s32 v9, v12;
	_ =	sdelay $0x1  }
0x1c6: {  	s2 =	simm.s32 $0x9880  }
0x1c7: {  	[tilespmem:s2], [sflag:$0x2] =	stream.indirect_vreg.gather [hbm4b:s31+s29], $0x80, v13, vm0, $0xb8;
	[tilespmem:$0x1C880] =	vst v63  }
0x1c8: {  	s23 =	simm.s32 $0xA080  }
0x1c9: {  	[tilespmem:s23], [sflag:$0x2] =	stream.indirect_vreg.gather [hbm4b:s31+s29], $0x80, v12, vm0, $0xb8;
	[tilespmem:$0x1C880] =	vst v63  }
0x1ca: {  	v12 =	vld [tilespmem:$0x4A0];
	_ =	sdelay $0x4  }
0x1cb: {  	v58 =	vshll.u32 v12, $0x1  }
0x1cc: {  	v12 =	vand.u32 $0x7, v12;
	v13 =	vand.u32 $0xFFFFFFF0, v58  }
0x1cd: {  	v12 =	vor.u32 v12, v13  }
0x1ce: {  	v13 =	vperm.xlane v12, v8;
	_ =	sdelay $0x1  }
0x1cf: {  	v12 =	vperm.xlane v12, v10;
	v13 =	vadd.s32 v9, v13;
	_ =	sdelay $0x1  }
0x1d0: {  	v12 =	vadd.s32 v9, v12;
	_ =	sdelay $0x1  }
0x1d1: {  	s25 =	simm.s32 $0xA880  }
0x1d2: {  	[tilespmem:s25], [sflag:$0x2] =	stream.indirect_vreg.gather [hbm4b:s31+s29], $0x80, v13, vm0, $0xb8;
	[tilespmem:$0x1C880] =	vst v63  }
0x1d3: {  	s28 =	simm.s32 $0xB080  }
0x1d4: {  	[tilespmem:s28], [sflag:$0x2] =	stream.indirect_vreg.gather [hbm4b:s31+s29], $0x80, v12, vm0, $0xb8;
	[tilespmem:$0x1C880] =	vst v63  }
0x1d5: {  	v12 =	vld [tilespmem:$0x4B0];
	_ =	sdelay $0x4  }
0x1d6: {  	v59 =	vshll.u32 v12, $0x1  }
0x1d7: {  	v12 =	vand.u32 $0x7, v12;
	v13 =	vand.u32 $0xFFFFFFF0, v59  }
0x1d8: {  	v12 =	vor.u32 v12, v13  }
0x1d9: {  	v13 =	vperm.xlane v12, v8;
	_ =	sdelay $0x1  }
0x1da: {  	v12 =	vperm.xlane v12, v10;
	v13 =	vadd.s32 v9, v13;
	_ =	sdelay $0x1  }
0x1db: {  	v12 =	vadd.s32 v9, v12;
	_ =	sdelay $0x1  }
0x1dc: {  	s30 =	simm.s32 $0xB880  }
0x1dd: {  	[tilespmem:s30], [sflag:$0x2] =	stream.indirect_vreg.gather [hbm4b:s31+s29], $0x80, v13, vm0, $0xb8;
	[tilespmem:$0x1C880] =	vst v63  }
0x1de: {  	s6 =	simm.s32 $0xC080  }
0x1df: {  	[tilespmem:s6], [sflag:$0x2] =	stream.indirect_vreg.gather [hbm4b:s31+s29], $0x80, v12, vm0, $0xb8;
	[tilespmem:$0x1C880] =	vst v63  }
0x1e0: {  	v12 =	vld [tilespmem:$0x4C0];
	_ =	sdelay $0x4  }
0x1e1: {  	v60 =	vshll.u32 v12, $0x1  }
0x1e2: {  	v12 =	vand.u32 $0x7, v12;
	v13 =	vand.u32 $0xFFFFFFF0, v60  }
0x1e3: {  	v12 =	vor.u32 v12, v13  }
0x1e4: {  	v13 =	vperm.xlane v12, v8;
	_ =	sdelay $0x1  }
0x1e5: {  	v12 =	vperm.xlane v12, v10;
	v13 =	vadd.s32 v9, v13;
	_ =	sdelay $0x1  }
0x1e6: {  	v12 =	vadd.s32 v9, v12;
	_ =	sdelay $0x1  }
0x1e7: {  	s13 =	simm.s32 $0xC880  }
0x1e8: {  	[tilespmem:s13], [sflag:$0x2] =	stream.indirect_vreg.gather [hbm4b:s31+s29], $0x80, v13, vm0, $0xb8;
	[tilespmem:$0x1C880] =	vst v63  }
0x1e9: {  	s17 =	simm.s32 $0xD080  }
0x1ea: {  	[tilespmem:s17], [sflag:$0x2] =	stream.indirect_vreg.gather [hbm4b:s31+s29], $0x80, v12, vm0, $0xb8;
	[tilespmem:$0x1C880] =	vst v63  }
0x1eb: {  	v12 =	vld [tilespmem:$0x4D0];
	_ =	sdelay $0x4  }
0x1ec: {  	v61 =	vshll.u32 v12, $0x1  }
0x1ed: {  	v12 =	vand.u32 $0x7, v12;
	v13 =	vand.u32 $0xFFFFFFF0, v61  }
0x1ee: {  	v12 =	vor.u32 v12, v13  }
0x1ef: {  	v13 =	vperm.xlane v12, v8;
	_ =	sdelay $0x1  }
0x1f0: {  	v12 =	vperm.xlane v12, v10;
	v13 =	vadd.s32 v9, v13;
	_ =	sdelay $0x1  }
0x1f1: {  	v12 =	vadd.s32 v9, v12;
	_ =	sdelay $0x1  }
0x1f2: {  	s21 =	simm.s32 $0xD880  }
0x1f3: {  	[tilespmem:s21], [sflag:$0x2] =	stream.indirect_vreg.gather [hbm4b:s31+s29], $0x80, v13, vm0, $0xb8;
	[tilespmem:$0x1C880] =	vst v63  }
0x1f4: {  	s22 =	simm.s32 $0xE080  }
0x1f5: {  	[tilespmem:s22], [sflag:$0x2] =	stream.indirect_vreg.gather [hbm4b:s31+s29], $0x80, v12, vm0, $0xb8;
	[tilespmem:$0x1C880] =	vst v63  }
0x1f6: {  	v12 =	vld [tilespmem:$0x4E0];
	_ =	sdelay $0x4  }
0x1f7: {  	v62 =	vshll.u32 v12, $0x1  }
0x1f8: {  	v12 =	vand.u32 $0x7, v12;
	v13 =	vand.u32 $0xFFFFFFF0, v62  }
0x1f9: {  	v12 =	vor.u32 v12, v13  }
0x1fa: {  	v13 =	vperm.xlane v12, v8;
	_ =	sdelay $0x1  }
0x1fb: {  	v12 =	vperm.xlane v12, v10;
	v13 =	vadd.s32 v9, v13;
	_ =	sdelay $0x1  }
0x1fc: {  	v12 =	vadd.s32 v9, v12;
	_ =	sdelay $0x1  }
0x1fd: {  	s23 =	simm.s32 $0xE880  }
0x1fe: {  	[tilespmem:s23], [sflag:$0x2] =	stream.indirect_vreg.gather [hbm4b:s31+s29], $0x80, v13, vm0, $0xb8;
	[tilespmem:$0x1C880] =	vst v63  }
0x1ff: {  	s25 =	simm.s32 $0xF080  }
0x200: {  	[tilespmem:s25], [sflag:$0x2] =	stream.indirect_vreg.gather [hbm4b:s31+s29], $0x80, v12, vm0, $0xb8;
	[tilespmem:$0x1C880] =	vst v63  }
0x201: {  	v12 =	vld [tilespmem:$0x4F0];
	_ =	sdelay $0x4  }
0x202: {  	v63 =	vshll.u32 v12, $0x1  }
0x203: {  	v12 =	vand.u32 $0x7, v12;
	v13 =	vand.u32 $0xFFFFFFF0, v63  }
0x204: {  	v12 =	vor.u32 v12, v13  }
0x205: {  	v13 =	vperm.xlane v12, v8;
	_ =	sdelay $0x1  }
0x206: {  	v12 =	vperm.xlane v12, v10;
	v13 =	vadd.s32 v9, v13;
	_ =	sdelay $0x1  }
0x207: {  	v12 =	vadd.s32 v9, v12;
	_ =	sdelay $0x1  }
0x208: {  	s28 =	simm.s32 $0xF880  }
0x209: {  	[tilespmem:s28], [sflag:$0x2] =	stream.indirect_vreg.gather [hbm4b:s31+s29], $0x80, v13, vm0, $0xb8;
	[tilespmem:$0x1C880] =	vst v63  }
0x20a: {  	s30 =	simm.s32 $0x10080  }
0x20b: {  	[tilespmem:s30], [sflag:$0x2] =	stream.indirect_vreg.gather [hbm4b:s31+s29], $0x80, v12, vm0, $0xb8;
	[tilespmem:$0x1C880] =	vst v63  }
.LBB2_5:
0x20c: {  	_ =	swait.ge [sflag:s0], $0x80  }
0x20d: {  	[sflag:s0] =	ssyncset.done $0x0  }
0x20e: {  	[sflag:s0] =	ssyncadd.s32 $0xFFFFFF80  }
0x20f: {  	v12 =	vld [tilespmem:$0x100]  }
0x210: {  	v13 =	vld [tilespmem:$0x110]  }
0x211: {  	v14 =	vld [tilespmem:$0x120]  }
0x212: {  	v15 =	vld [tilespmem:$0x130]  }
0x213: {  	v16 =	vld [tilespmem:$0x140]  }
0x214: {  	v17 =	vld [tilespmem:$0x150];
	v12 =	vadd.s32 v2, v12  }
0x215: {  	v25 =	vld [tilespmem:$0x160];
	v24 =	vadd.s32 v2, v13;
	[tilespmem:$0x500] =	vst v12  }
0x216: {  	v27 =	vld [tilespmem:$0x170];
	v26 =	vadd.s32 v2, v14;
	[tilespmem:$0x510] =	vst v24  }
0x217: {  	v28 =	vadd.s32 v2, v15;
	[tilespmem:$0x520] =	vst v26  }
0x218: {  	v29 =	vadd.s32 v2, v16;
	[tilespmem:$0x530] =	vst v28  }
0x219: {  	v30 =	vadd.s32 v2, v17;
	[tilespmem:$0x540] =	vst v29  }
0x21a: {  	v31 =	vadd.s32 v2, v25;
	[tilespmem:$0x550] =	vst v30  }
0x21b: {  	v32 =	vadd.s32 v2, v27;
	[tilespmem:$0x560] =	vst v31  }
0x21c: {  	[tilespmem:$0x570] =	vst v32  }
0x21d: {  	_ =	swait.ge [sflag:s0], $0x80  }
0x21e: {  	[sflag:s0] =	ssyncset.done $0x0  }
0x21f: {  	[sflag:s0] =	ssyncadd.s32 $0xFFFFFF80  }
0x220: {  	v33 =	vld [tilespmem:$0x180]  }
0x221: {  	v34 =	vld [tilespmem:$0x190]  }
0x222: {  	v35 =	vld [tilespmem:$0x1A0]  }
0x223: {  	v36 =	vld [tilespmem:$0x1B0]  }
0x224: {  	v37 =	vld [tilespmem:$0x1C0]  }
0x225: {  	v38 =	vld [tilespmem:$0x1D0];
	v12 =	vadd.s32 v3, v33  }
0x226: {  	v40 =	vld [tilespmem:$0x1E0];
	v39 =	vadd.s32 v3, v34;
	[tilespmem:$0x580] =	vst v12  }
0x227: {  	v42 =	vld [tilespmem:$0x1F0];
	v41 =	vadd.s32 v3, v35;
	[tilespmem:$0x590] =	vst v39  }
0x228: {  	v43 =	vadd.s32 v3, v36;
	[tilespmem:$0x5A0] =	vst v41  }
0x229: {  	v44 =	vadd.s32 v3, v37;
	[tilespmem:$0x5B0] =	vst v43  }
0x22a: {  	v45 =	vadd.s32 v3, v38;
	[tilespmem:$0x5C0] =	vst v44  }
0x22b: {  	v46 =	vadd.s32 v3, v40;
	[tilespmem:$0x5D0] =	vst v45  }
0x22c: {  	v47 =	vadd.s32 v3, v42;
	[tilespmem:$0x5E0] =	vst v46  }
0x22d: {  	[tilespmem:$0x5F0] =	vst v47  }
0x22e: {  	_ =	swait.ge [sflag:s0], $0x80  }
0x22f: {  	[sflag:s0] =	ssyncset.done $0x0  }
0x230: {  	[sflag:s0] =	ssyncadd.s32 $0xFFFFFF80  }
0x231: {  	v48 =	vld [tilespmem:$0x200]  }
0x232: {  	v49 =	vld [tilespmem:$0x210]  }
0x233: {  	v50 =	vld [tilespmem:$0x220]  }
0x234: {  	v51 =	vld [tilespmem:$0x230]  }
0x235: {  	v52 =	vld [tilespmem:$0x240]  }
0x236: {  	v53 =	vld [tilespmem:$0x250];
	v12 =	vadd.s32 v4, v48  }
0x237: {  	v55 =	vld [tilespmem:$0x260];
	v54 =	vadd.s32 v4, v49;
	[tilespmem:$0x600] =	vst v12  }
0x238: {  	v57 =	vld [tilespmem:$0x270];
	v56 =	vadd.s32 v4, v50;
	[tilespmem:$0x610] =	vst v54  }
0x239: {  	v58 =	vadd.s32 v4, v51;
	[tilespmem:$0x620] =	vst v56  }
0x23a: {  	v59 =	vadd.s32 v4, v52;
	[tilespmem:$0x630] =	vst v58  }
0x23b: {  	v60 =	vadd.s32 v4, v53;
	[tilespmem:$0x640] =	vst v59  }
0x23c: {  	v61 =	vadd.s32 v4, v55;
	[tilespmem:$0x650] =	vst v60  }
0x23d: {  	v62 =	vadd.s32 v4, v57;
	[tilespmem:$0x660] =	vst v61  }
0x23e: {  	[tilespmem:$0x670] =	vst v62  }
0x23f: {  	_ =	swait.ge [sflag:s0], $0x80  }
0x240: {  	[sflag:s0] =	ssyncset.done $0x0  }
0x241: {  	[sflag:s0] =	ssyncadd.s32 $0xFFFFFF80  }
0x242: {  	v63 =	vld [tilespmem:$0x280]  }
0x243: {  	v20 =	vld [tilespmem:$0x290]  }
0x244: {  	v21 =	vld [tilespmem:$0x2A0]  }
0x245: {  	v22 =	vld [tilespmem:$0x2B0]  }
0x246: {  	v23 =	vld [tilespmem:$0x2C0]  }
0x247: {  	v24 =	vld [tilespmem:$0x2D0];
	v12 =	vadd.s32 v5, v63  }
0x248: {  	v26 =	vld [tilespmem:$0x2E0];
	v25 =	vadd.s32 v5, v20;
	[tilespmem:$0x680] =	vst v12  }
0x249: {  	v28 =	vld [tilespmem:$0x2F0];
	v27 =	vadd.s32 v5, v21;
	[tilespmem:$0x690] =	vst v25  }
0x24a: {  	v29 =	vadd.s32 v5, v22;
	[tilespmem:$0x6A0] =	vst v27  }
0x24b: {  	v30 =	vadd.s32 v5, v23;
	[tilespmem:$0x6B0] =	vst v29  }
0x24c: {  	v31 =	vadd.s32 v5, v24;
	[tilespmem:$0x6C0] =	vst v30  }
0x24d: {  	v32 =	vadd.s32 v5, v26;
	[tilespmem:$0x6D0] =	vst v31  }
0x24e: {  	v33 =	vadd.s32 v5, v28;
	[tilespmem:$0x6E0] =	vst v32  }
0x24f: {  	[tilespmem:$0x6F0] =	vst v33  }
0x250: {  	_ =	swait.ge [sflag:s0], $0x80  }
0x251: {  	[sflag:s0] =	ssyncset.done $0x0  }
0x252: {  	[sflag:s0] =	ssyncadd.s32 $0xFFFFFF80  }
0x253: {  	v34 =	vld [tilespmem:$0x300]  }
0x254: {  	v35 =	vld [tilespmem:$0x310]  }
0x255: {  	v36 =	vld [tilespmem:$0x320]  }
0x256: {  	v37 =	vld [tilespmem:$0x330]  }
0x257: {  	v38 =	vld [tilespmem:$0x340]  }
0x258: {  	v39 =	vld [tilespmem:$0x350];
	v12 =	vadd.s32 v6, v34  }
0x259: {  	v41 =	vld [tilespmem:$0x360];
	v40 =	vadd.s32 v6, v35;
	[tilespmem:$0x700] =	vst v12  }
0x25a: {  	v43 =	vld [tilespmem:$0x370];
	v42 =	vadd.s32 v6, v36;
	[tilespmem:$0x710] =	vst v40  }
0x25b: {  	v44 =	vadd.s32 v6, v37;
	[tilespmem:$0x720] =	vst v42  }
0x25c: {  	v45 =	vadd.s32 v6, v38;
	[tilespmem:$0x730] =	vst v44  }
0x25d: {  	v46 =	vadd.s32 v6, v39;
	[tilespmem:$0x740] =	vst v45  }
0x25e: {  	v47 =	vadd.s32 v6, v41;
	[tilespmem:$0x750] =	vst v46  }
0x25f: {  	v48 =	vadd.s32 v6, v43;
	[tilespmem:$0x760] =	vst v47  }
0x260: {  	s2 =	smov.u32 s24;
	[tilespmem:$0x770] =	vst v48  }
0x261: {  	s2 =	smov.u32 @p4 s26;
	_ =	swait.ge [sflag:s0], $0x80  }
0x262: {  	s22 =	smov.u32 s24;
	s2 =	smov.u32 @p5 s16;
	s6 =	rddreg [dreg:$0x6]  }
0x263: {  	s30 =	smov.u32 s24;
	s2 =	smov.u32 @p3 s11;
	s23 =	sld [smem:$0x7F4]  }
0x264: {  	[sflag:s0] =	ssyncset.done $0x0;
	s25 =	sld [smem:$0x7F7];
	p0 =	seq.s32 s6, $0x1  }
0x265: {  	s13 =	sld [smem:$0x7F6];
	s22 =	smov.u32 @p0 s26;
	p0 =	seq.s32 s6, $0x2  }
0x266: {  	s17 =	sld [smem:$0x7A9];
	s22 =	smov.u32 @p0 s16;
	p0 =	seq.s32 s6, $0x3  }
0x267: {  	s21 =	sld [smem:$0x7F5];
	s22 =	smov.u32 @p0 s11;
	p0 =	seq.s32 s6, $0x4  }
0x268: {  	s22 =	smov.u32 @p0 s10;
	p0 =	seq.s32 s23, $0x1;
	s23 =	simm.s32 $0x0  }
0x269: {  	s2 =	smov.u32 @p0 s10;
	p0 =	seq.s32 s25, $0x1;
	s25 =	sand.u32 $0x3800, s23  }
0x26a: {  	s6 =	sand.u32 $0x380, s23;
	s23 =	sld [smem:$0x7BF];
	s2 =	smov.u32 @p2 s9  }
0x26b: {  	s22 =	smov.u32 @p0 s9;
	p0 =	seq.s32 s13, $0x1;
	s13 =	sld [smem:$0x7C6]  }
0x26c: {  	s2 =	smov.u32 @p1 s8;
	s22 =	smov.u32 @p0 s8;
	p0 =	seq.s32 s17, $0x1  }
0x26d: {  	s2 =	smov.u32 @p0 s7;
	p0 =	seq.s32 s21, $0x1;
	s21 =	sld [smem:$0x7C5]  }
0x26e: {  	[sflag:s0] =	ssyncadd.s32 $0xFFFFFF80;
	s6 =	sor.u32 s6, s25;
	s25 =	sld [smem:$0x7C4]  }
0x26f: {  	s17 =	smov.u32 s24;
	s22 =	smov.u32 @p0 s7;
	p0 =	seq.s32 s13, $0x1  }
0x270: {  	v49 =	vld [tilespmem:$0x380];
	s30 =	smov.u32 @p0 s26;
	p0 =	seq.s32 s21, $0x1;
	s21 =	sld [smem:$0x7BE]  }
0x271: {  	v50 =	vld [tilespmem:$0x390];
	s30 =	smov.u32 @p0 s16;
	p0 =	seq.s32 s23, $0x1;
	s23 =	sld [smem:$0x7C3]  }
0x272: {  	v51 =	vld [tilespmem:$0x3A0];
	s13 =	sld [smem:$0x7BD];
	s17 =	smov.u32 @p0 s26;
	p0 =	seq.s32 s25, $0x1  }
0x273: {  	v52 =	vld [tilespmem:$0x3B0];
	s30 =	smov.u32 @p0 s11;
	p0 =	seq.s32 s21, $0x1;
	s21 =	sld [smem:$0x7C2]  }
0x274: {  	v53 =	vld [tilespmem:$0x3C0];
	s17 =	smov.u32 @p0 s16;
	p0 =	seq.s32 s23, $0x1;
	s23 =	sld [smem:$0x7BC]  }
0x275: {  	v54 =	vld [tilespmem:$0x3D0];
	v12 =	vadd.s32 v7, v49;
	s30 =	smov.u32 @p0 s10;
	p0 =	seq.s32 s13, $0x1;
	s13 =	sld [smem:$0x7C1]  }
0x276: {  	v56 =	vld [tilespmem:$0x3E0];
	v55 =	vadd.s32 v7, v50;
	[tilespmem:$0x780] =	vst v12;
	s17 =	smov.u32 @p0 s11;
	p0 =	seq.s32 s21, $0x1;
	s21 =	sld [smem:$0x7BB]  }
0x277: {  	v58 =	vld [tilespmem:$0x3F0];
	v57 =	vadd.s32 v7, v51;
	[tilespmem:$0x790] =	vst v55;
	s30 =	smov.u32 @p0 s9;
	p0 =	seq.s32 s23, $0x1;
	s23 =	sld [smem:$0x7C0]  }
0x278: {  	v59 =	vadd.s32 v7, v52;
	[tilespmem:$0x7A0] =	vst v57;
	s17 =	smov.u32 @p0 s10;
	p0 =	seq.s32 s13, $0x1;
	s13 =	sld [smem:$0x7BA]  }
0x279: {  	v60 =	vadd.s32 v7, v53;
	[tilespmem:$0x7B0] =	vst v59;
	s30 =	smov.u32 @p0 s8;
	p0 =	seq.s32 s21, $0x1;
	s21 =	sld [smem:$0x7B9]  }
0x27a: {  	v61 =	vadd.s32 v7, v54;
	[tilespmem:$0x7C0] =	vst v60;
	s17 =	smov.u32 @p0 s9;
	p0 =	seq.s32 s23, $0x1;
	s23 =	sld [smem:$0x7B8]  }
0x27b: {  	v62 =	vadd.s32 v7, v56;
	[tilespmem:$0x7D0] =	vst v61;
	s30 =	smov.u32 @p0 s7;
	p0 =	seq.s32 s13, $0x1  }
0x27c: {  	v63 =	vadd.s32 v7, v58;
	[tilespmem:$0x7E0] =	vst v62;
	s17 =	smov.u32 @p0 s8;
	p0 =	seq.s32 s21, $0x1;
	s21 =	sld [smem:$0x7B7]  }
0x27d: {  	[tilespmem:$0x7F0] =	vst v63;
	s17 =	smov.u32 @p0 s7;
	p0 =	seq.s32 s23, $0x1;
	s23 =	sld [smem:$0x7B1]  }
0x27e: {  	[tilespmem:s6+$0x18880] =	vst v11;
	s25 =	sadd.s32 $0x18880, s6;
	s6 =	smov.u32 s24  }
0x27f: {  	s6 =	smov.u32 @p0 s26;
	p0 =	seq.s32 s21, $0x1;
	s21 =	sld [smem:$0x7B6]  }
0x280: {  	s6 =	smov.u32 @p0 s16;
	p0 =	seq.s32 s23, $0x1;
	s23 =	sld [smem:$0x7B0]  }
0x281: {  	s13 =	sld [smem:$0x7B3]  }
0x282: {  	s24 =	smov.u32 @p0 s26;
	s26 =	sld [smem:$0x7B5];
	p0 =	seq.s32 s21, $0x1  }
0x283: {  	s21 =	rddreg [dreg:$0x8];
	s6 =	smov.u32 @p0 s11;
	p0 =	seq.s32 s23, $0x1  }
0x284: {  	s24 =	smov.u32 @p0 s16;
	s16 =	sld [smem:$0x7AF]  }
0x285: {  	[tilespmem:s25+$0x10] =	vst v11;
	s23 =	sld [smem:$0x7B4];
	p0 =	seq.s32 s26, $0x1  }
0x286: {  	[tilespmem:s25+$0x20] =	vst v11;
	s26 =	sld [smem:$0x7AE];
	s6 =	smov.u32 @p0 s10  }
0x287: {  	[tilespmem:s25+$0x30] =	vst v11;
	p0 =	seq.s32 s16, $0x1;
	s16 =	ssub.s32 s22, s21;
	s21 =	sld [smem:$0x7AD]  }
0x288: {  	[tilespmem:s25+$0x40] =	vst v11;
	s24 =	smov.u32 @p0 s11;
	p0 =	seq.s32 s23, $0x1;
	s11 =	rddreg [dreg:$0x9]  }
0x289: {  	[tilespmem:s25+$0x50] =	vst v11;
	s23 =	rddreg [dreg:$0xa];
	s6 =	smov.u32 @p0 s9;
	p0 =	seq.s32 s26, $0x1  }
0x28a: {  	[tilespmem:s25+$0x60] =	vst v11;
	s26 =	sld [smem:$0x7B2];
	s24 =	smov.u32 @p0 s10;
	s10 =	ssub.s32 s30, s11  }
0x28b: {  	[tilespmem:s25+$0x70] =	vst v11;
	p0 =	seq.s32 s13, $0x1;
	s11 =	ssub.s32 s2, s23;
	s13 =	sld [smem:$0x7AC]  }
0x28c: {  	[tilespmem:s25+$0x400] =	vst v11;
	s23 =	rddreg [dreg:$0xc];
	s6 =	smov.u32 @p0 s8;
	p0 =	seq.s32 s21, $0x1  }
0x28d: {  	[tilespmem:s25+$0x410] =	vst v11;
	s24 =	smov.u32 @p0 s9;
	p0 =	seq.s32 s26, $0x1;
	s26 =	sld [smem:$0x7AB]  }
0x28e: {  	[tilespmem:s25+$0x420] =	vst v11;
	s21 =	rddreg [dreg:$0xb];
	s6 =	smov.u32 @p0 s7;
	p0 =	seq.s32 s13, $0x1  }
0x28f: {  	[tilespmem:s25+$0x430] =	vst v11;
	s9 =	ssub.s32 s17, s21;
	s21 =	rddreg [dreg:$0xd];
	s24 =	smov.u32 @p0 s8  }
0x290: {  	[tilespmem:s25+$0x440] =	vst v11;
	s8 =	ssub.s32 s6, s23;
	s23 =	simm.s32 $0x100;
	p0 =	seq.s32 s26, $0x1  }
0x291: {  	[tilespmem:s25+$0x450] =	vst v11;
	s26 =	simm.s32 $0x80;
	s28 =	sand.u32 $0x3800, s23;
	s24 =	smov.u32 @p0 s7  }
0x292: {  	[tilespmem:s25+$0x460] =	vst v11;
	s23 =	simm.s32 $0x200;
	s13 =	sand.u32 $0x380, s26;
	s7 =	ssub.s32 s24, s21  }
.LBB2_6:
0x293: {  	p0 =	sne.s32 s23, $0x3F00;
	s13 =	sor.u32 s13, s28;
	[tilespmem:s25+$0x470] =	vst v11  }
0x294: {  	s25 =	sadd.s32 $0x18880, s13;
	[tilespmem:s13+$0x18880] =	vst v11  }
0x295: {  	[tilespmem:s25+$0x10] =	vst v11  }
0x296: {  	[tilespmem:s25+$0x20] =	vst v11  }
0x297: {  	[tilespmem:s25+$0x30] =	vst v11  }
0x298: {  	[tilespmem:s25+$0x40] =	vst v11  }
0x299: {  	[tilespmem:s25+$0x50] =	vst v11  }
0x29a: {  	[tilespmem:s25+$0x60] =	vst v11  }
0x29b: {  	[tilespmem:s25+$0x70] =	vst v11  }
0x29c: {  	[tilespmem:s25+$0x400] =	vst v11  }
0x29d: {  	[tilespmem:s25+$0x410] =	vst v11  }
.Ltmp4:
0x29e: {  	[tilespmem:s25+$0x420] =	vst v11;
	(pc) =	sbr.rel @p0 .LBB2_6-.Ltmp4, $4  }
0x29f: {  	[tilespmem:s25+$0x430] =	vst v11  }
0x2a0: {  	[tilespmem:s25+$0x440] =	vst v11  }
0x2a1: {  	s26 =	sadd.s32 $0x80, s26;
	[tilespmem:s25+$0x450] =	vst v11  }
0x2a2: {  	s28 =	sand.u32 $0x3800, s23;
	s23 =	sadd.s32 $0x100, s23;
	s13 =	sand.u32 $0x380, s26;
	[tilespmem:s25+$0x460] =	vst v11  }
0x2a3: {  	s13 =	sor.u32 s13, s28;
	[tilespmem:s25+$0x470] =	vst v11  }
0x2a4: {  	s21 =	sadd.s32 $0x18880, s13;
	[tilespmem:s13+$0x18880] =	vst v11  }
0x2a5: {  	[tilespmem:s21+$0x10] =	vst v11  }
0x2a6: {  	[tilespmem:s21+$0x20] =	vst v11  }
0x2a7: {  	[tilespmem:s21+$0x30] =	vst v11  }
0x2a8: {  	[tilespmem:s21+$0x40] =	vst v11  }
0x2a9: {  	[tilespmem:s21+$0x50] =	vst v11  }
0x2aa: {  	[tilespmem:s21+$0x60] =	vst v11  }
0x2ab: {  	[tilespmem:s21+$0x70] =	vst v11  }
0x2ac: {  	[tilespmem:s21+$0x400] =	vst v11  }
0x2ad: {  	[tilespmem:s21+$0x410] =	vst v11  }
0x2ae: {  	[tilespmem:s21+$0x420] =	vst v11  }
0x2af: {  	[tilespmem:s21+$0x430] =	vst v11  }
0x2b0: {  	[tilespmem:s21+$0x440] =	vst v11  }
0x2b1: {  	[tilespmem:s21+$0x450] =	vst v11  }
0x2b2: {  	p6 =	sgt.s32 s14, $0x0;
	s23 =	rddreg [dreg:$0xe];
	p0 =	sgt.s32 s12, $0x0;
	[tilespmem:s21+$0x460] =	vst v11  }
0x2b3: {  	s13 =	simm.s32 @!p6 $0x0;
	s25 =	simm.s32 @!p0 $0x0;
	[tilespmem:s21+$0x470] =	vst v11;
	s21 =	simm.s32 @!p6 $0x18880  }
0x2b4: {  	[hbm4b:s23+s13] =	stream.linear.scatter @!p6 [tilespmem:s21], [sflag:$0x7], $0x4000, $0x38;
	[tilespmem:$0x1C880] =	vst v63  }
0x2b5: {  	s25 =	simm.s32 @p0 $0x1;
	s23 =	rddreg [dreg:$0xf]  }
0x2b6: {  	[smem:$0x7A1] =	sst s25  }
0x2b7: {  	[hbm4b:s23+s13] =	stream.linear.scatter @!p6 [tilespmem:s21], [sflag:$0x7], $0x4000, $0x38;
	[tilespmem:$0x1C880] =	vst v63  }
0x2b8: {  	s13 =	simm.s32 @!p0 $0x0;
	s21 =	simm.s32 @!p0 $0x18880;
	s23 =	rddreg [dreg:$0x10]  }
0x2b9: {  	[hbm4b:s23+s13] =	stream.linear.scatter @!p0 [tilespmem:s21], [sflag:$0x7], $0x4000, $0x38;
	[tilespmem:$0x1C880] =	vst v63  }
0x2ba: {  	s23 =	rddreg [dreg:$0x11]  }
0x2bb: {  	[hbm4b:s23+s13] =	stream.linear.scatter @!p0 [tilespmem:s21], [sflag:$0x7], $0x4000, $0x38;
	[tilespmem:$0x1C880] =	vst v63  }
0x2bc: {  	p0 =	sgt.s32 s16, $0x0;
	s23 =	rddreg [dreg:$0x12]  }
0x2bd: {  	s13 =	simm.s32 @!p0 $0x0;
	s21 =	simm.s32 @!p0 $0x18880;
	s25 =	simm.s32 @!p0 $0x0  }
0x2be: {  	[hbm4b:s23+s13] =	stream.linear.scatter @!p0 [tilespmem:s21], [sflag:$0x7], $0x4000, $0x38;
	[tilespmem:$0x1C880] =	vst v63  }
0x2bf: {  	s23 =	rddreg [dreg:$0x13];
	s25 =	simm.s32 @p0 $0x1  }
0x2c0: {  	[smem:$0x7A2] =	sst s25  }
0x2c1: {  	[hbm4b:s23+s13] =	stream.linear.scatter @!p0 [tilespmem:s21], [sflag:$0x7], $0x4000, $0x38;
	[tilespmem:$0x1C880] =	vst v63  }
0x2c2: {  	p0 =	sgt.s32 s10, $0x0;
	s23 =	rddreg [dreg:$0x14]  }
0x2c3: {  	s13 =	simm.s32 @!p0 $0x0;
	s21 =	simm.s32 @!p0 $0x18880;
	s25 =	simm.s32 @!p0 $0x0  }
0x2c4: {  	[hbm4b:s23+s13] =	stream.linear.scatter @!p0 [tilespmem:s21], [sflag:$0x7], $0x4000, $0x38;
	[tilespmem:$0x1C880] =	vst v63  }
0x2c5: {  	s23 =	rddreg [dreg:$0x15];
	s25 =	simm.s32 @p0 $0x1  }
0x2c6: {  	[smem:$0x7A3] =	sst s25  }
0x2c7: {  	[hbm4b:s23+s13] =	stream.linear.scatter @!p0 [tilespmem:s21], [sflag:$0x7], $0x4000, $0x38;
	[tilespmem:$0x1C880] =	vst v63  }
0x2c8: {  	p0 =	sgt.s32 s11, $0x0;
	s23 =	rddreg [dreg:$0x16]  }
0x2c9: {  	s13 =	simm.s32 @!p0 $0x0;
	s21 =	simm.s32 @!p0 $0x18880;
	s25 =	simm.s32 @!p0 $0x0  }
0x2ca: {  	[hbm4b:s23+s13] =	stream.linear.scatter @!p0 [tilespmem:s21], [sflag:$0x7], $0x4000, $0x38;
	[tilespmem:$0x1C880] =	vst v63  }
0x2cb: {  	s23 =	rddreg [dreg:$0x17];
	s25 =	simm.s32 @p0 $0x1  }
0x2cc: {  	[smem:$0x7A4] =	sst s25  }
0x2cd: {  	[hbm4b:s23+s13] =	stream.linear.scatter @!p0 [tilespmem:s21], [sflag:$0x7], $0x4000, $0x38;
	[tilespmem:$0x1C880] =	vst v63  }
0x2ce: {  	p0 =	sgt.s32 s9, $0x0;
	s23 =	rddreg [dreg:$0x18]  }
0x2cf: {  	s13 =	simm.s32 @!p0 $0x0;
	s21 =	simm.s32 @!p0 $0x18880;
	s25 =	simm.s32 @!p0 $0x0  }
0x2d0: {  	[hbm4b:s23+s13] =	stream.linear.scatter @!p0 [tilespmem:s21], [sflag:$0x7], $0x4000, $0x38;
	[tilespmem:$0x1C880] =	vst v63  }
0x2d1: {  	s23 =	rddreg [dreg:$0x19];
	s25 =	simm.s32 @p0 $0x1  }
0x2d2: {  	[hbm4b:s23+s13] =	stream.linear.scatter @!p0 [tilespmem:s21], [sflag:$0x7], $0x4000, $0x38;
	[tilespmem:$0x1C880] =	vst v63  }
0x2d3: {  	[smem:$0x7A5] =	sst s25;
	p0 =	sgt.s32 s8, $0x0  }
0x2d4: {  	s23 =	rddreg [dreg:$0x1a];
	s13 =	simm.s32 @!p0 $0x0;
	s21 =	simm.s32 @!p0 $0x18880  }
0x2d5: {  	[hbm4b:s23+s13] =	stream.linear.scatter @!p0 [tilespmem:s21], [sflag:$0x7], $0x4000, $0x38;
	[tilespmem:$0x1C880] =	vst v63  }
0x2d6: {  	s25 =	simm.s32 @!p0 $0x0;
	s23 =	rddreg [dreg:$0x1b]  }
0x2d7: {  	[hbm4b:s23+s13] =	stream.linear.scatter @!p0 [tilespmem:s21], [sflag:$0x7], $0x4000, $0x38;
	[tilespmem:$0x1C880] =	vst v63  }
0x2d8: {  	s25 =	simm.s32 @p0 $0x1;
	p0 =	sgt.s32 s7, $0x0  }
0x2d9: {  	[smem:$0x7A6] =	sst s25;
	s25 =	simm.s32 @!p0 $0x0  }
0x2da: {  	s25 =	simm.s32 @p0 $0x1  }
0x2db: {  	[smem:$0x7A7] =	sst s25  }
0x2dc: {  	s25 =	sld [smem:$0x7AA];
	_ =	sdelay $0x2  }
0x2dd: {  	p4 =	seq.s32 s25, $0x1  }
.Ltmp5:
0x2de: {  	_ = 	snop;
	(pc) =	sbr.rel @p4 .LBB2_13-.Ltmp5, $4  }
0x2df: {  	s23 =	rddreg [dreg:$0x1c];
	s13 =	simm.s32 @!p0 $0x0;
	s21 =	simm.s32 @!p0 $0x18880  }
0x2e0: {  	[hbm4b:s23+s13] =	stream.linear.scatter @!p0 [tilespmem:s21], [sflag:$0x7], $0x4000, $0x38;
	[tilespmem:$0x1C880] =	vst v63  }
0x2e1: {  	s28 =	simm.s32 $0x880;
	s26 =	simm.s32 $0x10880;
	s23 =	rddreg [dreg:$0x1d]  }
0x2e2: {  	[hbm4b:s23+s13] =	stream.linear.scatter @!p0 [tilespmem:s21], [sflag:$0x7], $0x4000, $0x38;
	[tilespmem:$0x1C880] =	vst v63  }
0x2e3: {  	p0 =	sgt.u32 s14, $0x7F  }
.Ltmp6:
0x2e4: {  	_ = 	snop;
	(pc) =	sbr.rel @p0 .LBB2_12-.Ltmp6, $4  }
0x2e5: {  	_ = 	snop  }
0x2e6: {  	_ =	swait.ge [sflag:s15], $0x8000  }
0x2e7: {  	[sflag:s15] =	ssyncset.done $0x0  }
0x2e8: {  	[sflag:s15] =	ssyncadd.s32 $0xFFFF8000  }
0x2e9: {  	s23 =	sld [smem:$0x7D9]  }
0x2ea: {  	s25 =	sld [smem:$0x7DA];
	_ =	sdelay $0x1  }
0x2eb: {  	s13 =	sshll.u32 s20, $0x7;
	s21 =	sshll.u32 s20, $0x8  }
0x2ec: {  	s13 =	sadd.s32 s13, s23;
	s21 =	sadd.s32 s21, s25  }
0x2ed: {  	s23 =	sand.u32 $0x7800, s21;
	s25 =	sand.u32 $0x380, s13  }
0x2ee: {  	s25 =	sor.u32 s25, s23  }
0x2ef: {  	[tilespmem:s25+$0xCF0] =	vst v11  }
0x2f0: {  	[tilespmem:s25+$0x880] =	vst v11  }
0x2f1: {  	[tilespmem:s25+$0x890] =	vst v11  }
0x2f2: {  	s26 =	sld [smem:$0x7D8];
	[tilespmem:s25+$0x8A0] =	vst v11  }
0x2f3: {  	[tilespmem:s25+$0x8B0] =	vst v11  }
0x2f4: {  	[tilespmem:s25+$0x8C0] =	vst v11  }
0x2f5: {  	s26 =	sadd.s32 s20, s26;
	[tilespmem:s25+$0x8D0] =	vst v11  }
0x2f6: {  	s20 =	sadd.s32 $0x1, s26;
	[tilespmem:s25+$0x8E0] =	vst v11  }
0x2f7: {  	p0 =	slt.u32 s20, $0x7F;
	[tilespmem:s25+$0x8F0] =	vst v11  }
.Ltmp7:
0x2f8: {  	[tilespmem:s25+$0xC80] =	vst v11;
	(pc) =	sbr.rel @!p0 .LBB2_11-.Ltmp7, $4  }
0x2f9: {  	[tilespmem:s25+$0xC90] =	vst v11  }
0x2fa: {  	[tilespmem:s25+$0xCA0] =	vst v11  }
0x2fb: {  	[tilespmem:s25+$0xCB0] =	vst v11  }
0x2fc: {  	s26 =	sadd.s32 $0x80, s13;
	s23 =	sadd.s32 $0x100, s21;
	[tilespmem:s25+$0xCC0] =	vst v11  }
.LBB2_10:
0x2fd: {  	s13 =	sand.u32 $0x7800, s23;
	s21 =	sand.u32 $0x380, s26;
	s20 =	sadd.s32 $0x1, s20;
	[tilespmem:s25+$0xCD0] =	vst v11  }
0x2fe: {  	p0 =	slt.u32 s20, $0x7F;
	[tilespmem:s25+$0xCE0] =	vst v11;
	s25 =	sor.u32 s21, s13  }
0x2ff: {  	[tilespmem:s25+$0xCF0] =	vst v11  }
0x300: {  	[tilespmem:s25+$0x880] =	vst v11  }
0x301: {  	[tilespmem:s25+$0x890] =	vst v11  }
0x302: {  	[tilespmem:s25+$0x8A0] =	vst v11  }
0x303: {  	[tilespmem:s25+$0x8B0] =	vst v11  }
0x304: {  	[tilespmem:s25+$0x8C0] =	vst v11  }
0x305: {  	[tilespmem:s25+$0x8D0] =	vst v11  }
0x306: {  	[tilespmem:s25+$0x8E0] =	vst v11  }
0x307: {  	[tilespmem:s25+$0x8F0] =	vst v11  }
.Ltmp8:
0x308: {  	[tilespmem:s25+$0xC80] =	vst v11;
	(pc) =	sbr.rel @p0 .LBB2_10-.Ltmp8, $4  }
0x309: {  	[tilespmem:s25+$0xC90] =	vst v11  }
0x30a: {  	[tilespmem:s25+$0xCA0] =	vst v11  }
0x30b: {  	[tilespmem:s25+$0xCB0] =	vst v11  }
0x30c: {  	s26 =	sadd.s32 $0x80, s26;
	s23 =	sadd.s32 $0x100, s23;
	[tilespmem:s25+$0xCC0] =	vst v11  }
.LBB2_11:
0x30d: {  	[tilespmem:s25+$0xCD0] =	vst v11  }
0x30e: {  	[tilespmem:s25+$0xCE0] =	vst v11;
	s26 =	simm.s32 $0x10880  }
.LBB2_12:
0x30f: {  	s13 =	rddreg [dreg:$0xe]  }
0x310: {  	[hbm4b:s13+s29] =	stream.linear.scatter [tilespmem:s28], [sflag:$0x4], $0x8000, $0x38;
	[tilespmem:$0x1C880] =	vst v63  }
.LBB2_13:
0x311: {  	p1 =	slt.s32 s16, $0x1  }
.Ltmp9:
0x312: {  	_ = 	snop;
	(pc) =	sbr.rel @p1 .LBB2_15-.Ltmp9, $1  }
0x313: {  	_ =	sdelay $0x3  }
0x314: {  	v12 =	vld [tilespmem:$0x500];
	_ =	sdelay $0x4  }
0x315: {  	v13 =	vshll.u32 v12, $0x1  }
0x316: {  	v12 =	vand.u32 $0x7, v12;
	v13 =	vand.u32 $0xFFFFFFF0, v13  }
0x317: {  	v12 =	vor.u32 v12, v13  }
0x318: {  	v13 =	vperm.xlane v12, v8;
	_ =	sdelay $0x1  }
0x319: {  	v12 =	vperm.xlane v12, v10;
	v13 =	vadd.s32 v9, v13;
	_ =	sdelay $0x1  }
0x31a: {  	v12 =	vadd.s32 v9, v12;
	_ =	sdelay $0x2  }
0x31b: {  	[tilespmem:s26], [sflag:$0x3] =	stream.indirect_vreg.gather [hbm4b:s31+s29], $0x80, v13, vm0, $0xb8;
	[tilespmem:$0x1C880] =	vst v63  }
0x31c: {  	s13 =	simm.s32 $0x11080  }
0x31d: {  	[tilespmem:s13], [sflag:$0x3] =	stream.indirect_vreg.gather [hbm4b:s31+s29], $0x80, v12, vm0, $0xb8;
	[tilespmem:$0x1C880] =	vst v63  }
0x31e: {  	v12 =	vld [tilespmem:$0x510];
	_ =	sdelay $0x4  }
0x31f: {  	v57 =	vshll.u32 v12, $0x1  }
0x320: {  	v12 =	vand.u32 $0x7, v12;
	v13 =	vand.u32 $0xFFFFFFF0, v57  }
0x321: {  	v12 =	vor.u32 v12, v13  }
0x322: {  	v13 =	vperm.xlane v12, v8;
	_ =	sdelay $0x1  }
0x323: {  	v12 =	vperm.xlane v12, v10;
	v13 =	vadd.s32 v9, v13;
	_ =	sdelay $0x1  }
0x324: {  	v12 =	vadd.s32 v9, v12;
	_ =	sdelay $0x1  }
0x325: {  	s23 =	simm.s32 $0x11880  }
0x326: {  	[tilespmem:s23], [sflag:$0x3] =	stream.indirect_vreg.gather [hbm4b:s31+s29], $0x80, v13, vm0, $0xb8;
	[tilespmem:$0x1C880] =	vst v63  }
0x327: {  	s25 =	simm.s32 $0x12080  }
0x328: {  	[tilespmem:s25], [sflag:$0x3] =	stream.indirect_vreg.gather [hbm4b:s31+s29], $0x80, v12, vm0, $0xb8;
	[tilespmem:$0x1C880] =	vst v63  }
0x329: {  	v12 =	vld [tilespmem:$0x520];
	_ =	sdelay $0x4  }
0x32a: {  	v58 =	vshll.u32 v12, $0x1  }
0x32b: {  	v12 =	vand.u32 $0x7, v12;
	v13 =	vand.u32 $0xFFFFFFF0, v58  }
0x32c: {  	v12 =	vor.u32 v12, v13  }
0x32d: {  	v13 =	vperm.xlane v12, v8;
	_ =	sdelay $0x1  }
0x32e: {  	v12 =	vperm.xlane v12, v10;
	v13 =	vadd.s32 v9, v13;
	_ =	sdelay $0x1  }
0x32f: {  	v12 =	vadd.s32 v9, v12;
	_ =	sdelay $0x1  }
0x330: {  	s20 =	simm.s32 $0x12880  }
0x331: {  	[tilespmem:s20], [sflag:$0x3] =	stream.indirect_vreg.gather [hbm4b:s31+s29], $0x80, v13, vm0, $0xb8;
	[tilespmem:$0x1C880] =	vst v63  }
0x332: {  	s21 =	simm.s32 $0x13080  }
0x333: {  	[tilespmem:s21], [sflag:$0x3] =	stream.indirect_vreg.gather [hbm4b:s31+s29], $0x80, v12, vm0, $0xb8;
	[tilespmem:$0x1C880] =	vst v63  }
0x334: {  	v12 =	vld [tilespmem:$0x530];
	_ =	sdelay $0x4  }
0x335: {  	v59 =	vshll.u32 v12, $0x1  }
0x336: {  	v12 =	vand.u32 $0x7, v12;
	v13 =	vand.u32 $0xFFFFFFF0, v59  }
0x337: {  	v12 =	vor.u32 v12, v13  }
0x338: {  	v13 =	vperm.xlane v12, v8;
	_ =	sdelay $0x1  }
0x339: {  	v12 =	vperm.xlane v12, v10;
	v13 =	vadd.s32 v9, v13;
	_ =	sdelay $0x1  }
0x33a: {  	v12 =	vadd.s32 v9, v12;
	_ =	sdelay $0x1  }
0x33b: {  	s23 =	simm.s32 $0x13880  }
0x33c: {  	[tilespmem:s23], [sflag:$0x3] =	stream.indirect_vreg.gather [hbm4b:s31+s29], $0x80, v13, vm0, $0xb8;
	[tilespmem:$0x1C880] =	vst v63  }
0x33d: {  	s25 =	simm.s32 $0x14080  }
0x33e: {  	[tilespmem:s25], [sflag:$0x3] =	stream.indirect_vreg.gather [hbm4b:s31+s29], $0x80, v12, vm0, $0xb8;
	[tilespmem:$0x1C880] =	vst v63  }
0x33f: {  	v12 =	vld [tilespmem:$0x540];
	_ =	sdelay $0x4  }
0x340: {  	v60 =	vshll.u32 v12, $0x1  }
0x341: {  	v12 =	vand.u32 $0x7, v12;
	v13 =	vand.u32 $0xFFFFFFF0, v60  }
0x342: {  	v12 =	vor.u32 v12, v13  }
0x343: {  	v13 =	vperm.xlane v12, v8;
	_ =	sdelay $0x1  }
0x344: {  	v12 =	vperm.xlane v12, v10;
	v13 =	vadd.s32 v9, v13;
	_ =	sdelay $0x1  }
0x345: {  	v12 =	vadd.s32 v9, v12;
	_ =	sdelay $0x1  }
0x346: {  	s20 =	simm.s32 $0x14880  }
0x347: {  	[tilespmem:s20], [sflag:$0x3] =	stream.indirect_vreg.gather [hbm4b:s31+s29], $0x80, v13, vm0, $0xb8;
	[tilespmem:$0x1C880] =	vst v63  }
0x348: {  	s21 =	simm.s32 $0x15080  }
0x349: {  	[tilespmem:s21], [sflag:$0x3] =	stream.indirect_vreg.gather [hbm4b:s31+s29], $0x80, v12, vm0, $0xb8;
	[tilespmem:$0x1C880] =	vst v63  }
0x34a: {  	v12 =	vld [tilespmem:$0x550];
	_ =	sdelay $0x4  }
0x34b: {  	v61 =	vshll.u32 v12, $0x1  }
0x34c: {  	v12 =	vand.u32 $0x7, v12;
	v13 =	vand.u32 $0xFFFFFFF0, v61  }
0x34d: {  	v12 =	vor.u32 v12, v13  }
0x34e: {  	v13 =	vperm.xlane v12, v8;
	_ =	sdelay $0x1  }
0x34f: {  	v12 =	vperm.xlane v12, v10;
	v13 =	vadd.s32 v9, v13;
	_ =	sdelay $0x1  }
0x350: {  	v12 =	vadd.s32 v9, v12;
	_ =	sdelay $0x1  }
0x351: {  	s23 =	simm.s32 $0x15880  }
0x352: {  	[tilespmem:s23], [sflag:$0x3] =	stream.indirect_vreg.gather [hbm4b:s31+s29], $0x80, v13, vm0, $0xb8;
	[tilespmem:$0x1C880] =	vst v63  }
0x353: {  	s25 =	simm.s32 $0x16080  }
0x354: {  	[tilespmem:s25], [sflag:$0x3] =	stream.indirect_vreg.gather [hbm4b:s31+s29], $0x80, v12, vm0, $0xb8;
	[tilespmem:$0x1C880] =	vst v63  }
0x355: {  	v12 =	vld [tilespmem:$0x560];
	_ =	sdelay $0x4  }
0x356: {  	v62 =	vshll.u32 v12, $0x1  }
0x357: {  	v12 =	vand.u32 $0x7, v12;
	v13 =	vand.u32 $0xFFFFFFF0, v62  }
0x358: {  	v12 =	vor.u32 v12, v13  }
0x359: {  	v13 =	vperm.xlane v12, v8;
	_ =	sdelay $0x1  }
0x35a: {  	v12 =	vperm.xlane v12, v10;
	v13 =	vadd.s32 v9, v13;
	_ =	sdelay $0x1  }
0x35b: {  	v12 =	vadd.s32 v9, v12;
	_ =	sdelay $0x1  }
0x35c: {  	s20 =	simm.s32 $0x16880  }
0x35d: {  	[tilespmem:s20], [sflag:$0x3] =	stream.indirect_vreg.gather [hbm4b:s31+s29], $0x80, v13, vm0, $0xb8;
	[tilespmem:$0x1C880] =	vst v63  }
0x35e: {  	s21 =	simm.s32 $0x17080  }
0x35f: {  	[tilespmem:s21], [sflag:$0x3] =	stream.indirect_vreg.gather [hbm4b:s31+s29], $0x80, v12, vm0, $0xb8;
	[tilespmem:$0x1C880] =	vst v63  }
0x360: {  	v12 =	vld [tilespmem:$0x570];
	_ =	sdelay $0x4  }
0x361: {  	v63 =	vshll.u32 v12, $0x1  }
0x362: {  	v12 =	vand.u32 $0x7, v12;
	v13 =	vand.u32 $0xFFFFFFF0, v63  }
0x363: {  	v12 =	vor.u32 v12, v13  }
0x364: {  	v13 =	vperm.xlane v12, v8;
	_ =	sdelay $0x1  }
0x365: {  	v12 =	vperm.xlane v12, v10;
	v13 =	vadd.s32 v9, v13;
	_ =	sdelay $0x1  }
0x366: {  	v12 =	vadd.s32 v9, v12;
	_ =	sdelay $0x1  }
0x367: {  	s23 =	simm.s32 $0x17880  }
0x368: {  	[tilespmem:s23], [sflag:$0x3] =	stream.indirect_vreg.gather [hbm4b:s31+s29], $0x80, v13, vm0, $0xb8;
	[tilespmem:$0x1C880] =	vst v63  }
0x369: {  	s25 =	simm.s32 $0x18080  }
0x36a: {  	[tilespmem:s25], [sflag:$0x3] =	stream.indirect_vreg.gather [hbm4b:s31+s29], $0x80, v12, vm0, $0xb8;
	[tilespmem:$0x1C880] =	vst v63  }
.LBB2_15:
0x36b: {  	s13 =	sld [smem:$0x7A8];
	_ =	sdelay $0x2  }
0x36c: {  	p0 =	seq.s32 s13, $0x1  }
.Ltmp10:
0x36d: {  	_ = 	snop;
	(pc) =	sbr.rel @p0 .LBB2_21-.Ltmp10, $1  }
0x36e: {  	_ =	sdelay $0x3  }
0x36f: {  	p0 =	sgt.u32 s12, $0x7F  }
.Ltmp11:
0x370: {  	_ = 	snop;
	(pc) =	sbr.rel @p0 .LBB2_20-.Ltmp11, $4  }
0x371: {  	_ = 	snop  }
0x372: {  	_ =	swait.ge [sflag:s19], $0x8000  }
0x373: {  	[sflag:s19] =	ssyncset.done $0x0  }
0x374: {  	[sflag:s19] =	ssyncadd.s32 $0xFFFF8000  }
0x375: {  	s21 =	sld [smem:$0x7DC]  }
0x376: {  	s23 =	sld [smem:$0x7DD];
	_ =	sdelay $0x1  }
0x377: {  	s13 =	sshll.u32 s18, $0x7;
	s20 =	sshll.u32 s18, $0x8  }
0x378: {  	s13 =	sadd.s32 s13, s21;
	s21 =	sadd.s32 s20, s23  }
0x379: {  	s20 =	sand.u32 $0x7800, s21;
	s23 =	sand.u32 $0x380, s13  }
0x37a: {  	s20 =	sor.u32 s23, s20  }
0x37b: {  	[tilespmem:s20+$0x8CF0] =	vst v11  }
0x37c: {  	[tilespmem:s20+$0x8880] =	vst v11  }
0x37d: {  	[tilespmem:s20+$0x8890] =	vst v11  }
0x37e: {  	s25 =	sld [smem:$0x7DB];
	[tilespmem:s20+$0x88A0] =	vst v11  }
0x37f: {  	[tilespmem:s20+$0x88B0] =	vst v11  }
0x380: {  	[tilespmem:s20+$0x88C0] =	vst v11  }
0x381: {  	s25 =	sadd.s32 s18, s25;
	[tilespmem:s20+$0x88D0] =	vst v11  }
0x382: {  	s18 =	sadd.s32 $0x1, s25;
	[tilespmem:s20+$0x88E0] =	vst v11  }
0x383: {  	p0 =	slt.u32 s18, $0x7F;
	[tilespmem:s20+$0x88F0] =	vst v11  }
.Ltmp12:
0x384: {  	[tilespmem:s20+$0x8C80] =	vst v11;
	(pc) =	sbr.rel @!p0 .LBB2_19-.Ltmp12, $4  }
0x385: {  	[tilespmem:s20+$0x8C90] =	vst v11  }
0x386: {  	[tilespmem:s20+$0x8CA0] =	vst v11  }
0x387: {  	[tilespmem:s20+$0x8CB0] =	vst v11  }
0x388: {  	s25 =	sadd.s32 $0x80, s13;
	s23 =	sadd.s32 $0x100, s21;
	[tilespmem:s20+$0x8CC0] =	vst v11  }
.LBB2_18:
0x389: {  	s13 =	sand.u32 $0x7800, s23;
	s21 =	sand.u32 $0x380, s25;
	s18 =	sadd.s32 $0x1, s18;
	[tilespmem:s20+$0x8CD0] =	vst v11  }
0x38a: {  	p0 =	slt.u32 s18, $0x7F;
	[tilespmem:s20+$0x8CE0] =	vst v11;
	s20 =	sor.u32 s21, s13  }
0x38b: {  	[tilespmem:s20+$0x8CF0] =	vst v11  }
0x38c: {  	[tilespmem:s20+$0x8880] =	vst v11  }
0x38d: {  	[tilespmem:s20+$0x8890] =	vst v11  }
0x38e: {  	[tilespmem:s20+$0x88A0] =	vst v11  }
0x38f: {  	[tilespmem:s20+$0x88B0] =	vst v11  }
0x390: {  	[tilespmem:s20+$0x88C0] =	vst v11  }
0x391: {  	[tilespmem:s20+$0x88D0] =	vst v11  }
0x392: {  	[tilespmem:s20+$0x88E0] =	vst v11  }
0x393: {  	[tilespmem:s20+$0x88F0] =	vst v11  }
.Ltmp13:
0x394: {  	[tilespmem:s20+$0x8C80] =	vst v11;
	(pc) =	sbr.rel @p0 .LBB2_18-.Ltmp13, $4  }
0x395: {  	[tilespmem:s20+$0x8C90] =	vst v11  }
0x396: {  	[tilespmem:s20+$0x8CA0] =	vst v11  }
0x397: {  	[tilespmem:s20+$0x8CB0] =	vst v11  }
0x398: {  	s25 =	sadd.s32 $0x80, s25;
	s23 =	sadd.s32 $0x100, s23;
	[tilespmem:s20+$0x8CC0] =	vst v11  }
.LBB2_19:
0x399: {  	[tilespmem:s20+$0x8CD0] =	vst v11  }
0x39a: {  	[tilespmem:s20+$0x8CE0] =	vst v11  }
.LBB2_20:
0x39b: {  	s13 =	rddreg [dreg:$0x10]  }
0x39c: {  	[hbm4b:s13+s29] =	stream.linear.scatter [tilespmem:s4], [sflag:$0x5], $0x8000, $0x38;
	[tilespmem:$0x1C880] =	vst v63  }
.LBB2_21:
0x39d: {  	p2 =	slt.s32 s10, $0x1  }
0x39e: {  	p0 =	slt.s32 @!p2 s14, $0x1  }
0x39f: {  	p0 =	por p2, p0  }
.Ltmp14:
0x3a0: {  	_ = 	snop;
	(pc) =	sbr.rel @p0 .LBB2_23-.Ltmp14, $1  }
0x3a1: {  	_ =	sdelay $0x3  }
.Ltmp15:
0x3a2: {  	(pc) =	sbr.rel .LBB2_24-.Ltmp15, $4  }
0x3a3: {  	s13 =	simm.s32 $0x4  }
0x3a4: {  	_ =	swait.ge [sflag:s13], $0x8000  }
0x3a5: {  	[sflag:s13] =	ssyncset.done $0x0  }
0x3a6: {  	[sflag:s13] =	ssyncadd.s32 $0xFFFF8000  }
.LBB2_23:
.Ltmp16:
0x3a7: {  	(pc) =	sbr.rel @p2 .LBB2_25-.Ltmp16, $1  }
0x3a8: {  	_ =	sdelay $0x3  }
.LBB2_24:
0x3a9: {  	v12 =	vld [tilespmem:$0x580];
	_ =	sdelay $0x4  }
0x3aa: {  	v13 =	vshll.u32 v12, $0x1  }
0x3ab: {  	v12 =	vand.u32 $0x7, v12;
	v13 =	vand.u32 $0xFFFFFFF0, v13  }
0x3ac: {  	v12 =	vor.u32 v12, v13  }
0x3ad: {  	v13 =	vperm.xlane v12, v8;
	_ =	sdelay $0x1  }
0x3ae: {  	v12 =	vperm.xlane v12, v10;
	v13 =	vadd.s32 v9, v13;
	_ =	sdelay $0x1  }
0x3af: {  	v12 =	vadd.s32 v9, v12;
	_ =	sdelay $0x2  }
0x3b0: {  	[tilespmem:s28], [sflag:$0x1] =	stream.indirect_vreg.gather [hbm4b:s31+s29], $0x80, v13, vm0, $0xb8;
	[tilespmem:$0x1C880] =	vst v63  }
0x3b1: {  	s13 =	simm.s32 $0x1080  }
0x3b2: {  	[tilespmem:s13], [sflag:$0x1] =	stream.indirect_vreg.gather [hbm4b:s31+s29], $0x80, v12, vm0, $0xb8;
	[tilespmem:$0x1C880] =	vst v63  }
0x3b3: {  	v12 =	vld [tilespmem:$0x590];
	_ =	sdelay $0x4  }
0x3b4: {  	v57 =	vshll.u32 v12, $0x1  }
0x3b5: {  	v12 =	vand.u32 $0x7, v12;
	v13 =	vand.u32 $0xFFFFFFF0, v57  }
0x3b6: {  	v12 =	vor.u32 v12, v13  }
0x3b7: {  	v13 =	vperm.xlane v12, v8;
	_ =	sdelay $0x1  }
0x3b8: {  	v12 =	vperm.xlane v12, v10;
	v13 =	vadd.s32 v9, v13;
	_ =	sdelay $0x1  }
0x3b9: {  	v12 =	vadd.s32 v9, v12;
	_ =	sdelay $0x1  }
0x3ba: {  	s23 =	simm.s32 $0x1880  }
0x3bb: {  	[tilespmem:s23], [sflag:$0x1] =	stream.indirect_vreg.gather [hbm4b:s31+s29], $0x80, v13, vm0, $0xb8;
	[tilespmem:$0x1C880] =	vst v63  }
0x3bc: {  	s25 =	simm.s32 $0x2080  }
0x3bd: {  	[tilespmem:s25], [sflag:$0x1] =	stream.indirect_vreg.gather [hbm4b:s31+s29], $0x80, v12, vm0, $0xb8;
	[tilespmem:$0x1C880] =	vst v63  }
0x3be: {  	v12 =	vld [tilespmem:$0x5A0];
	_ =	sdelay $0x4  }
0x3bf: {  	v58 =	vshll.u32 v12, $0x1  }
0x3c0: {  	v12 =	vand.u32 $0x7, v12;
	v13 =	vand.u32 $0xFFFFFFF0, v58  }
0x3c1: {  	v12 =	vor.u32 v12, v13  }
0x3c2: {  	v13 =	vperm.xlane v12, v8;
	_ =	sdelay $0x1  }
0x3c3: {  	v12 =	vperm.xlane v12, v10;
	v13 =	vadd.s32 v9, v13;
	_ =	sdelay $0x1  }
0x3c4: {  	v12 =	vadd.s32 v9, v12;
	_ =	sdelay $0x1  }
0x3c5: {  	s14 =	simm.s32 $0x2880  }
0x3c6: {  	[tilespmem:s14], [sflag:$0x1] =	stream.indirect_vreg.gather [hbm4b:s31+s29], $0x80, v13, vm0, $0xb8;
	[tilespmem:$0x1C880] =	vst v63  }
0x3c7: {  	s18 =	simm.s32 $0x3080  }
0x3c8: {  	[tilespmem:s18], [sflag:$0x1] =	stream.indirect_vreg.gather [hbm4b:s31+s29], $0x80, v12, vm0, $0xb8;
	[tilespmem:$0x1C880] =	vst v63  }
0x3c9: {  	v12 =	vld [tilespmem:$0x5B0];
	_ =	sdelay $0x4  }
0x3ca: {  	v59 =	vshll.u32 v12, $0x1  }
0x3cb: {  	v12 =	vand.u32 $0x7, v12;
	v13 =	vand.u32 $0xFFFFFFF0, v59  }
0x3cc: {  	v12 =	vor.u32 v12, v13  }
0x3cd: {  	v13 =	vperm.xlane v12, v8;
	_ =	sdelay $0x1  }
0x3ce: {  	v12 =	vperm.xlane v12, v10;
	v13 =	vadd.s32 v9, v13;
	_ =	sdelay $0x1  }
0x3cf: {  	v12 =	vadd.s32 v9, v12;
	_ =	sdelay $0x1  }
0x3d0: {  	s20 =	simm.s32 $0x3880  }
0x3d1: {  	[tilespmem:s20], [sflag:$0x1] =	stream.indirect_vreg.gather [hbm4b:s31+s29], $0x80, v13, vm0, $0xb8;
	[tilespmem:$0x1C880] =	vst v63  }
0x3d2: {  	s21 =	simm.s32 $0x4080  }
0x3d3: {  	[tilespmem:s21], [sflag:$0x1] =	stream.indirect_vreg.gather [hbm4b:s31+s29], $0x80, v12, vm0, $0xb8;
	[tilespmem:$0x1C880] =	vst v63  }
0x3d4: {  	v12 =	vld [tilespmem:$0x5C0];
	_ =	sdelay $0x4  }
0x3d5: {  	v60 =	vshll.u32 v12, $0x1  }
0x3d6: {  	v12 =	vand.u32 $0x7, v12;
	v13 =	vand.u32 $0xFFFFFFF0, v60  }
0x3d7: {  	v12 =	vor.u32 v12, v13  }
0x3d8: {  	v13 =	vperm.xlane v12, v8;
	_ =	sdelay $0x1  }
0x3d9: {  	v12 =	vperm.xlane v12, v10;
	v13 =	vadd.s32 v9, v13;
	_ =	sdelay $0x1  }
0x3da: {  	v12 =	vadd.s32 v9, v12;
	_ =	sdelay $0x1  }
0x3db: {  	s23 =	simm.s32 $0x4880  }
0x3dc: {  	[tilespmem:s23], [sflag:$0x1] =	stream.indirect_vreg.gather [hbm4b:s31+s29], $0x80, v13, vm0, $0xb8;
	[tilespmem:$0x1C880] =	vst v63  }
0x3dd: {  	s25 =	simm.s32 $0x5080  }
0x3de: {  	[tilespmem:s25], [sflag:$0x1] =	stream.indirect_vreg.gather [hbm4b:s31+s29], $0x80, v12, vm0, $0xb8;
	[tilespmem:$0x1C880] =	vst v63  }
0x3df: {  	v12 =	vld [tilespmem:$0x5D0];
	_ =	sdelay $0x4  }
0x3e0: {  	v61 =	vshll.u32 v12, $0x1  }
0x3e1: {  	v12 =	vand.u32 $0x7, v12;
	v13 =	vand.u32 $0xFFFFFFF0, v61  }
0x3e2: {  	v12 =	vor.u32 v12, v13  }
0x3e3: {  	v13 =	vperm.xlane v12, v8;
	_ =	sdelay $0x1  }
0x3e4: {  	v12 =	vperm.xlane v12, v10;
	v13 =	vadd.s32 v9, v13;
	_ =	sdelay $0x1  }
0x3e5: {  	v12 =	vadd.s32 v9, v12;
	_ =	sdelay $0x1  }
0x3e6: {  	s14 =	simm.s32 $0x5880  }
0x3e7: {  	[tilespmem:s14], [sflag:$0x1] =	stream.indirect_vreg.gather [hbm4b:s31+s29], $0x80, v13, vm0, $0xb8;
	[tilespmem:$0x1C880] =	vst v63  }
0x3e8: {  	s18 =	simm.s32 $0x6080  }
0x3e9: {  	[tilespmem:s18], [sflag:$0x1] =	stream.indirect_vreg.gather [hbm4b:s31+s29], $0x80, v12, vm0, $0xb8;
	[tilespmem:$0x1C880] =	vst v63  }
0x3ea: {  	v12 =	vld [tilespmem:$0x5E0];
	_ =	sdelay $0x4  }
0x3eb: {  	v62 =	vshll.u32 v12, $0x1  }
0x3ec: {  	v12 =	vand.u32 $0x7, v12;
	v13 =	vand.u32 $0xFFFFFFF0, v62  }
0x3ed: {  	v12 =	vor.u32 v12, v13  }
0x3ee: {  	v13 =	vperm.xlane v12, v8;
	_ =	sdelay $0x1  }
0x3ef: {  	v12 =	vperm.xlane v12, v10;
	v13 =	vadd.s32 v9, v13;
	_ =	sdelay $0x1  }
0x3f0: {  	v12 =	vadd.s32 v9, v12;
	_ =	sdelay $0x1  }
0x3f1: {  	s20 =	simm.s32 $0x6880  }
0x3f2: {  	[tilespmem:s20], [sflag:$0x1] =	stream.indirect_vreg.gather [hbm4b:s31+s29], $0x80, v13, vm0, $0xb8;
	[tilespmem:$0x1C880] =	vst v63  }
0x3f3: {  	s21 =	simm.s32 $0x7080  }
0x3f4: {  	[tilespmem:s21], [sflag:$0x1] =	stream.indirect_vreg.gather [hbm4b:s31+s29], $0x80, v12, vm0, $0xb8;
	[tilespmem:$0x1C880] =	vst v63  }
0x3f5: {  	v12 =	vld [tilespmem:$0x5F0];
	_ =	sdelay $0x4  }
0x3f6: {  	v63 =	vshll.u32 v12, $0x1  }
0x3f7: {  	v12 =	vand.u32 $0x7, v12;
	v13 =	vand.u32 $0xFFFFFFF0, v63  }
0x3f8: {  	v12 =	vor.u32 v12, v13  }
0x3f9: {  	v13 =	vperm.xlane v12, v8;
	_ =	sdelay $0x1  }
0x3fa: {  	v12 =	vperm.xlane v12, v10;
	v13 =	vadd.s32 v9, v13;
	_ =	sdelay $0x1  }
0x3fb: {  	v12 =	vadd.s32 v9, v12;
	_ =	sdelay $0x1  }
0x3fc: {  	s23 =	simm.s32 $0x7880  }
0x3fd: {  	[tilespmem:s23], [sflag:$0x1] =	stream.indirect_vreg.gather [hbm4b:s31+s29], $0x80, v13, vm0, $0xb8;
	[tilespmem:$0x1C880] =	vst v63  }
0x3fe: {  	s25 =	simm.s32 $0x8080  }
0x3ff: {  	[tilespmem:s25], [sflag:$0x1] =	stream.indirect_vreg.gather [hbm4b:s31+s29], $0x80, v12, vm0, $0xb8;
	[tilespmem:$0x1C880] =	vst v63  }
.LBB2_25:
.Ltmp17:
0x400: {  	(pc) =	sbr.rel @p1 .LBB2_31-.Ltmp17, $1  }
0x401: {  	_ =	sdelay $0x3  }
0x402: {  	p0 =	sgt.u32 s16, $0x7F  }
.Ltmp18:
0x403: {  	_ = 	snop;
	(pc) =	sbr.rel @p0 .LBB2_30-.Ltmp18, $4  }
0x404: {  	s13 =	simm.s32 $0x3  }
0x405: {  	_ =	swait.ge [sflag:s13], $0x8000  }
0x406: {  	[sflag:s13] =	ssyncset.done $0x0  }
0x407: {  	[sflag:s13] =	ssyncadd.s32 $0xFFFF8000  }
0x408: {  	s18 =	sld [smem:$0x7DF]  }
0x409: {  	s21 =	sld [smem:$0x7E0];
	_ =	sdelay $0x1  }
0x40a: {  	s13 =	sshll.u32 s22, $0x7;
	s14 =	sshll.u32 s22, $0x8  }
0x40b: {  	s13 =	sadd.s32 s13, s18;
	s21 =	sadd.s32 s14, s21  }
0x40c: {  	s14 =	sand.u32 $0x7800, s21;
	s23 =	sand.u32 $0x380, s13  }
0x40d: {  	s18 =	sor.u32 s23, s14  }
0x40e: {  	s14 =	sadd.s32 $0x10880, s18;
	[tilespmem:s18+$0x10880] =	vst v11  }
0x40f: {  	[tilespmem:s14+$0x10] =	vst v11  }
0x410: {  	[tilespmem:s14+$0x20] =	vst v11  }
0x411: {  	s25 =	sld [smem:$0x7DE];
	[tilespmem:s14+$0x30] =	vst v11  }
0x412: {  	[tilespmem:s14+$0x40] =	vst v11  }
0x413: {  	[tilespmem:s14+$0x50] =	vst v11  }
0x414: {  	s18 =	sadd.s32 s22, s25;
	[tilespmem:s14+$0x60] =	vst v11  }
0x415: {  	[tilespmem:s14+$0x70] =	vst v11;
	s18 =	sadd.s32 $0x1, s18  }
0x416: {  	[tilespmem:s14+$0x400] =	vst v11;
	p0 =	slt.u32 s18, $0x7F  }
.Ltmp19:
0x417: {  	[tilespmem:s14+$0x410] =	vst v11;
	(pc) =	sbr.rel @!p0 .LBB2_29-.Ltmp19, $4  }
0x418: {  	[tilespmem:s14+$0x420] =	vst v11  }
0x419: {  	[tilespmem:s14+$0x430] =	vst v11  }
0x41a: {  	[tilespmem:s14+$0x440] =	vst v11  }
0x41b: {  	s20 =	sadd.s32 $0x80, s13;
	s22 =	sadd.s32 $0x100, s21;
	[tilespmem:s14+$0x450] =	vst v11  }
.LBB2_28:
0x41c: {  	s13 =	sand.u32 $0x7800, s22;
	s21 =	sand.u32 $0x380, s20;
	s18 =	sadd.s32 $0x1, s18;
	[tilespmem:s14+$0x460] =	vst v11  }
0x41d: {  	s13 =	sor.u32 s21, s13;
	p0 =	slt.u32 s18, $0x7F;
	[tilespmem:s14+$0x470] =	vst v11  }
0x41e: {  	s14 =	sadd.s32 $0x10880, s13;
	[tilespmem:s13+$0x10880] =	vst v11  }
0x41f: {  	[tilespmem:s14+$0x10] =	vst v11  }
0x420: {  	[tilespmem:s14+$0x20] =	vst v11  }
0x421: {  	[tilespmem:s14+$0x30] =	vst v11  }
0x422: {  	[tilespmem:s14+$0x40] =	vst v11  }
0x423: {  	[tilespmem:s14+$0x50] =	vst v11  }
0x424: {  	[tilespmem:s14+$0x60] =	vst v11  }
0x425: {  	[tilespmem:s14+$0x70] =	vst v11  }
0x426: {  	[tilespmem:s14+$0x400] =	vst v11  }
.Ltmp20:
0x427: {  	[tilespmem:s14+$0x410] =	vst v11;
	(pc) =	sbr.rel @p0 .LBB2_28-.Ltmp20, $4  }
0x428: {  	[tilespmem:s14+$0x420] =	vst v11  }
0x429: {  	[tilespmem:s14+$0x430] =	vst v11  }
0x42a: {  	[tilespmem:s14+$0x440] =	vst v11  }
0x42b: {  	s20 =	sadd.s32 $0x80, s20;
	s22 =	sadd.s32 $0x100, s22;
	[tilespmem:s14+$0x450] =	vst v11  }
.LBB2_29:
0x42c: {  	[tilespmem:s14+$0x460] =	vst v11  }
0x42d: {  	[tilespmem:s14+$0x470] =	vst v11  }
.LBB2_30:
0x42e: {  	s13 =	rddreg [dreg:$0x12]  }
0x42f: {  	[hbm4b:s13+s29] =	stream.linear.scatter [tilespmem:s26], [sflag:$0x6], $0x8000, $0x38;
	[tilespmem:$0x1C880] =	vst v63  }
.LBB2_31:
0x430: {  	p3 =	slt.s32 s11, $0x1  }
0x431: {  	p0 =	slt.s32 @!p3 s12, $0x1  }
0x432: {  	p0 =	por p3, p0  }
.Ltmp21:
0x433: {  	_ = 	snop;
	(pc) =	sbr.rel @p0 .LBB2_33-.Ltmp21, $1  }
0x434: {  	_ =	sdelay $0x3  }
.Ltmp22:
0x435: {  	(pc) =	sbr.rel .LBB2_34-.Ltmp22, $4  }
0x436: {  	s12 =	simm.s32 $0x5  }
0x437: {  	_ =	swait.ge [sflag:s12], $0x8000  }
0x438: {  	[sflag:s12] =	ssyncset.done $0x0  }
0x439: {  	s22 =	simm.s32 $0x9080;
	[sflag:s12] =	ssyncadd.s32 $0xFFFF8000  }
.LBB2_33:
.Ltmp23:
0x43a: {  	(pc) =	sbr.rel @p3 .LBB2_35-.Ltmp23, $2  }
0x43b: {  	_ =	sdelay $0x2  }
0x43c: {  	s22 =	simm.s32 $0x9080  }
.LBB2_34:
0x43d: {  	v12 =	vld [tilespmem:$0x600];
	_ =	sdelay $0x4  }
0x43e: {  	v13 =	vshll.u32 v12, $0x1  }
0x43f: {  	v12 =	vand.u32 $0x7, v12;
	v13 =	vand.u32 $0xFFFFFFF0, v13  }
0x440: {  	v12 =	vor.u32 v12, v13  }
0x441: {  	v13 =	vperm.xlane v12, v8;
	_ =	sdelay $0x1  }
0x442: {  	v12 =	vperm.xlane v12, v10;
	v13 =	vadd.s32 v9, v13;
	_ =	sdelay $0x1  }
0x443: {  	v12 =	vadd.s32 v9, v12;
	_ =	sdelay $0x2  }
0x444: {  	[tilespmem:s4], [sflag:$0x2] =	stream.indirect_vreg.gather [hbm4b:s31+s29], $0x80, v13, vm0, $0xb8;
	[tilespmem:$0x1C880] =	vst v63  }
0x445: {  	_ = 	snop  }
0x446: {  	[tilespmem:s22], [sflag:$0x2] =	stream.indirect_vreg.gather [hbm4b:s31+s29], $0x80, v12, vm0, $0xb8;
	[tilespmem:$0x1C880] =	vst v63  }
0x447: {  	v12 =	vld [tilespmem:$0x610];
	_ =	sdelay $0x4  }
0x448: {  	v57 =	vshll.u32 v12, $0x1  }
0x449: {  	v12 =	vand.u32 $0x7, v12;
	v13 =	vand.u32 $0xFFFFFFF0, v57  }
0x44a: {  	v12 =	vor.u32 v12, v13  }
0x44b: {  	v13 =	vperm.xlane v12, v8;
	_ =	sdelay $0x1  }
0x44c: {  	v12 =	vperm.xlane v12, v10;
	v13 =	vadd.s32 v9, v13;
	_ =	sdelay $0x1  }
0x44d: {  	v12 =	vadd.s32 v9, v12;
	_ =	sdelay $0x1  }
0x44e: {  	s12 =	simm.s32 $0x9880  }
0x44f: {  	[tilespmem:s12], [sflag:$0x2] =	stream.indirect_vreg.gather [hbm4b:s31+s29], $0x80, v13, vm0, $0xb8;
	[tilespmem:$0x1C880] =	vst v63  }
0x450: {  	s14 =	simm.s32 $0xA080  }
0x451: {  	[tilespmem:s14], [sflag:$0x2] =	stream.indirect_vreg.gather [hbm4b:s31+s29], $0x80, v12, vm0, $0xb8;
	[tilespmem:$0x1C880] =	vst v63  }
0x452: {  	v12 =	vld [tilespmem:$0x620];
	_ =	sdelay $0x4  }
0x453: {  	v58 =	vshll.u32 v12, $0x1  }
0x454: {  	v12 =	vand.u32 $0x7, v12;
	v13 =	vand.u32 $0xFFFFFFF0, v58  }
0x455: {  	v12 =	vor.u32 v12, v13  }
0x456: {  	v13 =	vperm.xlane v12, v8;
	_ =	sdelay $0x1  }
0x457: {  	v12 =	vperm.xlane v12, v10;
	v13 =	vadd.s32 v9, v13;
	_ =	sdelay $0x1  }
0x458: {  	v12 =	vadd.s32 v9, v12;
	_ =	sdelay $0x1  }
0x459: {  	s18 =	simm.s32 $0xA880  }
0x45a: {  	[tilespmem:s18], [sflag:$0x2] =	stream.indirect_vreg.gather [hbm4b:s31+s29], $0x80, v13, vm0, $0xb8;
	[tilespmem:$0x1C880] =	vst v63  }
0x45b: {  	s20 =	simm.s32 $0xB080  }
0x45c: {  	[tilespmem:s20], [sflag:$0x2] =	stream.indirect_vreg.gather [hbm4b:s31+s29], $0x80, v12, vm0, $0xb8;
	[tilespmem:$0x1C880] =	vst v63  }
0x45d: {  	v12 =	vld [tilespmem:$0x630];
	_ =	sdelay $0x4  }
0x45e: {  	v59 =	vshll.u32 v12, $0x1  }
0x45f: {  	v12 =	vand.u32 $0x7, v12;
	v13 =	vand.u32 $0xFFFFFFF0, v59  }
0x460: {  	v12 =	vor.u32 v12, v13  }
0x461: {  	v13 =	vperm.xlane v12, v8;
	_ =	sdelay $0x1  }
0x462: {  	v12 =	vperm.xlane v12, v10;
	v13 =	vadd.s32 v9, v13;
	_ =	sdelay $0x1  }
0x463: {  	v12 =	vadd.s32 v9, v12;
	_ =	sdelay $0x1  }
0x464: {  	s21 =	simm.s32 $0xB880  }
0x465: {  	[tilespmem:s21], [sflag:$0x2] =	stream.indirect_vreg.gather [hbm4b:s31+s29], $0x80, v13, vm0, $0xb8;
	[tilespmem:$0x1C880] =	vst v63  }
0x466: {  	s23 =	simm.s32 $0xC080  }
0x467: {  	[tilespmem:s23], [sflag:$0x2] =	stream.indirect_vreg.gather [hbm4b:s31+s29], $0x80, v12, vm0, $0xb8;
	[tilespmem:$0x1C880] =	vst v63  }
0x468: {  	v12 =	vld [tilespmem:$0x640];
	_ =	sdelay $0x4  }
0x469: {  	v60 =	vshll.u32 v12, $0x1  }
0x46a: {  	v12 =	vand.u32 $0x7, v12;
	v13 =	vand.u32 $0xFFFFFFF0, v60  }
0x46b: {  	v12 =	vor.u32 v12, v13  }
0x46c: {  	v13 =	vperm.xlane v12, v8;
	_ =	sdelay $0x1  }
0x46d: {  	v12 =	vperm.xlane v12, v10;
	v13 =	vadd.s32 v9, v13;
	_ =	sdelay $0x1  }
0x46e: {  	v12 =	vadd.s32 v9, v12;
	_ =	sdelay $0x1  }
0x46f: {  	s25 =	simm.s32 $0xC880  }
0x470: {  	[tilespmem:s25], [sflag:$0x2] =	stream.indirect_vreg.gather [hbm4b:s31+s29], $0x80, v13, vm0, $0xb8;
	[tilespmem:$0x1C880] =	vst v63  }
0x471: {  	s13 =	simm.s32 $0xD080  }
0x472: {  	[tilespmem:s13], [sflag:$0x2] =	stream.indirect_vreg.gather [hbm4b:s31+s29], $0x80, v12, vm0, $0xb8;
	[tilespmem:$0x1C880] =	vst v63  }
0x473: {  	v12 =	vld [tilespmem:$0x650];
	_ =	sdelay $0x4  }
0x474: {  	v61 =	vshll.u32 v12, $0x1  }
0x475: {  	v12 =	vand.u32 $0x7, v12;
	v13 =	vand.u32 $0xFFFFFFF0, v61  }
0x476: {  	v12 =	vor.u32 v12, v13  }
0x477: {  	v13 =	vperm.xlane v12, v8;
	_ =	sdelay $0x1  }
0x478: {  	v12 =	vperm.xlane v12, v10;
	v13 =	vadd.s32 v9, v13;
	_ =	sdelay $0x1  }
0x479: {  	v12 =	vadd.s32 v9, v12;
	_ =	sdelay $0x1  }
0x47a: {  	s14 =	simm.s32 $0xD880  }
0x47b: {  	[tilespmem:s14], [sflag:$0x2] =	stream.indirect_vreg.gather [hbm4b:s31+s29], $0x80, v13, vm0, $0xb8;
	[tilespmem:$0x1C880] =	vst v63  }
0x47c: {  	s18 =	simm.s32 $0xE080  }
0x47d: {  	[tilespmem:s18], [sflag:$0x2] =	stream.indirect_vreg.gather [hbm4b:s31+s29], $0x80, v12, vm0, $0xb8;
	[tilespmem:$0x1C880] =	vst v63  }
0x47e: {  	v12 =	vld [tilespmem:$0x660];
	_ =	sdelay $0x4  }
0x47f: {  	v62 =	vshll.u32 v12, $0x1  }
0x480: {  	v12 =	vand.u32 $0x7, v12;
	v13 =	vand.u32 $0xFFFFFFF0, v62  }
0x481: {  	v12 =	vor.u32 v12, v13  }
0x482: {  	v13 =	vperm.xlane v12, v8;
	_ =	sdelay $0x1  }
0x483: {  	v12 =	vperm.xlane v12, v10;
	v13 =	vadd.s32 v9, v13;
	_ =	sdelay $0x1  }
0x484: {  	v12 =	vadd.s32 v9, v12;
	_ =	sdelay $0x1  }
0x485: {  	s20 =	simm.s32 $0xE880  }
0x486: {  	[tilespmem:s20], [sflag:$0x2] =	stream.indirect_vreg.gather [hbm4b:s31+s29], $0x80, v13, vm0, $0xb8;
	[tilespmem:$0x1C880] =	vst v63  }
0x487: {  	s21 =	simm.s32 $0xF080  }
0x488: {  	[tilespmem:s21], [sflag:$0x2] =	stream.indirect_vreg.gather [hbm4b:s31+s29], $0x80, v12, vm0, $0xb8;
	[tilespmem:$0x1C880] =	vst v63  }
0x489: {  	v12 =	vld [tilespmem:$0x670];
	_ =	sdelay $0x4  }
0x48a: {  	v63 =	vshll.u32 v12, $0x1  }
0x48b: {  	v12 =	vand.u32 $0x7, v12;
	v13 =	vand.u32 $0xFFFFFFF0, v63  }
0x48c: {  	v12 =	vor.u32 v12, v13  }
0x48d: {  	v13 =	vperm.xlane v12, v8;
	_ =	sdelay $0x1  }
0x48e: {  	v12 =	vperm.xlane v12, v10;
	v13 =	vadd.s32 v9, v13;
	_ =	sdelay $0x1  }
0x48f: {  	v12 =	vadd.s32 v9, v12;
	_ =	sdelay $0x1  }
0x490: {  	s23 =	simm.s32 $0xF880  }
0x491: {  	[tilespmem:s23], [sflag:$0x2] =	stream.indirect_vreg.gather [hbm4b:s31+s29], $0x80, v13, vm0, $0xb8;
	[tilespmem:$0x1C880] =	vst v63  }
0x492: {  	s25 =	simm.s32 $0x10080  }
0x493: {  	[tilespmem:s25], [sflag:$0x2] =	stream.indirect_vreg.gather [hbm4b:s31+s29], $0x80, v12, vm0, $0xb8;
	[tilespmem:$0x1C880] =	vst v63  }
.LBB2_35:
.Ltmp24:
0x494: {  	(pc) =	sbr.rel @p2 .LBB2_41-.Ltmp24, $1  }
0x495: {  	_ =	sdelay $0x3  }
0x496: {  	p0 =	sgt.u32 s10, $0x7F  }
.Ltmp25:
0x497: {  	_ = 	snop;
	(pc) =	sbr.rel @p0 .LBB2_40-.Ltmp25, $4  }
0x498: {  	_ = 	snop  }
0x499: {  	_ =	swait.ge [sflag:s15], $0x8000  }
0x49a: {  	[sflag:s15] =	ssyncset.done $0x0  }
0x49b: {  	[sflag:s15] =	ssyncadd.s32 $0xFFFF8000  }
0x49c: {  	s14 =	sld [smem:$0x7E6]  }
0x49d: {  	s23 =	sld [smem:$0x7E7];
	_ =	sdelay $0x1  }
0x49e: {  	s12 =	sshll.u32 s30, $0x7;
	s13 =	sshll.u32 s30, $0x8  }
0x49f: {  	s18 =	sadd.s32 s12, s14;
	s13 =	sadd.s32 s13, s23  }
0x4a0: {  	s12 =	sand.u32 $0x7800, s13;
	s14 =	sand.u32 $0x380, s18  }
0x4a1: {  	s12 =	sor.u32 s14, s12  }
0x4a2: {  	[tilespmem:s12+$0xCF0] =	vst v11  }
0x4a3: {  	[tilespmem:s12+$0x880] =	vst v11  }
0x4a4: {  	[tilespmem:s12+$0x890] =	vst v11  }
0x4a5: {  	s25 =	sld [smem:$0x7E1];
	[tilespmem:s12+$0x8A0] =	vst v11  }
0x4a6: {  	[tilespmem:s12+$0x8B0] =	vst v11  }
0x4a7: {  	[tilespmem:s12+$0x8C0] =	vst v11  }
0x4a8: {  	s14 =	sadd.s32 s30, s25;
	[tilespmem:s12+$0x8D0] =	vst v11  }
0x4a9: {  	[tilespmem:s12+$0x8E0] =	vst v11;
	s14 =	sadd.s32 $0x1, s14  }
0x4aa: {  	[tilespmem:s12+$0x8F0] =	vst v11;
	p0 =	slt.u32 s14, $0x7F  }
.Ltmp26:
0x4ab: {  	[tilespmem:s12+$0xC80] =	vst v11;
	(pc) =	sbr.rel @!p0 .LBB2_39-.Ltmp26, $4  }
0x4ac: {  	[tilespmem:s12+$0xC90] =	vst v11  }
0x4ad: {  	[tilespmem:s12+$0xCA0] =	vst v11  }
0x4ae: {  	[tilespmem:s12+$0xCB0] =	vst v11  }
0x4af: {  	s18 =	sadd.s32 $0x80, s18;
	s20 =	sadd.s32 $0x100, s13;
	[tilespmem:s12+$0xCC0] =	vst v11  }
.LBB2_38:
0x4b0: {  	s13 =	sand.u32 $0x7800, s20;
	s21 =	sand.u32 $0x380, s18;
	s14 =	sadd.s32 $0x1, s14;
	[tilespmem:s12+$0xCD0] =	vst v11  }
0x4b1: {  	p0 =	slt.u32 s14, $0x7F;
	[tilespmem:s12+$0xCE0] =	vst v11;
	s12 =	sor.u32 s21, s13  }
0x4b2: {  	[tilespmem:s12+$0xCF0] =	vst v11  }
0x4b3: {  	[tilespmem:s12+$0x880] =	vst v11  }
0x4b4: {  	[tilespmem:s12+$0x890] =	vst v11  }
0x4b5: {  	[tilespmem:s12+$0x8A0] =	vst v11  }
0x4b6: {  	[tilespmem:s12+$0x8B0] =	vst v11  }
0x4b7: {  	[tilespmem:s12+$0x8C0] =	vst v11  }
0x4b8: {  	[tilespmem:s12+$0x8D0] =	vst v11  }
0x4b9: {  	[tilespmem:s12+$0x8E0] =	vst v11  }
0x4ba: {  	[tilespmem:s12+$0x8F0] =	vst v11  }
.Ltmp27:
0x4bb: {  	[tilespmem:s12+$0xC80] =	vst v11;
	(pc) =	sbr.rel @p0 .LBB2_38-.Ltmp27, $4  }
0x4bc: {  	[tilespmem:s12+$0xC90] =	vst v11  }
0x4bd: {  	[tilespmem:s12+$0xCA0] =	vst v11  }
0x4be: {  	[tilespmem:s12+$0xCB0] =	vst v11  }
0x4bf: {  	s18 =	sadd.s32 $0x80, s18;
	s20 =	sadd.s32 $0x100, s20;
	[tilespmem:s12+$0xCC0] =	vst v11  }
.LBB2_39:
0x4c0: {  	[tilespmem:s12+$0xCD0] =	vst v11  }
0x4c1: {  	[tilespmem:s12+$0xCE0] =	vst v11  }
.LBB2_40:
0x4c2: {  	s12 =	rddreg [dreg:$0x14]  }
0x4c3: {  	[hbm4b:s12+s29] =	stream.linear.scatter [tilespmem:s28], [sflag:$0x4], $0x8000, $0x38;
	[tilespmem:$0x1C880] =	vst v63  }
.LBB2_41:
0x4c4: {  	s12 =	simm.s32 @!p1 $0x0;
	p0 =	slt.s32 s9, $0x1  }
0x4c5: {  	s12 =	simm.s32 @p1 $0x1;
	p1 =	slt.s32 @!p0 s16, $0x1  }
0x4c6: {  	p1 =	por p0, p1  }
.Ltmp28:
0x4c7: {  	_ = 	snop;
	(pc) =	sbr.rel @p1 .LBB2_43-.Ltmp28, $2  }
0x4c8: {  	_ =	sdelay $0x2  }
0x4c9: {  	[smem:$0x7A0] =	sst s12  }
.Ltmp29:
0x4ca: {  	(pc) =	sbr.rel .LBB2_44-.Ltmp29, $4  }
0x4cb: {  	s12 =	simm.s32 $0x6  }
0x4cc: {  	_ =	swait.ge [sflag:s12], $0x8000  }
0x4cd: {  	[sflag:s12] =	ssyncset.done $0x0  }
0x4ce: {  	[sflag:s12] =	ssyncadd.s32 $0xFFFF8000  }
.LBB2_43:
.Ltmp30:
0x4cf: {  	(pc) =	sbr.rel @p0 .LBB2_45-.Ltmp30, $1  }
0x4d0: {  	_ =	sdelay $0x3  }
.LBB2_44:
0x4d1: {  	v12 =	vld [tilespmem:$0x680];
	_ =	sdelay $0x4  }
0x4d2: {  	v13 =	vshll.u32 v12, $0x1  }
0x4d3: {  	v12 =	vand.u32 $0x7, v12;
	v13 =	vand.u32 $0xFFFFFFF0, v13  }
0x4d4: {  	v12 =	vor.u32 v12, v13  }
0x4d5: {  	v13 =	vperm.xlane v12, v8;
	_ =	sdelay $0x1  }
0x4d6: {  	v12 =	vperm.xlane v12, v10;
	v13 =	vadd.s32 v9, v13;
	_ =	sdelay $0x1  }
0x4d7: {  	v12 =	vadd.s32 v9, v12;
	_ =	sdelay $0x2  }
0x4d8: {  	[tilespmem:s26], [sflag:$0x3] =	stream.indirect_vreg.gather [hbm4b:s31+s29], $0x80, v13, vm0, $0xb8;
	[tilespmem:$0x1C880] =	vst v63  }
0x4d9: {  	s12 =	simm.s32 $0x11080  }
0x4da: {  	[tilespmem:s12], [sflag:$0x3] =	stream.indirect_vreg.gather [hbm4b:s31+s29], $0x80, v12, vm0, $0xb8;
	[tilespmem:$0x1C880] =	vst v63  }
0x4db: {  	v12 =	vld [tilespmem:$0x690];
	_ =	sdelay $0x4  }
0x4dc: {  	v57 =	vshll.u32 v12, $0x1  }
0x4dd: {  	v12 =	vand.u32 $0x7, v12;
	v13 =	vand.u32 $0xFFFFFFF0, v57  }
0x4de: {  	v12 =	vor.u32 v12, v13  }
0x4df: {  	v13 =	vperm.xlane v12, v8;
	_ =	sdelay $0x1  }
0x4e0: {  	v12 =	vperm.xlane v12, v10;
	v13 =	vadd.s32 v9, v13;
	_ =	sdelay $0x1  }
0x4e1: {  	v12 =	vadd.s32 v9, v12;
	_ =	sdelay $0x1  }
0x4e2: {  	s20 =	simm.s32 $0x11880  }
0x4e3: {  	[tilespmem:s20], [sflag:$0x3] =	stream.indirect_vreg.gather [hbm4b:s31+s29], $0x80, v13, vm0, $0xb8;
	[tilespmem:$0x1C880] =	vst v63  }
0x4e4: {  	s21 =	simm.s32 $0x12080  }
0x4e5: {  	[tilespmem:s21], [sflag:$0x3] =	stream.indirect_vreg.gather [hbm4b:s31+s29], $0x80, v12, vm0, $0xb8;
	[tilespmem:$0x1C880] =	vst v63  }
0x4e6: {  	v12 =	vld [tilespmem:$0x6A0];
	_ =	sdelay $0x4  }
0x4e7: {  	v58 =	vshll.u32 v12, $0x1  }
0x4e8: {  	v12 =	vand.u32 $0x7, v12;
	v13 =	vand.u32 $0xFFFFFFF0, v58  }
0x4e9: {  	v12 =	vor.u32 v12, v13  }
0x4ea: {  	v13 =	vperm.xlane v12, v8;
	_ =	sdelay $0x1  }
0x4eb: {  	v12 =	vperm.xlane v12, v10;
	v13 =	vadd.s32 v9, v13;
	_ =	sdelay $0x1  }
0x4ec: {  	v12 =	vadd.s32 v9, v12;
	_ =	sdelay $0x1  }
0x4ed: {  	s23 =	simm.s32 $0x12880  }
0x4ee: {  	[tilespmem:s23], [sflag:$0x3] =	stream.indirect_vreg.gather [hbm4b:s31+s29], $0x80, v13, vm0, $0xb8;
	[tilespmem:$0x1C880] =	vst v63  }
0x4ef: {  	s25 =	simm.s32 $0x13080  }
0x4f0: {  	[tilespmem:s25], [sflag:$0x3] =	stream.indirect_vreg.gather [hbm4b:s31+s29], $0x80, v12, vm0, $0xb8;
	[tilespmem:$0x1C880] =	vst v63  }
0x4f1: {  	v12 =	vld [tilespmem:$0x6B0];
	_ =	sdelay $0x4  }
0x4f2: {  	v59 =	vshll.u32 v12, $0x1  }
0x4f3: {  	v12 =	vand.u32 $0x7, v12;
	v13 =	vand.u32 $0xFFFFFFF0, v59  }
0x4f4: {  	v12 =	vor.u32 v12, v13  }
0x4f5: {  	v13 =	vperm.xlane v12, v8;
	_ =	sdelay $0x1  }
0x4f6: {  	v12 =	vperm.xlane v12, v10;
	v13 =	vadd.s32 v9, v13;
	_ =	sdelay $0x1  }
0x4f7: {  	v12 =	vadd.s32 v9, v12;
	_ =	sdelay $0x1  }
0x4f8: {  	s30 =	simm.s32 $0x13880  }
0x4f9: {  	[tilespmem:s30], [sflag:$0x3] =	stream.indirect_vreg.gather [hbm4b:s31+s29], $0x80, v13, vm0, $0xb8;
	[tilespmem:$0x1C880] =	vst v63  }
0x4fa: {  	s13 =	simm.s32 $0x14080  }
0x4fb: {  	[tilespmem:s13], [sflag:$0x3] =	stream.indirect_vreg.gather [hbm4b:s31+s29], $0x80, v12, vm0, $0xb8;
	[tilespmem:$0x1C880] =	vst v63  }
0x4fc: {  	v12 =	vld [tilespmem:$0x6C0];
	_ =	sdelay $0x4  }
0x4fd: {  	v60 =	vshll.u32 v12, $0x1  }
0x4fe: {  	v12 =	vand.u32 $0x7, v12;
	v13 =	vand.u32 $0xFFFFFFF0, v60  }
0x4ff: {  	v12 =	vor.u32 v12, v13  }
0x500: {  	v13 =	vperm.xlane v12, v8;
	_ =	sdelay $0x1  }
0x501: {  	v12 =	vperm.xlane v12, v10;
	v13 =	vadd.s32 v9, v13;
	_ =	sdelay $0x1  }
0x502: {  	v12 =	vadd.s32 v9, v12;
	_ =	sdelay $0x1  }
0x503: {  	s14 =	simm.s32 $0x14880  }
0x504: {  	[tilespmem:s14], [sflag:$0x3] =	stream.indirect_vreg.gather [hbm4b:s31+s29], $0x80, v13, vm0, $0xb8;
	[tilespmem:$0x1C880] =	vst v63  }
0x505: {  	s16 =	simm.s32 $0x15080  }
0x506: {  	[tilespmem:s16], [sflag:$0x3] =	stream.indirect_vreg.gather [hbm4b:s31+s29], $0x80, v12, vm0, $0xb8;
	[tilespmem:$0x1C880] =	vst v63  }
0x507: {  	v12 =	vld [tilespmem:$0x6D0];
	_ =	sdelay $0x4  }
0x508: {  	v61 =	vshll.u32 v12, $0x1  }
0x509: {  	v12 =	vand.u32 $0x7, v12;
	v13 =	vand.u32 $0xFFFFFFF0, v61  }
0x50a: {  	v12 =	vor.u32 v12, v13  }
0x50b: {  	v13 =	vperm.xlane v12, v8;
	_ =	sdelay $0x1  }
0x50c: {  	v12 =	vperm.xlane v12, v10;
	v13 =	vadd.s32 v9, v13;
	_ =	sdelay $0x1  }
0x50d: {  	v12 =	vadd.s32 v9, v12;
	_ =	sdelay $0x1  }
0x50e: {  	s18 =	simm.s32 $0x15880  }
0x50f: {  	[tilespmem:s18], [sflag:$0x3] =	stream.indirect_vreg.gather [hbm4b:s31+s29], $0x80, v13, vm0, $0xb8;
	[tilespmem:$0x1C880] =	vst v63  }
0x510: {  	s20 =	simm.s32 $0x16080  }
0x511: {  	[tilespmem:s20], [sflag:$0x3] =	stream.indirect_vreg.gather [hbm4b:s31+s29], $0x80, v12, vm0, $0xb8;
	[tilespmem:$0x1C880] =	vst v63  }
0x512: {  	v12 =	vld [tilespmem:$0x6E0];
	_ =	sdelay $0x4  }
0x513: {  	v62 =	vshll.u32 v12, $0x1  }
0x514: {  	v12 =	vand.u32 $0x7, v12;
	v13 =	vand.u32 $0xFFFFFFF0, v62  }
0x515: {  	v12 =	vor.u32 v12, v13  }
0x516: {  	v13 =	vperm.xlane v12, v8;
	_ =	sdelay $0x1  }
0x517: {  	v12 =	vperm.xlane v12, v10;
	v13 =	vadd.s32 v9, v13;
	_ =	sdelay $0x1  }
0x518: {  	v12 =	vadd.s32 v9, v12;
	_ =	sdelay $0x1  }
0x519: {  	s21 =	simm.s32 $0x16880  }
0x51a: {  	[tilespmem:s21], [sflag:$0x3] =	stream.indirect_vreg.gather [hbm4b:s31+s29], $0x80, v13, vm0, $0xb8;
	[tilespmem:$0x1C880] =	vst v63  }
0x51b: {  	s23 =	simm.s32 $0x17080  }
0x51c: {  	[tilespmem:s23], [sflag:$0x3] =	stream.indirect_vreg.gather [hbm4b:s31+s29], $0x80, v12, vm0, $0xb8;
	[tilespmem:$0x1C880] =	vst v63  }
0x51d: {  	v12 =	vld [tilespmem:$0x6F0];
	_ =	sdelay $0x4  }
0x51e: {  	v63 =	vshll.u32 v12, $0x1  }
0x51f: {  	v12 =	vand.u32 $0x7, v12;
	v13 =	vand.u32 $0xFFFFFFF0, v63  }
0x520: {  	v12 =	vor.u32 v12, v13  }
0x521: {  	v13 =	vperm.xlane v12, v8;
	_ =	sdelay $0x1  }
0x522: {  	v12 =	vperm.xlane v12, v10;
	v13 =	vadd.s32 v9, v13;
	_ =	sdelay $0x1  }
0x523: {  	v12 =	vadd.s32 v9, v12;
	_ =	sdelay $0x1  }
0x524: {  	s25 =	simm.s32 $0x17880  }
0x525: {  	[tilespmem:s25], [sflag:$0x3] =	stream.indirect_vreg.gather [hbm4b:s31+s29], $0x80, v13, vm0, $0xb8;
	[tilespmem:$0x1C880] =	vst v63  }
0x526: {  	s30 =	simm.s32 $0x18080  }
0x527: {  	[tilespmem:s30], [sflag:$0x3] =	stream.indirect_vreg.gather [hbm4b:s31+s29], $0x80, v12, vm0, $0xb8;
	[tilespmem:$0x1C880] =	vst v63  }
.LBB2_45:
.Ltmp31:
0x528: {  	(pc) =	sbr.rel @p3 .LBB2_51-.Ltmp31, $1  }
0x529: {  	_ =	sdelay $0x3  }
0x52a: {  	p1 =	sgt.u32 s11, $0x7F  }
.Ltmp32:
0x52b: {  	_ = 	snop;
	(pc) =	sbr.rel @p1 .LBB2_50-.Ltmp32, $4  }
0x52c: {  	_ = 	snop  }
0x52d: {  	_ =	swait.ge [sflag:s19], $0x8000  }
0x52e: {  	[sflag:s19] =	ssyncset.done $0x0  }
0x52f: {  	[sflag:s19] =	ssyncadd.s32 $0xFFFF8000  }
0x530: {  	s14 =	sld [smem:$0x7E9]  }
0x531: {  	s23 =	sld [smem:$0x7EA];
	_ =	sdelay $0x1  }
0x532: {  	s12 =	sshll.u32 s2, $0x7;
	s13 =	sshll.u32 s2, $0x8  }
0x533: {  	s14 =	sadd.s32 s12, s14;
	s13 =	sadd.s32 s13, s23  }
0x534: {  	s12 =	sand.u32 $0x7800, s13;
	s16 =	sand.u32 $0x380, s14  }
0x535: {  	s12 =	sor.u32 s16, s12  }
0x536: {  	[tilespmem:s12+$0x8CF0] =	vst v11  }
0x537: {  	[tilespmem:s12+$0x8880] =	vst v11  }
0x538: {  	[tilespmem:s12+$0x8890] =	vst v11  }
0x539: {  	s25 =	sld [smem:$0x7E8];
	[tilespmem:s12+$0x88A0] =	vst v11  }
0x53a: {  	[tilespmem:s12+$0x88B0] =	vst v11  }
0x53b: {  	[tilespmem:s12+$0x88C0] =	vst v11  }
0x53c: {  	s30 =	sadd.s32 s2, s25;
	[tilespmem:s12+$0x88D0] =	vst v11  }
0x53d: {  	s2 =	sadd.s32 $0x1, s30;
	[tilespmem:s12+$0x88E0] =	vst v11  }
0x53e: {  	p1 =	slt.u32 s2, $0x7F;
	[tilespmem:s12+$0x88F0] =	vst v11  }
.Ltmp33:
0x53f: {  	[tilespmem:s12+$0x8C80] =	vst v11;
	(pc) =	sbr.rel @!p1 .LBB2_49-.Ltmp33, $4  }
0x540: {  	[tilespmem:s12+$0x8C90] =	vst v11  }
0x541: {  	[tilespmem:s12+$0x8CA0] =	vst v11  }
0x542: {  	[tilespmem:s12+$0x8CB0] =	vst v11  }
0x543: {  	s14 =	sadd.s32 $0x80, s14;
	s16 =	sadd.s32 $0x100, s13;
	[tilespmem:s12+$0x8CC0] =	vst v11  }
.LBB2_48:
0x544: {  	s13 =	sand.u32 $0x7800, s16;
	s18 =	sand.u32 $0x380, s14;
	s2 =	sadd.s32 $0x1, s2;
	[tilespmem:s12+$0x8CD0] =	vst v11  }
0x545: {  	p1 =	slt.u32 s2, $0x7F;
	[tilespmem:s12+$0x8CE0] =	vst v11;
	s12 =	sor.u32 s18, s13  }
0x546: {  	[tilespmem:s12+$0x8CF0] =	vst v11  }
0x547: {  	[tilespmem:s12+$0x8880] =	vst v11  }
0x548: {  	[tilespmem:s12+$0x8890] =	vst v11  }
0x549: {  	[tilespmem:s12+$0x88A0] =	vst v11  }
0x54a: {  	[tilespmem:s12+$0x88B0] =	vst v11  }
0x54b: {  	[tilespmem:s12+$0x88C0] =	vst v11  }
0x54c: {  	[tilespmem:s12+$0x88D0] =	vst v11  }
0x54d: {  	[tilespmem:s12+$0x88E0] =	vst v11  }
0x54e: {  	[tilespmem:s12+$0x88F0] =	vst v11  }
.Ltmp34:
0x54f: {  	[tilespmem:s12+$0x8C80] =	vst v11;
	(pc) =	sbr.rel @p1 .LBB2_48-.Ltmp34, $4  }
0x550: {  	[tilespmem:s12+$0x8C90] =	vst v11  }
0x551: {  	[tilespmem:s12+$0x8CA0] =	vst v11  }
0x552: {  	[tilespmem:s12+$0x8CB0] =	vst v11  }
0x553: {  	s14 =	sadd.s32 $0x80, s14;
	s16 =	sadd.s32 $0x100, s16;
	[tilespmem:s12+$0x8CC0] =	vst v11  }
.LBB2_49:
0x554: {  	[tilespmem:s12+$0x8CD0] =	vst v11  }
0x555: {  	[tilespmem:s12+$0x8CE0] =	vst v11  }
.LBB2_50:
0x556: {  	s2 =	rddreg [dreg:$0x16]  }
0x557: {  	[hbm4b:s2+s29] =	stream.linear.scatter [tilespmem:s4], [sflag:$0x5], $0x8000, $0x38;
	[tilespmem:$0x1C880] =	vst v63  }
.LBB2_51:
0x558: {  	s2 =	simm.s32 @!p2 $0x0;
	p1 =	slt.s32 s8, $0x1  }
0x559: {  	s2 =	simm.s32 @p2 $0x1;
	p2 =	slt.s32 @!p1 s10, $0x1  }
0x55a: {  	p2 =	por p1, p2  }
.Ltmp35:
0x55b: {  	_ = 	snop;
	(pc) =	sbr.rel @p2 .LBB2_53-.Ltmp35, $2  }
0x55c: {  	_ =	sdelay $0x2  }
0x55d: {  	[smem:$0x79F] =	sst s2  }
.Ltmp36:
0x55e: {  	(pc) =	sbr.rel .LBB2_54-.Ltmp36, $4  }
0x55f: {  	s2 =	simm.s32 $0x4  }
0x560: {  	_ =	swait.ge [sflag:s2], $0x8000  }
0x561: {  	[sflag:s2] =	ssyncset.done $0x0  }
0x562: {  	[sflag:s2] =	ssyncadd.s32 $0xFFFF8000  }
.LBB2_53:
.Ltmp37:
0x563: {  	(pc) =	sbr.rel @p1 .LBB2_55-.Ltmp37, $1  }
0x564: {  	_ =	sdelay $0x3  }
.LBB2_54:
0x565: {  	v12 =	vld [tilespmem:$0x700];
	_ =	sdelay $0x4  }
0x566: {  	v13 =	vshll.u32 v12, $0x1  }
0x567: {  	v12 =	vand.u32 $0x7, v12;
	v13 =	vand.u32 $0xFFFFFFF0, v13  }
0x568: {  	v12 =	vor.u32 v12, v13  }
0x569: {  	v13 =	vperm.xlane v12, v8;
	_ =	sdelay $0x1  }
0x56a: {  	v12 =	vperm.xlane v12, v10;
	v13 =	vadd.s32 v9, v13;
	_ =	sdelay $0x1  }
0x56b: {  	v12 =	vadd.s32 v9, v12;
	_ =	sdelay $0x2  }
0x56c: {  	[tilespmem:s28], [sflag:$0x1] =	stream.indirect_vreg.gather [hbm4b:s31+s29], $0x80, v13, vm0, $0xb8;
	[tilespmem:$0x1C880] =	vst v63  }
0x56d: {  	s2 =	simm.s32 $0x1080  }
0x56e: {  	[tilespmem:s2], [sflag:$0x1] =	stream.indirect_vreg.gather [hbm4b:s31+s29], $0x80, v12, vm0, $0xb8;
	[tilespmem:$0x1C880] =	vst v63  }
0x56f: {  	v12 =	vld [tilespmem:$0x710];
	_ =	sdelay $0x4  }
0x570: {  	v57 =	vshll.u32 v12, $0x1  }
0x571: {  	v12 =	vand.u32 $0x7, v12;
	v13 =	vand.u32 $0xFFFFFFF0, v57  }
0x572: {  	v12 =	vor.u32 v12, v13  }
0x573: {  	v13 =	vperm.xlane v12, v8;
	_ =	sdelay $0x1  }
0x574: {  	v12 =	vperm.xlane v12, v10;
	v13 =	vadd.s32 v9, v13;
	_ =	sdelay $0x1  }
0x575: {  	v12 =	vadd.s32 v9, v12;
	_ =	sdelay $0x1  }
0x576: {  	s21 =	simm.s32 $0x1880  }
0x577: {  	[tilespmem:s21], [sflag:$0x1] =	stream.indirect_vreg.gather [hbm4b:s31+s29], $0x80, v13, vm0, $0xb8;
	[tilespmem:$0x1C880] =	vst v63  }
0x578: {  	s23 =	simm.s32 $0x2080  }
0x579: {  	[tilespmem:s23], [sflag:$0x1] =	stream.indirect_vreg.gather [hbm4b:s31+s29], $0x80, v12, vm0, $0xb8;
	[tilespmem:$0x1C880] =	vst v63  }
0x57a: {  	v12 =	vld [tilespmem:$0x720];
	_ =	sdelay $0x4  }
0x57b: {  	v58 =	vshll.u32 v12, $0x1  }
0x57c: {  	v12 =	vand.u32 $0x7, v12;
	v13 =	vand.u32 $0xFFFFFFF0, v58  }
0x57d: {  	v12 =	vor.u32 v12, v13  }
0x57e: {  	v13 =	vperm.xlane v12, v8;
	_ =	sdelay $0x1  }
0x57f: {  	v12 =	vperm.xlane v12, v10;
	v13 =	vadd.s32 v9, v13;
	_ =	sdelay $0x1  }
0x580: {  	v12 =	vadd.s32 v9, v12;
	_ =	sdelay $0x1  }
0x581: {  	s25 =	simm.s32 $0x2880  }
0x582: {  	[tilespmem:s25], [sflag:$0x1] =	stream.indirect_vreg.gather [hbm4b:s31+s29], $0x80, v13, vm0, $0xb8;
	[tilespmem:$0x1C880] =	vst v63  }
0x583: {  	s30 =	simm.s32 $0x3080  }
0x584: {  	[tilespmem:s30], [sflag:$0x1] =	stream.indirect_vreg.gather [hbm4b:s31+s29], $0x80, v12, vm0, $0xb8;
	[tilespmem:$0x1C880] =	vst v63  }
0x585: {  	v12 =	vld [tilespmem:$0x730];
	_ =	sdelay $0x4  }
0x586: {  	v59 =	vshll.u32 v12, $0x1  }
0x587: {  	v12 =	vand.u32 $0x7, v12;
	v13 =	vand.u32 $0xFFFFFFF0, v59  }
0x588: {  	v12 =	vor.u32 v12, v13  }
0x589: {  	v13 =	vperm.xlane v12, v8;
	_ =	sdelay $0x1  }
0x58a: {  	v12 =	vperm.xlane v12, v10;
	v13 =	vadd.s32 v9, v13;
	_ =	sdelay $0x1  }
0x58b: {  	v12 =	vadd.s32 v9, v12;
	_ =	sdelay $0x1  }
0x58c: {  	s12 =	simm.s32 $0x3880  }
0x58d: {  	[tilespmem:s12], [sflag:$0x1] =	stream.indirect_vreg.gather [hbm4b:s31+s29], $0x80, v13, vm0, $0xb8;
	[tilespmem:$0x1C880] =	vst v63  }
0x58e: {  	s13 =	simm.s32 $0x4080  }
0x58f: {  	[tilespmem:s13], [sflag:$0x1] =	stream.indirect_vreg.gather [hbm4b:s31+s29], $0x80, v12, vm0, $0xb8;
	[tilespmem:$0x1C880] =	vst v63  }
0x590: {  	v12 =	vld [tilespmem:$0x740];
	_ =	sdelay $0x4  }
0x591: {  	v60 =	vshll.u32 v12, $0x1  }
0x592: {  	v12 =	vand.u32 $0x7, v12;
	v13 =	vand.u32 $0xFFFFFFF0, v60  }
0x593: {  	v12 =	vor.u32 v12, v13  }
0x594: {  	v13 =	vperm.xlane v12, v8;
	_ =	sdelay $0x1  }
0x595: {  	v12 =	vperm.xlane v12, v10;
	v13 =	vadd.s32 v9, v13;
	_ =	sdelay $0x1  }
0x596: {  	v12 =	vadd.s32 v9, v12;
	_ =	sdelay $0x1  }
0x597: {  	s14 =	simm.s32 $0x4880  }
0x598: {  	[tilespmem:s14], [sflag:$0x1] =	stream.indirect_vreg.gather [hbm4b:s31+s29], $0x80, v13, vm0, $0xb8;
	[tilespmem:$0x1C880] =	vst v63  }
0x599: {  	s16 =	simm.s32 $0x5080  }
0x59a: {  	[tilespmem:s16], [sflag:$0x1] =	stream.indirect_vreg.gather [hbm4b:s31+s29], $0x80, v12, vm0, $0xb8;
	[tilespmem:$0x1C880] =	vst v63  }
0x59b: {  	v12 =	vld [tilespmem:$0x750];
	_ =	sdelay $0x4  }
0x59c: {  	v61 =	vshll.u32 v12, $0x1  }
0x59d: {  	v12 =	vand.u32 $0x7, v12;
	v13 =	vand.u32 $0xFFFFFFF0, v61  }
0x59e: {  	v12 =	vor.u32 v12, v13  }
0x59f: {  	v13 =	vperm.xlane v12, v8;
	_ =	sdelay $0x1  }
0x5a0: {  	v12 =	vperm.xlane v12, v10;
	v13 =	vadd.s32 v9, v13;
	_ =	sdelay $0x1  }
0x5a1: {  	v12 =	vadd.s32 v9, v12;
	_ =	sdelay $0x1  }
0x5a2: {  	s18 =	simm.s32 $0x5880  }
0x5a3: {  	[tilespmem:s18], [sflag:$0x1] =	stream.indirect_vreg.gather [hbm4b:s31+s29], $0x80, v13, vm0, $0xb8;
	[tilespmem:$0x1C880] =	vst v63  }
0x5a4: {  	s20 =	simm.s32 $0x6080  }
0x5a5: {  	[tilespmem:s20], [sflag:$0x1] =	stream.indirect_vreg.gather [hbm4b:s31+s29], $0x80, v12, vm0, $0xb8;
	[tilespmem:$0x1C880] =	vst v63  }
0x5a6: {  	v12 =	vld [tilespmem:$0x760];
	_ =	sdelay $0x4  }
0x5a7: {  	v62 =	vshll.u32 v12, $0x1  }
0x5a8: {  	v12 =	vand.u32 $0x7, v12;
	v13 =	vand.u32 $0xFFFFFFF0, v62  }
0x5a9: {  	v12 =	vor.u32 v12, v13  }
0x5aa: {  	v13 =	vperm.xlane v12, v8;
	_ =	sdelay $0x1  }
0x5ab: {  	v12 =	vperm.xlane v12, v10;
	v13 =	vadd.s32 v9, v13;
	_ =	sdelay $0x1  }
0x5ac: {  	v12 =	vadd.s32 v9, v12;
	_ =	sdelay $0x1  }
0x5ad: {  	s21 =	simm.s32 $0x6880  }
0x5ae: {  	[tilespmem:s21], [sflag:$0x1] =	stream.indirect_vreg.gather [hbm4b:s31+s29], $0x80, v13, vm0, $0xb8;
	[tilespmem:$0x1C880] =	vst v63  }
0x5af: {  	s23 =	simm.s32 $0x7080  }
0x5b0: {  	[tilespmem:s23], [sflag:$0x1] =	stream.indirect_vreg.gather [hbm4b:s31+s29], $0x80, v12, vm0, $0xb8;
	[tilespmem:$0x1C880] =	vst v63  }
0x5b1: {  	v12 =	vld [tilespmem:$0x770];
	_ =	sdelay $0x4  }
0x5b2: {  	v63 =	vshll.u32 v12, $0x1  }
0x5b3: {  	v12 =	vand.u32 $0x7, v12;
	v13 =	vand.u32 $0xFFFFFFF0, v63  }
0x5b4: {  	v12 =	vor.u32 v12, v13  }
0x5b5: {  	v13 =	vperm.xlane v12, v8;
	_ =	sdelay $0x1  }
0x5b6: {  	v12 =	vperm.xlane v12, v10;
	v13 =	vadd.s32 v9, v13;
	_ =	sdelay $0x1  }
0x5b7: {  	v12 =	vadd.s32 v9, v12;
	_ =	sdelay $0x1  }
0x5b8: {  	s25 =	simm.s32 $0x7880  }
0x5b9: {  	[tilespmem:s25], [sflag:$0x1] =	stream.indirect_vreg.gather [hbm4b:s31+s29], $0x80, v13, vm0, $0xb8;
	[tilespmem:$0x1C880] =	vst v63  }
0x5ba: {  	s30 =	simm.s32 $0x8080  }
0x5bb: {  	[tilespmem:s30], [sflag:$0x1] =	stream.indirect_vreg.gather [hbm4b:s31+s29], $0x80, v12, vm0, $0xb8;
	[tilespmem:$0x1C880] =	vst v63  }
.LBB2_55:
.Ltmp38:
0x5bc: {  	(pc) =	sbr.rel @p0 .LBB2_61-.Ltmp38, $1  }
0x5bd: {  	_ =	sdelay $0x3  }
0x5be: {  	p2 =	sgt.u32 s9, $0x7F  }
.Ltmp39:
0x5bf: {  	_ = 	snop;
	(pc) =	sbr.rel @p2 .LBB2_60-.Ltmp39, $4  }
0x5c0: {  	s2 =	simm.s32 $0x3  }
0x5c1: {  	_ =	swait.ge [sflag:s2], $0x8000  }
0x5c2: {  	[sflag:s2] =	ssyncset.done $0x0  }
0x5c3: {  	[sflag:s2] =	ssyncadd.s32 $0xFFFF8000  }
0x5c4: {  	s13 =	sld [smem:$0x7EC]  }
0x5c5: {  	s23 =	sld [smem:$0x7ED];
	_ =	sdelay $0x1  }
0x5c6: {  	s2 =	sshll.u32 s17, $0x7;
	s12 =	sshll.u32 s17, $0x8  }
0x5c7: {  	s13 =	sadd.s32 s2, s13;
	s16 =	sadd.s32 s12, s23  }
0x5c8: {  	s2 =	sand.u32 $0x7800, s16;
	s25 =	sand.u32 $0x380, s13  }
0x5c9: {  	s12 =	sor.u32 s25, s2  }
0x5ca: {  	s2 =	sadd.s32 $0x10880, s12;
	[tilespmem:s12+$0x10880] =	vst v11  }
0x5cb: {  	[tilespmem:s2+$0x10] =	vst v11  }
0x5cc: {  	[tilespmem:s2+$0x20] =	vst v11  }
0x5cd: {  	s30 =	sld [smem:$0x7EB];
	[tilespmem:s2+$0x30] =	vst v11  }
0x5ce: {  	[tilespmem:s2+$0x40] =	vst v11  }
0x5cf: {  	[tilespmem:s2+$0x50] =	vst v11  }
0x5d0: {  	s12 =	sadd.s32 s17, s30;
	[tilespmem:s2+$0x60] =	vst v11  }
0x5d1: {  	[tilespmem:s2+$0x70] =	vst v11;
	s12 =	sadd.s32 $0x1, s12  }
0x5d2: {  	[tilespmem:s2+$0x400] =	vst v11;
	p2 =	slt.u32 s12, $0x7F  }
.Ltmp40:
0x5d3: {  	[tilespmem:s2+$0x410] =	vst v11;
	(pc) =	sbr.rel @!p2 .LBB2_59-.Ltmp40, $4  }
0x5d4: {  	[tilespmem:s2+$0x420] =	vst v11  }
0x5d5: {  	[tilespmem:s2+$0x430] =	vst v11  }
0x5d6: {  	[tilespmem:s2+$0x440] =	vst v11  }
0x5d7: {  	s14 =	sadd.s32 $0x80, s13;
	s16 =	sadd.s32 $0x100, s16;
	[tilespmem:s2+$0x450] =	vst v11  }
.LBB2_58:
0x5d8: {  	s13 =	sand.u32 $0x7800, s16;
	s17 =	sand.u32 $0x380, s14;
	s12 =	sadd.s32 $0x1, s12;
	[tilespmem:s2+$0x460] =	vst v11  }
0x5d9: {  	s13 =	sor.u32 s17, s13;
	p2 =	slt.u32 s12, $0x7F;
	[tilespmem:s2+$0x470] =	vst v11  }
0x5da: {  	s2 =	sadd.s32 $0x10880, s13;
	[tilespmem:s13+$0x10880] =	vst v11  }
0x5db: {  	[tilespmem:s2+$0x10] =	vst v11  }
0x5dc: {  	[tilespmem:s2+$0x20] =	vst v11  }
0x5dd: {  	[tilespmem:s2+$0x30] =	vst v11  }
0x5de: {  	[tilespmem:s2+$0x40] =	vst v11  }
0x5df: {  	[tilespmem:s2+$0x50] =	vst v11  }
0x5e0: {  	[tilespmem:s2+$0x60] =	vst v11  }
0x5e1: {  	[tilespmem:s2+$0x70] =	vst v11  }
0x5e2: {  	[tilespmem:s2+$0x400] =	vst v11  }
.Ltmp41:
0x5e3: {  	[tilespmem:s2+$0x410] =	vst v11;
	(pc) =	sbr.rel @p2 .LBB2_58-.Ltmp41, $4  }
0x5e4: {  	[tilespmem:s2+$0x420] =	vst v11  }
0x5e5: {  	[tilespmem:s2+$0x430] =	vst v11  }
0x5e6: {  	[tilespmem:s2+$0x440] =	vst v11  }
0x5e7: {  	s14 =	sadd.s32 $0x80, s14;
	s16 =	sadd.s32 $0x100, s16;
	[tilespmem:s2+$0x450] =	vst v11  }
.LBB2_59:
0x5e8: {  	[tilespmem:s2+$0x460] =	vst v11  }
0x5e9: {  	[tilespmem:s2+$0x470] =	vst v11  }
.LBB2_60:
0x5ea: {  	s2 =	rddreg [dreg:$0x18]  }
0x5eb: {  	[hbm4b:s2+s29] =	stream.linear.scatter [tilespmem:s26], [sflag:$0x6], $0x8000, $0x38;
	[tilespmem:$0x1C880] =	vst v63  }
.LBB2_61:
0x5ec: {  	s2 =	simm.s32 @!p3 $0x0;
	p2 =	slt.s32 s7, $0x1  }
0x5ed: {  	s2 =	simm.s32 @p3 $0x1;
	p3 =	slt.s32 @!p2 s11, $0x1  }
0x5ee: {  	p3 =	por p2, p3  }
.Ltmp42:
0x5ef: {  	_ = 	snop;
	(pc) =	sbr.rel @p3 .LBB2_63-.Ltmp42, $2  }
0x5f0: {  	_ =	sdelay $0x2  }
0x5f1: {  	[smem:$0x79E] =	sst s2  }
.Ltmp43:
0x5f2: {  	(pc) =	sbr.rel .LBB2_64-.Ltmp43, $4  }
0x5f3: {  	s2 =	simm.s32 $0x5  }
0x5f4: {  	_ =	swait.ge [sflag:s2], $0x8000  }
0x5f5: {  	[sflag:s2] =	ssyncset.done $0x0  }
0x5f6: {  	[sflag:s2] =	ssyncadd.s32 $0xFFFF8000  }
.LBB2_63:
.Ltmp44:
0x5f7: {  	(pc) =	sbr.rel @p2 .LBB2_65-.Ltmp44, $1  }
0x5f8: {  	_ =	sdelay $0x3  }
.LBB2_64:
0x5f9: {  	v12 =	vld [tilespmem:$0x780];
	_ =	sdelay $0x4  }
0x5fa: {  	v13 =	vshll.u32 v12, $0x1  }
0x5fb: {  	v12 =	vand.u32 $0x7, v12;
	v13 =	vand.u32 $0xFFFFFFF0, v13  }
0x5fc: {  	v12 =	vor.u32 v12, v13  }
0x5fd: {  	v13 =	vperm.xlane v12, v8;
	_ =	sdelay $0x1  }
0x5fe: {  	v12 =	vperm.xlane v12, v10;
	v13 =	vadd.s32 v9, v13;
	_ =	sdelay $0x1  }
0x5ff: {  	v12 =	vadd.s32 v9, v12;
	_ =	sdelay $0x2  }
0x600: {  	[tilespmem:s4], [sflag:$0x2] =	stream.indirect_vreg.gather [hbm4b:s31+s29], $0x80, v13, vm0, $0xb8;
	[tilespmem:$0x1C880] =	vst v63  }
0x601: {  	_ = 	snop  }
0x602: {  	[tilespmem:s22], [sflag:$0x2] =	stream.indirect_vreg.gather [hbm4b:s31+s29], $0x80, v12, vm0, $0xb8;
	[tilespmem:$0x1C880] =	vst v63  }
0x603: {  	v12 =	vld [tilespmem:$0x790];
	_ =	sdelay $0x4  }
0x604: {  	v57 =	vshll.u32 v12, $0x1  }
0x605: {  	v12 =	vand.u32 $0x7, v12;
	v13 =	vand.u32 $0xFFFFFFF0, v57  }
0x606: {  	v12 =	vor.u32 v12, v13  }
0x607: {  	v13 =	vperm.xlane v12, v8;
	_ =	sdelay $0x1  }
0x608: {  	v12 =	vperm.xlane v12, v10;
	v13 =	vadd.s32 v9, v13;
	_ =	sdelay $0x1  }
0x609: {  	v12 =	vadd.s32 v9, v12;
	_ =	sdelay $0x1  }
0x60a: {  	s2 =	simm.s32 $0x9880  }
0x60b: {  	[tilespmem:s2], [sflag:$0x2] =	stream.indirect_vreg.gather [hbm4b:s31+s29], $0x80, v13, vm0, $0xb8;
	[tilespmem:$0x1C880] =	vst v63  }
0x60c: {  	s30 =	simm.s32 $0xA080  }
0x60d: {  	[tilespmem:s30], [sflag:$0x2] =	stream.indirect_vreg.gather [hbm4b:s31+s29], $0x80, v12, vm0, $0xb8;
	[tilespmem:$0x1C880] =	vst v63  }
0x60e: {  	v12 =	vld [tilespmem:$0x7A0];
	_ =	sdelay $0x4  }
0x60f: {  	v58 =	vshll.u32 v12, $0x1  }
0x610: {  	v12 =	vand.u32 $0x7, v12;
	v13 =	vand.u32 $0xFFFFFFF0, v58  }
0x611: {  	v12 =	vor.u32 v12, v13  }
0x612: {  	v13 =	vperm.xlane v12, v8;
	_ =	sdelay $0x1  }
0x613: {  	v12 =	vperm.xlane v12, v10;
	v13 =	vadd.s32 v9, v13;
	_ =	sdelay $0x1  }
0x614: {  	v12 =	vadd.s32 v9, v12;
	_ =	sdelay $0x1  }
0x615: {  	s12 =	simm.s32 $0xA880  }
0x616: {  	[tilespmem:s12], [sflag:$0x2] =	stream.indirect_vreg.gather [hbm4b:s31+s29], $0x80, v13, vm0, $0xb8;
	[tilespmem:$0x1C880] =	vst v63  }
0x617: {  	s13 =	simm.s32 $0xB080  }
0x618: {  	[tilespmem:s13], [sflag:$0x2] =	stream.indirect_vreg.gather [hbm4b:s31+s29], $0x80, v12, vm0, $0xb8;
	[tilespmem:$0x1C880] =	vst v63  }
0x619: {  	v12 =	vld [tilespmem:$0x7B0];
	_ =	sdelay $0x4  }
0x61a: {  	v59 =	vshll.u32 v12, $0x1  }
0x61b: {  	v12 =	vand.u32 $0x7, v12;
	v13 =	vand.u32 $0xFFFFFFF0, v59  }
0x61c: {  	v12 =	vor.u32 v12, v13  }
0x61d: {  	v13 =	vperm.xlane v12, v8;
	_ =	sdelay $0x1  }
0x61e: {  	v12 =	vperm.xlane v12, v10;
	v13 =	vadd.s32 v9, v13;
	_ =	sdelay $0x1  }
0x61f: {  	v12 =	vadd.s32 v9, v12;
	_ =	sdelay $0x1  }
0x620: {  	s14 =	simm.s32 $0xB880  }
0x621: {  	[tilespmem:s14], [sflag:$0x2] =	stream.indirect_vreg.gather [hbm4b:s31+s29], $0x80, v13, vm0, $0xb8;
	[tilespmem:$0x1C880] =	vst v63  }
0x622: {  	s16 =	simm.s32 $0xC080  }
0x623: {  	[tilespmem:s16], [sflag:$0x2] =	stream.indirect_vreg.gather [hbm4b:s31+s29], $0x80, v12, vm0, $0xb8;
	[tilespmem:$0x1C880] =	vst v63  }
0x624: {  	v12 =	vld [tilespmem:$0x7C0];
	_ =	sdelay $0x4  }
0x625: {  	v60 =	vshll.u32 v12, $0x1  }
0x626: {  	v12 =	vand.u32 $0x7, v12;
	v13 =	vand.u32 $0xFFFFFFF0, v60  }
0x627: {  	v12 =	vor.u32 v12, v13  }
0x628: {  	v13 =	vperm.xlane v12, v8;
	_ =	sdelay $0x1  }
0x629: {  	v12 =	vperm.xlane v12, v10;
	v13 =	vadd.s32 v9, v13;
	_ =	sdelay $0x1  }
0x62a: {  	v12 =	vadd.s32 v9, v12;
	_ =	sdelay $0x1  }
0x62b: {  	s17 =	simm.s32 $0xC880  }
0x62c: {  	[tilespmem:s17], [sflag:$0x2] =	stream.indirect_vreg.gather [hbm4b:s31+s29], $0x80, v13, vm0, $0xb8;
	[tilespmem:$0x1C880] =	vst v63  }
0x62d: {  	s18 =	simm.s32 $0xD080  }
0x62e: {  	[tilespmem:s18], [sflag:$0x2] =	stream.indirect_vreg.gather [hbm4b:s31+s29], $0x80, v12, vm0, $0xb8;
	[tilespmem:$0x1C880] =	vst v63  }
0x62f: {  	v12 =	vld [tilespmem:$0x7D0];
	_ =	sdelay $0x4  }
0x630: {  	v61 =	vshll.u32 v12, $0x1  }
0x631: {  	v12 =	vand.u32 $0x7, v12;
	v13 =	vand.u32 $0xFFFFFFF0, v61  }
0x632: {  	v12 =	vor.u32 v12, v13  }
0x633: {  	v13 =	vperm.xlane v12, v8;
	_ =	sdelay $0x1  }
0x634: {  	v12 =	vperm.xlane v12, v10;
	v13 =	vadd.s32 v9, v13;
	_ =	sdelay $0x1  }
0x635: {  	v12 =	vadd.s32 v9, v12;
	_ =	sdelay $0x1  }
0x636: {  	s20 =	simm.s32 $0xD880  }
0x637: {  	[tilespmem:s20], [sflag:$0x2] =	stream.indirect_vreg.gather [hbm4b:s31+s29], $0x80, v13, vm0, $0xb8;
	[tilespmem:$0x1C880] =	vst v63  }
0x638: {  	s21 =	simm.s32 $0xE080  }
0x639: {  	[tilespmem:s21], [sflag:$0x2] =	stream.indirect_vreg.gather [hbm4b:s31+s29], $0x80, v12, vm0, $0xb8;
	[tilespmem:$0x1C880] =	vst v63  }
0x63a: {  	v12 =	vld [tilespmem:$0x7E0];
	_ =	sdelay $0x4  }
0x63b: {  	v62 =	vshll.u32 v12, $0x1  }
0x63c: {  	v12 =	vand.u32 $0x7, v12;
	v13 =	vand.u32 $0xFFFFFFF0, v62  }
0x63d: {  	v12 =	vor.u32 v12, v13  }
0x63e: {  	v13 =	vperm.xlane v12, v8;
	_ =	sdelay $0x1  }
0x63f: {  	v12 =	vperm.xlane v12, v10;
	v13 =	vadd.s32 v9, v13;
	_ =	sdelay $0x1  }
0x640: {  	v12 =	vadd.s32 v9, v12;
	_ =	sdelay $0x1  }
0x641: {  	s23 =	simm.s32 $0xE880  }
0x642: {  	[tilespmem:s23], [sflag:$0x2] =	stream.indirect_vreg.gather [hbm4b:s31+s29], $0x80, v13, vm0, $0xb8;
	[tilespmem:$0x1C880] =	vst v63  }
0x643: {  	s25 =	simm.s32 $0xF080  }
0x644: {  	[tilespmem:s25], [sflag:$0x2] =	stream.indirect_vreg.gather [hbm4b:s31+s29], $0x80, v12, vm0, $0xb8;
	[tilespmem:$0x1C880] =	vst v63  }
0x645: {  	v12 =	vld [tilespmem:$0x7F0];
	_ =	sdelay $0x4  }
0x646: {  	v63 =	vshll.u32 v12, $0x1  }
0x647: {  	v12 =	vand.u32 $0x7, v12;
	v13 =	vand.u32 $0xFFFFFFF0, v63  }
0x648: {  	v12 =	vor.u32 v12, v13  }
0x649: {  	v13 =	vperm.xlane v12, v8;
	_ =	sdelay $0x1  }
0x64a: {  	v12 =	vperm.xlane v12, v10;
	v13 =	vadd.s32 v9, v13;
	_ =	sdelay $0x1  }
0x64b: {  	v12 =	vadd.s32 v9, v12;
	_ =	sdelay $0x1  }
0x64c: {  	s26 =	simm.s32 $0xF880  }
0x64d: {  	[tilespmem:s26], [sflag:$0x2] =	stream.indirect_vreg.gather [hbm4b:s31+s29], $0x80, v13, vm0, $0xb8;
	[tilespmem:$0x1C880] =	vst v63  }
0x64e: {  	s30 =	simm.s32 $0x10080  }
0x64f: {  	[tilespmem:s30], [sflag:$0x2] =	stream.indirect_vreg.gather [hbm4b:s31+s29], $0x80, v12, vm0, $0xb8;
	[tilespmem:$0x1C880] =	vst v63  }
.LBB2_65:
.Ltmp45:
0x650: {  	(pc) =	sbr.rel @p1 .LBB2_71-.Ltmp45, $1  }
0x651: {  	_ =	sdelay $0x3  }
0x652: {  	p3 =	sgt.u32 s8, $0x7F  }
.Ltmp46:
0x653: {  	_ = 	snop;
	(pc) =	sbr.rel @p3 .LBB2_70-.Ltmp46, $4  }
0x654: {  	_ = 	snop  }
0x655: {  	_ =	swait.ge [sflag:s15], $0x8000  }
0x656: {  	[sflag:s15] =	ssyncset.done $0x0  }
0x657: {  	[sflag:s15] =	ssyncadd.s32 $0xFFFF8000  }
0x658: {  	s13 =	sld [smem:$0x7EF]  }
0x659: {  	s23 =	sld [smem:$0x7F0];
	_ =	sdelay $0x1  }
0x65a: {  	s2 =	sshll.u32 s6, $0x7;
	s12 =	sshll.u32 s6, $0x8  }
0x65b: {  	s13 =	sadd.s32 s2, s13;
	s14 =	sadd.s32 s12, s23  }
0x65c: {  	s2 =	sand.u32 $0x7800, s14;
	s25 =	sand.u32 $0x380, s13  }
0x65d: {  	s2 =	sor.u32 s25, s2  }
0x65e: {  	[tilespmem:s2+$0xCF0] =	vst v11  }
0x65f: {  	[tilespmem:s2+$0x880] =	vst v11  }
0x660: {  	[tilespmem:s2+$0x890] =	vst v11  }
0x661: {  	s26 =	sld [smem:$0x7EE];
	[tilespmem:s2+$0x8A0] =	vst v11  }
0x662: {  	[tilespmem:s2+$0x8B0] =	vst v11  }
0x663: {  	[tilespmem:s2+$0x8C0] =	vst v11  }
0x664: {  	s30 =	sadd.s32 s6, s26;
	[tilespmem:s2+$0x8D0] =	vst v11  }
0x665: {  	s6 =	sadd.s32 $0x1, s30;
	[tilespmem:s2+$0x8E0] =	vst v11  }
0x666: {  	p3 =	slt.u32 s6, $0x7F;
	[tilespmem:s2+$0x8F0] =	vst v11  }
.Ltmp47:
0x667: {  	[tilespmem:s2+$0xC80] =	vst v11;
	(pc) =	sbr.rel @!p3 .LBB2_69-.Ltmp47, $4  }
0x668: {  	[tilespmem:s2+$0xC90] =	vst v11  }
0x669: {  	[tilespmem:s2+$0xCA0] =	vst v11  }
0x66a: {  	[tilespmem:s2+$0xCB0] =	vst v11  }
0x66b: {  	s12 =	sadd.s32 $0x80, s13;
	s14 =	sadd.s32 $0x100, s14;
	[tilespmem:s2+$0xCC0] =	vst v11  }
.LBB2_68:
0x66c: {  	s13 =	sand.u32 $0x7800, s14;
	s16 =	sand.u32 $0x380, s12;
	s6 =	sadd.s32 $0x1, s6;
	[tilespmem:s2+$0xCD0] =	vst v11  }
0x66d: {  	p3 =	slt.u32 s6, $0x7F;
	[tilespmem:s2+$0xCE0] =	vst v11;
	s2 =	sor.u32 s16, s13  }
0x66e: {  	[tilespmem:s2+$0xCF0] =	vst v11  }
0x66f: {  	[tilespmem:s2+$0x880] =	vst v11  }
0x670: {  	[tilespmem:s2+$0x890] =	vst v11  }
0x671: {  	[tilespmem:s2+$0x8A0] =	vst v11  }
0x672: {  	[tilespmem:s2+$0x8B0] =	vst v11  }
0x673: {  	[tilespmem:s2+$0x8C0] =	vst v11  }
0x674: {  	[tilespmem:s2+$0x8D0] =	vst v11  }
0x675: {  	[tilespmem:s2+$0x8E0] =	vst v11  }
0x676: {  	[tilespmem:s2+$0x8F0] =	vst v11  }
.Ltmp48:
0x677: {  	[tilespmem:s2+$0xC80] =	vst v11;
	(pc) =	sbr.rel @p3 .LBB2_68-.Ltmp48, $4  }
0x678: {  	[tilespmem:s2+$0xC90] =	vst v11  }
0x679: {  	[tilespmem:s2+$0xCA0] =	vst v11  }
0x67a: {  	[tilespmem:s2+$0xCB0] =	vst v11  }
0x67b: {  	s12 =	sadd.s32 $0x80, s12;
	s14 =	sadd.s32 $0x100, s14;
	[tilespmem:s2+$0xCC0] =	vst v11  }
.LBB2_69:
0x67c: {  	[tilespmem:s2+$0xCD0] =	vst v11  }
0x67d: {  	[tilespmem:s2+$0xCE0] =	vst v11  }
.LBB2_70:
0x67e: {  	s2 =	rddreg [dreg:$0x1a]  }
0x67f: {  	[hbm4b:s2+s29] =	stream.linear.scatter [tilespmem:s28], [sflag:$0x4], $0x8000, $0x38;
	[tilespmem:$0x1C880] =	vst v63  }
.LBB2_71:
.Ltmp49:
0x680: {  	(pc) =	sbr.rel @p2 .LBB2_77-.Ltmp49, $1  }
0x681: {  	_ =	sdelay $0x3  }
0x682: {  	p3 =	sgt.u32 s7, $0x7F  }
.Ltmp50:
0x683: {  	_ = 	snop;
	(pc) =	sbr.rel @p3 .LBB2_76-.Ltmp50, $4  }
0x684: {  	_ = 	snop  }
0x685: {  	_ =	swait.ge [sflag:s19], $0x8000  }
0x686: {  	[sflag:s19] =	ssyncset.done $0x0  }
0x687: {  	[sflag:s19] =	ssyncadd.s32 $0xFFFF8000  }
0x688: {  	s12 =	sld [smem:$0x7F2]  }
0x689: {  	s25 =	sld [smem:$0x7F3];
	_ =	sdelay $0x1  }
0x68a: {  	s2 =	sshll.u32 s24, $0x7;
	s6 =	sshll.u32 s24, $0x8  }
0x68b: {  	s12 =	sadd.s32 s2, s12;
	s13 =	sadd.s32 s6, s25  }
0x68c: {  	s2 =	sand.u32 $0x7800, s13;
	s26 =	sand.u32 $0x380, s12  }
0x68d: {  	s2 =	sor.u32 s26, s2  }
0x68e: {  	[tilespmem:s2+$0x8CF0] =	vst v11  }
0x68f: {  	[tilespmem:s2+$0x8880] =	vst v11  }
0x690: {  	[tilespmem:s2+$0x8890] =	vst v11  }
0x691: {  	s30 =	sld [smem:$0x7F1];
	[tilespmem:s2+$0x88A0] =	vst v11  }
0x692: {  	[tilespmem:s2+$0x88B0] =	vst v11  }
0x693: {  	[tilespmem:s2+$0x88C0] =	vst v11  }
0x694: {  	s6 =	sadd.s32 s24, s30;
	[tilespmem:s2+$0x88D0] =	vst v11  }
0x695: {  	s6 =	sadd.s32 $0x1, s6;
	[tilespmem:s2+$0x88E0] =	vst v11  }
0x696: {  	p3 =	slt.u32 s6, $0x7F;
	[tilespmem:s2+$0x88F0] =	vst v11  }
.Ltmp51:
0x697: {  	[tilespmem:s2+$0x8C80] =	vst v11;
	(pc) =	sbr.rel @!p3 .LBB2_75-.Ltmp51, $4  }
0x698: {  	[tilespmem:s2+$0x8C90] =	vst v11  }
0x699: {  	[tilespmem:s2+$0x8CA0] =	vst v11  }
0x69a: {  	[tilespmem:s2+$0x8CB0] =	vst v11  }
0x69b: {  	s12 =	sadd.s32 $0x80, s12;
	s14 =	sadd.s32 $0x100, s13;
	[tilespmem:s2+$0x8CC0] =	vst v11  }
.LBB2_74:
0x69c: {  	s13 =	sand.u32 $0x7800, s14;
	s16 =	sand.u32 $0x380, s12;
	s6 =	sadd.s32 $0x1, s6;
	[tilespmem:s2+$0x8CD0] =	vst v11  }
0x69d: {  	p3 =	slt.u32 s6, $0x7F;
	[tilespmem:s2+$0x8CE0] =	vst v11;
	s2 =	sor.u32 s16, s13  }
0x69e: {  	[tilespmem:s2+$0x8CF0] =	vst v11  }
0x69f: {  	[tilespmem:s2+$0x8880] =	vst v11  }
0x6a0: {  	[tilespmem:s2+$0x8890] =	vst v11  }
0x6a1: {  	[tilespmem:s2+$0x88A0] =	vst v11  }
0x6a2: {  	[tilespmem:s2+$0x88B0] =	vst v11  }
0x6a3: {  	[tilespmem:s2+$0x88C0] =	vst v11  }
0x6a4: {  	[tilespmem:s2+$0x88D0] =	vst v11  }
0x6a5: {  	[tilespmem:s2+$0x88E0] =	vst v11  }
0x6a6: {  	[tilespmem:s2+$0x88F0] =	vst v11  }
.Ltmp52:
0x6a7: {  	[tilespmem:s2+$0x8C80] =	vst v11;
	(pc) =	sbr.rel @p3 .LBB2_74-.Ltmp52, $4  }
0x6a8: {  	[tilespmem:s2+$0x8C90] =	vst v11  }
0x6a9: {  	[tilespmem:s2+$0x8CA0] =	vst v11  }
0x6aa: {  	[tilespmem:s2+$0x8CB0] =	vst v11  }
0x6ab: {  	s12 =	sadd.s32 $0x80, s12;
	s14 =	sadd.s32 $0x100, s14;
	[tilespmem:s2+$0x8CC0] =	vst v11  }
.Ltmp53:
0x6ac: {  	_ = 	snop;
	(pc) =	sbr.rel .LBB2_75-.Ltmp53, $1  }
0x6ad: {  	_ =	sdelay $0x3  }
.LBB2_78:
0x6ae: {  	_ =	sfence.sel $0x180000  }
0x6af: {  	[bflag:$0x0] =	sbarrier.arrive $0xFFFF  }
0x6b0: {  	_ =	strace $0x90000047  }
0x6b1: {  	s0 =	stileid.u32;
	[bflag:$0x2] =	sbarrier.arrive $0xFFFF  }
0x6b2: {  	p0 =	sne.s32 s0, $0x0;
	s0 =	rddreg [dreg:$0x4]  }
0x6b3: {  	s0 =	sadd.s32 @!p0 $0x100000, s0  }
0x6b4: {  	[sflag:s0] =	ssyncadd.tile.s32 @!p0 $0x1;
	_ =	shalt  }
.Lfunc_end2:
_tile_overlayer_lowered:
.L_overlay_start_2:
0x6b5: {  	(tag) =	ssettag $0x2  }
0x6b6: {  	s0 =	rddreg [dreg:$0x0];
	s2 =	stileid.u32  }
0x6b7: {  	s1 =	rddreg [dreg:$0x1];
	p0 =	sne.s32 s2, $0x0  }
0x6b8: {  	s3 =	rddreg [dreg:$0x2];
	[bflag:$0x3] =	sbarrier.arrive $0xFFFF;
	s2 =	simm.s32 @!p0 $0x1C09  }
0x6b9: {  	[timem:s3], [sflag:s2] =	dma.local @!p0 [hbm:s0], s1  }
0x6ba: {  	s0 =	simm.s32 @!p0 $0x9  }
0x6bb: {  	_ =	swait.ge @!p0 [sflag:s0], s1  }
0x6bc: {  	s1 =	ssub.s32 @!p0 $0x0, s1;
	[sflag:s0] =	ssyncset.done @!p0 $0x0  }
0x6bd: {  	[sflag:s0] =	ssyncadd.s32 @!p0 s1  }
0x6be: {  	[bflag:$0x3] =	sbarrier.arrive $0xFFFF  }
0x6bf: {  	_ =	shalt  }

</sc_bundles>
